<compile_context>
chip_gen: v7x
topology: tpu7x:2x2x1
jax: 0.10.2.dev20260603
libtpu: 0.0.44.dev20260713+nightly
codegen_flags: <defaults>
</compile_context>

<pallas_src>
import functools

import jax
import jax.numpy as jnp
from jax import lax
from jax.experimental import pallas as pl
from jax.experimental.pallas import tpu as pltpu
from jax.experimental.pallas import tpu_sc as plsc

K = 5
THRESHOLD = 0.1


def _select_all_body(cdd_ref, his_ref, w_ref, b_ref, bd_ref, g_ref, hm_ref,
                     idx_out, wgt_out, *msk_outs):
    x = cdd_ref[...]
    h = his_ref[...]
    wm = w_ref[...]
    bias = b_ref[...]

    contract_last = (((1,), (1,)), ((), ()))
    xp = jax.lax.dot_general(x, wm, contract_last,
                             preferred_element_type=jnp.float32) + bias
    hp = jax.lax.dot_general(h, wm, contract_last,
                             preferred_element_type=jnp.float32) + bias
    xn = xp / jnp.maximum(
        jnp.sqrt(jnp.sum(xp * xp, axis=1, keepdims=True)), 1e-12)
    hn = hp / jnp.maximum(
        jnp.sqrt(jnp.sum(hp * hp, axis=1, keepdims=True)), 1e-12)

    big = jax.lax.dot_general(xn, hn, contract_last,
                              preferred_element_type=jnp.float32)
    big = big * bd_ref[...]
    attn = jax.lax.dot_general(big, g_ref[...], (((1,), (0,)), ((), ())),
                               preferred_element_type=jnp.float32,
                               precision=jax.lax.Precision.HIGHEST)

    bc_dim, h_dim = attn.shape
    c_dim = idx_out.shape[1]
    iota_h = jax.lax.broadcasted_iota(jnp.int32, (bc_dim, h_dim), 1)
    row_base = (jax.lax.broadcasted_iota(jnp.int32, (bc_dim, 1), 0)
                // c_dim) * h_dim

    hm = hm_ref[...]
    a = attn
    vals_cols, idx_cols = [], []
    for k in range(K):
        m = jnp.max(a, axis=1, keepdims=True)
        picked = jnp.min(jnp.where(a == m, iota_h, h_dim), axis=1,
                         keepdims=True)
        vals_cols.append(m)
        g_idx = picked + row_base
        idx_cols.append(g_idx)
        a = jnp.where(iota_h == picked, -jnp.inf, a)
        iota_bh = jax.lax.broadcasted_iota(jnp.int32, (bc_dim, hm.shape[0]),
                                           1)
        onehot = jnp.where(iota_bh == g_idx, 1.0, 0.0)
        msk_outs[k][...] = jax.lax.dot_general(
            onehot, hm, (((1,), (0,)), ((), ())),
            preferred_element_type=jnp.float32,
            precision=jax.lax.Precision.HIGHEST)
    vals = jnp.concatenate(vals_cols, axis=1)
    idx_out[...] = jnp.concatenate(idx_cols, axis=1)
    wgt = jnp.where(vals < THRESHOLD, 0.0, vals)
    wgt_out[...] = jnp.broadcast_to(wgt[:, :, None], wgt_out.shape)


def _make_sc_gather(n_rows, sub, d_dim, chunk, n_chunks, n_workers):
    mesh = plsc.VectorSubcoreMesh(core_axis_name="c", subcore_axis_name="s")
    lanes = 16
    dsteps = d_dim // lanes

    @functools.partial(
        pl.kernel,
        mesh=mesh,
        out_type=jax.ShapeDtypeStruct((n_rows, sub, d_dim), jnp.float32),
        scratch_types=[
            pltpu.VMEM((chunk,), jnp.int32),
            pltpu.VMEM((chunk,), jnp.int32),
            pltpu.VMEM((chunk, lanes), jnp.float32),
            pltpu.VMEM((chunk, lanes), jnp.float32),
            pltpu.VMEM((chunk, sub, d_dim), jnp.float32),
            pltpu.VMEM((chunk, sub, d_dim), jnp.float32),
            pltpu.SemaphoreType.DMA,
            pltpu.SemaphoreType.DMA,
        ],
    )
    def sc_gather(idx_hbm, w_hbm, table_hbm, out_he_hbm,
                  idx_v0, idx_v1, w_v0, w_v1, rows_v0, rows_v1,
                  sem0, sem1):
        wid = lax.axis_index("s") * 2 + lax.axis_index("c")
        bufs = [(idx_v0, w_v0, rows_v0, sem0),
                (idx_v1, w_v1, rows_v1, sem1)]
        max_t = (n_chunks + n_workers - 1) // n_workers

        def fire(g, buf):
            idx_v, w_v, rows_v, sem = buf
            pltpu.sync_copy(idx_hbm.at[g], idx_v)
            pltpu.sync_copy(w_hbm.at[g], w_v)
            pltpu.async_copy(table_hbm.at[idx_v], rows_v, sem)

        def process(g, buf):
            idx_v, w_v, rows_v, sem = buf
            pltpu.make_async_copy(table_hbm.at[idx_v], rows_v, sem).wait()
            wsplat = [w_v[r, pl.ds(0, lanes)] for r in range(chunk)]

            def scale_step(s, carry):
                for r in range(chunk):
                    for j in range(dsteps):
                        sl = pl.ds(j * lanes, lanes)
                        rows_v[r, s, sl] = rows_v[r, s, sl] * wsplat[r]
                return carry

            lax.fori_loop(0, sub, scale_step, 0)
            pltpu.sync_copy(rows_v, out_he_hbm.at[pl.ds(g * chunk, chunk)])

        for t in range(max_t):
            g = wid + t * n_workers
            pl.when(g < n_chunks)(lambda: fire(g, bufs[t % 2]))
            if t >= 1:
                gp = wid + (t - 1) * n_workers
                pl.when(gp < n_chunks)(
                    lambda: process(gp, bufs[(t - 1) % 2]))
        g_last = wid + (max_t - 1) * n_workers
        pl.when(g_last < n_chunks)(
            lambda: process(g_last, bufs[(max_t - 1) % 2]))

    return sc_gather


def kernel(cdd_repr, his_repr, his_embedding, his_attn_mask, W, b):
    B, C, D = cdd_repr.shape
    H = his_repr.shape[1]
    S = his_attn_mask.shape[2]
    L = his_embedding.shape[3]
    CK = C * K

    BC, BH = B * C, B * H
    cdd2 = cdd_repr.reshape(BC, D)
    his2 = his_repr.reshape(BH, D)
    hm2 = his_attn_mask.reshape(BH, S)
    bi = jnp.arange(BC, dtype=jnp.int32) // C
    bj = jnp.arange(BH, dtype=jnp.int32) // H
    bd = (bi[:, None] == bj[None, :]).astype(jnp.float32)
    g = (jnp.arange(BH, dtype=jnp.int32)[:, None] % H
         == jnp.arange(H, dtype=jnp.int32)[None, :]).astype(jnp.float32)

    whole = lambda shape: pl.BlockSpec(shape, lambda: tuple(0 for _ in shape))
    outs = pl.pallas_call(
        _select_all_body,
        in_specs=[
            whole((BC, D)),
            whole((BH, D)),
            whole((D, D)),
            whole((1, D)),
            whole((BC, BH)),
            whole((BH, H)),
            whole((BH, S)),
        ],
        out_specs=[whole((BC, K)), whole((BC, K, 16))]
        + [whole((BC, S))] * K,
        out_shape=[
            jax.ShapeDtypeStruct((BC, K), jnp.int32),
            jax.ShapeDtypeStruct((BC, K, 16), jnp.float32),
        ] + [jax.ShapeDtypeStruct((BC, S), jnp.float32)] * K,
    )(cdd2, his2, W, b.reshape(1, D), bd, g, hm2)
    idx_g, wgt_g = outs[0], outs[1]
    msk = jnp.stack(outs[2:], axis=1).reshape(B, C, K, S)

    n_rows = B * CK
    chunk = K
    n_chunks = BC
    sub = S * L * D // 128
    table = his_embedding.reshape(B * H, sub, 128)

    sc_gather = _make_sc_gather(n_rows, sub, 128, chunk, n_chunks, 32)
    out_he = sc_gather(idx_g, wgt_g, table)

    his_activated = out_he.reshape(B, C, K, S, L, D)
    return (his_activated, msk)

# --- scband reference (transcript-rebuilt; emitter-appended) ---
"""Pipeline reference for scband-history-selector-63651415327145 (READ-ONLY COPY).

The authoritative reference and input builder live on the scoring server;
editing this copy changes nothing except your own understanding.
"""

import jax, jax.numpy as jnp
import numpy as np

K = 5
THRESHOLD = 0.1


def _l2norm(x):
    return x / jnp.maximum(jnp.linalg.norm(x, axis=-1, keepdims=True), 1e-12)


def setup_inputs(seed: int = 0) -> dict:
    key = jax.random.key(seed)
    ks = jax.random.split(key, 5)
    B, C, H, S, L, D = 32, 5, 50, 32, 1, 256
    cdd_repr = jax.random.normal(ks[0], (B, C, D), dtype=jnp.float32)
    his_repr = jax.random.normal(ks[1], (B, H, D), dtype=jnp.float32)
    his_embedding = jax.random.normal(ks[2], (B, H, S, L, D), dtype=jnp.float32)
    his_attn_mask = jnp.ones((B, H, S), dtype=jnp.float32)
    # xavier-normal linear weight [D, D] and zero bias, matching nn.Linear(hidden_dim, hidden_dim)
    W = jax.random.normal(ks[3], (D, D), dtype=jnp.float32) * (2.0 / (D + D)) ** 0.5
    b = jnp.zeros((D,), dtype=jnp.float32)
    return {"cdd_repr": cdd_repr, "his_repr": his_repr, "his_embedding": his_embedding,
            "his_attn_mask": his_attn_mask, "W": W, "b": b}


def reference(cdd_repr, his_repr, his_embedding, his_attn_mask, W, b):
    # selectionProject (shared linear) + L2 normalize
    cdd = _l2norm(jnp.dot(cdd_repr, W.T) + b)                 # [B, C, D]
    his = _l2norm(jnp.dot(his_repr, W.T) + b)                 # [B, H, D]
    attn = jnp.einsum('bcd,bhd->bch', cdd, his)               # [B, C, H]
    vals, idx = jax.lax.top_k(attn, K)                        # [B, C, K]
    # gather his_embedding along his_size dim
    he = his_embedding[:, None]                               # [B, 1, H, S, L, D]
    idx6 = idx[:, :, :, None, None, None]                     # [B, C, K, 1, 1, 1]
    his_activated = jnp.take_along_axis(he, idx6, axis=2)     # [B, C, K, S, L, D]
    hm = his_attn_mask[:, None]                               # [B, 1, H, S]
    idx4 = idx[:, :, :, None]                                 # [B, C, K, 1]
    his_mask_activated = jnp.take_along_axis(hm, idx4, axis=2)  # [B, C, K, S]
    # threshold branch: zero out sub-threshold weights and rescale gathered embeddings
    w = jnp.where(vals < THRESHOLD, 0.0, vals)                # [B, C, K]
    his_activated = his_activated * w[:, :, :, None, None, None]
    return (his_activated, his_mask_activated)

if __name__ == "__main__":
    import jax
    _d = setup_inputs()
    print(jax.jit(kernel)(*tuple(_d.values())))

</pallas_src>

<mosaic_0001>
#map = affine_map<(d0, d1) -> (0, 0)>
#map1 = affine_map<(d0, d1) -> (0, 0, 0)>
module attributes {stable_mosaic.version = 14 : i64} {
  func.func @sc_gather(%arg0: i32, %arg1: i32, %arg2: memref<160x5xi32, #tpu.memory_space<hbm>>, %arg3: memref<160x5x16xf32, #tpu.memory_space<hbm>>, %arg4: memref<1600x64x128xf32, #tpu.memory_space<hbm>>, %arg5: memref<800x64x128xf32, #tpu.memory_space<hbm>>, %arg6: memref<5xi32, #tpu.memory_space<vmem>>, %arg7: memref<5xi32, #tpu.memory_space<vmem>>, %arg8: memref<5x16xf32, #tpu.memory_space<vmem>>, %arg9: memref<5x16xf32, #tpu.memory_space<vmem>>, %arg10: memref<5x64x128xf32, #tpu.memory_space<vmem>>, %arg11: memref<5x64x128xf32, #tpu.memory_space<vmem>>, %arg12: memref<!tpu.dma_semaphore, #tpu.memory_space<semaphore_mem>>, %arg13: memref<!tpu.dma_semaphore, #tpu.memory_space<semaphore_mem>>) attributes {dimension_semantics = [#tpu.dimension_semantics<core_parallel>, #tpu.dimension_semantics<subcore_parallel>], iteration_bounds = array<i64: 2, 16>, scalar_prefetch = 0 : i64, scratch_operands = 8 : i64, tpu.core_type = #tpu.core_type<sc_vector_subcore>, window_params = [{transform_indices = #map}, {transform_indices = #map1}, {transform_indices = #map1}, {transform_indices = #map1}]} {
    %mul3A = arith.constant 2 : i32
    %mul3A_0 = arith.muli %arg1, %mul3A : i32
    %add3A = arith.addi %mul3A_0, %arg0 : i32
    %add3A_1 = arith.constant 0 : i32
    %add3A_2 = arith.addi %add3A, %add3A_1 : i32
    %lt3A = arith.constant 160 : i32
    %lt3A_3 = arith.cmpi slt, %add3A_2, %lt3A : i32
    %convert_element_type3A = arith.extui %lt3A_3 : i1 to i32
    %cond3A = arith.constant 0 : i32
    %cond3A_4 = arith.cmpi ne, %convert_element_type3A, %cond3A : i32
    scf.if %cond3A_4 {
      "tpu.region"() ({
        %run_scoped3A = tpu.sem_alloc : memref<!tpu.dma_semaphore, #tpu.memory_space<semaphore_mem>>
        %dma_start3A_71 = arith.constant 0 : i32
        %dma_start3A_72 = tpu.memref_slice %arg2[%add3A_2, %dma_start3A_71] : memref<160x5xi32, #tpu.memory_space<hbm>> -> memref<1x5xi32, #tpu.memory_space<hbm>>
        %dma_start3A_73 = tpu.memref_squeeze %dma_start3A_72 : memref<1x5xi32, #tpu.memory_space<hbm>> -> memref<5xi32, #tpu.memory_space<hbm>>
        %dma_start3A_74 = arith.constant 0 : i32
        %dma_start3A_75 = tpu.memref_slice %arg2[%add3A_2, %dma_start3A_74] : memref<160x5xi32, #tpu.memory_space<hbm>> -> memref<1x5xi32, #tpu.memory_space<hbm>>
        %dma_start3A_76 = tpu.memref_squeeze %dma_start3A_75 : memref<1x5xi32, #tpu.memory_space<hbm>> -> memref<5xi32, #tpu.memory_space<hbm>>
        tpu.enqueue_dma source(%dma_start3A_76 : memref<5xi32, #tpu.memory_space<hbm>>) target(%arg6 : memref<5xi32, #tpu.memory_space<vmem>>) target_semaphore(%run_scoped3A : memref<!tpu.dma_semaphore, #tpu.memory_space<semaphore_mem>>)
        %dma_wait3A = arith.constant 0 : i32
        %dma_wait3A_77 = tpu.memref_slice %arg2[%add3A_2, %dma_wait3A] : memref<160x5xi32, #tpu.memory_space<hbm>> -> memref<1x5xi32, #tpu.memory_space<hbm>>
        %dma_wait3A_78 = tpu.memref_squeeze %dma_wait3A_77 : memref<1x5xi32, #tpu.memory_space<hbm>> -> memref<5xi32, #tpu.memory_space<hbm>>
        %dma_wait3A_79 = arith.constant 0 : i32
        %dma_wait3A_80 = tpu.memref_slice %arg2[%add3A_2, %dma_wait3A_79] : memref<160x5xi32, #tpu.memory_space<hbm>> -> memref<1x5xi32, #tpu.memory_space<hbm>>
        %dma_wait3A_81 = tpu.memref_squeeze %dma_wait3A_80 : memref<1x5xi32, #tpu.memory_space<hbm>> -> memref<5xi32, #tpu.memory_space<hbm>>
        tpu.wait_dma2 semaphore(%run_scoped3A : memref<!tpu.dma_semaphore, #tpu.memory_space<semaphore_mem>>) src(%dma_wait3A_81 : memref<5xi32, #tpu.memory_space<hbm>>) dst(%arg6 : memref<5xi32, #tpu.memory_space<vmem>>)
        tpu.yield
      }) : () -> ()
      "tpu.region"() ({
        %run_scoped3A = tpu.sem_alloc : memref<!tpu.dma_semaphore, #tpu.memory_space<semaphore_mem>>
        %dma_start3A_71 = arith.constant 0 : i32
        %dma_start3A_72 = arith.constant 0 : i32
        %dma_start3A_73 = tpu.memref_slice %arg3[%add3A_2, %dma_start3A_71, %dma_start3A_72] : memref<160x5x16xf32, #tpu.memory_space<hbm>> -> memref<1x5x16xf32, #tpu.memory_space<hbm>>
        %dma_start3A_74 = tpu.memref_squeeze %dma_start3A_73 : memref<1x5x16xf32, #tpu.memory_space<hbm>> -> memref<5x16xf32, #tpu.memory_space<hbm>>
        %dma_start3A_75 = arith.constant 0 : i32
        %dma_start3A_76 = arith.constant 0 : i32
        %dma_start3A_77 = tpu.memref_slice %arg3[%add3A_2, %dma_start3A_75, %dma_start3A_76] : memref<160x5x16xf32, #tpu.memory_space<hbm>> -> memref<1x5x16xf32, #tpu.memory_space<hbm>>
        %dma_start3A_78 = tpu.memref_squeeze %dma_start3A_77 : memref<1x5x16xf32, #tpu.memory_space<hbm>> -> memref<5x16xf32, #tpu.memory_space<hbm>>
        tpu.enqueue_dma source(%dma_start3A_78 : memref<5x16xf32, #tpu.memory_space<hbm>>) target(%arg8 : memref<5x16xf32, #tpu.memory_space<vmem>>) target_semaphore(%run_scoped3A : memref<!tpu.dma_semaphore, #tpu.memory_space<semaphore_mem>>)
        %dma_wait3A = arith.constant 0 : i32
        %dma_wait3A_79 = arith.constant 0 : i32
        %dma_wait3A_80 = tpu.memref_slice %arg3[%add3A_2, %dma_wait3A, %dma_wait3A_79] : memref<160x5x16xf32, #tpu.memory_space<hbm>> -> memref<1x5x16xf32, #tpu.memory_space<hbm>>
        %dma_wait3A_81 = tpu.memref_squeeze %dma_wait3A_80 : memref<1x5x16xf32, #tpu.memory_space<hbm>> -> memref<5x16xf32, #tpu.memory_space<hbm>>
        %dma_wait3A_82 = arith.constant 0 : i32
        %dma_wait3A_83 = arith.constant 0 : i32
        %dma_wait3A_84 = tpu.memref_slice %arg3[%add3A_2, %dma_wait3A_82, %dma_wait3A_83] : memref<160x5x16xf32, #tpu.memory_space<hbm>> -> memref<1x5x16xf32, #tpu.memory_space<hbm>>
        %dma_wait3A_85 = tpu.memref_squeeze %dma_wait3A_84 : memref<1x5x16xf32, #tpu.memory_space<hbm>> -> memref<5x16xf32, #tpu.memory_space<hbm>>
        tpu.wait_dma2 semaphore(%run_scoped3A : memref<!tpu.dma_semaphore, #tpu.memory_space<semaphore_mem>>) src(%dma_wait3A_85 : memref<5x16xf32, #tpu.memory_space<hbm>>) dst(%arg8 : memref<5x16xf32, #tpu.memory_space<vmem>>)
        tpu.yield
      }) : () -> ()
      %dma_start3A = arith.constant 0 : i32
      %dma_start3A_68 = arith.constant 0 : i32
      %dma_start3A_69 = arith.constant 0 : i32
      %dma_start3A_70 = tpu.memref_slice %arg4[%dma_start3A, %dma_start3A_68, %dma_start3A_69] : memref<1600x64x128xf32, #tpu.memory_space<hbm>> -> memref<1600x64x128xf32, #tpu.memory_space<hbm>>
      tpu.enqueue_indirect_dma source(%dma_start3A_70 : memref<1600x64x128xf32, #tpu.memory_space<hbm>>) target(%arg10 : memref<5x64x128xf32, #tpu.memory_space<vmem>>) offsets(%arg6 : memref<5xi32, #tpu.memory_space<vmem>>) semaphore(%arg12 : memref<!tpu.dma_semaphore, #tpu.memory_space<semaphore_mem>>)
    } else {
    }
    %add3A_5 = arith.constant 32 : i32
    %add3A_6 = arith.addi %add3A, %add3A_5 : i32
    %lt3A_7 = arith.constant 160 : i32
    %lt3A_8 = arith.cmpi slt, %add3A_6, %lt3A_7 : i32
    %convert_element_type3A_9 = arith.extui %lt3A_8 : i1 to i32
    %cond3A_10 = arith.constant 0 : i32
    %cond3A_11 = arith.cmpi ne, %convert_element_type3A_9, %cond3A_10 : i32
    scf.if %cond3A_11 {
      "tpu.region"() ({
        %run_scoped3A = tpu.sem_alloc : memref<!tpu.dma_semaphore, #tpu.memory_space<semaphore_mem>>
        %dma_start3A_71 = arith.constant 0 : i32
        %dma_start3A_72 = tpu.memref_slice %arg2[%add3A_6, %dma_start3A_71] : memref<160x5xi32, #tpu.memory_space<hbm>> -> memref<1x5xi32, #tpu.memory_space<hbm>>
        %dma_start3A_73 = tpu.memref_squeeze %dma_start3A_72 : memref<1x5xi32, #tpu.memory_space<hbm>> -> memref<5xi32, #tpu.memory_space<hbm>>
        %dma_start3A_74 = arith.constant 0 : i32
        %dma_start3A_75 = tpu.memref_slice %arg2[%add3A_6, %dma_start3A_74] : memref<160x5xi32, #tpu.memory_space<hbm>> -> memref<1x5xi32, #tpu.memory_space<hbm>>
        %dma_start3A_76 = tpu.memref_squeeze %dma_start3A_75 : memref<1x5xi32, #tpu.memory_space<hbm>> -> memref<5xi32, #tpu.memory_space<hbm>>
        tpu.enqueue_dma source(%dma_start3A_76 : memref<5xi32, #tpu.memory_space<hbm>>) target(%arg7 : memref<5xi32, #tpu.memory_space<vmem>>) target_semaphore(%run_scoped3A : memref<!tpu.dma_semaphore, #tpu.memory_space<semaphore_mem>>)
        %dma_wait3A = arith.constant 0 : i32
        %dma_wait3A_77 = tpu.memref_slice %arg2[%add3A_6, %dma_wait3A] : memref<160x5xi32, #tpu.memory_space<hbm>> -> memref<1x5xi32, #tpu.memory_space<hbm>>
        %dma_wait3A_78 = tpu.memref_squeeze %dma_wait3A_77 : memref<1x5xi32, #tpu.memory_space<hbm>> -> memref<5xi32, #tpu.memory_space<hbm>>
        %dma_wait3A_79 = arith.constant 0 : i32
        %dma_wait3A_80 = tpu.memref_slice %arg2[%add3A_6, %dma_wait3A_79] : memref<160x5xi32, #tpu.memory_space<hbm>> -> memref<1x5xi32, #tpu.memory_space<hbm>>
        %dma_wait3A_81 = tpu.memref_squeeze %dma_wait3A_80 : memref<1x5xi32, #tpu.memory_space<hbm>> -> memref<5xi32, #tpu.memory_space<hbm>>
        tpu.wait_dma2 semaphore(%run_scoped3A : memref<!tpu.dma_semaphore, #tpu.memory_space<semaphore_mem>>) src(%dma_wait3A_81 : memref<5xi32, #tpu.memory_space<hbm>>) dst(%arg7 : memref<5xi32, #tpu.memory_space<vmem>>)
        tpu.yield
      }) : () -> ()
      "tpu.region"() ({
        %run_scoped3A = tpu.sem_alloc : memref<!tpu.dma_semaphore, #tpu.memory_space<semaphore_mem>>
        %dma_start3A_71 = arith.constant 0 : i32
        %dma_start3A_72 = arith.constant 0 : i32
        %dma_start3A_73 = tpu.memref_slice %arg3[%add3A_6, %dma_start3A_71, %dma_start3A_72] : memref<160x5x16xf32, #tpu.memory_space<hbm>> -> memref<1x5x16xf32, #tpu.memory_space<hbm>>
        %dma_start3A_74 = tpu.memref_squeeze %dma_start3A_73 : memref<1x5x16xf32, #tpu.memory_space<hbm>> -> memref<5x16xf32, #tpu.memory_space<hbm>>
        %dma_start3A_75 = arith.constant 0 : i32
        %dma_start3A_76 = arith.constant 0 : i32
        %dma_start3A_77 = tpu.memref_slice %arg3[%add3A_6, %dma_start3A_75, %dma_start3A_76] : memref<160x5x16xf32, #tpu.memory_space<hbm>> -> memref<1x5x16xf32, #tpu.memory_space<hbm>>
        %dma_start3A_78 = tpu.memref_squeeze %dma_start3A_77 : memref<1x5x16xf32, #tpu.memory_space<hbm>> -> memref<5x16xf32, #tpu.memory_space<hbm>>
        tpu.enqueue_dma source(%dma_start3A_78 : memref<5x16xf32, #tpu.memory_space<hbm>>) target(%arg9 : memref<5x16xf32, #tpu.memory_space<vmem>>) target_semaphore(%run_scoped3A : memref<!tpu.dma_semaphore, #tpu.memory_space<semaphore_mem>>)
        %dma_wait3A = arith.constant 0 : i32
        %dma_wait3A_79 = arith.constant 0 : i32
        %dma_wait3A_80 = tpu.memref_slice %arg3[%add3A_6, %dma_wait3A, %dma_wait3A_79] : memref<160x5x16xf32, #tpu.memory_space<hbm>> -> memref<1x5x16xf32, #tpu.memory_space<hbm>>
        %dma_wait3A_81 = tpu.memref_squeeze %dma_wait3A_80 : memref<1x5x16xf32, #tpu.memory_space<hbm>> -> memref<5x16xf32, #tpu.memory_space<hbm>>
        %dma_wait3A_82 = arith.constant 0 : i32
        %dma_wait3A_83 = arith.constant 0 : i32
        %dma_wait3A_84 = tpu.memref_slice %arg3[%add3A_6, %dma_wait3A_82, %dma_wait3A_83] : memref<160x5x16xf32, #tpu.memory_space<hbm>> -> memref<1x5x16xf32, #tpu.memory_space<hbm>>
        %dma_wait3A_85 = tpu.memref_squeeze %dma_wait3A_84 : memref<1x5x16xf32, #tpu.memory_space<hbm>> -> memref<5x16xf32, #tpu.memory_space<hbm>>
        tpu.wait_dma2 semaphore(%run_scoped3A : memref<!tpu.dma_semaphore, #tpu.memory_space<semaphore_mem>>) src(%dma_wait3A_85 : memref<5x16xf32, #tpu.memory_space<hbm>>) dst(%arg9 : memref<5x16xf32, #tpu.memory_space<vmem>>)
        tpu.yield
      }) : () -> ()
      %dma_start3A = arith.constant 0 : i32
      %dma_start3A_68 = arith.constant 0 : i32
      %dma_start3A_69 = arith.constant 0 : i32
      %dma_start3A_70 = tpu.memref_slice %arg4[%dma_start3A, %dma_start3A_68, %dma_start3A_69] : memref<1600x64x128xf32, #tpu.memory_space<hbm>> -> memref<1600x64x128xf32, #tpu.memory_space<hbm>>
      tpu.enqueue_indirect_dma source(%dma_start3A_70 : memref<1600x64x128xf32, #tpu.memory_space<hbm>>) target(%arg11 : memref<5x64x128xf32, #tpu.memory_space<vmem>>) offsets(%arg7 : memref<5xi32, #tpu.memory_space<vmem>>) semaphore(%arg13 : memref<!tpu.dma_semaphore, #tpu.memory_space<semaphore_mem>>)
    } else {
    }
    %add3A_12 = arith.constant 0 : i32
    %add3A_13 = arith.addi %add3A, %add3A_12 : i32
    %lt3A_14 = arith.constant 160 : i32
    %lt3A_15 = arith.cmpi slt, %add3A_13, %lt3A_14 : i32
    %convert_element_type3A_16 = arith.extui %lt3A_15 : i1 to i32
    %cond3A_17 = arith.constant 0 : i32
    %cond3A_18 = arith.cmpi ne, %convert_element_type3A_16, %cond3A_17 : i32
    scf.if %cond3A_18 {
      %dma_wait3A = arith.constant 0 : i32
      %dma_wait3A_68 = arith.constant 0 : i32
      %dma_wait3A_69 = arith.constant 0 : i32
      %dma_wait3A_70 = tpu.memref_slice %arg4[%dma_wait3A, %dma_wait3A_68, %dma_wait3A_69] : memref<1600x64x128xf32, #tpu.memory_space<hbm>> -> memref<1600x64x128xf32, #tpu.memory_space<hbm>>
      tpu.wait_indirect_dma semaphore(%arg12 : memref<!tpu.dma_semaphore, #tpu.memory_space<semaphore_mem>>) src(%dma_wait3A_70 : memref<1600x64x128xf32, #tpu.memory_space<hbm>>) dst(%arg10 : memref<5x64x128xf32, #tpu.memory_space<vmem>>)
      %get3A = arith.constant 0 : i32
      %get3A_71 = arith.index_cast %get3A : i32 to index
      %get3A_72 = arith.constant 0 : index
      %get3A_73 = tpu.vector_load %arg8[%get3A_71, %get3A_72] {strides = array<i32>} : memref<5x16xf32, #tpu.memory_space<vmem>>, vector<1x16xf32>,
      %get3A_74 = vector.shape_cast %get3A_73 : vector<1x16xf32> to vector<16xf32>
      %get3A_75 = arith.constant 1 : i32
      %get3A_76 = arith.index_cast %get3A_75 : i32 to index
      %get3A_77 = arith.constant 0 : index
      %get3A_78 = tpu.vector_load %arg8[%get3A_76, %get3A_77] {strides = array<i32>} : memref<5x16xf32, #tpu.memory_space<vmem>>, vector<1x16xf32>,
      %get3A_79 = vector.shape_cast %get3A_78 : vector<1x16xf32> to vector<16xf32>
      %get3A_80 = arith.constant 2 : i32
      %get3A_81 = arith.index_cast %get3A_80 : i32 to index
      %get3A_82 = arith.constant 0 : index
      %get3A_83 = tpu.vector_load %arg8[%get3A_81, %get3A_82] {strides = array<i32>} : memref<5x16xf32, #tpu.memory_space<vmem>>, vector<1x16xf32>,
      %get3A_84 = vector.shape_cast %get3A_83 : vector<1x16xf32> to vector<16xf32>
      %get3A_85 = arith.constant 3 : i32
      %get3A_86 = arith.index_cast %get3A_85 : i32 to index
      %get3A_87 = arith.constant 0 : index
      %get3A_88 = tpu.vector_load %arg8[%get3A_86, %get3A_87] {strides = array<i32>} : memref<5x16xf32, #tpu.memory_space<vmem>>, vector<1x16xf32>,
      %get3A_89 = vector.shape_cast %get3A_88 : vector<1x16xf32> to vector<16xf32>
      %get3A_90 = arith.constant 4 : i32
      %get3A_91 = arith.index_cast %get3A_90 : i32 to index
      %get3A_92 = arith.constant 0 : index
      %get3A_93 = tpu.vector_load %arg8[%get3A_91, %get3A_92] {strides = array<i32>} : memref<5x16xf32, #tpu.memory_space<vmem>>, vector<1x16xf32>,
      %get3A_94 = vector.shape_cast %get3A_93 : vector<1x16xf32> to vector<16xf32>
      %scan3A = arith.constant 0 : i32
      %scan3A_95 = arith.constant 0 : i32
      %scan3A_96 = arith.constant 64 : i32
      %scan3A_97 = arith.addi %scan3A_95, %scan3A_96 : i32
      %scan3A_98 = arith.constant 1 : i32
      scf.for %scan3A_102 = %scan3A_95 to %scan3A_97 step %scan3A_98  : i32 {
        %get3A_103 = arith.constant 0 : i32
        %get3A_104 = arith.index_cast %get3A_103 : i32 to index
        %get3A_105 = arith.index_cast %scan3A_102 : i32 to index
        %get3A_106 = arith.constant 0 : index
        %get3A_107 = tpu.vector_load %arg10[%get3A_104, %get3A_105, %get3A_106] {strides = array<i32>} : memref<5x64x128xf32, #tpu.memory_space<vmem>>, vector<1x1x16xf32>,
        %get3A_108 = vector.shape_cast %get3A_107 : vector<1x1x16xf32> to vector<16xf32>
        %mul3A_109 = arith.mulf %get3A_108, %get3A_74 : vector<16xf32>
        %swap3A = arith.constant 0 : i32
        %swap3A_110 = arith.index_cast %swap3A : i32 to index
        %swap3A_111 = arith.index_cast %scan3A_102 : i32 to index
        %swap3A_112 = arith.constant 0 : index
        %swap3A_113 = tpu.vector_load %arg10[%swap3A_110, %swap3A_111, %swap3A_112] {strides = array<i32>} : memref<5x64x128xf32, #tpu.memory_space<vmem>>, vector<1x1x16xf32>,
        %swap3A_114 = vector.shape_cast %swap3A_113 : vector<1x1x16xf32> to vector<16xf32>
        %swap3A_115 = vector.shape_cast %mul3A_109 : vector<16xf32> to vector<1x1x16xf32>
        tpu.vector_store %arg10[%swap3A_110, %swap3A_111, %swap3A_112], %swap3A_115 {strides = array<i32>} : memref<5x64x128xf32, #tpu.memory_space<vmem>>, vector<1x1x16xf32>,
        %get3A_116 = arith.constant 0 : i32
        %get3A_117 = arith.index_cast %get3A_116 : i32 to index
        %get3A_118 = arith.index_cast %scan3A_102 : i32 to index
        %get3A_119 = arith.constant 16 : index
        %get3A_120 = tpu.vector_load %arg10[%get3A_117, %get3A_118, %get3A_119] {strides = array<i32>} : memref<5x64x128xf32, #tpu.memory_space<vmem>>, vector<1x1x16xf32>,
        %get3A_121 = vector.shape_cast %get3A_120 : vector<1x1x16xf32> to vector<16xf32>
        %mul3A_122 = arith.mulf %get3A_121, %get3A_74 : vector<16xf32>
        %swap3A_123 = arith.constant 0 : i32
        %swap3A_124 = arith.index_cast %swap3A_123 : i32 to index
        %swap3A_125 = arith.index_cast %scan3A_102 : i32 to index
        %swap3A_126 = arith.constant 16 : index
        %swap3A_127 = tpu.vector_load %arg10[%swap3A_124, %swap3A_125, %swap3A_126] {strides = array<i32>} : memref<5x64x128xf32, #tpu.memory_space<vmem>>, vector<1x1x16xf32>,
        %swap3A_128 = vector.shape_cast %swap3A_127 : vector<1x1x16xf32> to vector<16xf32>
        %swap3A_129 = vector.shape_cast %mul3A_122 : vector<16xf32> to vector<1x1x16xf32>
        tpu.vector_store %arg10[%swap3A_124, %swap3A_125, %swap3A_126], %swap3A_129 {strides = array<i32>} : memref<5x64x128xf32, #tpu.memory_space<vmem>>, vector<1x1x16xf32>,
        %get3A_130 = arith.constant 0 : i32
        %get3A_131 = arith.index_cast %get3A_130 : i32 to index
        %get3A_132 = arith.index_cast %scan3A_102 : i32 to index
        %get3A_133 = arith.constant 32 : index
        %get3A_134 = tpu.vector_load %arg10[%get3A_131, %get3A_132, %get3A_133] {strides = array<i32>} : memref<5x64x128xf32, #tpu.memory_space<vmem>>, vector<1x1x16xf32>,
        %get3A_135 = vector.shape_cast %get3A_134 : vector<1x1x16xf32> to vector<16xf32>
        %mul3A_136 = arith.mulf %get3A_135, %get3A_74 : vector<16xf32>
        %swap3A_137 = arith.constant 0 : i32
        %swap3A_138 = arith.index_cast %swap3A_137 : i32 to index
        %swap3A_139 = arith.index_cast %scan3A_102 : i32 to index
        %swap3A_140 = arith.constant 32 : index
        %swap3A_141 = tpu.vector_load %arg10[%swap3A_138, %swap3A_139, %swap3A_140] {strides = array<i32>} : memref<5x64x128xf32, #tpu.memory_space<vmem>>, vector<1x1x16xf32>,
        %swap3A_142 = vector.shape_cast %swap3A_141 : vector<1x1x16xf32> to vector<16xf32>
        %swap3A_143 = vector.shape_cast %mul3A_136 : vector<16xf32> to vector<1x1x16xf32>
        tpu.vector_store %arg10[%swap3A_138, %swap3A_139, %swap3A_140], %swap3A_143 {strides = array<i32>} : memref<5x64x128xf32, #tpu.memory_space<vmem>>, vector<1x1x16xf32>,
        %get3A_144 = arith.constant 0 : i32
        %get3A_145 = arith.index_cast %get3A_144 : i32 to index
        %get3A_146 = arith.index_cast %scan3A_102 : i32 to index
        %get3A_147 = arith.constant 48 : index
        %get3A_148 = tpu.vector_load %arg10[%get3A_145, %get3A_146, %get3A_147] {strides = array<i32>} : memref<5x64x128xf32, #tpu.memory_space<vmem>>, vector<1x1x16xf32>,
        %get3A_149 = vector.shape_cast %get3A_148 : vector<1x1x16xf32> to vector<16xf32>
        %mul3A_150 = arith.mulf %get3A_149, %get3A_74 : vector<16xf32>
        %swap3A_151 = arith.constant 0 : i32
        %swap3A_152 = arith.index_cast %swap3A_151 : i32 to index
        %swap3A_153 = arith.index_cast %scan3A_102 : i32 to index
        %swap3A_154 = arith.constant 48 : index
        %swap3A_155 = tpu.vector_load %arg10[%swap3A_152, %swap3A_153, %swap3A_154] {strides = array<i32>} : memref<5x64x128xf32, #tpu.memory_space<vmem>>, vector<1x1x16xf32>,
        %swap3A_156 = vector.shape_cast %swap3A_155 : vector<1x1x16xf32> to vector<16xf32>
        %swap3A_157 = vector.shape_cast %mul3A_150 : vector<16xf32> to vector<1x1x16xf32>
        tpu.vector_store %arg10[%swap3A_152, %swap3A_153, %swap3A_154], %swap3A_157 {strides = array<i32>} : memref<5x64x128xf32, #tpu.memory_space<vmem>>, vector<1x1x16xf32>,
        %get3A_158 = arith.constant 0 : i32
        %get3A_159 = arith.index_cast %get3A_158 : i32 to index
        %get3A_160 = arith.index_cast %scan3A_102 : i32 to index
        %get3A_161 = arith.constant 64 : index
        %get3A_162 = tpu.vector_load %arg10[%get3A_159, %get3A_160, %get3A_161] {strides = array<i32>} : memref<5x64x128xf32, #tpu.memory_space<vmem>>, vector<1x1x16xf32>,
        %get3A_163 = vector.shape_cast %get3A_162 : vector<1x1x16xf32> to vector<16xf32>
        %mul3A_164 = arith.mulf %get3A_163, %get3A_74 : vector<16xf32>
        %swap3A_165 = arith.constant 0 : i32
        %swap3A_166 = arith.index_cast %swap3A_165 : i32 to index
        %swap3A_167 = arith.index_cast %scan3A_102 : i32 to index
        %swap3A_168 = arith.constant 64 : index
        %swap3A_169 = tpu.vector_load %arg10[%swap3A_166, %swap3A_167, %swap3A_168] {strides = array<i32>} : memref<5x64x128xf32, #tpu.memory_space<vmem>>, vector<1x1x16xf32>,
        %swap3A_170 = vector.shape_cast %swap3A_169 : vector<1x1x16xf32> to vector<16xf32>
        %swap3A_171 = vector.shape_cast %mul3A_164 : vector<16xf32> to vector<1x1x16xf32>
        tpu.vector_store %arg10[%swap3A_166, %swap3A_167, %swap3A_168], %swap3A_171 {strides = array<i32>} : memref<5x64x128xf32, #tpu.memory_space<vmem>>, vector<1x1x16xf32>,
        %get3A_172 = arith.constant 0 : i32
        %get3A_173 = arith.index_cast %get3A_172 : i32 to index
        %get3A_174 = arith.index_cast %scan3A_102 : i32 to index
        %get3A_175 = arith.constant 80 : index
        %get3A_176 = tpu.vector_load %arg10[%get3A_173, %get3A_174, %get3A_175] {strides = array<i32>} : memref<5x64x128xf32, #tpu.memory_space<vmem>>, vector<1x1x16xf32>,
        %get3A_177 = vector.shape_cast %get3A_176 : vector<1x1x16xf32> to vector<16xf32>
        %mul3A_178 = arith.mulf %get3A_177, %get3A_74 : vector<16xf32>
        %swap3A_179 = arith.constant 0 : i32
        %swap3A_180 = arith.index_cast %swap3A_179 : i32 to index
        %swap3A_181 = arith.index_cast %scan3A_102 : i32 to index
        %swap3A_182 = arith.constant 80 : index
        %swap3A_183 = tpu.vector_load %arg10[%swap3A_180, %swap3A_181, %swap3A_182] {strides = array<i32>} : memref<5x64x128xf32, #tpu.memory_space<vmem>>, vector<1x1x16xf32>,
        %swap3A_184 = vector.shape_cast %swap3A_183 : vector<1x1x16xf32> to vector<16xf32>
        %swap3A_185 = vector.shape_cast %mul3A_178 : vector<16xf32> to vector<1x1x16xf32>
        tpu.vector_store %arg10[%swap3A_180, %swap3A_181, %swap3A_182], %swap3A_185 {strides = array<i32>} : memref<5x64x128xf32, #tpu.memory_space<vmem>>, vector<1x1x16xf32>,
        %get3A_186 = arith.constant 0 : i32
        %get3A_187 = arith.index_cast %get3A_186 : i32 to index
        %get3A_188 = arith.index_cast %scan3A_102 : i32 to index
        %get3A_189 = arith.constant 96 : index
        %get3A_190 = tpu.vector_load %arg10[%get3A_187, %get3A_188, %get3A_189] {strides = array<i32>} : memref<5x64x128xf32, #tpu.memory_space<vmem>>, vector<1x1x16xf32>,
        %get3A_191 = vector.shape_cast %get3A_190 : vector<1x1x16xf32> to vector<16xf32>
        %mul3A_192 = arith.mulf %get3A_191, %get3A_74 : vector<16xf32>
        %swap3A_193 = arith.constant 0 : i32
        %swap3A_194 = arith.index_cast %swap3A_193 : i32 to index
        %swap3A_195 = arith.index_cast %scan3A_102 : i32 to index
        %swap3A_196 = arith.constant 96 : index
        %swap3A_197 = tpu.vector_load %arg10[%swap3A_194, %swap3A_195, %swap3A_196] {strides = array<i32>} : memref<5x64x128xf32, #tpu.memory_space<vmem>>, vector<1x1x16xf32>,
        %swap3A_198 = vector.shape_cast %swap3A_197 : vector<1x1x16xf32> to vector<16xf32>
        %swap3A_199 = vector.shape_cast %mul3A_192 : vector<16xf32> to vector<1x1x16xf32>
        tpu.vector_store %arg10[%swap3A_194, %swap3A_195, %swap3A_196], %swap3A_199 {strides = array<i32>} : memref<5x64x128xf32, #tpu.memory_space<vmem>>, vector<1x1x16xf32>,
        %get3A_200 = arith.constant 0 : i32
        %get3A_201 = arith.index_cast %get3A_200 : i32 to index
        %get3A_202 = arith.index_cast %scan3A_102 : i32 to index
        %get3A_203 = arith.constant 112 : index
        %get3A_204 = tpu.vector_load %arg10[%get3A_201, %get3A_202, %get3A_203] {strides = array<i32>} : memref<5x64x128xf32, #tpu.memory_space<vmem>>, vector<1x1x16xf32>,
        %get3A_205 = vector.shape_cast %get3A_204 : vector<1x1x16xf32> to vector<16xf32>
        %mul3A_206 = arith.mulf %get3A_205, %get3A_74 : vector<16xf32>
        %swap3A_207 = arith.constant 0 : i32
        %swap3A_208 = arith.index_cast %swap3A_207 : i32 to index
        %swap3A_209 = arith.index_cast %scan3A_102 : i32 to index
        %swap3A_210 = arith.constant 112 : index
        %swap3A_211 = tpu.vector_load %arg10[%swap3A_208, %swap3A_209, %swap3A_210] {strides = array<i32>} : memref<5x64x128xf32, #tpu.memory_space<vmem>>, vector<1x1x16xf32>,
        %swap3A_212 = vector.shape_cast %swap3A_211 : vector<1x1x16xf32> to vector<16xf32>
        %swap3A_213 = vector.shape_cast %mul3A_206 : vector<16xf32> to vector<1x1x16xf32>
        tpu.vector_store %arg10[%swap3A_208, %swap3A_209, %swap3A_210], %swap3A_213 {strides = array<i32>} : memref<5x64x128xf32, #tpu.memory_space<vmem>>, vector<1x1x16xf32>,
        %get3A_214 = arith.constant 1 : i32
        %get3A_215 = arith.index_cast %get3A_214 : i32 to index
        %get3A_216 = arith.index_cast %scan3A_102 : i32 to index
        %get3A_217 = arith.constant 0 : index
        %get3A_218 = tpu.vector_load %arg10[%get3A_215, %get3A_216, %get3A_217] {strides = array<i32>} : memref<5x64x128xf32, #tpu.memory_space<vmem>>, vector<1x1x16xf32>,
        %get3A_219 = vector.shape_cast %get3A_218 : vector<1x1x16xf32> to vector<16xf32>
        %mul3A_220 = arith.mulf %get3A_219, %get3A_79 : vector<16xf32>
        %swap3A_221 = arith.constant 1 : i32
        %swap3A_222 = arith.index_cast %swap3A_221 : i32 to index
        %swap3A_223 = arith.index_cast %scan3A_102 : i32 to index
        %swap3A_224 = arith.constant 0 : index
        %swap3A_225 = tpu.vector_load %arg10[%swap3A_222, %swap3A_223, %swap3A_224] {strides = array<i32>} : memref<5x64x128xf32, #tpu.memory_space<vmem>>, vector<1x1x16xf32>,
        %swap3A_226 = vector.shape_cast %swap3A_225 : vector<1x1x16xf32> to vector<16xf32>
        %swap3A_227 = vector.shape_cast %mul3A_220 : vector<16xf32> to vector<1x1x16xf32>
        tpu.vector_store %arg10[%swap3A_222, %swap3A_223, %swap3A_224], %swap3A_227 {strides = array<i32>} : memref<5x64x128xf32, #tpu.memory_space<vmem>>, vector<1x1x16xf32>,
        %get3A_228 = arith.constant 1 : i32
        %get3A_229 = arith.index_cast %get3A_228 : i32 to index
        %get3A_230 = arith.index_cast %scan3A_102 : i32 to index
        %get3A_231 = arith.constant 16 : index
        %get3A_232 = tpu.vector_load %arg10[%get3A_229, %get3A_230, %get3A_231] {strides = array<i32>} : memref<5x64x128xf32, #tpu.memory_space<vmem>>, vector<1x1x16xf32>,
        %get3A_233 = vector.shape_cast %get3A_232 : vector<1x1x16xf32> to vector<16xf32>
        %mul3A_234 = arith.mulf %get3A_233, %get3A_79 : vector<16xf32>
        %swap3A_235 = arith.constant 1 : i32
        %swap3A_236 = arith.index_cast %swap3A_235 : i32 to index
        %swap3A_237 = arith.index_cast %scan3A_102 : i32 to index
        %swap3A_238 = arith.constant 16 : index
        %swap3A_239 = tpu.vector_load %arg10[%swap3A_236, %swap3A_237, %swap3A_238] {strides = array<i32>} : memref<5x64x128xf32, #tpu.memory_space<vmem>>, vector<1x1x16xf32>,
        %swap3A_240 = vector.shape_cast %swap3A_239 : vector<1x1x16xf32> to vector<16xf32>
        %swap3A_241 = vector.shape_cast %mul3A_234 : vector<16xf32> to vector<1x1x16xf32>
        tpu.vector_store %arg10[%swap3A_236, %swap3A_237, %swap3A_238], %swap3A_241 {strides = array<i32>} : memref<5x64x128xf32, #tpu.memory_space<vmem>>, vector<1x1x16xf32>,
        %get3A_242 = arith.constant 1 : i32
        %get3A_243 = arith.index_cast %get3A_242 : i32 to index
        %get3A_244 = arith.index_cast %scan3A_102 : i32 to index
        %get3A_245 = arith.constant 32 : index
        %get3A_246 = tpu.vector_load %arg10[%get3A_243, %get3A_244, %get3A_245] {strides = array<i32>} : memref<5x64x128xf32, #tpu.memory_space<vmem>>, vector<1x1x16xf32>,
        %get3A_247 = vector.shape_cast %get3A_246 : vector<1x1x16xf32> to vector<16xf32>
        %mul3A_248 = arith.mulf %get3A_247, %get3A_79 : vector<16xf32>
        %swap3A_249 = arith.constant 1 : i32
        %swap3A_250 = arith.index_cast %swap3A_249 : i32 to index
        %swap3A_251 = arith.index_cast %scan3A_102 : i32 to index
        %swap3A_252 = arith.constant 32 : index
        %swap3A_253 = tpu.vector_load %arg10[%swap3A_250, %swap3A_251, %swap3A_252] {strides = array<i32>} : memref<5x64x128xf32, #tpu.memory_space<vmem>>, vector<1x1x16xf32>,
        %swap3A_254 = vector.shape_cast %swap3A_253 : vector<1x1x16xf32> to vector<16xf32>
        %swap3A_255 = vector.shape_cast %mul3A_248 : vector<16xf32> to vector<1x1x16xf32>
        tpu.vector_store %arg10[%swap3A_250, %swap3A_251, %swap3A_252], %swap3A_255 {strides = array<i32>} : memref<5x64x128xf32, #tpu.memory_space<vmem>>, vector<1x1x16xf32>,
        %get3A_256 = arith.constant 1 : i32
        %get3A_257 = arith.index_cast %get3A_256 : i32 to index
        %get3A_258 = arith.index_cast %scan3A_102 : i32 to index
        %get3A_259 = arith.constant 48 : index
        %get3A_260 = tpu.vector_load %arg10[%get3A_257, %get3A_258, %get3A_259] {strides = array<i32>} : memref<5x64x128xf32, #tpu.memory_space<vmem>>, vector<1x1x16xf32>,
        %get3A_261 = vector.shape_cast %get3A_260 : vector<1x1x16xf32> to vector<16xf32>
        %mul3A_262 = arith.mulf %get3A_261, %get3A_79 : vector<16xf32>
        %swap3A_263 = arith.constant 1 : i32
        %swap3A_264 = arith.index_cast %swap3A_263 : i32 to index
        %swap3A_265 = arith.index_cast %scan3A_102 : i32 to index
        %swap3A_266 = arith.constant 48 : index
        %swap3A_267 = tpu.vector_load %arg10[%swap3A_264, %swap3A_265, %swap3A_266] {strides = array<i32>} : memref<5x64x128xf32, #tpu.memory_space<vmem>>, vector<1x1x16xf32>,
        %swap3A_268 = vector.shape_cast %swap3A_267 : vector<1x1x16xf32> to vector<16xf32>
        %swap3A_269 = vector.shape_cast %mul3A_262 : vector<16xf32> to vector<1x1x16xf32>
        tpu.vector_store %arg10[%swap3A_264, %swap3A_265, %swap3A_266], %swap3A_269 {strides = array<i32>} : memref<5x64x128xf32, #tpu.memory_space<vmem>>, vector<1x1x16xf32>,
        %get3A_270 = arith.constant 1 : i32
        %get3A_271 = arith.index_cast %get3A_270 : i32 to index
        %get3A_272 = arith.index_cast %scan3A_102 : i32 to index
        %get3A_273 = arith.constant 64 : index
        %get3A_274 = tpu.vector_load %arg10[%get3A_271, %get3A_272, %get3A_273] {strides = array<i32>} : memref<5x64x128xf32, #tpu.memory_space<vmem>>, vector<1x1x16xf32>,
        %get3A_275 = vector.shape_cast %get3A_274 : vector<1x1x16xf32> to vector<16xf32>
        %mul3A_276 = arith.mulf %get3A_275, %get3A_79 : vector<16xf32>
        %swap3A_277 = arith.constant 1 : i32
        %swap3A_278 = arith.index_cast %swap3A_277 : i32 to index
        %swap3A_279 = arith.index_cast %scan3A_102 : i32 to index
        %swap3A_280 = arith.constant 64 : index
        %swap3A_281 = tpu.vector_load %arg10[%swap3A_278, %swap3A_279, %swap3A_280] {strides = array<i32>} : memref<5x64x128xf32, #tpu.memory_space<vmem>>, vector<1x1x16xf32>,
        %swap3A_282 = vector.shape_cast %swap3A_281 : vector<1x1x16xf32> to vector<16xf32>
        %swap3A_283 = vector.shape_cast %mul3A_276 : vector<16xf32> to vector<1x1x16xf32>
        tpu.vector_store %arg10[%swap3A_278, %swap3A_279, %swap3A_280], %swap3A_283 {strides = array<i32>} : memref<5x64x128xf32, #tpu.memory_space<vmem>>, vector<1x1x16xf32>,
        %get3A_284 = arith.constant 1 : i32
        %get3A_285 = arith.index_cast %get3A_284 : i32 to index
        %get3A_286 = arith.index_cast %scan3A_102 : i32 to index
        %get3A_287 = arith.constant 80 : index
        %get3A_288 = tpu.vector_load %arg10[%get3A_285, %get3A_286, %get3A_287] {strides = array<i32>} : memref<5x64x128xf32, #tpu.memory_space<vmem>>, vector<1x1x16xf32>,
        %get3A_289 = vector.shape_cast %get3A_288 : vector<1x1x16xf32> to vector<16xf32>
        %mul3A_290 = arith.mulf %get3A_289, %get3A_79 : vector<16xf32>
        %swap3A_291 = arith.constant 1 : i32
        %swap3A_292 = arith.index_cast %swap3A_291 : i32 to index
        %swap3A_293 = arith.index_cast %scan3A_102 : i32 to index
        %swap3A_294 = arith.constant 80 : index
        %swap3A_295 = tpu.vector_load %arg10[%swap3A_292, %swap3A_293, %swap3A_294] {strides = array<i32>} : memref<5x64x128xf32, #tpu.memory_space<vmem>>, vector<1x1x16xf32>,
        %swap3A_296 = vector.shape_cast %swap3A_295 : vector<1x1x16xf32> to vector<16xf32>
        %swap3A_297 = vector.shape_cast %mul3A_290 : vector<16xf32> to vector<1x1x16xf32>
        tpu.vector_store %arg10[%swap3A_292, %swap3A_293, %swap3A_294], %swap3A_297 {strides = array<i32>} : memref<5x64x128xf32, #tpu.memory_space<vmem>>, vector<1x1x16xf32>,
        %get3A_298 = arith.constant 1 : i32
        %get3A_299 = arith.index_cast %get3A_298 : i32 to index
        %get3A_300 = arith.index_cast %scan3A_102 : i32 to index
        %get3A_301 = arith.constant 96 : index
        %get3A_302 = tpu.vector_load %arg10[%get3A_299, %get3A_300, %get3A_301] {strides = array<i32>} : memref<5x64x128xf32, #tpu.memory_space<vmem>>, vector<1x1x16xf32>,
        %get3A_303 = vector.shape_cast %get3A_302 : vector<1x1x16xf32> to vector<16xf32>
        %mul3A_304 = arith.mulf %get3A_303, %get3A_79 : vector<16xf32>
        %swap3A_305 = arith.constant 1 : i32
        %swap3A_306 = arith.index_cast %swap3A_305 : i32 to index
        %swap3A_307 = arith.index_cast %scan3A_102 : i32 to index
        %swap3A_308 = arith.constant 96 : index
        %swap3A_309 = tpu.vector_load %arg10[%swap3A_306, %swap3A_307, %swap3A_308] {strides = array<i32>} : memref<5x64x128xf32, #tpu.memory_space<vmem>>, vector<1x1x16xf32>,
        %swap3A_310 = vector.shape_cast %swap3A_309 : vector<1x1x16xf32> to vector<16xf32>
        %swap3A_311 = vector.shape_cast %mul3A_304 : vector<16xf32> to vector<1x1x16xf32>
        tpu.vector_store %arg10[%swap3A_306, %swap3A_307, %swap3A_308], %swap3A_311 {strides = array<i32>} : memref<5x64x128xf32, #tpu.memory_space<vmem>>, vector<1x1x16xf32>,
        %get3A_312 = arith.constant 1 : i32
        %get3A_313 = arith.index_cast %get3A_312 : i32 to index
        %get3A_314 = arith.index_cast %scan3A_102 : i32 to index
        %get3A_315 = arith.constant 112 : index
        %get3A_316 = tpu.vector_load %arg10[%get3A_313, %get3A_314, %get3A_315] {strides = array<i32>} : memref<5x64x128xf32, #tpu.memory_space<vmem>>, vector<1x1x16xf32>,
        %get3A_317 = vector.shape_cast %get3A_316 : vector<1x1x16xf32> to vector<16xf32>
        %mul3A_318 = arith.mulf %get3A_317, %get3A_79 : vector<16xf32>
        %swap3A_319 = arith.constant 1 : i32
        %swap3A_320 = arith.index_cast %swap3A_319 : i32 to index
        %swap3A_321 = arith.index_cast %scan3A_102 : i32 to index
        %swap3A_322 = arith.constant 112 : index
        %swap3A_323 = tpu.vector_load %arg10[%swap3A_320, %swap3A_321, %swap3A_322] {strides = array<i32>} : memref<5x64x128xf32, #tpu.memory_space<vmem>>, vector<1x1x16xf32>,
        %swap3A_324 = vector.shape_cast %swap3A_323 : vector<1x1x16xf32> to vector<16xf32>
        %swap3A_325 = vector.shape_cast %mul3A_318 : vector<16xf32> to vector<1x1x16xf32>
        tpu.vector_store %arg10[%swap3A_320, %swap3A_321, %swap3A_322], %swap3A_325 {strides = array<i32>} : memref<5x64x128xf32, #tpu.memory_space<vmem>>, vector<1x1x16xf32>,
        %get3A_326 = arith.constant 2 : i32
        %get3A_327 = arith.index_cast %get3A_326 : i32 to index
        %get3A_328 = arith.index_cast %scan3A_102 : i32 to index
        %get3A_329 = arith.constant 0 : index
        %get3A_330 = tpu.vector_load %arg10[%get3A_327, %get3A_328, %get3A_329] {strides = array<i32>} : memref<5x64x128xf32, #tpu.memory_space<vmem>>, vector<1x1x16xf32>,
        %get3A_331 = vector.shape_cast %get3A_330 : vector<1x1x16xf32> to vector<16xf32>
        %mul3A_332 = arith.mulf %get3A_331, %get3A_84 : vector<16xf32>
        %swap3A_333 = arith.constant 2 : i32
        %swap3A_334 = arith.index_cast %swap3A_333 : i32 to index
        %swap3A_335 = arith.index_cast %scan3A_102 : i32 to index
        %swap3A_336 = arith.constant 0 : index
        %swap3A_337 = tpu.vector_load %arg10[%swap3A_334, %swap3A_335, %swap3A_336] {strides = array<i32>} : memref<5x64x128xf32, #tpu.memory_space<vmem>>, vector<1x1x16xf32>,
        %swap3A_338 = vector.shape_cast %swap3A_337 : vector<1x1x16xf32> to vector<16xf32>
        %swap3A_339 = vector.shape_cast %mul3A_332 : vector<16xf32> to vector<1x1x16xf32>
        tpu.vector_store %arg10[%swap3A_334, %swap3A_335, %swap3A_336], %swap3A_339 {strides = array<i32>} : memref<5x64x128xf32, #tpu.memory_space<vmem>>, vector<1x1x16xf32>,
        %get3A_340 = arith.constant 2 : i32
        %get3A_341 = arith.index_cast %get3A_340 : i32 to index
        %get3A_342 = arith.index_cast %scan3A_102 : i32 to index
        %get3A_343 = arith.constant 16 : index
        %get3A_344 = tpu.vector_load %arg10[%get3A_341, %get3A_342, %get3A_343] {strides = array<i32>} : memref<5x64x128xf32, #tpu.memory_space<vmem>>, vector<1x1x16xf32>,
        %get3A_345 = vector.shape_cast %get3A_344 : vector<1x1x16xf32> to vector<16xf32>
        %mul3A_346 = arith.mulf %get3A_345, %get3A_84 : vector<16xf32>
        %swap3A_347 = arith.constant 2 : i32
        %swap3A_348 = arith.index_cast %swap3A_347 : i32 to index
        %swap3A_349 = arith.index_cast %scan3A_102 : i32 to index
        %swap3A_350 = arith.constant 16 : index
        %swap3A_351 = tpu.vector_load %arg10[%swap3A_348, %swap3A_349, %swap3A_350] {strides = array<i32>} : memref<5x64x128xf32, #tpu.memory_space<vmem>>, vector<1x1x16xf32>,
        %swap3A_352 = vector.shape_cast %swap3A_351 : vector<1x1x16xf32> to vector<16xf32>
        %swap3A_353 = vector.shape_cast %mul3A_346 : vector<16xf32> to vector<1x1x16xf32>
        tpu.vector_store %arg10[%swap3A_348, %swap3A_349, %swap3A_350], %swap3A_353 {strides = array<i32>} : memref<5x64x128xf32, #tpu.memory_space<vmem>>, vector<1x1x16xf32>,
        %get3A_354 = arith.constant 2 : i32
        %get3A_355 = arith.index_cast %get3A_354 : i32 to index
        %get3A_356 = arith.index_cast %scan3A_102 : i32 to index
        %get3A_357 = arith.constant 32 : index
        %get3A_358 = tpu.vector_load %arg10[%get3A_355, %get3A_356, %get3A_357] {strides = array<i32>} : memref<5x64x128xf32, #tpu.memory_space<vmem>>, vector<1x1x16xf32>,
        %get3A_359 = vector.shape_cast %get3A_358 : vector<1x1x16xf32> to vector<16xf32>
        %mul3A_360 = arith.mulf %get3A_359, %get3A_84 : vector<16xf32>
        %swap3A_361 = arith.constant 2 : i32
        %swap3A_362 = arith.index_cast %swap3A_361 : i32 to index
        %swap3A_363 = arith.index_cast %scan3A_102 : i32 to index
        %swap3A_364 = arith.constant 32 : index
        %swap3A_365 = tpu.vector_load %arg10[%swap3A_362, %swap3A_363, %swap3A_364] {strides = array<i32>} : memref<5x64x128xf32, #tpu.memory_space<vmem>>, vector<1x1x16xf32>,
        %swap3A_366 = vector.shape_cast %swap3A_365 : vector<1x1x16xf32> to vector<16xf32>
        %swap3A_367 = vector.shape_cast %mul3A_360 : vector<16xf32> to vector<1x1x16xf32>
        tpu.vector_store %arg10[%swap3A_362, %swap3A_363, %swap3A_364], %swap3A_367 {strides = array<i32>} : memref<5x64x128xf32, #tpu.memory_space<vmem>>, vector<1x1x16xf32>,
        %get3A_368 = arith.constant 2 : i32
        %get3A_369 = arith.index_cast %get3A_368 : i32 to index
        %get3A_370 = arith.index_cast %scan3A_102 : i32 to index
        %get3A_371 = arith.constant 48 : index
        %get3A_372 = tpu.vector_load %arg10[%get3A_369, %get3A_370, %get3A_371] {strides = array<i32>} : memref<5x64x128xf32, #tpu.memory_space<vmem>>, vector<1x1x16xf32>,
        %get3A_373 = vector.shape_cast %get3A_372 : vector<1x1x16xf32> to vector<16xf32>
        %mul3A_374 = arith.mulf %get3A_373, %get3A_84 : vector<16xf32>
        %swap3A_375 = arith.constant 2 : i32
        %swap3A_376 = arith.index_cast %swap3A_375 : i32 to index
        %swap3A_377 = arith.index_cast %scan3A_102 : i32 to index
        %swap3A_378 = arith.constant 48 : index
        %swap3A_379 = tpu.vector_load %arg10[%swap3A_376, %swap3A_377, %swap3A_378] {strides = array<i32>} : memref<5x64x128xf32, #tpu.memory_space<vmem>>, vector<1x1x16xf32>,
        %swap3A_380 = vector.shape_cast %swap3A_379 : vector<1x1x16xf32> to vector<16xf32>
        %swap3A_381 = vector.shape_cast %mul3A_374 : vector<16xf32> to vector<1x1x16xf32>
        tpu.vector_store %arg10[%swap3A_376, %swap3A_377, %swap3A_378], %swap3A_381 {strides = array<i32>} : memref<5x64x128xf32, #tpu.memory_space<vmem>>, vector<1x1x16xf32>,
        %get3A_382 = arith.constant 2 : i32
        %get3A_383 = arith.index_cast %get3A_382 : i32 to index
        %get3A_384 = arith.index_cast %scan3A_102 : i32 to index
        %get3A_385 = arith.constant 64 : index
        %get3A_386 = tpu.vector_load %arg10[%get3A_383, %get3A_384, %get3A_385] {strides = array<i32>} : memref<5x64x128xf32, #tpu.memory_space<vmem>>, vector<1x1x16xf32>,
        %get3A_387 = vector.shape_cast %get3A_386 : vector<1x1x16xf32> to vector<16xf32>
        %mul3A_388 = arith.mulf %get3A_387, %get3A_84 : vector<16xf32>
        %swap3A_389 = arith.constant 2 : i32
        %swap3A_390 = arith.index_cast %swap3A_389 : i32 to index
        %swap3A_391 = arith.index_cast %scan3A_102 : i32 to index
        %swap3A_392 = arith.constant 64 : index
        %swap3A_393 = tpu.vector_load %arg10[%swap3A_390, %swap3A_391, %swap3A_392] {strides = array<i32>} : memref<5x64x128xf32, #tpu.memory_space<vmem>>, vector<1x1x16xf32>,
        %swap3A_394 = vector.shape_cast %swap3A_393 : vector<1x1x16xf32> to vector<16xf32>
        %swap3A_395 = vector.shape_cast %mul3A_388 : vector<16xf32> to vector<1x1x16xf32>
        tpu.vector_store %arg10[%swap3A_390, %swap3A_391, %swap3A_392], %swap3A_395 {strides = array<i32>} : memref<5x64x128xf32, #tpu.memory_space<vmem>>, vector<1x1x16xf32>,
        %get3A_396 = arith.constant 2 : i32
        %get3A_397 = arith.index_cast %get3A_396 : i32 to index
        %get3A_398 = arith.index_cast %scan3A_102 : i32 to index
        %get3A_399 = arith.constant 80 : index
        %get3A_400 = tpu.vector_load %arg10[%get3A_397, %get3A_398, %get3A_399] {strides = array<i32>} : memref<5x64x128xf32, #tpu.memory_space<vmem>>, vector<1x1x16xf32>,
        %get3A_401 = vector.shape_cast %get3A_400 : vector<1x1x16xf32> to vector<16xf32>
        %mul3A_402 = arith.mulf %get3A_401, %get3A_84 : vector<16xf32>
        %swap3A_403 = arith.constant 2 : i32
        %swap3A_404 = arith.index_cast %swap3A_403 : i32 to index
        %swap3A_405 = arith.index_cast %scan3A_102 : i32 to index
        %swap3A_406 = arith.constant 80 : index
        %swap3A_407 = tpu.vector_load %arg10[%swap3A_404, %swap3A_405, %swap3A_406] {strides = array<i32>} : memref<5x64x128xf32, #tpu.memory_space<vmem>>, vector<1x1x16xf32>,
        %swap3A_408 = vector.shape_cast %swap3A_407 : vector<1x1x16xf32> to vector<16xf32>
        %swap3A_409 = vector.shape_cast %mul3A_402 : vector<16xf32> to vector<1x1x16xf32>
        tpu.vector_store %arg10[%swap3A_404, %swap3A_405, %swap3A_406], %swap3A_409 {strides = array<i32>} : memref<5x64x128xf32, #tpu.memory_space<vmem>>, vector<1x1x16xf32>,
        %get3A_410 = arith.constant 2 : i32
        %get3A_411 = arith.index_cast %get3A_410 : i32 to index
        %get3A_412 = arith.index_cast %scan3A_102 : i32 to index
        %get3A_413 = arith.constant 96 : index
        %get3A_414 = tpu.vector_load %arg10[%get3A_411, %get3A_412, %get3A_413] {strides = array<i32>} : memref<5x64x128xf32, #tpu.memory_space<vmem>>, vector<1x1x16xf32>,
        %get3A_415 = vector.shape_cast %get3A_414 : vector<1x1x16xf32> to vector<16xf32>
        %mul3A_416 = arith.mulf %get3A_415, %get3A_84 : vector<16xf32>
        %swap3A_417 = arith.constant 2 : i32
        %swap3A_418 = arith.index_cast %swap3A_417 : i32 to index
        %swap3A_419 = arith.index_cast %scan3A_102 : i32 to index
        %swap3A_420 = arith.constant 96 : index
        %swap3A_421 = tpu.vector_load %arg10[%swap3A_418, %swap3A_419, %swap3A_420] {strides = array<i32>} : memref<5x64x128xf32, #tpu.memory_space<vmem>>, vector<1x1x16xf32>,
        %swap3A_422 = vector.shape_cast %swap3A_421 : vector<1x1x16xf32> to vector<16xf32>
        %swap3A_423 = vector.shape_cast %mul3A_416 : vector<16xf32> to vector<1x1x16xf32>
        tpu.vector_store %arg10[%swap3A_418, %swap3A_419, %swap3A_420], %swap3A_423 {strides = array<i32>} : memref<5x64x128xf32, #tpu.memory_space<vmem>>, vector<1x1x16xf32>,
        %get3A_424 = arith.constant 2 : i32
        %get3A_425 = arith.index_cast %get3A_424 : i32 to index
        %get3A_426 = arith.index_cast %scan3A_102 : i32 to index
        %get3A_427 = arith.constant 112 : index
        %get3A_428 = tpu.vector_load %arg10[%get3A_425, %get3A_426, %get3A_427] {strides = array<i32>} : memref<5x64x128xf32, #tpu.memory_space<vmem>>, vector<1x1x16xf32>,
        %get3A_429 = vector.shape_cast %get3A_428 : vector<1x1x16xf32> to vector<16xf32>
        %mul3A_430 = arith.mulf %get3A_429, %get3A_84 : vector<16xf32>
        %swap3A_431 = arith.constant 2 : i32
        %swap3A_432 = arith.index_cast %swap3A_431 : i32 to index
        %swap3A_433 = arith.index_cast %scan3A_102 : i32 to index
        %swap3A_434 = arith.constant 112 : index
        %swap3A_435 = tpu.vector_load %arg10[%swap3A_432, %swap3A_433, %swap3A_434] {strides = array<i32>} : memref<5x64x128xf32, #tpu.memory_space<vmem>>, vector<1x1x16xf32>,
        %swap3A_436 = vector.shape_cast %swap3A_435 : vector<1x1x16xf32> to vector<16xf32>
        %swap3A_437 = vector.shape_cast %mul3A_430 : vector<16xf32> to vector<1x1x16xf32>
        tpu.vector_store %arg10[%swap3A_432, %swap3A_433, %swap3A_434], %swap3A_437 {strides = array<i32>} : memref<5x64x128xf32, #tpu.memory_space<vmem>>, vector<1x1x16xf32>,
        %get3A_438 = arith.constant 3 : i32
        %get3A_439 = arith.index_cast %get3A_438 : i32 to index
        %get3A_440 = arith.index_cast %scan3A_102 : i32 to index
        %get3A_441 = arith.constant 0 : index
        %get3A_442 = tpu.vector_load %arg10[%get3A_439, %get3A_440, %get3A_441] {strides = array<i32>} : memref<5x64x128xf32, #tpu.memory_space<vmem>>, vector<1x1x16xf32>,
        %get3A_443 = vector.shape_cast %get3A_442 : vector<1x1x16xf32> to vector<16xf32>
        %mul3A_444 = arith.mulf %get3A_443, %get3A_89 : vector<16xf32>
        %swap3A_445 = arith.constant 3 : i32
        %swap3A_446 = arith.index_cast %swap3A_445 : i32 to index
        %swap3A_447 = arith.index_cast %scan3A_102 : i32 to index
        %swap3A_448 = arith.constant 0 : index
        %swap3A_449 = tpu.vector_load %arg10[%swap3A_446, %swap3A_447, %swap3A_448] {strides = array<i32>} : memref<5x64x128xf32, #tpu.memory_space<vmem>>, vector<1x1x16xf32>,
        %swap3A_450 = vector.shape_cast %swap3A_449 : vector<1x1x16xf32> to vector<16xf32>
        %swap3A_451 = vector.shape_cast %mul3A_444 : vector<16xf32> to vector<1x1x16xf32>
        tpu.vector_store %arg10[%swap3A_446, %swap3A_447, %swap3A_448], %swap3A_451 {strides = array<i32>} : memref<5x64x128xf32, #tpu.memory_space<vmem>>, vector<1x1x16xf32>,
        %get3A_452 = arith.constant 3 : i32
        %get3A_453 = arith.index_cast %get3A_452 : i32 to index
        %get3A_454 = arith.index_cast %scan3A_102 : i32 to index
        %get3A_455 = arith.constant 16 : index
        %get3A_456 = tpu.vector_load %arg10[%get3A_453, %get3A_454, %get3A_455] {strides = array<i32>} : memref<5x64x128xf32, #tpu.memory_space<vmem>>, vector<1x1x16xf32>,
        %get3A_457 = vector.shape_cast %get3A_456 : vector<1x1x16xf32> to vector<16xf32>
        %mul3A_458 = arith.mulf %get3A_457, %get3A_89 : vector<16xf32>
        %swap3A_459 = arith.constant 3 : i32
        %swap3A_460 = arith.index_cast %swap3A_459 : i32 to index
        %swap3A_461 = arith.index_cast %scan3A_102 : i32 to index
        %swap3A_462 = arith.constant 16 : index
        %swap3A_463 = tpu.vector_load %arg10[%swap3A_460, %swap3A_461, %swap3A_462] {strides = array<i32>} : memref<5x64x128xf32, #tpu.memory_space<vmem>>, vector<1x1x16xf32>,
        %swap3A_464 = vector.shape_cast %swap3A_463 : vector<1x1x16xf32> to vector<16xf32>
        %swap3A_465 = vector.shape_cast %mul3A_458 : vector<16xf32> to vector<1x1x16xf32>
        tpu.vector_store %arg10[%swap3A_460, %swap3A_461, %swap3A_462], %swap3A_465 {strides = array<i32>} : memref<5x64x128xf32, #tpu.memory_space<vmem>>, vector<1x1x16xf32>,
        %get3A_466 = arith.constant 3 : i32
        %get3A_467 = arith.index_cast %get3A_466 : i32 to index
        %get3A_468 = arith.index_cast %scan3A_102 : i32 to index
        %get3A_469 = arith.constant 32 : index
        %get3A_470 = tpu.vector_load %arg10[%get3A_467, %get3A_468, %get3A_469] {strides = array<i32>} : memref<5x64x128xf32, #tpu.memory_space<vmem>>, vector<1x1x16xf32>,
        %get3A_471 = vector.shape_cast %get3A_470 : vector<1x1x16xf32> to vector<16xf32>
        %mul3A_472 = arith.mulf %get3A_471, %get3A_89 : vector<16xf32>
        %swap3A_473 = arith.constant 3 : i32
        %swap3A_474 = arith.index_cast %swap3A_473 : i32 to index
        %swap3A_475 = arith.index_cast %scan3A_102 : i32 to index
        %swap3A_476 = arith.constant 32 : index
        %swap3A_477 = tpu.vector_load %arg10[%swap3A_474, %swap3A_475, %swap3A_476] {strides = array<i32>} : memref<5x64x128xf32, #tpu.memory_space<vmem>>, vector<1x1x16xf32>,
        %swap3A_478 = vector.shape_cast %swap3A_477 : vector<1x1x16xf32> to vector<16xf32>
        %swap3A_479 = vector.shape_cast %mul3A_472 : vector<16xf32> to vector<1x1x16xf32>
        tpu.vector_store %arg10[%swap3A_474, %swap3A_475, %swap3A_476], %swap3A_479 {strides = array<i32>} : memref<5x64x128xf32, #tpu.memory_space<vmem>>, vector<1x1x16xf32>,
        %get3A_480 = arith.constant 3 : i32
        %get3A_481 = arith.index_cast %get3A_480 : i32 to index
        %get3A_482 = arith.index_cast %scan3A_102 : i32 to index
        %get3A_483 = arith.constant 48 : index
        %get3A_484 = tpu.vector_load %arg10[%get3A_481, %get3A_482, %get3A_483] {strides = array<i32>} : memref<5x64x128xf32, #tpu.memory_space<vmem>>, vector<1x1x16xf32>,
        %get3A_485 = vector.shape_cast %get3A_484 : vector<1x1x16xf32> to vector<16xf32>
        %mul3A_486 = arith.mulf %get3A_485, %get3A_89 : vector<16xf32>
        %swap3A_487 = arith.constant 3 : i32
        %swap3A_488 = arith.index_cast %swap3A_487 : i32 to index
        %swap3A_489 = arith.index_cast %scan3A_102 : i32 to index
        %swap3A_490 = arith.constant 48 : index
        %swap3A_491 = tpu.vector_load %arg10[%swap3A_488, %swap3A_489, %swap3A_490] {strides = array<i32>} : memref<5x64x128xf32, #tpu.memory_space<vmem>>, vector<1x1x16xf32>,
        %swap3A_492 = vector.shape_cast %swap3A_491 : vector<1x1x16xf32> to vector<16xf32>
        %swap3A_493 = vector.shape_cast %mul3A_486 : vector<16xf32> to vector<1x1x16xf32>
        tpu.vector_store %arg10[%swap3A_488, %swap3A_489, %swap3A_490], %swap3A_493 {strides = array<i32>} : memref<5x64x128xf32, #tpu.memory_space<vmem>>, vector<1x1x16xf32>,
        %get3A_494 = arith.constant 3 : i32
        %get3A_495 = arith.index_cast %get3A_494 : i32 to index
        %get3A_496 = arith.index_cast %scan3A_102 : i32 to index
        %get3A_497 = arith.constant 64 : index
        %get3A_498 = tpu.vector_load %arg10[%get3A_495, %get3A_496, %get3A_497] {strides = array<i32>} : memref<5x64x128xf32, #tpu.memory_space<vmem>>, vector<1x1x16xf32>,
        %get3A_499 = vector.shape_cast %get3A_498 : vector<1x1x16xf32> to vector<16xf32>
        %mul3A_500 = arith.mulf %get3A_499, %get3A_89 : vector<16xf32>
        %swap3A_501 = arith.constant 3 : i32
        %swap3A_502 = arith.index_cast %swap3A_501 : i32 to index
        %swap3A_503 = arith.index_cast %scan3A_102 : i32 to index
        %swap3A_504 = arith.constant 64 : index
        %swap3A_505 = tpu.vector_load %arg10[%swap3A_502, %swap3A_503, %swap3A_504] {strides = array<i32>} : memref<5x64x128xf32, #tpu.memory_space<vmem>>, vector<1x1x16xf32>,
        %swap3A_506 = vector.shape_cast %swap3A_505 : vector<1x1x16xf32> to vector<16xf32>
        %swap3A_507 = vector.shape_cast %mul3A_500 : vector<16xf32> to vector<1x1x16xf32>
        tpu.vector_store %arg10[%swap3A_502, %swap3A_503, %swap3A_504], %swap3A_507 {strides = array<i32>} : memref<5x64x128xf32, #tpu.memory_space<vmem>>, vector<1x1x16xf32>,
        %get3A_508 = arith.constant 3 : i32
        %get3A_509 = arith.index_cast %get3A_508 : i32 to index
        %get3A_510 = arith.index_cast %scan3A_102 : i32 to index
        %get3A_511 = arith.constant 80 : index
        %get3A_512 = tpu.vector_load %arg10[%get3A_509, %get3A_510, %get3A_511] {strides = array<i32>} : memref<5x64x128xf32, #tpu.memory_space<vmem>>, vector<1x1x16xf32>,
        %get3A_513 = vector.shape_cast %get3A_512 : vector<1x1x16xf32> to vector<16xf32>
        %mul3A_514 = arith.mulf %get3A_513, %get3A_89 : vector<16xf32>
        %swap3A_515 = arith.constant 3 : i32
        %swap3A_516 = arith.index_cast %swap3A_515 : i32 to index
        %swap3A_517 = arith.index_cast %scan3A_102 : i32 to index
        %swap3A_518 = arith.constant 80 : index
        %swap3A_519 = tpu.vector_load %arg10[%swap3A_516, %swap3A_517, %swap3A_518] {strides = array<i32>} : memref<5x64x128xf32, #tpu.memory_space<vmem>>, vector<1x1x16xf32>,
        %swap3A_520 = vector.shape_cast %swap3A_519 : vector<1x1x16xf32> to vector<16xf32>
        %swap3A_521 = vector.shape_cast %mul3A_514 : vector<16xf32> to vector<1x1x16xf32>
        tpu.vector_store %arg10[%swap3A_516, %swap3A_517, %swap3A_518], %swap3A_521 {strides = array<i32>} : memref<5x64x128xf32, #tpu.memory_space<vmem>>, vector<1x1x16xf32>,
        %get3A_522 = arith.constant 3 : i32
        %get3A_523 = arith.index_cast %get3A_522 : i32 to index
        %get3A_524 = arith.index_cast %scan3A_102 : i32 to index
        %get3A_525 = arith.constant 96 : index
        %get3A_526 = tpu.vector_load %arg10[%get3A_523, %get3A_524, %get3A_525] {strides = array<i32>} : memref<5x64x128xf32, #tpu.memory_space<vmem>>, vector<1x1x16xf32>,
        %get3A_527 = vector.shape_cast %get3A_526 : vector<1x1x16xf32> to vector<16xf32>
        %mul3A_528 = arith.mulf %get3A_527, %get3A_89 : vector<16xf32>
        %swap3A_529 = arith.constant 3 : i32
        %swap3A_530 = arith.index_cast %swap3A_529 : i32 to index
        %swap3A_531 = arith.index_cast %scan3A_102 : i32 to index
        %swap3A_532 = arith.constant 96 : index
        %swap3A_533 = tpu.vector_load %arg10[%swap3A_530, %swap3A_531, %swap3A_532] {strides = array<i32>} : memref<5x64x128xf32, #tpu.memory_space<vmem>>, vector<1x1x16xf32>,
        %swap3A_534 = vector.shape_cast %swap3A_533 : vector<1x1x16xf32> to vector<16xf32>
        %swap3A_535 = vector.shape_cast %mul3A_528 : vector<16xf32> to vector<1x1x16xf32>
        tpu.vector_store %arg10[%swap3A_530, %swap3A_531, %swap3A_532], %swap3A_535 {strides = array<i32>} : memref<5x64x128xf32, #tpu.memory_space<vmem>>, vector<1x1x16xf32>,
        %get3A_536 = arith.constant 3 : i32
        %get3A_537 = arith.index_cast %get3A_536 : i32 to index
        %get3A_538 = arith.index_cast %scan3A_102 : i32 to index
        %get3A_539 = arith.constant 112 : index
        %get3A_540 = tpu.vector_load %arg10[%get3A_537, %get3A_538, %get3A_539] {strides = array<i32>} : memref<5x64x128xf32, #tpu.memory_space<vmem>>, vector<1x1x16xf32>,
        %get3A_541 = vector.shape_cast %get3A_540 : vector<1x1x16xf32> to vector<16xf32>
        %mul3A_542 = arith.mulf %get3A_541, %get3A_89 : vector<16xf32>
        %swap3A_543 = arith.constant 3 : i32
        %swap3A_544 = arith.index_cast %swap3A_543 : i32 to index
        %swap3A_545 = arith.index_cast %scan3A_102 : i32 to index
        %swap3A_546 = arith.constant 112 : index
        %swap3A_547 = tpu.vector_load %arg10[%swap3A_544, %swap3A_545, %swap3A_546] {strides = array<i32>} : memref<5x64x128xf32, #tpu.memory_space<vmem>>, vector<1x1x16xf32>,
        %swap3A_548 = vector.shape_cast %swap3A_547 : vector<1x1x16xf32> to vector<16xf32>
        %swap3A_549 = vector.shape_cast %mul3A_542 : vector<16xf32> to vector<1x1x16xf32>
        tpu.vector_store %arg10[%swap3A_544, %swap3A_545, %swap3A_546], %swap3A_549 {strides = array<i32>} : memref<5x64x128xf32, #tpu.memory_space<vmem>>, vector<1x1x16xf32>,
        %get3A_550 = arith.constant 4 : i32
        %get3A_551 = arith.index_cast %get3A_550 : i32 to index
        %get3A_552 = arith.index_cast %scan3A_102 : i32 to index
        %get3A_553 = arith.constant 0 : index
        %get3A_554 = tpu.vector_load %arg10[%get3A_551, %get3A_552, %get3A_553] {strides = array<i32>} : memref<5x64x128xf32, #tpu.memory_space<vmem>>, vector<1x1x16xf32>,
        %get3A_555 = vector.shape_cast %get3A_554 : vector<1x1x16xf32> to vector<16xf32>
        %mul3A_556 = arith.mulf %get3A_555, %get3A_94 : vector<16xf32>
        %swap3A_557 = arith.constant 4 : i32
        %swap3A_558 = arith.index_cast %swap3A_557 : i32 to index
        %swap3A_559 = arith.index_cast %scan3A_102 : i32 to index
        %swap3A_560 = arith.constant 0 : index
        %swap3A_561 = tpu.vector_load %arg10[%swap3A_558, %swap3A_559, %swap3A_560] {strides = array<i32>} : memref<5x64x128xf32, #tpu.memory_space<vmem>>, vector<1x1x16xf32>,
        %swap3A_562 = vector.shape_cast %swap3A_561 : vector<1x1x16xf32> to vector<16xf32>
        %swap3A_563 = vector.shape_cast %mul3A_556 : vector<16xf32> to vector<1x1x16xf32>
        tpu.vector_store %arg10[%swap3A_558, %swap3A_559, %swap3A_560], %swap3A_563 {strides = array<i32>} : memref<5x64x128xf32, #tpu.memory_space<vmem>>, vector<1x1x16xf32>,
        %get3A_564 = arith.constant 4 : i32
        %get3A_565 = arith.index_cast %get3A_564 : i32 to index
        %get3A_566 = arith.index_cast %scan3A_102 : i32 to index
        %get3A_567 = arith.constant 16 : index
        %get3A_568 = tpu.vector_load %arg10[%get3A_565, %get3A_566, %get3A_567] {strides = array<i32>} : memref<5x64x128xf32, #tpu.memory_space<vmem>>, vector<1x1x16xf32>,
        %get3A_569 = vector.shape_cast %get3A_568 : vector<1x1x16xf32> to vector<16xf32>
        %mul3A_570 = arith.mulf %get3A_569, %get3A_94 : vector<16xf32>
        %swap3A_571 = arith.constant 4 : i32
        %swap3A_572 = arith.index_cast %swap3A_571 : i32 to index
        %swap3A_573 = arith.index_cast %scan3A_102 : i32 to index
        %swap3A_574 = arith.constant 16 : index
        %swap3A_575 = tpu.vector_load %arg10[%swap3A_572, %swap3A_573, %swap3A_574] {strides = array<i32>} : memref<5x64x128xf32, #tpu.memory_space<vmem>>, vector<1x1x16xf32>,
        %swap3A_576 = vector.shape_cast %swap3A_575 : vector<1x1x16xf32> to vector<16xf32>
        %swap3A_577 = vector.shape_cast %mul3A_570 : vector<16xf32> to vector<1x1x16xf32>
        tpu.vector_store %arg10[%swap3A_572, %swap3A_573, %swap3A_574], %swap3A_577 {strides = array<i32>} : memref<5x64x128xf32, #tpu.memory_space<vmem>>, vector<1x1x16xf32>,
        %get3A_578 = arith.constant 4 : i32
        %get3A_579 = arith.index_cast %get3A_578 : i32 to index
        %get3A_580 = arith.index_cast %scan3A_102 : i32 to index
        %get3A_581 = arith.constant 32 : index
        %get3A_582 = tpu.vector_load %arg10[%get3A_579, %get3A_580, %get3A_581] {strides = array<i32>} : memref<5x64x128xf32, #tpu.memory_space<vmem>>, vector<1x1x16xf32>,
        %get3A_583 = vector.shape_cast %get3A_582 : vector<1x1x16xf32> to vector<16xf32>
        %mul3A_584 = arith.mulf %get3A_583, %get3A_94 : vector<16xf32>
        %swap3A_585 = arith.constant 4 : i32
        %swap3A_586 = arith.index_cast %swap3A_585 : i32 to index
        %swap3A_587 = arith.index_cast %scan3A_102 : i32 to index
        %swap3A_588 = arith.constant 32 : index
        %swap3A_589 = tpu.vector_load %arg10[%swap3A_586, %swap3A_587, %swap3A_588] {strides = array<i32>} : memref<5x64x128xf32, #tpu.memory_space<vmem>>, vector<1x1x16xf32>,
        %swap3A_590 = vector.shape_cast %swap3A_589 : vector<1x1x16xf32> to vector<16xf32>
        %swap3A_591 = vector.shape_cast %mul3A_584 : vector<16xf32> to vector<1x1x16xf32>
        tpu.vector_store %arg10[%swap3A_586, %swap3A_587, %swap3A_588], %swap3A_591 {strides = array<i32>} : memref<5x64x128xf32, #tpu.memory_space<vmem>>, vector<1x1x16xf32>,
        %get3A_592 = arith.constant 4 : i32
        %get3A_593 = arith.index_cast %get3A_592 : i32 to index
        %get3A_594 = arith.index_cast %scan3A_102 : i32 to index
        %get3A_595 = arith.constant 48 : index
        %get3A_596 = tpu.vector_load %arg10[%get3A_593, %get3A_594, %get3A_595] {strides = array<i32>} : memref<5x64x128xf32, #tpu.memory_space<vmem>>, vector<1x1x16xf32>,
        %get3A_597 = vector.shape_cast %get3A_596 : vector<1x1x16xf32> to vector<16xf32>
        %mul3A_598 = arith.mulf %get3A_597, %get3A_94 : vector<16xf32>
        %swap3A_599 = arith.constant 4 : i32
        %swap3A_600 = arith.index_cast %swap3A_599 : i32 to index
        %swap3A_601 = arith.index_cast %scan3A_102 : i32 to index
        %swap3A_602 = arith.constant 48 : index
        %swap3A_603 = tpu.vector_load %arg10[%swap3A_600, %swap3A_601, %swap3A_602] {strides = array<i32>} : memref<5x64x128xf32, #tpu.memory_space<vmem>>, vector<1x1x16xf32>,
        %swap3A_604 = vector.shape_cast %swap3A_603 : vector<1x1x16xf32> to vector<16xf32>
        %swap3A_605 = vector.shape_cast %mul3A_598 : vector<16xf32> to vector<1x1x16xf32>
        tpu.vector_store %arg10[%swap3A_600, %swap3A_601, %swap3A_602], %swap3A_605 {strides = array<i32>} : memref<5x64x128xf32, #tpu.memory_space<vmem>>, vector<1x1x16xf32>,
        %get3A_606 = arith.constant 4 : i32
        %get3A_607 = arith.index_cast %get3A_606 : i32 to index
        %get3A_608 = arith.index_cast %scan3A_102 : i32 to index
        %get3A_609 = arith.constant 64 : index
        %get3A_610 = tpu.vector_load %arg10[%get3A_607, %get3A_608, %get3A_609] {strides = array<i32>} : memref<5x64x128xf32, #tpu.memory_space<vmem>>, vector<1x1x16xf32>,
        %get3A_611 = vector.shape_cast %get3A_610 : vector<1x1x16xf32> to vector<16xf32>
        %mul3A_612 = arith.mulf %get3A_611, %get3A_94 : vector<16xf32>
        %swap3A_613 = arith.constant 4 : i32
        %swap3A_614 = arith.index_cast %swap3A_613 : i32 to index
        %swap3A_615 = arith.index_cast %scan3A_102 : i32 to index
        %swap3A_616 = arith.constant 64 : index
        %swap3A_617 = tpu.vector_load %arg10[%swap3A_614, %swap3A_615, %swap3A_616] {strides = array<i32>} : memref<5x64x128xf32, #tpu.memory_space<vmem>>, vector<1x1x16xf32>,
        %swap3A_618 = vector.shape_cast %swap3A_617 : vector<1x1x16xf32> to vector<16xf32>
        %swap3A_619 = vector.shape_cast %mul3A_612 : vector<16xf32> to vector<1x1x16xf32>
        tpu.vector_store %arg10[%swap3A_614, %swap3A_615, %swap3A_616], %swap3A_619 {strides = array<i32>} : memref<5x64x128xf32, #tpu.memory_space<vmem>>, vector<1x1x16xf32>,
        %get3A_620 = arith.constant 4 : i32
        %get3A_621 = arith.index_cast %get3A_620 : i32 to index
        %get3A_622 = arith.index_cast %scan3A_102 : i32 to index
        %get3A_623 = arith.constant 80 : index
        %get3A_624 = tpu.vector_load %arg10[%get3A_621, %get3A_622, %get3A_623] {strides = array<i32>} : memref<5x64x128xf32, #tpu.memory_space<vmem>>, vector<1x1x16xf32>,
        %get3A_625 = vector.shape_cast %get3A_624 : vector<1x1x16xf32> to vector<16xf32>
        %mul3A_626 = arith.mulf %get3A_625, %get3A_94 : vector<16xf32>
        %swap3A_627 = arith.constant 4 : i32
        %swap3A_628 = arith.index_cast %swap3A_627 : i32 to index
        %swap3A_629 = arith.index_cast %scan3A_102 : i32 to index
        %swap3A_630 = arith.constant 80 : index
        %swap3A_631 = tpu.vector_load %arg10[%swap3A_628, %swap3A_629, %swap3A_630] {strides = array<i32>} : memref<5x64x128xf32, #tpu.memory_space<vmem>>, vector<1x1x16xf32>,
        %swap3A_632 = vector.shape_cast %swap3A_631 : vector<1x1x16xf32> to vector<16xf32>
        %swap3A_633 = vector.shape_cast %mul3A_626 : vector<16xf32> to vector<1x1x16xf32>
        tpu.vector_store %arg10[%swap3A_628, %swap3A_629, %swap3A_630], %swap3A_633 {strides = array<i32>} : memref<5x64x128xf32, #tpu.memory_space<vmem>>, vector<1x1x16xf32>,
        %get3A_634 = arith.constant 4 : i32
        %get3A_635 = arith.index_cast %get3A_634 : i32 to index
        %get3A_636 = arith.index_cast %scan3A_102 : i32 to index
        %get3A_637 = arith.constant 96 : index
        %get3A_638 = tpu.vector_load %arg10[%get3A_635, %get3A_636, %get3A_637] {strides = array<i32>} : memref<5x64x128xf32, #tpu.memory_space<vmem>>, vector<1x1x16xf32>,
        %get3A_639 = vector.shape_cast %get3A_638 : vector<1x1x16xf32> to vector<16xf32>
        %mul3A_640 = arith.mulf %get3A_639, %get3A_94 : vector<16xf32>
        %swap3A_641 = arith.constant 4 : i32
        %swap3A_642 = arith.index_cast %swap3A_641 : i32 to index
        %swap3A_643 = arith.index_cast %scan3A_102 : i32 to index
        %swap3A_644 = arith.constant 96 : index
        %swap3A_645 = tpu.vector_load %arg10[%swap3A_642, %swap3A_643, %swap3A_644] {strides = array<i32>} : memref<5x64x128xf32, #tpu.memory_space<vmem>>, vector<1x1x16xf32>,
        %swap3A_646 = vector.shape_cast %swap3A_645 : vector<1x1x16xf32> to vector<16xf32>
        %swap3A_647 = vector.shape_cast %mul3A_640 : vector<16xf32> to vector<1x1x16xf32>
        tpu.vector_store %arg10[%swap3A_642, %swap3A_643, %swap3A_644], %swap3A_647 {strides = array<i32>} : memref<5x64x128xf32, #tpu.memory_space<vmem>>, vector<1x1x16xf32>,
        %get3A_648 = arith.constant 4 : i32
        %get3A_649 = arith.index_cast %get3A_648 : i32 to index
        %get3A_650 = arith.index_cast %scan3A_102 : i32 to index
        %get3A_651 = arith.constant 112 : index
        %get3A_652 = tpu.vector_load %arg10[%get3A_649, %get3A_650, %get3A_651] {strides = array<i32>} : memref<5x64x128xf32, #tpu.memory_space<vmem>>, vector<1x1x16xf32>,
        %get3A_653 = vector.shape_cast %get3A_652 : vector<1x1x16xf32> to vector<16xf32>
        %mul3A_654 = arith.mulf %get3A_653, %get3A_94 : vector<16xf32>
        %swap3A_655 = arith.constant 4 : i32
        %swap3A_656 = arith.index_cast %swap3A_655 : i32 to index
        %swap3A_657 = arith.index_cast %scan3A_102 : i32 to index
        %swap3A_658 = arith.constant 112 : index
        %swap3A_659 = tpu.vector_load %arg10[%swap3A_656, %swap3A_657, %swap3A_658] {strides = array<i32>} : memref<5x64x128xf32, #tpu.memory_space<vmem>>, vector<1x1x16xf32>,
        %swap3A_660 = vector.shape_cast %swap3A_659 : vector<1x1x16xf32> to vector<16xf32>
        %swap3A_661 = vector.shape_cast %mul3A_654 : vector<16xf32> to vector<1x1x16xf32>
        tpu.vector_store %arg10[%swap3A_656, %swap3A_657, %swap3A_658], %swap3A_661 {strides = array<i32>} : memref<5x64x128xf32, #tpu.memory_space<vmem>>, vector<1x1x16xf32>,
      }
      %scan3A_99 = arith.constant 64 : i32
      %mul3A_100 = arith.constant 5 : i32
      %mul3A_101 = arith.muli %add3A_13, %mul3A_100 : i32
      "tpu.region"() ({
        %run_scoped3A = tpu.sem_alloc : memref<!tpu.dma_semaphore, #tpu.memory_space<semaphore_mem>>
        %dma_start3A = arith.constant 0 : i32
        %dma_start3A_102 = arith.constant 0 : i32
        %dma_start3A_103 = tpu.memref_slice %arg5[%mul3A_101, %dma_start3A, %dma_start3A_102] : memref<800x64x128xf32, #tpu.memory_space<hbm>> -> memref<5x64x128xf32, #tpu.memory_space<hbm>>
        %dma_start3A_104 = arith.constant 0 : i32
        %dma_start3A_105 = arith.constant 0 : i32
        %dma_start3A_106 = tpu.memref_slice %arg5[%mul3A_101, %dma_start3A_104, %dma_start3A_105] : memref<800x64x128xf32, #tpu.memory_space<hbm>> -> memref<5x64x128xf32, #tpu.memory_space<hbm>>
        tpu.enqueue_dma source(%arg10 : memref<5x64x128xf32, #tpu.memory_space<vmem>>) target(%dma_start3A_106 : memref<5x64x128xf32, #tpu.memory_space<hbm>>) target_semaphore(%run_scoped3A : memref<!tpu.dma_semaphore, #tpu.memory_space<semaphore_mem>>)
        %dma_wait3A_107 = arith.constant 0 : i32
        %dma_wait3A_108 = arith.constant 0 : i32
        %dma_wait3A_109 = tpu.memref_slice %arg5[%mul3A_101, %dma_wait3A_107, %dma_wait3A_108] : memref<800x64x128xf32, #tpu.memory_space<hbm>> -> memref<5x64x128xf32, #tpu.memory_space<hbm>>
        %dma_wait3A_110 = arith.constant 0 : i32
        %dma_wait3A_111 = arith.constant 0 : i32
        %dma_wait3A_112 = tpu.memref_slice %arg5[%mul3A_101, %dma_wait3A_110, %dma_wait3A_111] : memref<800x64x128xf32, #tpu.memory_space<hbm>> -> memref<5x64x128xf32, #tpu.memory_space<hbm>>
        tpu.wait_dma2 semaphore(%run_scoped3A : memref<!tpu.dma_semaphore, #tpu.memory_space<semaphore_mem>>) src(%arg10 : memref<5x64x128xf32, #tpu.memory_space<vmem>>) dst(%dma_wait3A_112 : memref<5x64x128xf32, #tpu.memory_space<hbm>>)
        tpu.yield
      }) : () -> ()
    } else {
    }
    %add3A_19 = arith.constant 64 : i32
    %add3A_20 = arith.addi %add3A, %add3A_19 : i32
    %lt3A_21 = arith.constant 160 : i32
    %lt3A_22 = arith.cmpi slt, %add3A_20, %lt3A_21 : i32
    %convert_element_type3A_23 = arith.extui %lt3A_22 : i1 to i32
    %cond3A_24 = arith.constant 0 : i32
    %cond3A_25 = arith.cmpi ne, %convert_element_type3A_23, %cond3A_24 : i32
    scf.if %cond3A_25 {
      "tpu.region"() ({
        %run_scoped3A = tpu.sem_alloc : memref<!tpu.dma_semaphore, #tpu.memory_space<semaphore_mem>>
        %dma_start3A_71 = arith.constant 0 : i32
        %dma_start3A_72 = tpu.memref_slice %arg2[%add3A_20, %dma_start3A_71] : memref<160x5xi32, #tpu.memory_space<hbm>> -> memref<1x5xi32, #tpu.memory_space<hbm>>
        %dma_start3A_73 = tpu.memref_squeeze %dma_start3A_72 : memref<1x5xi32, #tpu.memory_space<hbm>> -> memref<5xi32, #tpu.memory_space<hbm>>
        %dma_start3A_74 = arith.constant 0 : i32
        %dma_start3A_75 = tpu.memref_slice %arg2[%add3A_20, %dma_start3A_74] : memref<160x5xi32, #tpu.memory_space<hbm>> -> memref<1x5xi32, #tpu.memory_space<hbm>>
        %dma_start3A_76 = tpu.memref_squeeze %dma_start3A_75 : memref<1x5xi32, #tpu.memory_space<hbm>> -> memref<5xi32, #tpu.memory_space<hbm>>
        tpu.enqueue_dma source(%dma_start3A_76 : memref<5xi32, #tpu.memory_space<hbm>>) target(%arg6 : memref<5xi32, #tpu.memory_space<vmem>>) target_semaphore(%run_scoped3A : memref<!tpu.dma_semaphore, #tpu.memory_space<semaphore_mem>>)
        %dma_wait3A = arith.constant 0 : i32
        %dma_wait3A_77 = tpu.memref_slice %arg2[%add3A_20, %dma_wait3A] : memref<160x5xi32, #tpu.memory_space<hbm>> -> memref<1x5xi32, #tpu.memory_space<hbm>>
        %dma_wait3A_78 = tpu.memref_squeeze %dma_wait3A_77 : memref<1x5xi32, #tpu.memory_space<hbm>> -> memref<5xi32, #tpu.memory_space<hbm>>
        %dma_wait3A_79 = arith.constant 0 : i32
        %dma_wait3A_80 = tpu.memref_slice %arg2[%add3A_20, %dma_wait3A_79] : memref<160x5xi32, #tpu.memory_space<hbm>> -> memref<1x5xi32, #tpu.memory_space<hbm>>
        %dma_wait3A_81 = tpu.memref_squeeze %dma_wait3A_80 : memref<1x5xi32, #tpu.memory_space<hbm>> -> memref<5xi32, #tpu.memory_space<hbm>>
        tpu.wait_dma2 semaphore(%run_scoped3A : memref<!tpu.dma_semaphore, #tpu.memory_space<semaphore_mem>>) src(%dma_wait3A_81 : memref<5xi32, #tpu.memory_space<hbm>>) dst(%arg6 : memref<5xi32, #tpu.memory_space<vmem>>)
        tpu.yield
      }) : () -> ()
      "tpu.region"() ({
        %run_scoped3A = tpu.sem_alloc : memref<!tpu.dma_semaphore, #tpu.memory_space<semaphore_mem>>
        %dma_start3A_71 = arith.constant 0 : i32
        %dma_start3A_72 = arith.constant 0 : i32
        %dma_start3A_73 = tpu.memref_slice %arg3[%add3A_20, %dma_start3A_71, %dma_start3A_72] : memref<160x5x16xf32, #tpu.memory_space<hbm>> -> memref<1x5x16xf32, #tpu.memory_space<hbm>>
        %dma_start3A_74 = tpu.memref_squeeze %dma_start3A_73 : memref<1x5x16xf32, #tpu.memory_space<hbm>> -> memref<5x16xf32, #tpu.memory_space<hbm>>
        %dma_start3A_75 = arith.constant 0 : i32
        %dma_start3A_76 = arith.constant 0 : i32
        %dma_start3A_77 = tpu.memref_slice %arg3[%add3A_20, %dma_start3A_75, %dma_start3A_76] : memref<160x5x16xf32, #tpu.memory_space<hbm>> -> memref<1x5x16xf32, #tpu.memory_space<hbm>>
        %dma_start3A_78 = tpu.memref_squeeze %dma_start3A_77 : memref<1x5x16xf32, #tpu.memory_space<hbm>> -> memref<5x16xf32, #tpu.memory_space<hbm>>
        tpu.enqueue_dma source(%dma_start3A_78 : memref<5x16xf32, #tpu.memory_space<hbm>>) target(%arg8 : memref<5x16xf32, #tpu.memory_space<vmem>>) target_semaphore(%run_scoped3A : memref<!tpu.dma_semaphore, #tpu.memory_space<semaphore_mem>>)
        %dma_wait3A = arith.constant 0 : i32
        %dma_wait3A_79 = arith.constant 0 : i32
        %dma_wait3A_80 = tpu.memref_slice %arg3[%add3A_20, %dma_wait3A, %dma_wait3A_79] : memref<160x5x16xf32, #tpu.memory_space<hbm>> -> memref<1x5x16xf32, #tpu.memory_space<hbm>>
        %dma_wait3A_81 = tpu.memref_squeeze %dma_wait3A_80 : memref<1x5x16xf32, #tpu.memory_space<hbm>> -> memref<5x16xf32, #tpu.memory_space<hbm>>
        %dma_wait3A_82 = arith.constant 0 : i32
        %dma_wait3A_83 = arith.constant 0 : i32
        %dma_wait3A_84 = tpu.memref_slice %arg3[%add3A_20, %dma_wait3A_82, %dma_wait3A_83] : memref<160x5x16xf32, #tpu.memory_space<hbm>> -> memref<1x5x16xf32, #tpu.memory_space<hbm>>
        %dma_wait3A_85 = tpu.memref_squeeze %dma_wait3A_84 : memref<1x5x16xf32, #tpu.memory_space<hbm>> -> memref<5x16xf32, #tpu.memory_space<hbm>>
        tpu.wait_dma2 semaphore(%run_scoped3A : memref<!tpu.dma_semaphore, #tpu.memory_space<semaphore_mem>>) src(%dma_wait3A_85 : memref<5x16xf32, #tpu.memory_space<hbm>>) dst(%arg8 : memref<5x16xf32, #tpu.memory_space<vmem>>)
        tpu.yield
      }) : () -> ()
      %dma_start3A = arith.constant 0 : i32
      %dma_start3A_68 = arith.constant 0 : i32
      %dma_start3A_69 = arith.constant 0 : i32
      %dma_start3A_70 = tpu.memref_slice %arg4[%dma_start3A, %dma_start3A_68, %dma_start3A_69] : memref<1600x64x128xf32, #tpu.memory_space<hbm>> -> memref<1600x64x128xf32, #tpu.memory_space<hbm>>
      tpu.enqueue_indirect_dma source(%dma_start3A_70 : memref<1600x64x128xf32, #tpu.memory_space<hbm>>) target(%arg10 : memref<5x64x128xf32, #tpu.memory_space<vmem>>) offsets(%arg6 : memref<5xi32, #tpu.memory_space<vmem>>) semaphore(%arg12 : memref<!tpu.dma_semaphore, #tpu.memory_space<semaphore_mem>>)
    } else {
    }
    %add3A_26 = arith.constant 32 : i32
    %add3A_27 = arith.addi %add3A, %add3A_26 : i32
    %lt3A_28 = arith.constant 160 : i32
    %lt3A_29 = arith.cmpi slt, %add3A_27, %lt3A_28 : i32
    %convert_element_type3A_30 = arith.extui %lt3A_29 : i1 to i32
    %cond3A_31 = arith.constant 0 : i32
    %cond3A_32 = arith.cmpi ne, %convert_element_type3A_30, %cond3A_31 : i32
    scf.if %cond3A_32 {
      %dma_wait3A = arith.constant 0 : i32
      %dma_wait3A_68 = arith.constant 0 : i32
      %dma_wait3A_69 = arith.constant 0 : i32
      %dma_wait3A_70 = tpu.memref_slice %arg4[%dma_wait3A, %dma_wait3A_68, %dma_wait3A_69] : memref<1600x64x128xf32, #tpu.memory_space<hbm>> -> memref<1600x64x128xf32, #tpu.memory_space<hbm>>
      tpu.wait_indirect_dma semaphore(%arg13 : memref<!tpu.dma_semaphore, #tpu.memory_space<semaphore_mem>>) src(%dma_wait3A_70 : memref<1600x64x128xf32, #tpu.memory_space<hbm>>) dst(%arg11 : memref<5x64x128xf32, #tpu.memory_space<vmem>>)
      %get3A = arith.constant 0 : i32
      %get3A_71 = arith.index_cast %get3A : i32 to index
      %get3A_72 = arith.constant 0 : index
      %get3A_73 = tpu.vector_load %arg9[%get3A_71, %get3A_72] {strides = array<i32>} : memref<5x16xf32, #tpu.memory_space<vmem>>, vector<1x16xf32>,
      %get3A_74 = vector.shape_cast %get3A_73 : vector<1x16xf32> to vector<16xf32>
      %get3A_75 = arith.constant 1 : i32
      %get3A_76 = arith.index_cast %get3A_75 : i32 to index
      %get3A_77 = arith.constant 0 : index
      %get3A_78 = tpu.vector_load %arg9[%get3A_76, %get3A_77] {strides = array<i32>} : memref<5x16xf32, #tpu.memory_space<vmem>>, vector<1x16xf32>,
      %get3A_79 = vector.shape_cast %get3A_78 : vector<1x16xf32> to vector<16xf32>
      %get3A_80 = arith.constant 2 : i32
      %get3A_81 = arith.index_cast %get3A_80 : i32 to index
      %get3A_82 = arith.constant 0 : index
      %get3A_83 = tpu.vector_load %arg9[%get3A_81, %get3A_82] {strides = array<i32>} : memref<5x16xf32, #tpu.memory_space<vmem>>, vector<1x16xf32>,
      %get3A_84 = vector.shape_cast %get3A_83 : vector<1x16xf32> to vector<16xf32>
      %get3A_85 = arith.constant 3 : i32
      %get3A_86 = arith.index_cast %get3A_85 : i32 to index
      %get3A_87 = arith.constant 0 : index
      %get3A_88 = tpu.vector_load %arg9[%get3A_86, %get3A_87] {strides = array<i32>} : memref<5x16xf32, #tpu.memory_space<vmem>>, vector<1x16xf32>,
      %get3A_89 = vector.shape_cast %get3A_88 : vector<1x16xf32> to vector<16xf32>
      %get3A_90 = arith.constant 4 : i32
      %get3A_91 = arith.index_cast %get3A_90 : i32 to index
      %get3A_92 = arith.constant 0 : index
      %get3A_93 = tpu.vector_load %arg9[%get3A_91, %get3A_92] {strides = array<i32>} : memref<5x16xf32, #tpu.memory_space<vmem>>, vector<1x16xf32>,
      %get3A_94 = vector.shape_cast %get3A_93 : vector<1x16xf32> to vector<16xf32>
      %scan3A = arith.constant 0 : i32
      %scan3A_95 = arith.constant 0 : i32
      %scan3A_96 = arith.constant 64 : i32
      %scan3A_97 = arith.addi %scan3A_95, %scan3A_96 : i32
      %scan3A_98 = arith.constant 1 : i32
      scf.for %scan3A_102 = %scan3A_95 to %scan3A_97 step %scan3A_98  : i32 {
        %get3A_103 = arith.constant 0 : i32
        %get3A_104 = arith.index_cast %get3A_103 : i32 to index
        %get3A_105 = arith.index_cast %scan3A_102 : i32 to index
        %get3A_106 = arith.constant 0 : index
        %get3A_107 = tpu.vector_load %arg11[%get3A_104, %get3A_105, %get3A_106] {strides = array<i32>} : memref<5x64x128xf32, #tpu.memory_space<vmem>>, vector<1x1x16xf32>,
        %get3A_108 = vector.shape_cast %get3A_107 : vector<1x1x16xf32> to vector<16xf32>
        %mul3A_109 = arith.mulf %get3A_108, %get3A_74 : vector<16xf32>
        %swap3A = arith.constant 0 : i32
        %swap3A_110 = arith.index_cast %swap3A : i32 to index
        %swap3A_111 = arith.index_cast %scan3A_102 : i32 to index
        %swap3A_112 = arith.constant 0 : index
        %swap3A_113 = tpu.vector_load %arg11[%swap3A_110, %swap3A_111, %swap3A_112] {strides = array<i32>} : memref<5x64x128xf32, #tpu.memory_space<vmem>>, vector<1x1x16xf32>,
        %swap3A_114 = vector.shape_cast %swap3A_113 : vector<1x1x16xf32> to vector<16xf32>
        %swap3A_115 = vector.shape_cast %mul3A_109 : vector<16xf32> to vector<1x1x16xf32>
        tpu.vector_store %arg11[%swap3A_110, %swap3A_111, %swap3A_112], %swap3A_115 {strides = array<i32>} : memref<5x64x128xf32, #tpu.memory_space<vmem>>, vector<1x1x16xf32>,
        %get3A_116 = arith.constant 0 : i32
        %get3A_117 = arith.index_cast %get3A_116 : i32 to index
        %get3A_118 = arith.index_cast %scan3A_102 : i32 to index
        %get3A_119 = arith.constant 16 : index
        %get3A_120 = tpu.vector_load %arg11[%get3A_117, %get3A_118, %get3A_119] {strides = array<i32>} : memref<5x64x128xf32, #tpu.memory_space<vmem>>, vector<1x1x16xf32>,
        %get3A_121 = vector.shape_cast %get3A_120 : vector<1x1x16xf32> to vector<16xf32>
        %mul3A_122 = arith.mulf %get3A_121, %get3A_74 : vector<16xf32>
        %swap3A_123 = arith.constant 0 : i32
        %swap3A_124 = arith.index_cast %swap3A_123 : i32 to index
        %swap3A_125 = arith.index_cast %scan3A_102 : i32 to index
        %swap3A_126 = arith.constant 16 : index
        %swap3A_127 = tpu.vector_load %arg11[%swap3A_124, %swap3A_125, %swap3A_126] {strides = array<i32>} : memref<5x64x128xf32, #tpu.memory_space<vmem>>, vector<1x1x16xf32>,
        %swap3A_128 = vector.shape_cast %swap3A_127 : vector<1x1x16xf32> to vector<16xf32>
        %swap3A_129 = vector.shape_cast %mul3A_122 : vector<16xf32> to vector<1x1x16xf32>
        tpu.vector_store %arg11[%swap3A_124, %swap3A_125, %swap3A_126], %swap3A_129 {strides = array<i32>} : memref<5x64x128xf32, #tpu.memory_space<vmem>>, vector<1x1x16xf32>,
        %get3A_130 = arith.constant 0 : i32
        %get3A_131 = arith.index_cast %get3A_130 : i32 to index
        %get3A_132 = arith.index_cast %scan3A_102 : i32 to index
        %get3A_133 = arith.constant 32 : index
        %get3A_134 = tpu.vector_load %arg11[%get3A_131, %get3A_132, %get3A_133] {strides = array<i32>} : memref<5x64x128xf32, #tpu.memory_space<vmem>>, vector<1x1x16xf32>,
        %get3A_135 = vector.shape_cast %get3A_134 : vector<1x1x16xf32> to vector<16xf32>
        %mul3A_136 = arith.mulf %get3A_135, %get3A_74 : vector<16xf32>
        %swap3A_137 = arith.constant 0 : i32
        %swap3A_138 = arith.index_cast %swap3A_137 : i32 to index
        %swap3A_139 = arith.index_cast %scan3A_102 : i32 to index
        %swap3A_140 = arith.constant 32 : index
        %swap3A_141 = tpu.vector_load %arg11[%swap3A_138, %swap3A_139, %swap3A_140] {strides = array<i32>} : memref<5x64x128xf32, #tpu.memory_space<vmem>>, vector<1x1x16xf32>,
        %swap3A_142 = vector.shape_cast %swap3A_141 : vector<1x1x16xf32> to vector<16xf32>
        %swap3A_143 = vector.shape_cast %mul3A_136 : vector<16xf32> to vector<1x1x16xf32>
        tpu.vector_store %arg11[%swap3A_138, %swap3A_139, %swap3A_140], %swap3A_143 {strides = array<i32>} : memref<5x64x128xf32, #tpu.memory_space<vmem>>, vector<1x1x16xf32>,
        %get3A_144 = arith.constant 0 : i32
        %get3A_145 = arith.index_cast %get3A_144 : i32 to index
        %get3A_146 = arith.index_cast %scan3A_102 : i32 to index
        %get3A_147 = arith.constant 48 : index
        %get3A_148 = tpu.vector_load %arg11[%get3A_145, %get3A_146, %get3A_147] {strides = array<i32>} : memref<5x64x128xf32, #tpu.memory_space<vmem>>, vector<1x1x16xf32>,
        %get3A_149 = vector.shape_cast %get3A_148 : vector<1x1x16xf32> to vector<16xf32>
        %mul3A_150 = arith.mulf %get3A_149, %get3A_74 : vector<16xf32>
        %swap3A_151 = arith.constant 0 : i32
        %swap3A_152 = arith.index_cast %swap3A_151 : i32 to index
        %swap3A_153 = arith.index_cast %scan3A_102 : i32 to index
        %swap3A_154 = arith.constant 48 : index
        %swap3A_155 = tpu.vector_load %arg11[%swap3A_152, %swap3A_153, %swap3A_154] {strides = array<i32>} : memref<5x64x128xf32, #tpu.memory_space<vmem>>, vector<1x1x16xf32>,
        %swap3A_156 = vector.shape_cast %swap3A_155 : vector<1x1x16xf32> to vector<16xf32>
        %swap3A_157 = vector.shape_cast %mul3A_150 : vector<16xf32> to vector<1x1x16xf32>
        tpu.vector_store %arg11[%swap3A_152, %swap3A_153, %swap3A_154], %swap3A_157 {strides = array<i32>} : memref<5x64x128xf32, #tpu.memory_space<vmem>>, vector<1x1x16xf32>,
        %get3A_158 = arith.constant 0 : i32
        %get3A_159 = arith.index_cast %get3A_158 : i32 to index
        %get3A_160 = arith.index_cast %scan3A_102 : i32 to index
        %get3A_161 = arith.constant 64 : index
        %get3A_162 = tpu.vector_load %arg11[%get3A_159, %get3A_160, %get3A_161] {strides = array<i32>} : memref<5x64x128xf32, #tpu.memory_space<vmem>>, vector<1x1x16xf32>,
        %get3A_163 = vector.shape_cast %get3A_162 : vector<1x1x16xf32> to vector<16xf32>
        %mul3A_164 = arith.mulf %get3A_163, %get3A_74 : vector<16xf32>
        %swap3A_165 = arith.constant 0 : i32
        %swap3A_166 = arith.index_cast %swap3A_165 : i32 to index
        %swap3A_167 = arith.index_cast %scan3A_102 : i32 to index
        %swap3A_168 = arith.constant 64 : index
        %swap3A_169 = tpu.vector_load %arg11[%swap3A_166, %swap3A_167, %swap3A_168] {strides = array<i32>} : memref<5x64x128xf32, #tpu.memory_space<vmem>>, vector<1x1x16xf32>,
        %swap3A_170 = vector.shape_cast %swap3A_169 : vector<1x1x16xf32> to vector<16xf32>
        %swap3A_171 = vector.shape_cast %mul3A_164 : vector<16xf32> to vector<1x1x16xf32>
        tpu.vector_store %arg11[%swap3A_166, %swap3A_167, %swap3A_168], %swap3A_171 {strides = array<i32>} : memref<5x64x128xf32, #tpu.memory_space<vmem>>, vector<1x1x16xf32>,
        %get3A_172 = arith.constant 0 : i32
        %get3A_173 = arith.index_cast %get3A_172 : i32 to index
        %get3A_174 = arith.index_cast %scan3A_102 : i32 to index
        %get3A_175 = arith.constant 80 : index
        %get3A_176 = tpu.vector_load %arg11[%get3A_173, %get3A_174, %get3A_175] {strides = array<i32>} : memref<5x64x128xf32, #tpu.memory_space<vmem>>, vector<1x1x16xf32>,
        %get3A_177 = vector.shape_cast %get3A_176 : vector<1x1x16xf32> to vector<16xf32>
        %mul3A_178 = arith.mulf %get3A_177, %get3A_74 : vector<16xf32>
        %swap3A_179 = arith.constant 0 : i32
        %swap3A_180 = arith.index_cast %swap3A_179 : i32 to index
        %swap3A_181 = arith.index_cast %scan3A_102 : i32 to index
        %swap3A_182 = arith.constant 80 : index
        %swap3A_183 = tpu.vector_load %arg11[%swap3A_180, %swap3A_181, %swap3A_182] {strides = array<i32>} : memref<5x64x128xf32, #tpu.memory_space<vmem>>, vector<1x1x16xf32>,
        %swap3A_184 = vector.shape_cast %swap3A_183 : vector<1x1x16xf32> to vector<16xf32>
        %swap3A_185 = vector.shape_cast %mul3A_178 : vector<16xf32> to vector<1x1x16xf32>
        tpu.vector_store %arg11[%swap3A_180, %swap3A_181, %swap3A_182], %swap3A_185 {strides = array<i32>} : memref<5x64x128xf32, #tpu.memory_space<vmem>>, vector<1x1x16xf32>,
        %get3A_186 = arith.constant 0 : i32
        %get3A_187 = arith.index_cast %get3A_186 : i32 to index
        %get3A_188 = arith.index_cast %scan3A_102 : i32 to index
        %get3A_189 = arith.constant 96 : index
        %get3A_190 = tpu.vector_load %arg11[%get3A_187, %get3A_188, %get3A_189] {strides = array<i32>} : memref<5x64x128xf32, #tpu.memory_space<vmem>>, vector<1x1x16xf32>,
        %get3A_191 = vector.shape_cast %get3A_190 : vector<1x1x16xf32> to vector<16xf32>
        %mul3A_192 = arith.mulf %get3A_191, %get3A_74 : vector<16xf32>
        %swap3A_193 = arith.constant 0 : i32
        %swap3A_194 = arith.index_cast %swap3A_193 : i32 to index
        %swap3A_195 = arith.index_cast %scan3A_102 : i32 to index
        %swap3A_196 = arith.constant 96 : index
        %swap3A_197 = tpu.vector_load %arg11[%swap3A_194, %swap3A_195, %swap3A_196] {strides = array<i32>} : memref<5x64x128xf32, #tpu.memory_space<vmem>>, vector<1x1x16xf32>,
        %swap3A_198 = vector.shape_cast %swap3A_197 : vector<1x1x16xf32> to vector<16xf32>
        %swap3A_199 = vector.shape_cast %mul3A_192 : vector<16xf32> to vector<1x1x16xf32>
        tpu.vector_store %arg11[%swap3A_194, %swap3A_195, %swap3A_196], %swap3A_199 {strides = array<i32>} : memref<5x64x128xf32, #tpu.memory_space<vmem>>, vector<1x1x16xf32>,
        %get3A_200 = arith.constant 0 : i32
        %get3A_201 = arith.index_cast %get3A_200 : i32 to index
        %get3A_202 = arith.index_cast %scan3A_102 : i32 to index
        %get3A_203 = arith.constant 112 : index
        %get3A_204 = tpu.vector_load %arg11[%get3A_201, %get3A_202, %get3A_203] {strides = array<i32>} : memref<5x64x128xf32, #tpu.memory_space<vmem>>, vector<1x1x16xf32>,
        %get3A_205 = vector.shape_cast %get3A_204 : vector<1x1x16xf32> to vector<16xf32>
        %mul3A_206 = arith.mulf %get3A_205, %get3A_74 : vector<16xf32>
        %swap3A_207 = arith.constant 0 : i32
        %swap3A_208 = arith.index_cast %swap3A_207 : i32 to index
        %swap3A_209 = arith.index_cast %scan3A_102 : i32 to index
        %swap3A_210 = arith.constant 112 : index
        %swap3A_211 = tpu.vector_load %arg11[%swap3A_208, %swap3A_209, %swap3A_210] {strides = array<i32>} : memref<5x64x128xf32, #tpu.memory_space<vmem>>, vector<1x1x16xf32>,
        %swap3A_212 = vector.shape_cast %swap3A_211 : vector<1x1x16xf32> to vector<16xf32>
        %swap3A_213 = vector.shape_cast %mul3A_206 : vector<16xf32> to vector<1x1x16xf32>
        tpu.vector_store %arg11[%swap3A_208, %swap3A_209, %swap3A_210], %swap3A_213 {strides = array<i32>} : memref<5x64x128xf32, #tpu.memory_space<vmem>>, vector<1x1x16xf32>,
        %get3A_214 = arith.constant 1 : i32
        %get3A_215 = arith.index_cast %get3A_214 : i32 to index
        %get3A_216 = arith.index_cast %scan3A_102 : i32 to index
        %get3A_217 = arith.constant 0 : index
        %get3A_218 = tpu.vector_load %arg11[%get3A_215, %get3A_216, %get3A_217] {strides = array<i32>} : memref<5x64x128xf32, #tpu.memory_space<vmem>>, vector<1x1x16xf32>,
        %get3A_219 = vector.shape_cast %get3A_218 : vector<1x1x16xf32> to vector<16xf32>
        %mul3A_220 = arith.mulf %get3A_219, %get3A_79 : vector<16xf32>
        %swap3A_221 = arith.constant 1 : i32
        %swap3A_222 = arith.index_cast %swap3A_221 : i32 to index
        %swap3A_223 = arith.index_cast %scan3A_102 : i32 to index
        %swap3A_224 = arith.constant 0 : index
        %swap3A_225 = tpu.vector_load %arg11[%swap3A_222, %swap3A_223, %swap3A_224] {strides = array<i32>} : memref<5x64x128xf32, #tpu.memory_space<vmem>>, vector<1x1x16xf32>,
        %swap3A_226 = vector.shape_cast %swap3A_225 : vector<1x1x16xf32> to vector<16xf32>
        %swap3A_227 = vector.shape_cast %mul3A_220 : vector<16xf32> to vector<1x1x16xf32>
        tpu.vector_store %arg11[%swap3A_222, %swap3A_223, %swap3A_224], %swap3A_227 {strides = array<i32>} : memref<5x64x128xf32, #tpu.memory_space<vmem>>, vector<1x1x16xf32>,
        %get3A_228 = arith.constant 1 : i32
        %get3A_229 = arith.index_cast %get3A_228 : i32 to index
        %get3A_230 = arith.index_cast %scan3A_102 : i32 to index
        %get3A_231 = arith.constant 16 : index
        %get3A_232 = tpu.vector_load %arg11[%get3A_229, %get3A_230, %get3A_231] {strides = array<i32>} : memref<5x64x128xf32, #tpu.memory_space<vmem>>, vector<1x1x16xf32>,
        %get3A_233 = vector.shape_cast %get3A_232 : vector<1x1x16xf32> to vector<16xf32>
        %mul3A_234 = arith.mulf %get3A_233, %get3A_79 : vector<16xf32>
        %swap3A_235 = arith.constant 1 : i32
        %swap3A_236 = arith.index_cast %swap3A_235 : i32 to index
        %swap3A_237 = arith.index_cast %scan3A_102 : i32 to index
        %swap3A_238 = arith.constant 16 : index
        %swap3A_239 = tpu.vector_load %arg11[%swap3A_236, %swap3A_237, %swap3A_238] {strides = array<i32>} : memref<5x64x128xf32, #tpu.memory_space<vmem>>, vector<1x1x16xf32>,
        %swap3A_240 = vector.shape_cast %swap3A_239 : vector<1x1x16xf32> to vector<16xf32>
        %swap3A_241 = vector.shape_cast %mul3A_234 : vector<16xf32> to vector<1x1x16xf32>
        tpu.vector_store %arg11[%swap3A_236, %swap3A_237, %swap3A_238], %swap3A_241 {strides = array<i32>} : memref<5x64x128xf32, #tpu.memory_space<vmem>>, vector<1x1x16xf32>,
        %get3A_242 = arith.constant 1 : i32
        %get3A_243 = arith.index_cast %get3A_242 : i32 to index
        %get3A_244 = arith.index_cast %scan3A_102 : i32 to index
        %get3A_245 = arith.constant 32 : index
        %get3A_246 = tpu.vector_load %arg11[%get3A_243, %get3A_244, %get3A_245] {strides = array<i32>} : memref<5x64x128xf32, #tpu.memory_space<vmem>>, vector<1x1x16xf32>,
        %get3A_247 = vector.shape_cast %get3A_246 : vector<1x1x16xf32> to vector<16xf32>
        %mul3A_248 = arith.mulf %get3A_247, %get3A_79 : vector<16xf32>
        %swap3A_249 = arith.constant 1 : i32
        %swap3A_250 = arith.index_cast %swap3A_249 : i32 to index
        %swap3A_251 = arith.index_cast %scan3A_102 : i32 to index
        %swap3A_252 = arith.constant 32 : index
        %swap3A_253 = tpu.vector_load %arg11[%swap3A_250, %swap3A_251, %swap3A_252] {strides = array<i32>} : memref<5x64x128xf32, #tpu.memory_space<vmem>>, vector<1x1x16xf32>,
        %swap3A_254 = vector.shape_cast %swap3A_253 : vector<1x1x16xf32> to vector<16xf32>
        %swap3A_255 = vector.shape_cast %mul3A_248 : vector<16xf32> to vector<1x1x16xf32>
        tpu.vector_store %arg11[%swap3A_250, %swap3A_251, %swap3A_252], %swap3A_255 {strides = array<i32>} : memref<5x64x128xf32, #tpu.memory_space<vmem>>, vector<1x1x16xf32>,
        %get3A_256 = arith.constant 1 : i32
        %get3A_257 = arith.index_cast %get3A_256 : i32 to index
        %get3A_258 = arith.index_cast %scan3A_102 : i32 to index
        %get3A_259 = arith.constant 48 : index
        %get3A_260 = tpu.vector_load %arg11[%get3A_257, %get3A_258, %get3A_259] {strides = array<i32>} : memref<5x64x128xf32, #tpu.memory_space<vmem>>, vector<1x1x16xf32>,
        %get3A_261 = vector.shape_cast %get3A_260 : vector<1x1x16xf32> to vector<16xf32>
        %mul3A_262 = arith.mulf %get3A_261, %get3A_79 : vector<16xf32>
        %swap3A_263 = arith.constant 1 : i32
        %swap3A_264 = arith.index_cast %swap3A_263 : i32 to index
        %swap3A_265 = arith.index_cast %scan3A_102 : i32 to index
        %swap3A_266 = arith.constant 48 : index
        %swap3A_267 = tpu.vector_load %arg11[%swap3A_264, %swap3A_265, %swap3A_266] {strides = array<i32>} : memref<5x64x128xf32, #tpu.memory_space<vmem>>, vector<1x1x16xf32>,
        %swap3A_268 = vector.shape_cast %swap3A_267 : vector<1x1x16xf32> to vector<16xf32>
        %swap3A_269 = vector.shape_cast %mul3A_262 : vector<16xf32> to vector<1x1x16xf32>
        tpu.vector_store %arg11[%swap3A_264, %swap3A_265, %swap3A_266], %swap3A_269 {strides = array<i32>} : memref<5x64x128xf32, #tpu.memory_space<vmem>>, vector<1x1x16xf32>,
        %get3A_270 = arith.constant 1 : i32
        %get3A_271 = arith.index_cast %get3A_270 : i32 to index
        %get3A_272 = arith.index_cast %scan3A_102 : i32 to index
        %get3A_273 = arith.constant 64 : index
        %get3A_274 = tpu.vector_load %arg11[%get3A_271, %get3A_272, %get3A_273] {strides = array<i32>} : memref<5x64x128xf32, #tpu.memory_space<vmem>>, vector<1x1x16xf32>,
        %get3A_275 = vector.shape_cast %get3A_274 : vector<1x1x16xf32> to vector<16xf32>
        %mul3A_276 = arith.mulf %get3A_275, %get3A_79 : vector<16xf32>
        %swap3A_277 = arith.constant 1 : i32
        %swap3A_278 = arith.index_cast %swap3A_277 : i32 to index
        %swap3A_279 = arith.index_cast %scan3A_102 : i32 to index
        %swap3A_280 = arith.constant 64 : index
        %swap3A_281 = tpu.vector_load %arg11[%swap3A_278, %swap3A_279, %swap3A_280] {strides = array<i32>} : memref<5x64x128xf32, #tpu.memory_space<vmem>>, vector<1x1x16xf32>,
        %swap3A_282 = vector.shape_cast %swap3A_281 : vector<1x1x16xf32> to vector<16xf32>
        %swap3A_283 = vector.shape_cast %mul3A_276 : vector<16xf32> to vector<1x1x16xf32>
        tpu.vector_store %arg11[%swap3A_278, %swap3A_279, %swap3A_280], %swap3A_283 {strides = array<i32>} : memref<5x64x128xf32, #tpu.memory_space<vmem>>, vector<1x1x16xf32>,
        %get3A_284 = arith.constant 1 : i32
        %get3A_285 = arith.index_cast %get3A_284 : i32 to index
        %get3A_286 = arith.index_cast %scan3A_102 : i32 to index
        %get3A_287 = arith.constant 80 : index
        %get3A_288 = tpu.vector_load %arg11[%get3A_285, %get3A_286, %get3A_287] {strides = array<i32>} : memref<5x64x128xf32, #tpu.memory_space<vmem>>, vector<1x1x16xf32>,
        %get3A_289 = vector.shape_cast %get3A_288 : vector<1x1x16xf32> to vector<16xf32>
        %mul3A_290 = arith.mulf %get3A_289, %get3A_79 : vector<16xf32>
        %swap3A_291 = arith.constant 1 : i32
        %swap3A_292 = arith.index_cast %swap3A_291 : i32 to index
        %swap3A_293 = arith.index_cast %scan3A_102 : i32 to index
        %swap3A_294 = arith.constant 80 : index
        %swap3A_295 = tpu.vector_load %arg11[%swap3A_292, %swap3A_293, %swap3A_294] {strides = array<i32>} : memref<5x64x128xf32, #tpu.memory_space<vmem>>, vector<1x1x16xf32>,
        %swap3A_296 = vector.shape_cast %swap3A_295 : vector<1x1x16xf32> to vector<16xf32>
        %swap3A_297 = vector.shape_cast %mul3A_290 : vector<16xf32> to vector<1x1x16xf32>
        tpu.vector_store %arg11[%swap3A_292, %swap3A_293, %swap3A_294], %swap3A_297 {strides = array<i32>} : memref<5x64x128xf32, #tpu.memory_space<vmem>>, vector<1x1x16xf32>,
        %get3A_298 = arith.constant 1 : i32
        %get3A_299 = arith.index_cast %get3A_298 : i32 to index
        %get3A_300 = arith.index_cast %scan3A_102 : i32 to index
        %get3A_301 = arith.constant 96 : index
        %get3A_302 = tpu.vector_load %arg11[%get3A_299, %get3A_300, %get3A_301] {strides = array<i32>} : memref<5x64x128xf32, #tpu.memory_space<vmem>>, vector<1x1x16xf32>,
        %get3A_303 = vector.shape_cast %get3A_302 : vector<1x1x16xf32> to vector<16xf32>
        %mul3A_304 = arith.mulf %get3A_303, %get3A_79 : vector<16xf32>
        %swap3A_305 = arith.constant 1 : i32
        %swap3A_306 = arith.index_cast %swap3A_305 : i32 to index
        %swap3A_307 = arith.index_cast %scan3A_102 : i32 to index
        %swap3A_308 = arith.constant 96 : index
        %swap3A_309 = tpu.vector_load %arg11[%swap3A_306, %swap3A_307, %swap3A_308] {strides = array<i32>} : memref<5x64x128xf32, #tpu.memory_space<vmem>>, vector<1x1x16xf32>,
        %swap3A_310 = vector.shape_cast %swap3A_309 : vector<1x1x16xf32> to vector<16xf32>
        %swap3A_311 = vector.shape_cast %mul3A_304 : vector<16xf32> to vector<1x1x16xf32>
        tpu.vector_store %arg11[%swap3A_306, %swap3A_307, %swap3A_308], %swap3A_311 {strides = array<i32>} : memref<5x64x128xf32, #tpu.memory_space<vmem>>, vector<1x1x16xf32>,
        %get3A_312 = arith.constant 1 : i32
        %get3A_313 = arith.index_cast %get3A_312 : i32 to index
        %get3A_314 = arith.index_cast %scan3A_102 : i32 to index
        %get3A_315 = arith.constant 112 : index
        %get3A_316 = tpu.vector_load %arg11[%get3A_313, %get3A_314, %get3A_315] {strides = array<i32>} : memref<5x64x128xf32, #tpu.memory_space<vmem>>, vector<1x1x16xf32>,
        %get3A_317 = vector.shape_cast %get3A_316 : vector<1x1x16xf32> to vector<16xf32>
        %mul3A_318 = arith.mulf %get3A_317, %get3A_79 : vector<16xf32>
        %swap3A_319 = arith.constant 1 : i32
        %swap3A_320 = arith.index_cast %swap3A_319 : i32 to index
        %swap3A_321 = arith.index_cast %scan3A_102 : i32 to index
        %swap3A_322 = arith.constant 112 : index
        %swap3A_323 = tpu.vector_load %arg11[%swap3A_320, %swap3A_321, %swap3A_322] {strides = array<i32>} : memref<5x64x128xf32, #tpu.memory_space<vmem>>, vector<1x1x16xf32>,
        %swap3A_324 = vector.shape_cast %swap3A_323 : vector<1x1x16xf32> to vector<16xf32>
        %swap3A_325 = vector.shape_cast %mul3A_318 : vector<16xf32> to vector<1x1x16xf32>
        tpu.vector_store %arg11[%swap3A_320, %swap3A_321, %swap3A_322], %swap3A_325 {strides = array<i32>} : memref<5x64x128xf32, #tpu.memory_space<vmem>>, vector<1x1x16xf32>,
        %get3A_326 = arith.constant 2 : i32
        %get3A_327 = arith.index_cast %get3A_326 : i32 to index
        %get3A_328 = arith.index_cast %scan3A_102 : i32 to index
        %get3A_329 = arith.constant 0 : index
        %get3A_330 = tpu.vector_load %arg11[%get3A_327, %get3A_328, %get3A_329] {strides = array<i32>} : memref<5x64x128xf32, #tpu.memory_space<vmem>>, vector<1x1x16xf32>,
        %get3A_331 = vector.shape_cast %get3A_330 : vector<1x1x16xf32> to vector<16xf32>
        %mul3A_332 = arith.mulf %get3A_331, %get3A_84 : vector<16xf32>
        %swap3A_333 = arith.constant 2 : i32
        %swap3A_334 = arith.index_cast %swap3A_333 : i32 to index
        %swap3A_335 = arith.index_cast %scan3A_102 : i32 to index
        %swap3A_336 = arith.constant 0 : index
        %swap3A_337 = tpu.vector_load %arg11[%swap3A_334, %swap3A_335, %swap3A_336] {strides = array<i32>} : memref<5x64x128xf32, #tpu.memory_space<vmem>>, vector<1x1x16xf32>,
        %swap3A_338 = vector.shape_cast %swap3A_337 : vector<1x1x16xf32> to vector<16xf32>
        %swap3A_339 = vector.shape_cast %mul3A_332 : vector<16xf32> to vector<1x1x16xf32>
        tpu.vector_store %arg11[%swap3A_334, %swap3A_335, %swap3A_336], %swap3A_339 {strides = array<i32>} : memref<5x64x128xf32, #tpu.memory_space<vmem>>, vector<1x1x16xf32>,
        %get3A_340 = arith.constant 2 : i32
        %get3A_341 = arith.index_cast %get3A_340 : i32 to index
        %get3A_342 = arith.index_cast %scan3A_102 : i32 to index
        %get3A_343 = arith.constant 16 : index
        %get3A_344 = tpu.vector_load %arg11[%get3A_341, %get3A_342, %get3A_343] {strides = array<i32>} : memref<5x64x128xf32, #tpu.memory_space<vmem>>, vector<1x1x16xf32>,
        %get3A_345 = vector.shape_cast %get3A_344 : vector<1x1x16xf32> to vector<16xf32>
        %mul3A_346 = arith.mulf %get3A_345, %get3A_84 : vector<16xf32>
        %swap3A_347 = arith.constant 2 : i32
        %swap3A_348 = arith.index_cast %swap3A_347 : i32 to index
        %swap3A_349 = arith.index_cast %scan3A_102 : i32 to index
        %swap3A_350 = arith.constant 16 : index
        %swap3A_351 = tpu.vector_load %arg11[%swap3A_348, %swap3A_349, %swap3A_350] {strides = array<i32>} : memref<5x64x128xf32, #tpu.memory_space<vmem>>, vector<1x1x16xf32>,
        %swap3A_352 = vector.shape_cast %swap3A_351 : vector<1x1x16xf32> to vector<16xf32>
        %swap3A_353 = vector.shape_cast %mul3A_346 : vector<16xf32> to vector<1x1x16xf32>
        tpu.vector_store %arg11[%swap3A_348, %swap3A_349, %swap3A_350], %swap3A_353 {strides = array<i32>} : memref<5x64x128xf32, #tpu.memory_space<vmem>>, vector<1x1x16xf32>,
        %get3A_354 = arith.constant 2 : i32
        %get3A_355 = arith.index_cast %get3A_354 : i32 to index
        %get3A_356 = arith.index_cast %scan3A_102 : i32 to index
        %get3A_357 = arith.constant 32 : index
        %get3A_358 = tpu.vector_load %arg11[%get3A_355, %get3A_356, %get3A_357] {strides = array<i32>} : memref<5x64x128xf32, #tpu.memory_space<vmem>>, vector<1x1x16xf32>,
        %get3A_359 = vector.shape_cast %get3A_358 : vector<1x1x16xf32> to vector<16xf32>
        %mul3A_360 = arith.mulf %get3A_359, %get3A_84 : vector<16xf32>
        %swap3A_361 = arith.constant 2 : i32
        %swap3A_362 = arith.index_cast %swap3A_361 : i32 to index
        %swap3A_363 = arith.index_cast %scan3A_102 : i32 to index
        %swap3A_364 = arith.constant 32 : index
        %swap3A_365 = tpu.vector_load %arg11[%swap3A_362, %swap3A_363, %swap3A_364] {strides = array<i32>} : memref<5x64x128xf32, #tpu.memory_space<vmem>>, vector<1x1x16xf32>,
        %swap3A_366 = vector.shape_cast %swap3A_365 : vector<1x1x16xf32> to vector<16xf32>
        %swap3A_367 = vector.shape_cast %mul3A_360 : vector<16xf32> to vector<1x1x16xf32>
        tpu.vector_store %arg11[%swap3A_362, %swap3A_363, %swap3A_364], %swap3A_367 {strides = array<i32>} : memref<5x64x128xf32, #tpu.memory_space<vmem>>, vector<1x1x16xf32>,
        %get3A_368 = arith.constant 2 : i32
        %get3A_369 = arith.index_cast %get3A_368 : i32 to index
        %get3A_370 = arith.index_cast %scan3A_102 : i32 to index
        %get3A_371 = arith.constant 48 : index
        %get3A_372 = tpu.vector_load %arg11[%get3A_369, %get3A_370, %get3A_371] {strides = array<i32>} : memref<5x64x128xf32, #tpu.memory_space<vmem>>, vector<1x1x16xf32>,
        %get3A_373 = vector.shape_cast %get3A_372 : vector<1x1x16xf32> to vector<16xf32>
        %mul3A_374 = arith.mulf %get3A_373, %get3A_84 : vector<16xf32>
        %swap3A_375 = arith.constant 2 : i32
        %swap3A_376 = arith.index_cast %swap3A_375 : i32 to index
        %swap3A_377 = arith.index_cast %scan3A_102 : i32 to index
        %swap3A_378 = arith.constant 48 : index
        %swap3A_379 = tpu.vector_load %arg11[%swap3A_376, %swap3A_377, %swap3A_378] {strides = array<i32>} : memref<5x64x128xf32, #tpu.memory_space<vmem>>, vector<1x1x16xf32>,
        %swap3A_380 = vector.shape_cast %swap3A_379 : vector<1x1x16xf32> to vector<16xf32>
        %swap3A_381 = vector.shape_cast %mul3A_374 : vector<16xf32> to vector<1x1x16xf32>
        tpu.vector_store %arg11[%swap3A_376, %swap3A_377, %swap3A_378], %swap3A_381 {strides = array<i32>} : memref<5x64x128xf32, #tpu.memory_space<vmem>>, vector<1x1x16xf32>,
        %get3A_382 = arith.constant 2 : i32
        %get3A_383 = arith.index_cast %get3A_382 : i32 to index
        %get3A_384 = arith.index_cast %scan3A_102 : i32 to index
        %get3A_385 = arith.constant 64 : index
        %get3A_386 = tpu.vector_load %arg11[%get3A_383, %get3A_384, %get3A_385] {strides = array<i32>} : memref<5x64x128xf32, #tpu.memory_space<vmem>>, vector<1x1x16xf32>,
        %get3A_387 = vector.shape_cast %get3A_386 : vector<1x1x16xf32> to vector<16xf32>
        %mul3A_388 = arith.mulf %get3A_387, %get3A_84 : vector<16xf32>
        %swap3A_389 = arith.constant 2 : i32
        %swap3A_390 = arith.index_cast %swap3A_389 : i32 to index
        %swap3A_391 = arith.index_cast %scan3A_102 : i32 to index
        %swap3A_392 = arith.constant 64 : index
        %swap3A_393 = tpu.vector_load %arg11[%swap3A_390, %swap3A_391, %swap3A_392] {strides = array<i32>} : memref<5x64x128xf32, #tpu.memory_space<vmem>>, vector<1x1x16xf32>,
        %swap3A_394 = vector.shape_cast %swap3A_393 : vector<1x1x16xf32> to vector<16xf32>
        %swap3A_395 = vector.shape_cast %mul3A_388 : vector<16xf32> to vector<1x1x16xf32>
        tpu.vector_store %arg11[%swap3A_390, %swap3A_391, %swap3A_392], %swap3A_395 {strides = array<i32>} : memref<5x64x128xf32, #tpu.memory_space<vmem>>, vector<1x1x16xf32>,
        %get3A_396 = arith.constant 2 : i32
        %get3A_397 = arith.index_cast %get3A_396 : i32 to index
        %get3A_398 = arith.index_cast %scan3A_102 : i32 to index
        %get3A_399 = arith.constant 80 : index
        %get3A_400 = tpu.vector_load %arg11[%get3A_397, %get3A_398, %get3A_399] {strides = array<i32>} : memref<5x64x128xf32, #tpu.memory_space<vmem>>, vector<1x1x16xf32>,
        %get3A_401 = vector.shape_cast %get3A_400 : vector<1x1x16xf32> to vector<16xf32>
        %mul3A_402 = arith.mulf %get3A_401, %get3A_84 : vector<16xf32>
        %swap3A_403 = arith.constant 2 : i32
        %swap3A_404 = arith.index_cast %swap3A_403 : i32 to index
        %swap3A_405 = arith.index_cast %scan3A_102 : i32 to index
        %swap3A_406 = arith.constant 80 : index
        %swap3A_407 = tpu.vector_load %arg11[%swap3A_404, %swap3A_405, %swap3A_406] {strides = array<i32>} : memref<5x64x128xf32, #tpu.memory_space<vmem>>, vector<1x1x16xf32>,
        %swap3A_408 = vector.shape_cast %swap3A_407 : vector<1x1x16xf32> to vector<16xf32>
        %swap3A_409 = vector.shape_cast %mul3A_402 : vector<16xf32> to vector<1x1x16xf32>
        tpu.vector_store %arg11[%swap3A_404, %swap3A_405, %swap3A_406], %swap3A_409 {strides = array<i32>} : memref<5x64x128xf32, #tpu.memory_space<vmem>>, vector<1x1x16xf32>,
        %get3A_410 = arith.constant 2 : i32
        %get3A_411 = arith.index_cast %get3A_410 : i32 to index
        %get3A_412 = arith.index_cast %scan3A_102 : i32 to index
        %get3A_413 = arith.constant 96 : index
        %get3A_414 = tpu.vector_load %arg11[%get3A_411, %get3A_412, %get3A_413] {strides = array<i32>} : memref<5x64x128xf32, #tpu.memory_space<vmem>>, vector<1x1x16xf32>,
        %get3A_415 = vector.shape_cast %get3A_414 : vector<1x1x16xf32> to vector<16xf32>
        %mul3A_416 = arith.mulf %get3A_415, %get3A_84 : vector<16xf32>
        %swap3A_417 = arith.constant 2 : i32
        %swap3A_418 = arith.index_cast %swap3A_417 : i32 to index
        %swap3A_419 = arith.index_cast %scan3A_102 : i32 to index
        %swap3A_420 = arith.constant 96 : index
        %swap3A_421 = tpu.vector_load %arg11[%swap3A_418, %swap3A_419, %swap3A_420] {strides = array<i32>} : memref<5x64x128xf32, #tpu.memory_space<vmem>>, vector<1x1x16xf32>,
        %swap3A_422 = vector.shape_cast %swap3A_421 : vector<1x1x16xf32> to vector<16xf32>
        %swap3A_423 = vector.shape_cast %mul3A_416 : vector<16xf32> to vector<1x1x16xf32>
        tpu.vector_store %arg11[%swap3A_418, %swap3A_419, %swap3A_420], %swap3A_423 {strides = array<i32>} : memref<5x64x128xf32, #tpu.memory_space<vmem>>, vector<1x1x16xf32>,
        %get3A_424 = arith.constant 2 : i32
        %get3A_425 = arith.index_cast %get3A_424 : i32 to index
        %get3A_426 = arith.index_cast %scan3A_102 : i32 to index
        %get3A_427 = arith.constant 112 : index
        %get3A_428 = tpu.vector_load %arg11[%get3A_425, %get3A_426, %get3A_427] {strides = array<i32>} : memref<5x64x128xf32, #tpu.memory_space<vmem>>, vector<1x1x16xf32>,
        %get3A_429 = vector.shape_cast %get3A_428 : vector<1x1x16xf32> to vector<16xf32>
        %mul3A_430 = arith.mulf %get3A_429, %get3A_84 : vector<16xf32>
        %swap3A_431 = arith.constant 2 : i32
        %swap3A_432 = arith.index_cast %swap3A_431 : i32 to index
        %swap3A_433 = arith.index_cast %scan3A_102 : i32 to index
        %swap3A_434 = arith.constant 112 : index
        %swap3A_435 = tpu.vector_load %arg11[%swap3A_432, %swap3A_433, %swap3A_434] {strides = array<i32>} : memref<5x64x128xf32, #tpu.memory_space<vmem>>, vector<1x1x16xf32>,
        %swap3A_436 = vector.shape_cast %swap3A_435 : vector<1x1x16xf32> to vector<16xf32>
        %swap3A_437 = vector.shape_cast %mul3A_430 : vector<16xf32> to vector<1x1x16xf32>
        tpu.vector_store %arg11[%swap3A_432, %swap3A_433, %swap3A_434], %swap3A_437 {strides = array<i32>} : memref<5x64x128xf32, #tpu.memory_space<vmem>>, vector<1x1x16xf32>,
        %get3A_438 = arith.constant 3 : i32
        %get3A_439 = arith.index_cast %get3A_438 : i32 to index
        %get3A_440 = arith.index_cast %scan3A_102 : i32 to index
        %get3A_441 = arith.constant 0 : index
        %get3A_442 = tpu.vector_load %arg11[%get3A_439, %get3A_440, %get3A_441] {strides = array<i32>} : memref<5x64x128xf32, #tpu.memory_space<vmem>>, vector<1x1x16xf32>,
        %get3A_443 = vector.shape_cast %get3A_442 : vector<1x1x16xf32> to vector<16xf32>
        %mul3A_444 = arith.mulf %get3A_443, %get3A_89 : vector<16xf32>
        %swap3A_445 = arith.constant 3 : i32
        %swap3A_446 = arith.index_cast %swap3A_445 : i32 to index
        %swap3A_447 = arith.index_cast %scan3A_102 : i32 to index
        %swap3A_448 = arith.constant 0 : index
        %swap3A_449 = tpu.vector_load %arg11[%swap3A_446, %swap3A_447, %swap3A_448] {strides = array<i32>} : memref<5x64x128xf32, #tpu.memory_space<vmem>>, vector<1x1x16xf32>,
        %swap3A_450 = vector.shape_cast %swap3A_449 : vector<1x1x16xf32> to vector<16xf32>
        %swap3A_451 = vector.shape_cast %mul3A_444 : vector<16xf32> to vector<1x1x16xf32>
        tpu.vector_store %arg11[%swap3A_446, %swap3A_447, %swap3A_448], %swap3A_451 {strides = array<i32>} : memref<5x64x128xf32, #tpu.memory_space<vmem>>, vector<1x1x16xf32>,
        %get3A_452 = arith.constant 3 : i32
        %get3A_453 = arith.index_cast %get3A_452 : i32 to index
        %get3A_454 = arith.index_cast %scan3A_102 : i32 to index
        %get3A_455 = arith.constant 16 : index
        %get3A_456 = tpu.vector_load %arg11[%get3A_453, %get3A_454, %get3A_455] {strides = array<i32>} : memref<5x64x128xf32, #tpu.memory_space<vmem>>, vector<1x1x16xf32>,
        %get3A_457 = vector.shape_cast %get3A_456 : vector<1x1x16xf32> to vector<16xf32>
        %mul3A_458 = arith.mulf %get3A_457, %get3A_89 : vector<16xf32>
        %swap3A_459 = arith.constant 3 : i32
        %swap3A_460 = arith.index_cast %swap3A_459 : i32 to index
        %swap3A_461 = arith.index_cast %scan3A_102 : i32 to index
        %swap3A_462 = arith.constant 16 : index
        %swap3A_463 = tpu.vector_load %arg11[%swap3A_460, %swap3A_461, %swap3A_462] {strides = array<i32>} : memref<5x64x128xf32, #tpu.memory_space<vmem>>, vector<1x1x16xf32>,
        %swap3A_464 = vector.shape_cast %swap3A_463 : vector<1x1x16xf32> to vector<16xf32>
        %swap3A_465 = vector.shape_cast %mul3A_458 : vector<16xf32> to vector<1x1x16xf32>
        tpu.vector_store %arg11[%swap3A_460, %swap3A_461, %swap3A_462], %swap3A_465 {strides = array<i32>} : memref<5x64x128xf32, #tpu.memory_space<vmem>>, vector<1x1x16xf32>,
        %get3A_466 = arith.constant 3 : i32
        %get3A_467 = arith.index_cast %get3A_466 : i32 to index
        %get3A_468 = arith.index_cast %scan3A_102 : i32 to index
        %get3A_469 = arith.constant 32 : index
        %get3A_470 = tpu.vector_load %arg11[%get3A_467, %get3A_468, %get3A_469] {strides = array<i32>} : memref<5x64x128xf32, #tpu.memory_space<vmem>>, vector<1x1x16xf32>,
        %get3A_471 = vector.shape_cast %get3A_470 : vector<1x1x16xf32> to vector<16xf32>
        %mul3A_472 = arith.mulf %get3A_471, %get3A_89 : vector<16xf32>
        %swap3A_473 = arith.constant 3 : i32
        %swap3A_474 = arith.index_cast %swap3A_473 : i32 to index
        %swap3A_475 = arith.index_cast %scan3A_102 : i32 to index
        %swap3A_476 = arith.constant 32 : index
        %swap3A_477 = tpu.vector_load %arg11[%swap3A_474, %swap3A_475, %swap3A_476] {strides = array<i32>} : memref<5x64x128xf32, #tpu.memory_space<vmem>>, vector<1x1x16xf32>,
        %swap3A_478 = vector.shape_cast %swap3A_477 : vector<1x1x16xf32> to vector<16xf32>
        %swap3A_479 = vector.shape_cast %mul3A_472 : vector<16xf32> to vector<1x1x16xf32>
        tpu.vector_store %arg11[%swap3A_474, %swap3A_475, %swap3A_476], %swap3A_479 {strides = array<i32>} : memref<5x64x128xf32, #tpu.memory_space<vmem>>, vector<1x1x16xf32>,
        %get3A_480 = arith.constant 3 : i32
        %get3A_481 = arith.index_cast %get3A_480 : i32 to index
        %get3A_482 = arith.index_cast %scan3A_102 : i32 to index
        %get3A_483 = arith.constant 48 : index
        %get3A_484 = tpu.vector_load %arg11[%get3A_481, %get3A_482, %get3A_483] {strides = array<i32>} : memref<5x64x128xf32, #tpu.memory_space<vmem>>, vector<1x1x16xf32>,
        %get3A_485 = vector.shape_cast %get3A_484 : vector<1x1x16xf32> to vector<16xf32>
        %mul3A_486 = arith.mulf %get3A_485, %get3A_89 : vector<16xf32>
        %swap3A_487 = arith.constant 3 : i32
        %swap3A_488 = arith.index_cast %swap3A_487 : i32 to index
        %swap3A_489 = arith.index_cast %scan3A_102 : i32 to index
        %swap3A_490 = arith.constant 48 : index
        %swap3A_491 = tpu.vector_load %arg11[%swap3A_488, %swap3A_489, %swap3A_490] {strides = array<i32>} : memref<5x64x128xf32, #tpu.memory_space<vmem>>, vector<1x1x16xf32>,
        %swap3A_492 = vector.shape_cast %swap3A_491 : vector<1x1x16xf32> to vector<16xf32>
        %swap3A_493 = vector.shape_cast %mul3A_486 : vector<16xf32> to vector<1x1x16xf32>
        tpu.vector_store %arg11[%swap3A_488, %swap3A_489, %swap3A_490], %swap3A_493 {strides = array<i32>} : memref<5x64x128xf32, #tpu.memory_space<vmem>>, vector<1x1x16xf32>,
        %get3A_494 = arith.constant 3 : i32
        %get3A_495 = arith.index_cast %get3A_494 : i32 to index
        %get3A_496 = arith.index_cast %scan3A_102 : i32 to index
        %get3A_497 = arith.constant 64 : index
        %get3A_498 = tpu.vector_load %arg11[%get3A_495, %get3A_496, %get3A_497] {strides = array<i32>} : memref<5x64x128xf32, #tpu.memory_space<vmem>>, vector<1x1x16xf32>,
        %get3A_499 = vector.shape_cast %get3A_498 : vector<1x1x16xf32> to vector<16xf32>
        %mul3A_500 = arith.mulf %get3A_499, %get3A_89 : vector<16xf32>
        %swap3A_501 = arith.constant 3 : i32
        %swap3A_502 = arith.index_cast %swap3A_501 : i32 to index
        %swap3A_503 = arith.index_cast %scan3A_102 : i32 to index
        %swap3A_504 = arith.constant 64 : index
        %swap3A_505 = tpu.vector_load %arg11[%swap3A_502, %swap3A_503, %swap3A_504] {strides = array<i32>} : memref<5x64x128xf32, #tpu.memory_space<vmem>>, vector<1x1x16xf32>,
        %swap3A_506 = vector.shape_cast %swap3A_505 : vector<1x1x16xf32> to vector<16xf32>
        %swap3A_507 = vector.shape_cast %mul3A_500 : vector<16xf32> to vector<1x1x16xf32>
        tpu.vector_store %arg11[%swap3A_502, %swap3A_503, %swap3A_504], %swap3A_507 {strides = array<i32>} : memref<5x64x128xf32, #tpu.memory_space<vmem>>, vector<1x1x16xf32>,
        %get3A_508 = arith.constant 3 : i32
        %get3A_509 = arith.index_cast %get3A_508 : i32 to index
        %get3A_510 = arith.index_cast %scan3A_102 : i32 to index
        %get3A_511 = arith.constant 80 : index
        %get3A_512 = tpu.vector_load %arg11[%get3A_509, %get3A_510, %get3A_511] {strides = array<i32>} : memref<5x64x128xf32, #tpu.memory_space<vmem>>, vector<1x1x16xf32>,
        %get3A_513 = vector.shape_cast %get3A_512 : vector<1x1x16xf32> to vector<16xf32>
        %mul3A_514 = arith.mulf %get3A_513, %get3A_89 : vector<16xf32>
        %swap3A_515 = arith.constant 3 : i32
        %swap3A_516 = arith.index_cast %swap3A_515 : i32 to index
        %swap3A_517 = arith.index_cast %scan3A_102 : i32 to index
        %swap3A_518 = arith.constant 80 : index
        %swap3A_519 = tpu.vector_load %arg11[%swap3A_516, %swap3A_517, %swap3A_518] {strides = array<i32>} : memref<5x64x128xf32, #tpu.memory_space<vmem>>, vector<1x1x16xf32>,
        %swap3A_520 = vector.shape_cast %swap3A_519 : vector<1x1x16xf32> to vector<16xf32>
        %swap3A_521 = vector.shape_cast %mul3A_514 : vector<16xf32> to vector<1x1x16xf32>
        tpu.vector_store %arg11[%swap3A_516, %swap3A_517, %swap3A_518], %swap3A_521 {strides = array<i32>} : memref<5x64x128xf32, #tpu.memory_space<vmem>>, vector<1x1x16xf32>,
        %get3A_522 = arith.constant 3 : i32
        %get3A_523 = arith.index_cast %get3A_522 : i32 to index
        %get3A_524 = arith.index_cast %scan3A_102 : i32 to index
        %get3A_525 = arith.constant 96 : index
        %get3A_526 = tpu.vector_load %arg11[%get3A_523, %get3A_524, %get3A_525] {strides = array<i32>} : memref<5x64x128xf32, #tpu.memory_space<vmem>>, vector<1x1x16xf32>,
        %get3A_527 = vector.shape_cast %get3A_526 : vector<1x1x16xf32> to vector<16xf32>
        %mul3A_528 = arith.mulf %get3A_527, %get3A_89 : vector<16xf32>
        %swap3A_529 = arith.constant 3 : i32
        %swap3A_530 = arith.index_cast %swap3A_529 : i32 to index
        %swap3A_531 = arith.index_cast %scan3A_102 : i32 to index
        %swap3A_532 = arith.constant 96 : index
        %swap3A_533 = tpu.vector_load %arg11[%swap3A_530, %swap3A_531, %swap3A_532] {strides = array<i32>} : memref<5x64x128xf32, #tpu.memory_space<vmem>>, vector<1x1x16xf32>,
        %swap3A_534 = vector.shape_cast %swap3A_533 : vector<1x1x16xf32> to vector<16xf32>
        %swap3A_535 = vector.shape_cast %mul3A_528 : vector<16xf32> to vector<1x1x16xf32>
        tpu.vector_store %arg11[%swap3A_530, %swap3A_531, %swap3A_532], %swap3A_535 {strides = array<i32>} : memref<5x64x128xf32, #tpu.memory_space<vmem>>, vector<1x1x16xf32>,
        %get3A_536 = arith.constant 3 : i32
        %get3A_537 = arith.index_cast %get3A_536 : i32 to index
        %get3A_538 = arith.index_cast %scan3A_102 : i32 to index
        %get3A_539 = arith.constant 112 : index
        %get3A_540 = tpu.vector_load %arg11[%get3A_537, %get3A_538, %get3A_539] {strides = array<i32>} : memref<5x64x128xf32, #tpu.memory_space<vmem>>, vector<1x1x16xf32>,
        %get3A_541 = vector.shape_cast %get3A_540 : vector<1x1x16xf32> to vector<16xf32>
        %mul3A_542 = arith.mulf %get3A_541, %get3A_89 : vector<16xf32>
        %swap3A_543 = arith.constant 3 : i32
        %swap3A_544 = arith.index_cast %swap3A_543 : i32 to index
        %swap3A_545 = arith.index_cast %scan3A_102 : i32 to index
        %swap3A_546 = arith.constant 112 : index
        %swap3A_547 = tpu.vector_load %arg11[%swap3A_544, %swap3A_545, %swap3A_546] {strides = array<i32>} : memref<5x64x128xf32, #tpu.memory_space<vmem>>, vector<1x1x16xf32>,
        %swap3A_548 = vector.shape_cast %swap3A_547 : vector<1x1x16xf32> to vector<16xf32>
        %swap3A_549 = vector.shape_cast %mul3A_542 : vector<16xf32> to vector<1x1x16xf32>
        tpu.vector_store %arg11[%swap3A_544, %swap3A_545, %swap3A_546], %swap3A_549 {strides = array<i32>} : memref<5x64x128xf32, #tpu.memory_space<vmem>>, vector<1x1x16xf32>,
        %get3A_550 = arith.constant 4 : i32
        %get3A_551 = arith.index_cast %get3A_550 : i32 to index
        %get3A_552 = arith.index_cast %scan3A_102 : i32 to index
        %get3A_553 = arith.constant 0 : index
        %get3A_554 = tpu.vector_load %arg11[%get3A_551, %get3A_552, %get3A_553] {strides = array<i32>} : memref<5x64x128xf32, #tpu.memory_space<vmem>>, vector<1x1x16xf32>,
        %get3A_555 = vector.shape_cast %get3A_554 : vector<1x1x16xf32> to vector<16xf32>
        %mul3A_556 = arith.mulf %get3A_555, %get3A_94 : vector<16xf32>
        %swap3A_557 = arith.constant 4 : i32
        %swap3A_558 = arith.index_cast %swap3A_557 : i32 to index
        %swap3A_559 = arith.index_cast %scan3A_102 : i32 to index
        %swap3A_560 = arith.constant 0 : index
        %swap3A_561 = tpu.vector_load %arg11[%swap3A_558, %swap3A_559, %swap3A_560] {strides = array<i32>} : memref<5x64x128xf32, #tpu.memory_space<vmem>>, vector<1x1x16xf32>,
        %swap3A_562 = vector.shape_cast %swap3A_561 : vector<1x1x16xf32> to vector<16xf32>
        %swap3A_563 = vector.shape_cast %mul3A_556 : vector<16xf32> to vector<1x1x16xf32>
        tpu.vector_store %arg11[%swap3A_558, %swap3A_559, %swap3A_560], %swap3A_563 {strides = array<i32>} : memref<5x64x128xf32, #tpu.memory_space<vmem>>, vector<1x1x16xf32>,
        %get3A_564 = arith.constant 4 : i32
        %get3A_565 = arith.index_cast %get3A_564 : i32 to index
        %get3A_566 = arith.index_cast %scan3A_102 : i32 to index
        %get3A_567 = arith.constant 16 : index
        %get3A_568 = tpu.vector_load %arg11[%get3A_565, %get3A_566, %get3A_567] {strides = array<i32>} : memref<5x64x128xf32, #tpu.memory_space<vmem>>, vector<1x1x16xf32>,
        %get3A_569 = vector.shape_cast %get3A_568 : vector<1x1x16xf32> to vector<16xf32>
        %mul3A_570 = arith.mulf %get3A_569, %get3A_94 : vector<16xf32>
        %swap3A_571 = arith.constant 4 : i32
        %swap3A_572 = arith.index_cast %swap3A_571 : i32 to index
        %swap3A_573 = arith.index_cast %scan3A_102 : i32 to index
        %swap3A_574 = arith.constant 16 : index
        %swap3A_575 = tpu.vector_load %arg11[%swap3A_572, %swap3A_573, %swap3A_574] {strides = array<i32>} : memref<5x64x128xf32, #tpu.memory_space<vmem>>, vector<1x1x16xf32>,
        %swap3A_576 = vector.shape_cast %swap3A_575 : vector<1x1x16xf32> to vector<16xf32>
        %swap3A_577 = vector.shape_cast %mul3A_570 : vector<16xf32> to vector<1x1x16xf32>
        tpu.vector_store %arg11[%swap3A_572, %swap3A_573, %swap3A_574], %swap3A_577 {strides = array<i32>} : memref<5x64x128xf32, #tpu.memory_space<vmem>>, vector<1x1x16xf32>,
        %get3A_578 = arith.constant 4 : i32
        %get3A_579 = arith.index_cast %get3A_578 : i32 to index
        %get3A_580 = arith.index_cast %scan3A_102 : i32 to index
        %get3A_581 = arith.constant 32 : index
        %get3A_582 = tpu.vector_load %arg11[%get3A_579, %get3A_580, %get3A_581] {strides = array<i32>} : memref<5x64x128xf32, #tpu.memory_space<vmem>>, vector<1x1x16xf32>,
        %get3A_583 = vector.shape_cast %get3A_582 : vector<1x1x16xf32> to vector<16xf32>
        %mul3A_584 = arith.mulf %get3A_583, %get3A_94 : vector<16xf32>
        %swap3A_585 = arith.constant 4 : i32
        %swap3A_586 = arith.index_cast %swap3A_585 : i32 to index
        %swap3A_587 = arith.index_cast %scan3A_102 : i32 to index
        %swap3A_588 = arith.constant 32 : index
        %swap3A_589 = tpu.vector_load %arg11[%swap3A_586, %swap3A_587, %swap3A_588] {strides = array<i32>} : memref<5x64x128xf32, #tpu.memory_space<vmem>>, vector<1x1x16xf32>,
        %swap3A_590 = vector.shape_cast %swap3A_589 : vector<1x1x16xf32> to vector<16xf32>
        %swap3A_591 = vector.shape_cast %mul3A_584 : vector<16xf32> to vector<1x1x16xf32>
        tpu.vector_store %arg11[%swap3A_586, %swap3A_587, %swap3A_588], %swap3A_591 {strides = array<i32>} : memref<5x64x128xf32, #tpu.memory_space<vmem>>, vector<1x1x16xf32>,
        %get3A_592 = arith.constant 4 : i32
        %get3A_593 = arith.index_cast %get3A_592 : i32 to index
        %get3A_594 = arith.index_cast %scan3A_102 : i32 to index
        %get3A_595 = arith.constant 48 : index
        %get3A_596 = tpu.vector_load %arg11[%get3A_593, %get3A_594, %get3A_595] {strides = array<i32>} : memref<5x64x128xf32, #tpu.memory_space<vmem>>, vector<1x1x16xf32>,
        %get3A_597 = vector.shape_cast %get3A_596 : vector<1x1x16xf32> to vector<16xf32>
        %mul3A_598 = arith.mulf %get3A_597, %get3A_94 : vector<16xf32>
        %swap3A_599 = arith.constant 4 : i32
        %swap3A_600 = arith.index_cast %swap3A_599 : i32 to index
        %swap3A_601 = arith.index_cast %scan3A_102 : i32 to index
        %swap3A_602 = arith.constant 48 : index
        %swap3A_603 = tpu.vector_load %arg11[%swap3A_600, %swap3A_601, %swap3A_602] {strides = array<i32>} : memref<5x64x128xf32, #tpu.memory_space<vmem>>, vector<1x1x16xf32>,
        %swap3A_604 = vector.shape_cast %swap3A_603 : vector<1x1x16xf32> to vector<16xf32>
        %swap3A_605 = vector.shape_cast %mul3A_598 : vector<16xf32> to vector<1x1x16xf32>
        tpu.vector_store %arg11[%swap3A_600, %swap3A_601, %swap3A_602], %swap3A_605 {strides = array<i32>} : memref<5x64x128xf32, #tpu.memory_space<vmem>>, vector<1x1x16xf32>,
        %get3A_606 = arith.constant 4 : i32
        %get3A_607 = arith.index_cast %get3A_606 : i32 to index
        %get3A_608 = arith.index_cast %scan3A_102 : i32 to index
        %get3A_609 = arith.constant 64 : index
        %get3A_610 = tpu.vector_load %arg11[%get3A_607, %get3A_608, %get3A_609] {strides = array<i32>} : memref<5x64x128xf32, #tpu.memory_space<vmem>>, vector<1x1x16xf32>,
        %get3A_611 = vector.shape_cast %get3A_610 : vector<1x1x16xf32> to vector<16xf32>
        %mul3A_612 = arith.mulf %get3A_611, %get3A_94 : vector<16xf32>
        %swap3A_613 = arith.constant 4 : i32
        %swap3A_614 = arith.index_cast %swap3A_613 : i32 to index
        %swap3A_615 = arith.index_cast %scan3A_102 : i32 to index
        %swap3A_616 = arith.constant 64 : index
        %swap3A_617 = tpu.vector_load %arg11[%swap3A_614, %swap3A_615, %swap3A_616] {strides = array<i32>} : memref<5x64x128xf32, #tpu.memory_space<vmem>>, vector<1x1x16xf32>,
        %swap3A_618 = vector.shape_cast %swap3A_617 : vector<1x1x16xf32> to vector<16xf32>
        %swap3A_619 = vector.shape_cast %mul3A_612 : vector<16xf32> to vector<1x1x16xf32>
        tpu.vector_store %arg11[%swap3A_614, %swap3A_615, %swap3A_616], %swap3A_619 {strides = array<i32>} : memref<5x64x128xf32, #tpu.memory_space<vmem>>, vector<1x1x16xf32>,
        %get3A_620 = arith.constant 4 : i32
        %get3A_621 = arith.index_cast %get3A_620 : i32 to index
        %get3A_622 = arith.index_cast %scan3A_102 : i32 to index
        %get3A_623 = arith.constant 80 : index
        %get3A_624 = tpu.vector_load %arg11[%get3A_621, %get3A_622, %get3A_623] {strides = array<i32>} : memref<5x64x128xf32, #tpu.memory_space<vmem>>, vector<1x1x16xf32>,
        %get3A_625 = vector.shape_cast %get3A_624 : vector<1x1x16xf32> to vector<16xf32>
        %mul3A_626 = arith.mulf %get3A_625, %get3A_94 : vector<16xf32>
        %swap3A_627 = arith.constant 4 : i32
        %swap3A_628 = arith.index_cast %swap3A_627 : i32 to index
        %swap3A_629 = arith.index_cast %scan3A_102 : i32 to index
        %swap3A_630 = arith.constant 80 : index
        %swap3A_631 = tpu.vector_load %arg11[%swap3A_628, %swap3A_629, %swap3A_630] {strides = array<i32>} : memref<5x64x128xf32, #tpu.memory_space<vmem>>, vector<1x1x16xf32>,
        %swap3A_632 = vector.shape_cast %swap3A_631 : vector<1x1x16xf32> to vector<16xf32>
        %swap3A_633 = vector.shape_cast %mul3A_626 : vector<16xf32> to vector<1x1x16xf32>
        tpu.vector_store %arg11[%swap3A_628, %swap3A_629, %swap3A_630], %swap3A_633 {strides = array<i32>} : memref<5x64x128xf32, #tpu.memory_space<vmem>>, vector<1x1x16xf32>,
        %get3A_634 = arith.constant 4 : i32
        %get3A_635 = arith.index_cast %get3A_634 : i32 to index
        %get3A_636 = arith.index_cast %scan3A_102 : i32 to index
        %get3A_637 = arith.constant 96 : index
        %get3A_638 = tpu.vector_load %arg11[%get3A_635, %get3A_636, %get3A_637] {strides = array<i32>} : memref<5x64x128xf32, #tpu.memory_space<vmem>>, vector<1x1x16xf32>,
        %get3A_639 = vector.shape_cast %get3A_638 : vector<1x1x16xf32> to vector<16xf32>
        %mul3A_640 = arith.mulf %get3A_639, %get3A_94 : vector<16xf32>
        %swap3A_641 = arith.constant 4 : i32
        %swap3A_642 = arith.index_cast %swap3A_641 : i32 to index
        %swap3A_643 = arith.index_cast %scan3A_102 : i32 to index
        %swap3A_644 = arith.constant 96 : index
        %swap3A_645 = tpu.vector_load %arg11[%swap3A_642, %swap3A_643, %swap3A_644] {strides = array<i32>} : memref<5x64x128xf32, #tpu.memory_space<vmem>>, vector<1x1x16xf32>,
        %swap3A_646 = vector.shape_cast %swap3A_645 : vector<1x1x16xf32> to vector<16xf32>
        %swap3A_647 = vector.shape_cast %mul3A_640 : vector<16xf32> to vector<1x1x16xf32>
        tpu.vector_store %arg11[%swap3A_642, %swap3A_643, %swap3A_644], %swap3A_647 {strides = array<i32>} : memref<5x64x128xf32, #tpu.memory_space<vmem>>, vector<1x1x16xf32>,
        %get3A_648 = arith.constant 4 : i32
        %get3A_649 = arith.index_cast %get3A_648 : i32 to index
        %get3A_650 = arith.index_cast %scan3A_102 : i32 to index
        %get3A_651 = arith.constant 112 : index
        %get3A_652 = tpu.vector_load %arg11[%get3A_649, %get3A_650, %get3A_651] {strides = array<i32>} : memref<5x64x128xf32, #tpu.memory_space<vmem>>, vector<1x1x16xf32>,
        %get3A_653 = vector.shape_cast %get3A_652 : vector<1x1x16xf32> to vector<16xf32>
        %mul3A_654 = arith.mulf %get3A_653, %get3A_94 : vector<16xf32>
        %swap3A_655 = arith.constant 4 : i32
        %swap3A_656 = arith.index_cast %swap3A_655 : i32 to index
        %swap3A_657 = arith.index_cast %scan3A_102 : i32 to index
        %swap3A_658 = arith.constant 112 : index
        %swap3A_659 = tpu.vector_load %arg11[%swap3A_656, %swap3A_657, %swap3A_658] {strides = array<i32>} : memref<5x64x128xf32, #tpu.memory_space<vmem>>, vector<1x1x16xf32>,
        %swap3A_660 = vector.shape_cast %swap3A_659 : vector<1x1x16xf32> to vector<16xf32>
        %swap3A_661 = vector.shape_cast %mul3A_654 : vector<16xf32> to vector<1x1x16xf32>
        tpu.vector_store %arg11[%swap3A_656, %swap3A_657, %swap3A_658], %swap3A_661 {strides = array<i32>} : memref<5x64x128xf32, #tpu.memory_space<vmem>>, vector<1x1x16xf32>,
      }
      %scan3A_99 = arith.constant 64 : i32
      %mul3A_100 = arith.constant 5 : i32
      %mul3A_101 = arith.muli %add3A_27, %mul3A_100 : i32
      "tpu.region"() ({
        %run_scoped3A = tpu.sem_alloc : memref<!tpu.dma_semaphore, #tpu.memory_space<semaphore_mem>>
        %dma_start3A = arith.constant 0 : i32
        %dma_start3A_102 = arith.constant 0 : i32
        %dma_start3A_103 = tpu.memref_slice %arg5[%mul3A_101, %dma_start3A, %dma_start3A_102] : memref<800x64x128xf32, #tpu.memory_space<hbm>> -> memref<5x64x128xf32, #tpu.memory_space<hbm>>
        %dma_start3A_104 = arith.constant 0 : i32
        %dma_start3A_105 = arith.constant 0 : i32
        %dma_start3A_106 = tpu.memref_slice %arg5[%mul3A_101, %dma_start3A_104, %dma_start3A_105] : memref<800x64x128xf32, #tpu.memory_space<hbm>> -> memref<5x64x128xf32, #tpu.memory_space<hbm>>
        tpu.enqueue_dma source(%arg11 : memref<5x64x128xf32, #tpu.memory_space<vmem>>) target(%dma_start3A_106 : memref<5x64x128xf32, #tpu.memory_space<hbm>>) target_semaphore(%run_scoped3A : memref<!tpu.dma_semaphore, #tpu.memory_space<semaphore_mem>>)
        %dma_wait3A_107 = arith.constant 0 : i32
        %dma_wait3A_108 = arith.constant 0 : i32
        %dma_wait3A_109 = tpu.memref_slice %arg5[%mul3A_101, %dma_wait3A_107, %dma_wait3A_108] : memref<800x64x128xf32, #tpu.memory_space<hbm>> -> memref<5x64x128xf32, #tpu.memory_space<hbm>>
        %dma_wait3A_110 = arith.constant 0 : i32
        %dma_wait3A_111 = arith.constant 0 : i32
        %dma_wait3A_112 = tpu.memref_slice %arg5[%mul3A_101, %dma_wait3A_110, %dma_wait3A_111] : memref<800x64x128xf32, #tpu.memory_space<hbm>> -> memref<5x64x128xf32, #tpu.memory_space<hbm>>
        tpu.wait_dma2 semaphore(%run_scoped3A : memref<!tpu.dma_semaphore, #tpu.memory_space<semaphore_mem>>) src(%arg11 : memref<5x64x128xf32, #tpu.memory_space<vmem>>) dst(%dma_wait3A_112 : memref<5x64x128xf32, #tpu.memory_space<hbm>>)
        tpu.yield
      }) : () -> ()
    } else {
    }
    %add3A_33 = arith.constant 96 : i32
    %add3A_34 = arith.addi %add3A, %add3A_33 : i32
    %lt3A_35 = arith.constant 160 : i32
    %lt3A_36 = arith.cmpi slt, %add3A_34, %lt3A_35 : i32
    %convert_element_type3A_37 = arith.extui %lt3A_36 : i1 to i32
    %cond3A_38 = arith.constant 0 : i32
    %cond3A_39 = arith.cmpi ne, %convert_element_type3A_37, %cond3A_38 : i32
    scf.if %cond3A_39 {
      "tpu.region"() ({
        %run_scoped3A = tpu.sem_alloc : memref<!tpu.dma_semaphore, #tpu.memory_space<semaphore_mem>>
        %dma_start3A_71 = arith.constant 0 : i32
        %dma_start3A_72 = tpu.memref_slice %arg2[%add3A_34, %dma_start3A_71] : memref<160x5xi32, #tpu.memory_space<hbm>> -> memref<1x5xi32, #tpu.memory_space<hbm>>
        %dma_start3A_73 = tpu.memref_squeeze %dma_start3A_72 : memref<1x5xi32, #tpu.memory_space<hbm>> -> memref<5xi32, #tpu.memory_space<hbm>>
        %dma_start3A_74 = arith.constant 0 : i32
        %dma_start3A_75 = tpu.memref_slice %arg2[%add3A_34, %dma_start3A_74] : memref<160x5xi32, #tpu.memory_space<hbm>> -> memref<1x5xi32, #tpu.memory_space<hbm>>
        %dma_start3A_76 = tpu.memref_squeeze %dma_start3A_75 : memref<1x5xi32, #tpu.memory_space<hbm>> -> memref<5xi32, #tpu.memory_space<hbm>>
        tpu.enqueue_dma source(%dma_start3A_76 : memref<5xi32, #tpu.memory_space<hbm>>) target(%arg7 : memref<5xi32, #tpu.memory_space<vmem>>) target_semaphore(%run_scoped3A : memref<!tpu.dma_semaphore, #tpu.memory_space<semaphore_mem>>)
        %dma_wait3A = arith.constant 0 : i32
        %dma_wait3A_77 = tpu.memref_slice %arg2[%add3A_34, %dma_wait3A] : memref<160x5xi32, #tpu.memory_space<hbm>> -> memref<1x5xi32, #tpu.memory_space<hbm>>
        %dma_wait3A_78 = tpu.memref_squeeze %dma_wait3A_77 : memref<1x5xi32, #tpu.memory_space<hbm>> -> memref<5xi32, #tpu.memory_space<hbm>>
        %dma_wait3A_79 = arith.constant 0 : i32
        %dma_wait3A_80 = tpu.memref_slice %arg2[%add3A_34, %dma_wait3A_79] : memref<160x5xi32, #tpu.memory_space<hbm>> -> memref<1x5xi32, #tpu.memory_space<hbm>>
        %dma_wait3A_81 = tpu.memref_squeeze %dma_wait3A_80 : memref<1x5xi32, #tpu.memory_space<hbm>> -> memref<5xi32, #tpu.memory_space<hbm>>
        tpu.wait_dma2 semaphore(%run_scoped3A : memref<!tpu.dma_semaphore, #tpu.memory_space<semaphore_mem>>) src(%dma_wait3A_81 : memref<5xi32, #tpu.memory_space<hbm>>) dst(%arg7 : memref<5xi32, #tpu.memory_space<vmem>>)
        tpu.yield
      }) : () -> ()
      "tpu.region"() ({
        %run_scoped3A = tpu.sem_alloc : memref<!tpu.dma_semaphore, #tpu.memory_space<semaphore_mem>>
        %dma_start3A_71 = arith.constant 0 : i32
        %dma_start3A_72 = arith.constant 0 : i32
        %dma_start3A_73 = tpu.memref_slice %arg3[%add3A_34, %dma_start3A_71, %dma_start3A_72] : memref<160x5x16xf32, #tpu.memory_space<hbm>> -> memref<1x5x16xf32, #tpu.memory_space<hbm>>
        %dma_start3A_74 = tpu.memref_squeeze %dma_start3A_73 : memref<1x5x16xf32, #tpu.memory_space<hbm>> -> memref<5x16xf32, #tpu.memory_space<hbm>>
        %dma_start3A_75 = arith.constant 0 : i32
        %dma_start3A_76 = arith.constant 0 : i32
        %dma_start3A_77 = tpu.memref_slice %arg3[%add3A_34, %dma_start3A_75, %dma_start3A_76] : memref<160x5x16xf32, #tpu.memory_space<hbm>> -> memref<1x5x16xf32, #tpu.memory_space<hbm>>
        %dma_start3A_78 = tpu.memref_squeeze %dma_start3A_77 : memref<1x5x16xf32, #tpu.memory_space<hbm>> -> memref<5x16xf32, #tpu.memory_space<hbm>>
        tpu.enqueue_dma source(%dma_start3A_78 : memref<5x16xf32, #tpu.memory_space<hbm>>) target(%arg9 : memref<5x16xf32, #tpu.memory_space<vmem>>) target_semaphore(%run_scoped3A : memref<!tpu.dma_semaphore, #tpu.memory_space<semaphore_mem>>)
        %dma_wait3A = arith.constant 0 : i32
        %dma_wait3A_79 = arith.constant 0 : i32
        %dma_wait3A_80 = tpu.memref_slice %arg3[%add3A_34, %dma_wait3A, %dma_wait3A_79] : memref<160x5x16xf32, #tpu.memory_space<hbm>> -> memref<1x5x16xf32, #tpu.memory_space<hbm>>
        %dma_wait3A_81 = tpu.memref_squeeze %dma_wait3A_80 : memref<1x5x16xf32, #tpu.memory_space<hbm>> -> memref<5x16xf32, #tpu.memory_space<hbm>>
        %dma_wait3A_82 = arith.constant 0 : i32
        %dma_wait3A_83 = arith.constant 0 : i32
        %dma_wait3A_84 = tpu.memref_slice %arg3[%add3A_34, %dma_wait3A_82, %dma_wait3A_83] : memref<160x5x16xf32, #tpu.memory_space<hbm>> -> memref<1x5x16xf32, #tpu.memory_space<hbm>>
        %dma_wait3A_85 = tpu.memref_squeeze %dma_wait3A_84 : memref<1x5x16xf32, #tpu.memory_space<hbm>> -> memref<5x16xf32, #tpu.memory_space<hbm>>
        tpu.wait_dma2 semaphore(%run_scoped3A : memref<!tpu.dma_semaphore, #tpu.memory_space<semaphore_mem>>) src(%dma_wait3A_85 : memref<5x16xf32, #tpu.memory_space<hbm>>) dst(%arg9 : memref<5x16xf32, #tpu.memory_space<vmem>>)
        tpu.yield
      }) : () -> ()
      %dma_start3A = arith.constant 0 : i32
      %dma_start3A_68 = arith.constant 0 : i32
      %dma_start3A_69 = arith.constant 0 : i32
      %dma_start3A_70 = tpu.memref_slice %arg4[%dma_start3A, %dma_start3A_68, %dma_start3A_69] : memref<1600x64x128xf32, #tpu.memory_space<hbm>> -> memref<1600x64x128xf32, #tpu.memory_space<hbm>>
      tpu.enqueue_indirect_dma source(%dma_start3A_70 : memref<1600x64x128xf32, #tpu.memory_space<hbm>>) target(%arg11 : memref<5x64x128xf32, #tpu.memory_space<vmem>>) offsets(%arg7 : memref<5xi32, #tpu.memory_space<vmem>>) semaphore(%arg13 : memref<!tpu.dma_semaphore, #tpu.memory_space<semaphore_mem>>)
    } else {
    }
    %add3A_40 = arith.constant 64 : i32
    %add3A_41 = arith.addi %add3A, %add3A_40 : i32
    %lt3A_42 = arith.constant 160 : i32
    %lt3A_43 = arith.cmpi slt, %add3A_41, %lt3A_42 : i32
    %convert_element_type3A_44 = arith.extui %lt3A_43 : i1 to i32
    %cond3A_45 = arith.constant 0 : i32
    %cond3A_46 = arith.cmpi ne, %convert_element_type3A_44, %cond3A_45 : i32
    scf.if %cond3A_46 {
      %dma_wait3A = arith.constant 0 : i32
      %dma_wait3A_68 = arith.constant 0 : i32
      %dma_wait3A_69 = arith.constant 0 : i32
      %dma_wait3A_70 = tpu.memref_slice %arg4[%dma_wait3A, %dma_wait3A_68, %dma_wait3A_69] : memref<1600x64x128xf32, #tpu.memory_space<hbm>> -> memref<1600x64x128xf32, #tpu.memory_space<hbm>>
      tpu.wait_indirect_dma semaphore(%arg12 : memref<!tpu.dma_semaphore, #tpu.memory_space<semaphore_mem>>) src(%dma_wait3A_70 : memref<1600x64x128xf32, #tpu.memory_space<hbm>>) dst(%arg10 : memref<5x64x128xf32, #tpu.memory_space<vmem>>)
      %get3A = arith.constant 0 : i32
      %get3A_71 = arith.index_cast %get3A : i32 to index
      %get3A_72 = arith.constant 0 : index
      %get3A_73 = tpu.vector_load %arg8[%get3A_71, %get3A_72] {strides = array<i32>} : memref<5x16xf32, #tpu.memory_space<vmem>>, vector<1x16xf32>,
      %get3A_74 = vector.shape_cast %get3A_73 : vector<1x16xf32> to vector<16xf32>
      %get3A_75 = arith.constant 1 : i32
      %get3A_76 = arith.index_cast %get3A_75 : i32 to index
      %get3A_77 = arith.constant 0 : index
      %get3A_78 = tpu.vector_load %arg8[%get3A_76, %get3A_77] {strides = array<i32>} : memref<5x16xf32, #tpu.memory_space<vmem>>, vector<1x16xf32>,
      %get3A_79 = vector.shape_cast %get3A_78 : vector<1x16xf32> to vector<16xf32>
      %get3A_80 = arith.constant 2 : i32
      %get3A_81 = arith.index_cast %get3A_80 : i32 to index
      %get3A_82 = arith.constant 0 : index
      %get3A_83 = tpu.vector_load %arg8[%get3A_81, %get3A_82] {strides = array<i32>} : memref<5x16xf32, #tpu.memory_space<vmem>>, vector<1x16xf32>,
      %get3A_84 = vector.shape_cast %get3A_83 : vector<1x16xf32> to vector<16xf32>
      %get3A_85 = arith.constant 3 : i32
      %get3A_86 = arith.index_cast %get3A_85 : i32 to index
      %get3A_87 = arith.constant 0 : index
      %get3A_88 = tpu.vector_load %arg8[%get3A_86, %get3A_87] {strides = array<i32>} : memref<5x16xf32, #tpu.memory_space<vmem>>, vector<1x16xf32>,
      %get3A_89 = vector.shape_cast %get3A_88 : vector<1x16xf32> to vector<16xf32>
      %get3A_90 = arith.constant 4 : i32
      %get3A_91 = arith.index_cast %get3A_90 : i32 to index
      %get3A_92 = arith.constant 0 : index
      %get3A_93 = tpu.vector_load %arg8[%get3A_91, %get3A_92] {strides = array<i32>} : memref<5x16xf32, #tpu.memory_space<vmem>>, vector<1x16xf32>,
      %get3A_94 = vector.shape_cast %get3A_93 : vector<1x16xf32> to vector<16xf32>
      %scan3A = arith.constant 0 : i32
      %scan3A_95 = arith.constant 0 : i32
      %scan3A_96 = arith.constant 64 : i32
      %scan3A_97 = arith.addi %scan3A_95, %scan3A_96 : i32
      %scan3A_98 = arith.constant 1 : i32
      scf.for %scan3A_102 = %scan3A_95 to %scan3A_97 step %scan3A_98  : i32 {
        %get3A_103 = arith.constant 0 : i32
        %get3A_104 = arith.index_cast %get3A_103 : i32 to index
        %get3A_105 = arith.index_cast %scan3A_102 : i32 to index
        %get3A_106 = arith.constant 0 : index
        %get3A_107 = tpu.vector_load %arg10[%get3A_104, %get3A_105, %get3A_106] {strides = array<i32>} : memref<5x64x128xf32, #tpu.memory_space<vmem>>, vector<1x1x16xf32>,
        %get3A_108 = vector.shape_cast %get3A_107 : vector<1x1x16xf32> to vector<16xf32>
        %mul3A_109 = arith.mulf %get3A_108, %get3A_74 : vector<16xf32>
        %swap3A = arith.constant 0 : i32
        %swap3A_110 = arith.index_cast %swap3A : i32 to index
        %swap3A_111 = arith.index_cast %scan3A_102 : i32 to index
        %swap3A_112 = arith.constant 0 : index
        %swap3A_113 = tpu.vector_load %arg10[%swap3A_110, %swap3A_111, %swap3A_112] {strides = array<i32>} : memref<5x64x128xf32, #tpu.memory_space<vmem>>, vector<1x1x16xf32>,
        %swap3A_114 = vector.shape_cast %swap3A_113 : vector<1x1x16xf32> to vector<16xf32>
        %swap3A_115 = vector.shape_cast %mul3A_109 : vector<16xf32> to vector<1x1x16xf32>
        tpu.vector_store %arg10[%swap3A_110, %swap3A_111, %swap3A_112], %swap3A_115 {strides = array<i32>} : memref<5x64x128xf32, #tpu.memory_space<vmem>>, vector<1x1x16xf32>,
        %get3A_116 = arith.constant 0 : i32
        %get3A_117 = arith.index_cast %get3A_116 : i32 to index
        %get3A_118 = arith.index_cast %scan3A_102 : i32 to index
        %get3A_119 = arith.constant 16 : index
        %get3A_120 = tpu.vector_load %arg10[%get3A_117, %get3A_118, %get3A_119] {strides = array<i32>} : memref<5x64x128xf32, #tpu.memory_space<vmem>>, vector<1x1x16xf32>,
        %get3A_121 = vector.shape_cast %get3A_120 : vector<1x1x16xf32> to vector<16xf32>
        %mul3A_122 = arith.mulf %get3A_121, %get3A_74 : vector<16xf32>
        %swap3A_123 = arith.constant 0 : i32
        %swap3A_124 = arith.index_cast %swap3A_123 : i32 to index
        %swap3A_125 = arith.index_cast %scan3A_102 : i32 to index
        %swap3A_126 = arith.constant 16 : index
        %swap3A_127 = tpu.vector_load %arg10[%swap3A_124, %swap3A_125, %swap3A_126] {strides = array<i32>} : memref<5x64x128xf32, #tpu.memory_space<vmem>>, vector<1x1x16xf32>,
        %swap3A_128 = vector.shape_cast %swap3A_127 : vector<1x1x16xf32> to vector<16xf32>
        %swap3A_129 = vector.shape_cast %mul3A_122 : vector<16xf32> to vector<1x1x16xf32>
        tpu.vector_store %arg10[%swap3A_124, %swap3A_125, %swap3A_126], %swap3A_129 {strides = array<i32>} : memref<5x64x128xf32, #tpu.memory_space<vmem>>, vector<1x1x16xf32>,
        %get3A_130 = arith.constant 0 : i32
        %get3A_131 = arith.index_cast %get3A_130 : i32 to index
        %get3A_132 = arith.index_cast %scan3A_102 : i32 to index
        %get3A_133 = arith.constant 32 : index
        %get3A_134 = tpu.vector_load %arg10[%get3A_131, %get3A_132, %get3A_133] {strides = array<i32>} : memref<5x64x128xf32, #tpu.memory_space<vmem>>, vector<1x1x16xf32>,
        %get3A_135 = vector.shape_cast %get3A_134 : vector<1x1x16xf32> to vector<16xf32>
        %mul3A_136 = arith.mulf %get3A_135, %get3A_74 : vector<16xf32>
        %swap3A_137 = arith.constant 0 : i32
        %swap3A_138 = arith.index_cast %swap3A_137 : i32 to index
        %swap3A_139 = arith.index_cast %scan3A_102 : i32 to index
        %swap3A_140 = arith.constant 32 : index
        %swap3A_141 = tpu.vector_load %arg10[%swap3A_138, %swap3A_139, %swap3A_140] {strides = array<i32>} : memref<5x64x128xf32, #tpu.memory_space<vmem>>, vector<1x1x16xf32>,
        %swap3A_142 = vector.shape_cast %swap3A_141 : vector<1x1x16xf32> to vector<16xf32>
        %swap3A_143 = vector.shape_cast %mul3A_136 : vector<16xf32> to vector<1x1x16xf32>
        tpu.vector_store %arg10[%swap3A_138, %swap3A_139, %swap3A_140], %swap3A_143 {strides = array<i32>} : memref<5x64x128xf32, #tpu.memory_space<vmem>>, vector<1x1x16xf32>,
        %get3A_144 = arith.constant 0 : i32
        %get3A_145 = arith.index_cast %get3A_144 : i32 to index
        %get3A_146 = arith.index_cast %scan3A_102 : i32 to index
        %get3A_147 = arith.constant 48 : index
        %get3A_148 = tpu.vector_load %arg10[%get3A_145, %get3A_146, %get3A_147] {strides = array<i32>} : memref<5x64x128xf32, #tpu.memory_space<vmem>>, vector<1x1x16xf32>,
        %get3A_149 = vector.shape_cast %get3A_148 : vector<1x1x16xf32> to vector<16xf32>
        %mul3A_150 = arith.mulf %get3A_149, %get3A_74 : vector<16xf32>
        %swap3A_151 = arith.constant 0 : i32
        %swap3A_152 = arith.index_cast %swap3A_151 : i32 to index
        %swap3A_153 = arith.index_cast %scan3A_102 : i32 to index
        %swap3A_154 = arith.constant 48 : index
        %swap3A_155 = tpu.vector_load %arg10[%swap3A_152, %swap3A_153, %swap3A_154] {strides = array<i32>} : memref<5x64x128xf32, #tpu.memory_space<vmem>>, vector<1x1x16xf32>,
        %swap3A_156 = vector.shape_cast %swap3A_155 : vector<1x1x16xf32> to vector<16xf32>
        %swap3A_157 = vector.shape_cast %mul3A_150 : vector<16xf32> to vector<1x1x16xf32>
        tpu.vector_store %arg10[%swap3A_152, %swap3A_153, %swap3A_154], %swap3A_157 {strides = array<i32>} : memref<5x64x128xf32, #tpu.memory_space<vmem>>, vector<1x1x16xf32>,
        %get3A_158 = arith.constant 0 : i32
        %get3A_159 = arith.index_cast %get3A_158 : i32 to index
        %get3A_160 = arith.index_cast %scan3A_102 : i32 to index
        %get3A_161 = arith.constant 64 : index
        %get3A_162 = tpu.vector_load %arg10[%get3A_159, %get3A_160, %get3A_161] {strides = array<i32>} : memref<5x64x128xf32, #tpu.memory_space<vmem>>, vector<1x1x16xf32>,
        %get3A_163 = vector.shape_cast %get3A_162 : vector<1x1x16xf32> to vector<16xf32>
        %mul3A_164 = arith.mulf %get3A_163, %get3A_74 : vector<16xf32>
        %swap3A_165 = arith.constant 0 : i32
        %swap3A_166 = arith.index_cast %swap3A_165 : i32 to index
        %swap3A_167 = arith.index_cast %scan3A_102 : i32 to index
        %swap3A_168 = arith.constant 64 : index
        %swap3A_169 = tpu.vector_load %arg10[%swap3A_166, %swap3A_167, %swap3A_168] {strides = array<i32>} : memref<5x64x128xf32, #tpu.memory_space<vmem>>, vector<1x1x16xf32>,
        %swap3A_170 = vector.shape_cast %swap3A_169 : vector<1x1x16xf32> to vector<16xf32>
        %swap3A_171 = vector.shape_cast %mul3A_164 : vector<16xf32> to vector<1x1x16xf32>
        tpu.vector_store %arg10[%swap3A_166, %swap3A_167, %swap3A_168], %swap3A_171 {strides = array<i32>} : memref<5x64x128xf32, #tpu.memory_space<vmem>>, vector<1x1x16xf32>,
        %get3A_172 = arith.constant 0 : i32
        %get3A_173 = arith.index_cast %get3A_172 : i32 to index
        %get3A_174 = arith.index_cast %scan3A_102 : i32 to index
        %get3A_175 = arith.constant 80 : index
        %get3A_176 = tpu.vector_load %arg10[%get3A_173, %get3A_174, %get3A_175] {strides = array<i32>} : memref<5x64x128xf32, #tpu.memory_space<vmem>>, vector<1x1x16xf32>,
        %get3A_177 = vector.shape_cast %get3A_176 : vector<1x1x16xf32> to vector<16xf32>
        %mul3A_178 = arith.mulf %get3A_177, %get3A_74 : vector<16xf32>
        %swap3A_179 = arith.constant 0 : i32
        %swap3A_180 = arith.index_cast %swap3A_179 : i32 to index
        %swap3A_181 = arith.index_cast %scan3A_102 : i32 to index
        %swap3A_182 = arith.constant 80 : index
        %swap3A_183 = tpu.vector_load %arg10[%swap3A_180, %swap3A_181, %swap3A_182] {strides = array<i32>} : memref<5x64x128xf32, #tpu.memory_space<vmem>>, vector<1x1x16xf32>,
        %swap3A_184 = vector.shape_cast %swap3A_183 : vector<1x1x16xf32> to vector<16xf32>
        %swap3A_185 = vector.shape_cast %mul3A_178 : vector<16xf32> to vector<1x1x16xf32>
        tpu.vector_store %arg10[%swap3A_180, %swap3A_181, %swap3A_182], %swap3A_185 {strides = array<i32>} : memref<5x64x128xf32, #tpu.memory_space<vmem>>, vector<1x1x16xf32>,
        %get3A_186 = arith.constant 0 : i32
        %get3A_187 = arith.index_cast %get3A_186 : i32 to index
        %get3A_188 = arith.index_cast %scan3A_102 : i32 to index
        %get3A_189 = arith.constant 96 : index
        %get3A_190 = tpu.vector_load %arg10[%get3A_187, %get3A_188, %get3A_189] {strides = array<i32>} : memref<5x64x128xf32, #tpu.memory_space<vmem>>, vector<1x1x16xf32>,
        %get3A_191 = vector.shape_cast %get3A_190 : vector<1x1x16xf32> to vector<16xf32>
        %mul3A_192 = arith.mulf %get3A_191, %get3A_74 : vector<16xf32>
        %swap3A_193 = arith.constant 0 : i32
        %swap3A_194 = arith.index_cast %swap3A_193 : i32 to index
        %swap3A_195 = arith.index_cast %scan3A_102 : i32 to index
        %swap3A_196 = arith.constant 96 : index
        %swap3A_197 = tpu.vector_load %arg10[%swap3A_194, %swap3A_195, %swap3A_196] {strides = array<i32>} : memref<5x64x128xf32, #tpu.memory_space<vmem>>, vector<1x1x16xf32>,
        %swap3A_198 = vector.shape_cast %swap3A_197 : vector<1x1x16xf32> to vector<16xf32>
        %swap3A_199 = vector.shape_cast %mul3A_192 : vector<16xf32> to vector<1x1x16xf32>
        tpu.vector_store %arg10[%swap3A_194, %swap3A_195, %swap3A_196], %swap3A_199 {strides = array<i32>} : memref<5x64x128xf32, #tpu.memory_space<vmem>>, vector<1x1x16xf32>,
        %get3A_200 = arith.constant 0 : i32
        %get3A_201 = arith.index_cast %get3A_200 : i32 to index
        %get3A_202 = arith.index_cast %scan3A_102 : i32 to index
        %get3A_203 = arith.constant 112 : index
        %get3A_204 = tpu.vector_load %arg10[%get3A_201, %get3A_202, %get3A_203] {strides = array<i32>} : memref<5x64x128xf32, #tpu.memory_space<vmem>>, vector<1x1x16xf32>,
        %get3A_205 = vector.shape_cast %get3A_204 : vector<1x1x16xf32> to vector<16xf32>
        %mul3A_206 = arith.mulf %get3A_205, %get3A_74 : vector<16xf32>
        %swap3A_207 = arith.constant 0 : i32
        %swap3A_208 = arith.index_cast %swap3A_207 : i32 to index
        %swap3A_209 = arith.index_cast %scan3A_102 : i32 to index
        %swap3A_210 = arith.constant 112 : index
        %swap3A_211 = tpu.vector_load %arg10[%swap3A_208, %swap3A_209, %swap3A_210] {strides = array<i32>} : memref<5x64x128xf32, #tpu.memory_space<vmem>>, vector<1x1x16xf32>,
        %swap3A_212 = vector.shape_cast %swap3A_211 : vector<1x1x16xf32> to vector<16xf32>
        %swap3A_213 = vector.shape_cast %mul3A_206 : vector<16xf32> to vector<1x1x16xf32>
        tpu.vector_store %arg10[%swap3A_208, %swap3A_209, %swap3A_210], %swap3A_213 {strides = array<i32>} : memref<5x64x128xf32, #tpu.memory_space<vmem>>, vector<1x1x16xf32>,
        %get3A_214 = arith.constant 1 : i32
        %get3A_215 = arith.index_cast %get3A_214 : i32 to index
        %get3A_216 = arith.index_cast %scan3A_102 : i32 to index
        %get3A_217 = arith.constant 0 : index
        %get3A_218 = tpu.vector_load %arg10[%get3A_215, %get3A_216, %get3A_217] {strides = array<i32>} : memref<5x64x128xf32, #tpu.memory_space<vmem>>, vector<1x1x16xf32>,
        %get3A_219 = vector.shape_cast %get3A_218 : vector<1x1x16xf32> to vector<16xf32>
        %mul3A_220 = arith.mulf %get3A_219, %get3A_79 : vector<16xf32>
        %swap3A_221 = arith.constant 1 : i32
        %swap3A_222 = arith.index_cast %swap3A_221 : i32 to index
        %swap3A_223 = arith.index_cast %scan3A_102 : i32 to index
        %swap3A_224 = arith.constant 0 : index
        %swap3A_225 = tpu.vector_load %arg10[%swap3A_222, %swap3A_223, %swap3A_224] {strides = array<i32>} : memref<5x64x128xf32, #tpu.memory_space<vmem>>, vector<1x1x16xf32>,
        %swap3A_226 = vector.shape_cast %swap3A_225 : vector<1x1x16xf32> to vector<16xf32>
        %swap3A_227 = vector.shape_cast %mul3A_220 : vector<16xf32> to vector<1x1x16xf32>
        tpu.vector_store %arg10[%swap3A_222, %swap3A_223, %swap3A_224], %swap3A_227 {strides = array<i32>} : memref<5x64x128xf32, #tpu.memory_space<vmem>>, vector<1x1x16xf32>,
        %get3A_228 = arith.constant 1 : i32
        %get3A_229 = arith.index_cast %get3A_228 : i32 to index
        %get3A_230 = arith.index_cast %scan3A_102 : i32 to index
        %get3A_231 = arith.constant 16 : index
        %get3A_232 = tpu.vector_load %arg10[%get3A_229, %get3A_230, %get3A_231] {strides = array<i32>} : memref<5x64x128xf32, #tpu.memory_space<vmem>>, vector<1x1x16xf32>,
        %get3A_233 = vector.shape_cast %get3A_232 : vector<1x1x16xf32> to vector<16xf32>
        %mul3A_234 = arith.mulf %get3A_233, %get3A_79 : vector<16xf32>
        %swap3A_235 = arith.constant 1 : i32
        %swap3A_236 = arith.index_cast %swap3A_235 : i32 to index
        %swap3A_237 = arith.index_cast %scan3A_102 : i32 to index
        %swap3A_238 = arith.constant 16 : index
        %swap3A_239 = tpu.vector_load %arg10[%swap3A_236, %swap3A_237, %swap3A_238] {strides = array<i32>} : memref<5x64x128xf32, #tpu.memory_space<vmem>>, vector<1x1x16xf32>,
        %swap3A_240 = vector.shape_cast %swap3A_239 : vector<1x1x16xf32> to vector<16xf32>
        %swap3A_241 = vector.shape_cast %mul3A_234 : vector<16xf32> to vector<1x1x16xf32>
        tpu.vector_store %arg10[%swap3A_236, %swap3A_237, %swap3A_238], %swap3A_241 {strides = array<i32>} : memref<5x64x128xf32, #tpu.memory_space<vmem>>, vector<1x1x16xf32>,
        %get3A_242 = arith.constant 1 : i32
        %get3A_243 = arith.index_cast %get3A_242 : i32 to index
        %get3A_244 = arith.index_cast %scan3A_102 : i32 to index
        %get3A_245 = arith.constant 32 : index
        %get3A_246 = tpu.vector_load %arg10[%get3A_243, %get3A_244, %get3A_245] {strides = array<i32>} : memref<5x64x128xf32, #tpu.memory_space<vmem>>, vector<1x1x16xf32>,
        %get3A_247 = vector.shape_cast %get3A_246 : vector<1x1x16xf32> to vector<16xf32>
        %mul3A_248 = arith.mulf %get3A_247, %get3A_79 : vector<16xf32>
        %swap3A_249 = arith.constant 1 : i32
        %swap3A_250 = arith.index_cast %swap3A_249 : i32 to index
        %swap3A_251 = arith.index_cast %scan3A_102 : i32 to index
        %swap3A_252 = arith.constant 32 : index
        %swap3A_253 = tpu.vector_load %arg10[%swap3A_250, %swap3A_251, %swap3A_252] {strides = array<i32>} : memref<5x64x128xf32, #tpu.memory_space<vmem>>, vector<1x1x16xf32>,
        %swap3A_254 = vector.shape_cast %swap3A_253 : vector<1x1x16xf32> to vector<16xf32>
        %swap3A_255 = vector.shape_cast %mul3A_248 : vector<16xf32> to vector<1x1x16xf32>
        tpu.vector_store %arg10[%swap3A_250, %swap3A_251, %swap3A_252], %swap3A_255 {strides = array<i32>} : memref<5x64x128xf32, #tpu.memory_space<vmem>>, vector<1x1x16xf32>,
        %get3A_256 = arith.constant 1 : i32
        %get3A_257 = arith.index_cast %get3A_256 : i32 to index
        %get3A_258 = arith.index_cast %scan3A_102 : i32 to index
        %get3A_259 = arith.constant 48 : index
        %get3A_260 = tpu.vector_load %arg10[%get3A_257, %get3A_258, %get3A_259] {strides = array<i32>} : memref<5x64x128xf32, #tpu.memory_space<vmem>>, vector<1x1x16xf32>,
        %get3A_261 = vector.shape_cast %get3A_260 : vector<1x1x16xf32> to vector<16xf32>
        %mul3A_262 = arith.mulf %get3A_261, %get3A_79 : vector<16xf32>
        %swap3A_263 = arith.constant 1 : i32
        %swap3A_264 = arith.index_cast %swap3A_263 : i32 to index
        %swap3A_265 = arith.index_cast %scan3A_102 : i32 to index
        %swap3A_266 = arith.constant 48 : index
        %swap3A_267 = tpu.vector_load %arg10[%swap3A_264, %swap3A_265, %swap3A_266] {strides = array<i32>} : memref<5x64x128xf32, #tpu.memory_space<vmem>>, vector<1x1x16xf32>,
        %swap3A_268 = vector.shape_cast %swap3A_267 : vector<1x1x16xf32> to vector<16xf32>
        %swap3A_269 = vector.shape_cast %mul3A_262 : vector<16xf32> to vector<1x1x16xf32>
        tpu.vector_store %arg10[%swap3A_264, %swap3A_265, %swap3A_266], %swap3A_269 {strides = array<i32>} : memref<5x64x128xf32, #tpu.memory_space<vmem>>, vector<1x1x16xf32>,
        %get3A_270 = arith.constant 1 : i32
        %get3A_271 = arith.index_cast %get3A_270 : i32 to index
        %get3A_272 = arith.index_cast %scan3A_102 : i32 to index
        %get3A_273 = arith.constant 64 : index
        %get3A_274 = tpu.vector_load %arg10[%get3A_271, %get3A_272, %get3A_273] {strides = array<i32>} : memref<5x64x128xf32, #tpu.memory_space<vmem>>, vector<1x1x16xf32>,
        %get3A_275 = vector.shape_cast %get3A_274 : vector<1x1x16xf32> to vector<16xf32>
        %mul3A_276 = arith.mulf %get3A_275, %get3A_79 : vector<16xf32>
        %swap3A_277 = arith.constant 1 : i32
        %swap3A_278 = arith.index_cast %swap3A_277 : i32 to index
        %swap3A_279 = arith.index_cast %scan3A_102 : i32 to index
        %swap3A_280 = arith.constant 64 : index
        %swap3A_281 = tpu.vector_load %arg10[%swap3A_278, %swap3A_279, %swap3A_280] {strides = array<i32>} : memref<5x64x128xf32, #tpu.memory_space<vmem>>, vector<1x1x16xf32>,
        %swap3A_282 = vector.shape_cast %swap3A_281 : vector<1x1x16xf32> to vector<16xf32>
        %swap3A_283 = vector.shape_cast %mul3A_276 : vector<16xf32> to vector<1x1x16xf32>
        tpu.vector_store %arg10[%swap3A_278, %swap3A_279, %swap3A_280], %swap3A_283 {strides = array<i32>} : memref<5x64x128xf32, #tpu.memory_space<vmem>>, vector<1x1x16xf32>,
        %get3A_284 = arith.constant 1 : i32
        %get3A_285 = arith.index_cast %get3A_284 : i32 to index
        %get3A_286 = arith.index_cast %scan3A_102 : i32 to index
        %get3A_287 = arith.constant 80 : index
        %get3A_288 = tpu.vector_load %arg10[%get3A_285, %get3A_286, %get3A_287] {strides = array<i32>} : memref<5x64x128xf32, #tpu.memory_space<vmem>>, vector<1x1x16xf32>,
        %get3A_289 = vector.shape_cast %get3A_288 : vector<1x1x16xf32> to vector<16xf32>
        %mul3A_290 = arith.mulf %get3A_289, %get3A_79 : vector<16xf32>
        %swap3A_291 = arith.constant 1 : i32
        %swap3A_292 = arith.index_cast %swap3A_291 : i32 to index
        %swap3A_293 = arith.index_cast %scan3A_102 : i32 to index
        %swap3A_294 = arith.constant 80 : index
        %swap3A_295 = tpu.vector_load %arg10[%swap3A_292, %swap3A_293, %swap3A_294] {strides = array<i32>} : memref<5x64x128xf32, #tpu.memory_space<vmem>>, vector<1x1x16xf32>,
        %swap3A_296 = vector.shape_cast %swap3A_295 : vector<1x1x16xf32> to vector<16xf32>
        %swap3A_297 = vector.shape_cast %mul3A_290 : vector<16xf32> to vector<1x1x16xf32>
        tpu.vector_store %arg10[%swap3A_292, %swap3A_293, %swap3A_294], %swap3A_297 {strides = array<i32>} : memref<5x64x128xf32, #tpu.memory_space<vmem>>, vector<1x1x16xf32>,
        %get3A_298 = arith.constant 1 : i32
        %get3A_299 = arith.index_cast %get3A_298 : i32 to index
        %get3A_300 = arith.index_cast %scan3A_102 : i32 to index
        %get3A_301 = arith.constant 96 : index
        %get3A_302 = tpu.vector_load %arg10[%get3A_299, %get3A_300, %get3A_301] {strides = array<i32>} : memref<5x64x128xf32, #tpu.memory_space<vmem>>, vector<1x1x16xf32>,
        %get3A_303 = vector.shape_cast %get3A_302 : vector<1x1x16xf32> to vector<16xf32>
        %mul3A_304 = arith.mulf %get3A_303, %get3A_79 : vector<16xf32>
        %swap3A_305 = arith.constant 1 : i32
        %swap3A_306 = arith.index_cast %swap3A_305 : i32 to index
        %swap3A_307 = arith.index_cast %scan3A_102 : i32 to index
        %swap3A_308 = arith.constant 96 : index
        %swap3A_309 = tpu.vector_load %arg10[%swap3A_306, %swap3A_307, %swap3A_308] {strides = array<i32>} : memref<5x64x128xf32, #tpu.memory_space<vmem>>, vector<1x1x16xf32>,
        %swap3A_310 = vector.shape_cast %swap3A_309 : vector<1x1x16xf32> to vector<16xf32>
        %swap3A_311 = vector.shape_cast %mul3A_304 : vector<16xf32> to vector<1x1x16xf32>
        tpu.vector_store %arg10[%swap3A_306, %swap3A_307, %swap3A_308], %swap3A_311 {strides = array<i32>} : memref<5x64x128xf32, #tpu.memory_space<vmem>>, vector<1x1x16xf32>,
        %get3A_312 = arith.constant 1 : i32
        %get3A_313 = arith.index_cast %get3A_312 : i32 to index
        %get3A_314 = arith.index_cast %scan3A_102 : i32 to index
        %get3A_315 = arith.constant 112 : index
        %get3A_316 = tpu.vector_load %arg10[%get3A_313, %get3A_314, %get3A_315] {strides = array<i32>} : memref<5x64x128xf32, #tpu.memory_space<vmem>>, vector<1x1x16xf32>,
        %get3A_317 = vector.shape_cast %get3A_316 : vector<1x1x16xf32> to vector<16xf32>
        %mul3A_318 = arith.mulf %get3A_317, %get3A_79 : vector<16xf32>
        %swap3A_319 = arith.constant 1 : i32
        %swap3A_320 = arith.index_cast %swap3A_319 : i32 to index
        %swap3A_321 = arith.index_cast %scan3A_102 : i32 to index
        %swap3A_322 = arith.constant 112 : index
        %swap3A_323 = tpu.vector_load %arg10[%swap3A_320, %swap3A_321, %swap3A_322] {strides = array<i32>} : memref<5x64x128xf32, #tpu.memory_space<vmem>>, vector<1x1x16xf32>,
        %swap3A_324 = vector.shape_cast %swap3A_323 : vector<1x1x16xf32> to vector<16xf32>
        %swap3A_325 = vector.shape_cast %mul3A_318 : vector<16xf32> to vector<1x1x16xf32>
        tpu.vector_store %arg10[%swap3A_320, %swap3A_321, %swap3A_322], %swap3A_325 {strides = array<i32>} : memref<5x64x128xf32, #tpu.memory_space<vmem>>, vector<1x1x16xf32>,
        %get3A_326 = arith.constant 2 : i32
        %get3A_327 = arith.index_cast %get3A_326 : i32 to index
        %get3A_328 = arith.index_cast %scan3A_102 : i32 to index
        %get3A_329 = arith.constant 0 : index
        %get3A_330 = tpu.vector_load %arg10[%get3A_327, %get3A_328, %get3A_329] {strides = array<i32>} : memref<5x64x128xf32, #tpu.memory_space<vmem>>, vector<1x1x16xf32>,
        %get3A_331 = vector.shape_cast %get3A_330 : vector<1x1x16xf32> to vector<16xf32>
        %mul3A_332 = arith.mulf %get3A_331, %get3A_84 : vector<16xf32>
        %swap3A_333 = arith.constant 2 : i32
        %swap3A_334 = arith.index_cast %swap3A_333 : i32 to index
        %swap3A_335 = arith.index_cast %scan3A_102 : i32 to index
        %swap3A_336 = arith.constant 0 : index
        %swap3A_337 = tpu.vector_load %arg10[%swap3A_334, %swap3A_335, %swap3A_336] {strides = array<i32>} : memref<5x64x128xf32, #tpu.memory_space<vmem>>, vector<1x1x16xf32>,
        %swap3A_338 = vector.shape_cast %swap3A_337 : vector<1x1x16xf32> to vector<16xf32>
        %swap3A_339 = vector.shape_cast %mul3A_332 : vector<16xf32> to vector<1x1x16xf32>
        tpu.vector_store %arg10[%swap3A_334, %swap3A_335, %swap3A_336], %swap3A_339 {strides = array<i32>} : memref<5x64x128xf32, #tpu.memory_space<vmem>>, vector<1x1x16xf32>,
        %get3A_340 = arith.constant 2 : i32
        %get3A_341 = arith.index_cast %get3A_340 : i32 to index
        %get3A_342 = arith.index_cast %scan3A_102 : i32 to index
        %get3A_343 = arith.constant 16 : index
        %get3A_344 = tpu.vector_load %arg10[%get3A_341, %get3A_342, %get3A_343] {strides = array<i32>} : memref<5x64x128xf32, #tpu.memory_space<vmem>>, vector<1x1x16xf32>,
        %get3A_345 = vector.shape_cast %get3A_344 : vector<1x1x16xf32> to vector<16xf32>
        %mul3A_346 = arith.mulf %get3A_345, %get3A_84 : vector<16xf32>
        %swap3A_347 = arith.constant 2 : i32
        %swap3A_348 = arith.index_cast %swap3A_347 : i32 to index
        %swap3A_349 = arith.index_cast %scan3A_102 : i32 to index
        %swap3A_350 = arith.constant 16 : index
        %swap3A_351 = tpu.vector_load %arg10[%swap3A_348, %swap3A_349, %swap3A_350] {strides = array<i32>} : memref<5x64x128xf32, #tpu.memory_space<vmem>>, vector<1x1x16xf32>,
        %swap3A_352 = vector.shape_cast %swap3A_351 : vector<1x1x16xf32> to vector<16xf32>
        %swap3A_353 = vector.shape_cast %mul3A_346 : vector<16xf32> to vector<1x1x16xf32>
        tpu.vector_store %arg10[%swap3A_348, %swap3A_349, %swap3A_350], %swap3A_353 {strides = array<i32>} : memref<5x64x128xf32, #tpu.memory_space<vmem>>, vector<1x1x16xf32>,
        %get3A_354 = arith.constant 2 : i32
        %get3A_355 = arith.index_cast %get3A_354 : i32 to index
        %get3A_356 = arith.index_cast %scan3A_102 : i32 to index
        %get3A_357 = arith.constant 32 : index
        %get3A_358 = tpu.vector_load %arg10[%get3A_355, %get3A_356, %get3A_357] {strides = array<i32>} : memref<5x64x128xf32, #tpu.memory_space<vmem>>, vector<1x1x16xf32>,
        %get3A_359 = vector.shape_cast %get3A_358 : vector<1x1x16xf32> to vector<16xf32>
        %mul3A_360 = arith.mulf %get3A_359, %get3A_84 : vector<16xf32>
        %swap3A_361 = arith.constant 2 : i32
        %swap3A_362 = arith.index_cast %swap3A_361 : i32 to index
        %swap3A_363 = arith.index_cast %scan3A_102 : i32 to index
        %swap3A_364 = arith.constant 32 : index
        %swap3A_365 = tpu.vector_load %arg10[%swap3A_362, %swap3A_363, %swap3A_364] {strides = array<i32>} : memref<5x64x128xf32, #tpu.memory_space<vmem>>, vector<1x1x16xf32>,
        %swap3A_366 = vector.shape_cast %swap3A_365 : vector<1x1x16xf32> to vector<16xf32>
        %swap3A_367 = vector.shape_cast %mul3A_360 : vector<16xf32> to vector<1x1x16xf32>
        tpu.vector_store %arg10[%swap3A_362, %swap3A_363, %swap3A_364], %swap3A_367 {strides = array<i32>} : memref<5x64x128xf32, #tpu.memory_space<vmem>>, vector<1x1x16xf32>,
        %get3A_368 = arith.constant 2 : i32
        %get3A_369 = arith.index_cast %get3A_368 : i32 to index
        %get3A_370 = arith.index_cast %scan3A_102 : i32 to index
        %get3A_371 = arith.constant 48 : index
        %get3A_372 = tpu.vector_load %arg10[%get3A_369, %get3A_370, %get3A_371] {strides = array<i32>} : memref<5x64x128xf32, #tpu.memory_space<vmem>>, vector<1x1x16xf32>,
        %get3A_373 = vector.shape_cast %get3A_372 : vector<1x1x16xf32> to vector<16xf32>
        %mul3A_374 = arith.mulf %get3A_373, %get3A_84 : vector<16xf32>
        %swap3A_375 = arith.constant 2 : i32
        %swap3A_376 = arith.index_cast %swap3A_375 : i32 to index
        %swap3A_377 = arith.index_cast %scan3A_102 : i32 to index
        %swap3A_378 = arith.constant 48 : index
        %swap3A_379 = tpu.vector_load %arg10[%swap3A_376, %swap3A_377, %swap3A_378] {strides = array<i32>} : memref<5x64x128xf32, #tpu.memory_space<vmem>>, vector<1x1x16xf32>,
        %swap3A_380 = vector.shape_cast %swap3A_379 : vector<1x1x16xf32> to vector<16xf32>
        %swap3A_381 = vector.shape_cast %mul3A_374 : vector<16xf32> to vector<1x1x16xf32>
        tpu.vector_store %arg10[%swap3A_376, %swap3A_377, %swap3A_378], %swap3A_381 {strides = array<i32>} : memref<5x64x128xf32, #tpu.memory_space<vmem>>, vector<1x1x16xf32>,
        %get3A_382 = arith.constant 2 : i32
        %get3A_383 = arith.index_cast %get3A_382 : i32 to index
        %get3A_384 = arith.index_cast %scan3A_102 : i32 to index
        %get3A_385 = arith.constant 64 : index
        %get3A_386 = tpu.vector_load %arg10[%get3A_383, %get3A_384, %get3A_385] {strides = array<i32>} : memref<5x64x128xf32, #tpu.memory_space<vmem>>, vector<1x1x16xf32>,
        %get3A_387 = vector.shape_cast %get3A_386 : vector<1x1x16xf32> to vector<16xf32>
        %mul3A_388 = arith.mulf %get3A_387, %get3A_84 : vector<16xf32>
        %swap3A_389 = arith.constant 2 : i32
        %swap3A_390 = arith.index_cast %swap3A_389 : i32 to index
        %swap3A_391 = arith.index_cast %scan3A_102 : i32 to index
        %swap3A_392 = arith.constant 64 : index
        %swap3A_393 = tpu.vector_load %arg10[%swap3A_390, %swap3A_391, %swap3A_392] {strides = array<i32>} : memref<5x64x128xf32, #tpu.memory_space<vmem>>, vector<1x1x16xf32>,
        %swap3A_394 = vector.shape_cast %swap3A_393 : vector<1x1x16xf32> to vector<16xf32>
        %swap3A_395 = vector.shape_cast %mul3A_388 : vector<16xf32> to vector<1x1x16xf32>
        tpu.vector_store %arg10[%swap3A_390, %swap3A_391, %swap3A_392], %swap3A_395 {strides = array<i32>} : memref<5x64x128xf32, #tpu.memory_space<vmem>>, vector<1x1x16xf32>,
        %get3A_396 = arith.constant 2 : i32
        %get3A_397 = arith.index_cast %get3A_396 : i32 to index
        %get3A_398 = arith.index_cast %scan3A_102 : i32 to index
        %get3A_399 = arith.constant 80 : index
        %get3A_400 = tpu.vector_load %arg10[%get3A_397, %get3A_398, %get3A_399] {strides = array<i32>} : memref<5x64x128xf32, #tpu.memory_space<vmem>>, vector<1x1x16xf32>,
        %get3A_401 = vector.shape_cast %get3A_400 : vector<1x1x16xf32> to vector<16xf32>
        %mul3A_402 = arith.mulf %get3A_401, %get3A_84 : vector<16xf32>
        %swap3A_403 = arith.constant 2 : i32
        %swap3A_404 = arith.index_cast %swap3A_403 : i32 to index
        %swap3A_405 = arith.index_cast %scan3A_102 : i32 to index
        %swap3A_406 = arith.constant 80 : index
        %swap3A_407 = tpu.vector_load %arg10[%swap3A_404, %swap3A_405, %swap3A_406] {strides = array<i32>} : memref<5x64x128xf32, #tpu.memory_space<vmem>>, vector<1x1x16xf32>,
        %swap3A_408 = vector.shape_cast %swap3A_407 : vector<1x1x16xf32> to vector<16xf32>
        %swap3A_409 = vector.shape_cast %mul3A_402 : vector<16xf32> to vector<1x1x16xf32>
        tpu.vector_store %arg10[%swap3A_404, %swap3A_405, %swap3A_406], %swap3A_409 {strides = array<i32>} : memref<5x64x128xf32, #tpu.memory_space<vmem>>, vector<1x1x16xf32>,
        %get3A_410 = arith.constant 2 : i32
        %get3A_411 = arith.index_cast %get3A_410 : i32 to index
        %get3A_412 = arith.index_cast %scan3A_102 : i32 to index
        %get3A_413 = arith.constant 96 : index
        %get3A_414 = tpu.vector_load %arg10[%get3A_411, %get3A_412, %get3A_413] {strides = array<i32>} : memref<5x64x128xf32, #tpu.memory_space<vmem>>, vector<1x1x16xf32>,
        %get3A_415 = vector.shape_cast %get3A_414 : vector<1x1x16xf32> to vector<16xf32>
        %mul3A_416 = arith.mulf %get3A_415, %get3A_84 : vector<16xf32>
        %swap3A_417 = arith.constant 2 : i32
        %swap3A_418 = arith.index_cast %swap3A_417 : i32 to index
        %swap3A_419 = arith.index_cast %scan3A_102 : i32 to index
        %swap3A_420 = arith.constant 96 : index
        %swap3A_421 = tpu.vector_load %arg10[%swap3A_418, %swap3A_419, %swap3A_420] {strides = array<i32>} : memref<5x64x128xf32, #tpu.memory_space<vmem>>, vector<1x1x16xf32>,
        %swap3A_422 = vector.shape_cast %swap3A_421 : vector<1x1x16xf32> to vector<16xf32>
        %swap3A_423 = vector.shape_cast %mul3A_416 : vector<16xf32> to vector<1x1x16xf32>
        tpu.vector_store %arg10[%swap3A_418, %swap3A_419, %swap3A_420], %swap3A_423 {strides = array<i32>} : memref<5x64x128xf32, #tpu.memory_space<vmem>>, vector<1x1x16xf32>,
        %get3A_424 = arith.constant 2 : i32
        %get3A_425 = arith.index_cast %get3A_424 : i32 to index
        %get3A_426 = arith.index_cast %scan3A_102 : i32 to index
        %get3A_427 = arith.constant 112 : index
        %get3A_428 = tpu.vector_load %arg10[%get3A_425, %get3A_426, %get3A_427] {strides = array<i32>} : memref<5x64x128xf32, #tpu.memory_space<vmem>>, vector<1x1x16xf32>,
        %get3A_429 = vector.shape_cast %get3A_428 : vector<1x1x16xf32> to vector<16xf32>
        %mul3A_430 = arith.mulf %get3A_429, %get3A_84 : vector<16xf32>
        %swap3A_431 = arith.constant 2 : i32
        %swap3A_432 = arith.index_cast %swap3A_431 : i32 to index
        %swap3A_433 = arith.index_cast %scan3A_102 : i32 to index
        %swap3A_434 = arith.constant 112 : index
        %swap3A_435 = tpu.vector_load %arg10[%swap3A_432, %swap3A_433, %swap3A_434] {strides = array<i32>} : memref<5x64x128xf32, #tpu.memory_space<vmem>>, vector<1x1x16xf32>,
        %swap3A_436 = vector.shape_cast %swap3A_435 : vector<1x1x16xf32> to vector<16xf32>
        %swap3A_437 = vector.shape_cast %mul3A_430 : vector<16xf32> to vector<1x1x16xf32>
        tpu.vector_store %arg10[%swap3A_432, %swap3A_433, %swap3A_434], %swap3A_437 {strides = array<i32>} : memref<5x64x128xf32, #tpu.memory_space<vmem>>, vector<1x1x16xf32>,
        %get3A_438 = arith.constant 3 : i32
        %get3A_439 = arith.index_cast %get3A_438 : i32 to index
        %get3A_440 = arith.index_cast %scan3A_102 : i32 to index
        %get3A_441 = arith.constant 0 : index
        %get3A_442 = tpu.vector_load %arg10[%get3A_439, %get3A_440, %get3A_441] {strides = array<i32>} : memref<5x64x128xf32, #tpu.memory_space<vmem>>, vector<1x1x16xf32>,
        %get3A_443 = vector.shape_cast %get3A_442 : vector<1x1x16xf32> to vector<16xf32>
        %mul3A_444 = arith.mulf %get3A_443, %get3A_89 : vector<16xf32>
        %swap3A_445 = arith.constant 3 : i32
        %swap3A_446 = arith.index_cast %swap3A_445 : i32 to index
        %swap3A_447 = arith.index_cast %scan3A_102 : i32 to index
        %swap3A_448 = arith.constant 0 : index
        %swap3A_449 = tpu.vector_load %arg10[%swap3A_446, %swap3A_447, %swap3A_448] {strides = array<i32>} : memref<5x64x128xf32, #tpu.memory_space<vmem>>, vector<1x1x16xf32>,
        %swap3A_450 = vector.shape_cast %swap3A_449 : vector<1x1x16xf32> to vector<16xf32>
        %swap3A_451 = vector.shape_cast %mul3A_444 : vector<16xf32> to vector<1x1x16xf32>
        tpu.vector_store %arg10[%swap3A_446, %swap3A_447, %swap3A_448], %swap3A_451 {strides = array<i32>} : memref<5x64x128xf32, #tpu.memory_space<vmem>>, vector<1x1x16xf32>,
        %get3A_452 = arith.constant 3 : i32
        %get3A_453 = arith.index_cast %get3A_452 : i32 to index
        %get3A_454 = arith.index_cast %scan3A_102 : i32 to index
        %get3A_455 = arith.constant 16 : index
        %get3A_456 = tpu.vector_load %arg10[%get3A_453, %get3A_454, %get3A_455] {strides = array<i32>} : memref<5x64x128xf32, #tpu.memory_space<vmem>>, vector<1x1x16xf32>,
        %get3A_457 = vector.shape_cast %get3A_456 : vector<1x1x16xf32> to vector<16xf32>
        %mul3A_458 = arith.mulf %get3A_457, %get3A_89 : vector<16xf32>
        %swap3A_459 = arith.constant 3 : i32
        %swap3A_460 = arith.index_cast %swap3A_459 : i32 to index
        %swap3A_461 = arith.index_cast %scan3A_102 : i32 to index
        %swap3A_462 = arith.constant 16 : index
        %swap3A_463 = tpu.vector_load %arg10[%swap3A_460, %swap3A_461, %swap3A_462] {strides = array<i32>} : memref<5x64x128xf32, #tpu.memory_space<vmem>>, vector<1x1x16xf32>,
        %swap3A_464 = vector.shape_cast %swap3A_463 : vector<1x1x16xf32> to vector<16xf32>
        %swap3A_465 = vector.shape_cast %mul3A_458 : vector<16xf32> to vector<1x1x16xf32>
        tpu.vector_store %arg10[%swap3A_460, %swap3A_461, %swap3A_462], %swap3A_465 {strides = array<i32>} : memref<5x64x128xf32, #tpu.memory_space<vmem>>, vector<1x1x16xf32>,
        %get3A_466 = arith.constant 3 : i32
        %get3A_467 = arith.index_cast %get3A_466 : i32 to index
        %get3A_468 = arith.index_cast %scan3A_102 : i32 to index
        %get3A_469 = arith.constant 32 : index
        %get3A_470 = tpu.vector_load %arg10[%get3A_467, %get3A_468, %get3A_469] {strides = array<i32>} : memref<5x64x128xf32, #tpu.memory_space<vmem>>, vector<1x1x16xf32>,
        %get3A_471 = vector.shape_cast %get3A_470 : vector<1x1x16xf32> to vector<16xf32>
        %mul3A_472 = arith.mulf %get3A_471, %get3A_89 : vector<16xf32>
        %swap3A_473 = arith.constant 3 : i32
        %swap3A_474 = arith.index_cast %swap3A_473 : i32 to index
        %swap3A_475 = arith.index_cast %scan3A_102 : i32 to index
        %swap3A_476 = arith.constant 32 : index
        %swap3A_477 = tpu.vector_load %arg10[%swap3A_474, %swap3A_475, %swap3A_476] {strides = array<i32>} : memref<5x64x128xf32, #tpu.memory_space<vmem>>, vector<1x1x16xf32>,
        %swap3A_478 = vector.shape_cast %swap3A_477 : vector<1x1x16xf32> to vector<16xf32>
        %swap3A_479 = vector.shape_cast %mul3A_472 : vector<16xf32> to vector<1x1x16xf32>
        tpu.vector_store %arg10[%swap3A_474, %swap3A_475, %swap3A_476], %swap3A_479 {strides = array<i32>} : memref<5x64x128xf32, #tpu.memory_space<vmem>>, vector<1x1x16xf32>,
        %get3A_480 = arith.constant 3 : i32
        %get3A_481 = arith.index_cast %get3A_480 : i32 to index
        %get3A_482 = arith.index_cast %scan3A_102 : i32 to index
        %get3A_483 = arith.constant 48 : index
        %get3A_484 = tpu.vector_load %arg10[%get3A_481, %get3A_482, %get3A_483] {strides = array<i32>} : memref<5x64x128xf32, #tpu.memory_space<vmem>>, vector<1x1x16xf32>,
        %get3A_485 = vector.shape_cast %get3A_484 : vector<1x1x16xf32> to vector<16xf32>
        %mul3A_486 = arith.mulf %get3A_485, %get3A_89 : vector<16xf32>
        %swap3A_487 = arith.constant 3 : i32
        %swap3A_488 = arith.index_cast %swap3A_487 : i32 to index
        %swap3A_489 = arith.index_cast %scan3A_102 : i32 to index
        %swap3A_490 = arith.constant 48 : index
        %swap3A_491 = tpu.vector_load %arg10[%swap3A_488, %swap3A_489, %swap3A_490] {strides = array<i32>} : memref<5x64x128xf32, #tpu.memory_space<vmem>>, vector<1x1x16xf32>,
        %swap3A_492 = vector.shape_cast %swap3A_491 : vector<1x1x16xf32> to vector<16xf32>
        %swap3A_493 = vector.shape_cast %mul3A_486 : vector<16xf32> to vector<1x1x16xf32>
        tpu.vector_store %arg10[%swap3A_488, %swap3A_489, %swap3A_490], %swap3A_493 {strides = array<i32>} : memref<5x64x128xf32, #tpu.memory_space<vmem>>, vector<1x1x16xf32>,
        %get3A_494 = arith.constant 3 : i32
        %get3A_495 = arith.index_cast %get3A_494 : i32 to index
        %get3A_496 = arith.index_cast %scan3A_102 : i32 to index
        %get3A_497 = arith.constant 64 : index
        %get3A_498 = tpu.vector_load %arg10[%get3A_495, %get3A_496, %get3A_497] {strides = array<i32>} : memref<5x64x128xf32, #tpu.memory_space<vmem>>, vector<1x1x16xf32>,
        %get3A_499 = vector.shape_cast %get3A_498 : vector<1x1x16xf32> to vector<16xf32>
        %mul3A_500 = arith.mulf %get3A_499, %get3A_89 : vector<16xf32>
        %swap3A_501 = arith.constant 3 : i32
        %swap3A_502 = arith.index_cast %swap3A_501 : i32 to index
        %swap3A_503 = arith.index_cast %scan3A_102 : i32 to index
        %swap3A_504 = arith.constant 64 : index
        %swap3A_505 = tpu.vector_load %arg10[%swap3A_502, %swap3A_503, %swap3A_504] {strides = array<i32>} : memref<5x64x128xf32, #tpu.memory_space<vmem>>, vector<1x1x16xf32>,
        %swap3A_506 = vector.shape_cast %swap3A_505 : vector<1x1x16xf32> to vector<16xf32>
        %swap3A_507 = vector.shape_cast %mul3A_500 : vector<16xf32> to vector<1x1x16xf32>
        tpu.vector_store %arg10[%swap3A_502, %swap3A_503, %swap3A_504], %swap3A_507 {strides = array<i32>} : memref<5x64x128xf32, #tpu.memory_space<vmem>>, vector<1x1x16xf32>,
        %get3A_508 = arith.constant 3 : i32
        %get3A_509 = arith.index_cast %get3A_508 : i32 to index
        %get3A_510 = arith.index_cast %scan3A_102 : i32 to index
        %get3A_511 = arith.constant 80 : index
        %get3A_512 = tpu.vector_load %arg10[%get3A_509, %get3A_510, %get3A_511] {strides = array<i32>} : memref<5x64x128xf32, #tpu.memory_space<vmem>>, vector<1x1x16xf32>,
        %get3A_513 = vector.shape_cast %get3A_512 : vector<1x1x16xf32> to vector<16xf32>
        %mul3A_514 = arith.mulf %get3A_513, %get3A_89 : vector<16xf32>
        %swap3A_515 = arith.constant 3 : i32
        %swap3A_516 = arith.index_cast %swap3A_515 : i32 to index
        %swap3A_517 = arith.index_cast %scan3A_102 : i32 to index
        %swap3A_518 = arith.constant 80 : index
        %swap3A_519 = tpu.vector_load %arg10[%swap3A_516, %swap3A_517, %swap3A_518] {strides = array<i32>} : memref<5x64x128xf32, #tpu.memory_space<vmem>>, vector<1x1x16xf32>,
        %swap3A_520 = vector.shape_cast %swap3A_519 : vector<1x1x16xf32> to vector<16xf32>
        %swap3A_521 = vector.shape_cast %mul3A_514 : vector<16xf32> to vector<1x1x16xf32>
        tpu.vector_store %arg10[%swap3A_516, %swap3A_517, %swap3A_518], %swap3A_521 {strides = array<i32>} : memref<5x64x128xf32, #tpu.memory_space<vmem>>, vector<1x1x16xf32>,
        %get3A_522 = arith.constant 3 : i32
        %get3A_523 = arith.index_cast %get3A_522 : i32 to index
        %get3A_524 = arith.index_cast %scan3A_102 : i32 to index
        %get3A_525 = arith.constant 96 : index
        %get3A_526 = tpu.vector_load %arg10[%get3A_523, %get3A_524, %get3A_525] {strides = array<i32>} : memref<5x64x128xf32, #tpu.memory_space<vmem>>, vector<1x1x16xf32>,
        %get3A_527 = vector.shape_cast %get3A_526 : vector<1x1x16xf32> to vector<16xf32>
        %mul3A_528 = arith.mulf %get3A_527, %get3A_89 : vector<16xf32>
        %swap3A_529 = arith.constant 3 : i32
        %swap3A_530 = arith.index_cast %swap3A_529 : i32 to index
        %swap3A_531 = arith.index_cast %scan3A_102 : i32 to index
        %swap3A_532 = arith.constant 96 : index
        %swap3A_533 = tpu.vector_load %arg10[%swap3A_530, %swap3A_531, %swap3A_532] {strides = array<i32>} : memref<5x64x128xf32, #tpu.memory_space<vmem>>, vector<1x1x16xf32>,
        %swap3A_534 = vector.shape_cast %swap3A_533 : vector<1x1x16xf32> to vector<16xf32>
        %swap3A_535 = vector.shape_cast %mul3A_528 : vector<16xf32> to vector<1x1x16xf32>
        tpu.vector_store %arg10[%swap3A_530, %swap3A_531, %swap3A_532], %swap3A_535 {strides = array<i32>} : memref<5x64x128xf32, #tpu.memory_space<vmem>>, vector<1x1x16xf32>,
        %get3A_536 = arith.constant 3 : i32
        %get3A_537 = arith.index_cast %get3A_536 : i32 to index
        %get3A_538 = arith.index_cast %scan3A_102 : i32 to index
        %get3A_539 = arith.constant 112 : index
        %get3A_540 = tpu.vector_load %arg10[%get3A_537, %get3A_538, %get3A_539] {strides = array<i32>} : memref<5x64x128xf32, #tpu.memory_space<vmem>>, vector<1x1x16xf32>,
        %get3A_541 = vector.shape_cast %get3A_540 : vector<1x1x16xf32> to vector<16xf32>
        %mul3A_542 = arith.mulf %get3A_541, %get3A_89 : vector<16xf32>
        %swap3A_543 = arith.constant 3 : i32
        %swap3A_544 = arith.index_cast %swap3A_543 : i32 to index
        %swap3A_545 = arith.index_cast %scan3A_102 : i32 to index
        %swap3A_546 = arith.constant 112 : index
        %swap3A_547 = tpu.vector_load %arg10[%swap3A_544, %swap3A_545, %swap3A_546] {strides = array<i32>} : memref<5x64x128xf32, #tpu.memory_space<vmem>>, vector<1x1x16xf32>,
        %swap3A_548 = vector.shape_cast %swap3A_547 : vector<1x1x16xf32> to vector<16xf32>
        %swap3A_549 = vector.shape_cast %mul3A_542 : vector<16xf32> to vector<1x1x16xf32>
        tpu.vector_store %arg10[%swap3A_544, %swap3A_545, %swap3A_546], %swap3A_549 {strides = array<i32>} : memref<5x64x128xf32, #tpu.memory_space<vmem>>, vector<1x1x16xf32>,
        %get3A_550 = arith.constant 4 : i32
        %get3A_551 = arith.index_cast %get3A_550 : i32 to index
        %get3A_552 = arith.index_cast %scan3A_102 : i32 to index
        %get3A_553 = arith.constant 0 : index
        %get3A_554 = tpu.vector_load %arg10[%get3A_551, %get3A_552, %get3A_553] {strides = array<i32>} : memref<5x64x128xf32, #tpu.memory_space<vmem>>, vector<1x1x16xf32>,
        %get3A_555 = vector.shape_cast %get3A_554 : vector<1x1x16xf32> to vector<16xf32>
        %mul3A_556 = arith.mulf %get3A_555, %get3A_94 : vector<16xf32>
        %swap3A_557 = arith.constant 4 : i32
        %swap3A_558 = arith.index_cast %swap3A_557 : i32 to index
        %swap3A_559 = arith.index_cast %scan3A_102 : i32 to index
        %swap3A_560 = arith.constant 0 : index
        %swap3A_561 = tpu.vector_load %arg10[%swap3A_558, %swap3A_559, %swap3A_560] {strides = array<i32>} : memref<5x64x128xf32, #tpu.memory_space<vmem>>, vector<1x1x16xf32>,
        %swap3A_562 = vector.shape_cast %swap3A_561 : vector<1x1x16xf32> to vector<16xf32>
        %swap3A_563 = vector.shape_cast %mul3A_556 : vector<16xf32> to vector<1x1x16xf32>
        tpu.vector_store %arg10[%swap3A_558, %swap3A_559, %swap3A_560], %swap3A_563 {strides = array<i32>} : memref<5x64x128xf32, #tpu.memory_space<vmem>>, vector<1x1x16xf32>,
        %get3A_564 = arith.constant 4 : i32
        %get3A_565 = arith.index_cast %get3A_564 : i32 to index
        %get3A_566 = arith.index_cast %scan3A_102 : i32 to index
        %get3A_567 = arith.constant 16 : index
        %get3A_568 = tpu.vector_load %arg10[%get3A_565, %get3A_566, %get3A_567] {strides = array<i32>} : memref<5x64x128xf32, #tpu.memory_space<vmem>>, vector<1x1x16xf32>,
        %get3A_569 = vector.shape_cast %get3A_568 : vector<1x1x16xf32> to vector<16xf32>
        %mul3A_570 = arith.mulf %get3A_569, %get3A_94 : vector<16xf32>
        %swap3A_571 = arith.constant 4 : i32
        %swap3A_572 = arith.index_cast %swap3A_571 : i32 to index
        %swap3A_573 = arith.index_cast %scan3A_102 : i32 to index
        %swap3A_574 = arith.constant 16 : index
        %swap3A_575 = tpu.vector_load %arg10[%swap3A_572, %swap3A_573, %swap3A_574] {strides = array<i32>} : memref<5x64x128xf32, #tpu.memory_space<vmem>>, vector<1x1x16xf32>,
        %swap3A_576 = vector.shape_cast %swap3A_575 : vector<1x1x16xf32> to vector<16xf32>
        %swap3A_577 = vector.shape_cast %mul3A_570 : vector<16xf32> to vector<1x1x16xf32>
        tpu.vector_store %arg10[%swap3A_572, %swap3A_573, %swap3A_574], %swap3A_577 {strides = array<i32>} : memref<5x64x128xf32, #tpu.memory_space<vmem>>, vector<1x1x16xf32>,
        %get3A_578 = arith.constant 4 : i32
        %get3A_579 = arith.index_cast %get3A_578 : i32 to index
        %get3A_580 = arith.index_cast %scan3A_102 : i32 to index
        %get3A_581 = arith.constant 32 : index
        %get3A_582 = tpu.vector_load %arg10[%get3A_579, %get3A_580, %get3A_581] {strides = array<i32>} : memref<5x64x128xf32, #tpu.memory_space<vmem>>, vector<1x1x16xf32>,
        %get3A_583 = vector.shape_cast %get3A_582 : vector<1x1x16xf32> to vector<16xf32>
        %mul3A_584 = arith.mulf %get3A_583, %get3A_94 : vector<16xf32>
        %swap3A_585 = arith.constant 4 : i32
        %swap3A_586 = arith.index_cast %swap3A_585 : i32 to index
        %swap3A_587 = arith.index_cast %scan3A_102 : i32 to index
        %swap3A_588 = arith.constant 32 : index
        %swap3A_589 = tpu.vector_load %arg10[%swap3A_586, %swap3A_587, %swap3A_588] {strides = array<i32>} : memref<5x64x128xf32, #tpu.memory_space<vmem>>, vector<1x1x16xf32>,
        %swap3A_590 = vector.shape_cast %swap3A_589 : vector<1x1x16xf32> to vector<16xf32>
        %swap3A_591 = vector.shape_cast %mul3A_584 : vector<16xf32> to vector<1x1x16xf32>
        tpu.vector_store %arg10[%swap3A_586, %swap3A_587, %swap3A_588], %swap3A_591 {strides = array<i32>} : memref<5x64x128xf32, #tpu.memory_space<vmem>>, vector<1x1x16xf32>,
        %get3A_592 = arith.constant 4 : i32
        %get3A_593 = arith.index_cast %get3A_592 : i32 to index
        %get3A_594 = arith.index_cast %scan3A_102 : i32 to index
        %get3A_595 = arith.constant 48 : index
        %get3A_596 = tpu.vector_load %arg10[%get3A_593, %get3A_594, %get3A_595] {strides = array<i32>} : memref<5x64x128xf32, #tpu.memory_space<vmem>>, vector<1x1x16xf32>,
        %get3A_597 = vector.shape_cast %get3A_596 : vector<1x1x16xf32> to vector<16xf32>
        %mul3A_598 = arith.mulf %get3A_597, %get3A_94 : vector<16xf32>
        %swap3A_599 = arith.constant 4 : i32
        %swap3A_600 = arith.index_cast %swap3A_599 : i32 to index
        %swap3A_601 = arith.index_cast %scan3A_102 : i32 to index
        %swap3A_602 = arith.constant 48 : index
        %swap3A_603 = tpu.vector_load %arg10[%swap3A_600, %swap3A_601, %swap3A_602] {strides = array<i32>} : memref<5x64x128xf32, #tpu.memory_space<vmem>>, vector<1x1x16xf32>,
        %swap3A_604 = vector.shape_cast %swap3A_603 : vector<1x1x16xf32> to vector<16xf32>
        %swap3A_605 = vector.shape_cast %mul3A_598 : vector<16xf32> to vector<1x1x16xf32>
        tpu.vector_store %arg10[%swap3A_600, %swap3A_601, %swap3A_602], %swap3A_605 {strides = array<i32>} : memref<5x64x128xf32, #tpu.memory_space<vmem>>, vector<1x1x16xf32>,
        %get3A_606 = arith.constant 4 : i32
        %get3A_607 = arith.index_cast %get3A_606 : i32 to index
        %get3A_608 = arith.index_cast %scan3A_102 : i32 to index
        %get3A_609 = arith.constant 64 : index
        %get3A_610 = tpu.vector_load %arg10[%get3A_607, %get3A_608, %get3A_609] {strides = array<i32>} : memref<5x64x128xf32, #tpu.memory_space<vmem>>, vector<1x1x16xf32>,
        %get3A_611 = vector.shape_cast %get3A_610 : vector<1x1x16xf32> to vector<16xf32>
        %mul3A_612 = arith.mulf %get3A_611, %get3A_94 : vector<16xf32>
        %swap3A_613 = arith.constant 4 : i32
        %swap3A_614 = arith.index_cast %swap3A_613 : i32 to index
        %swap3A_615 = arith.index_cast %scan3A_102 : i32 to index
        %swap3A_616 = arith.constant 64 : index
        %swap3A_617 = tpu.vector_load %arg10[%swap3A_614, %swap3A_615, %swap3A_616] {strides = array<i32>} : memref<5x64x128xf32, #tpu.memory_space<vmem>>, vector<1x1x16xf32>,
        %swap3A_618 = vector.shape_cast %swap3A_617 : vector<1x1x16xf32> to vector<16xf32>
        %swap3A_619 = vector.shape_cast %mul3A_612 : vector<16xf32> to vector<1x1x16xf32>
        tpu.vector_store %arg10[%swap3A_614, %swap3A_615, %swap3A_616], %swap3A_619 {strides = array<i32>} : memref<5x64x128xf32, #tpu.memory_space<vmem>>, vector<1x1x16xf32>,
        %get3A_620 = arith.constant 4 : i32
        %get3A_621 = arith.index_cast %get3A_620 : i32 to index
        %get3A_622 = arith.index_cast %scan3A_102 : i32 to index
        %get3A_623 = arith.constant 80 : index
        %get3A_624 = tpu.vector_load %arg10[%get3A_621, %get3A_622, %get3A_623] {strides = array<i32>} : memref<5x64x128xf32, #tpu.memory_space<vmem>>, vector<1x1x16xf32>,
        %get3A_625 = vector.shape_cast %get3A_624 : vector<1x1x16xf32> to vector<16xf32>
        %mul3A_626 = arith.mulf %get3A_625, %get3A_94 : vector<16xf32>
        %swap3A_627 = arith.constant 4 : i32
        %swap3A_628 = arith.index_cast %swap3A_627 : i32 to index
        %swap3A_629 = arith.index_cast %scan3A_102 : i32 to index
        %swap3A_630 = arith.constant 80 : index
        %swap3A_631 = tpu.vector_load %arg10[%swap3A_628, %swap3A_629, %swap3A_630] {strides = array<i32>} : memref<5x64x128xf32, #tpu.memory_space<vmem>>, vector<1x1x16xf32>,
        %swap3A_632 = vector.shape_cast %swap3A_631 : vector<1x1x16xf32> to vector<16xf32>
        %swap3A_633 = vector.shape_cast %mul3A_626 : vector<16xf32> to vector<1x1x16xf32>
        tpu.vector_store %arg10[%swap3A_628, %swap3A_629, %swap3A_630], %swap3A_633 {strides = array<i32>} : memref<5x64x128xf32, #tpu.memory_space<vmem>>, vector<1x1x16xf32>,
        %get3A_634 = arith.constant 4 : i32
        %get3A_635 = arith.index_cast %get3A_634 : i32 to index
        %get3A_636 = arith.index_cast %scan3A_102 : i32 to index
        %get3A_637 = arith.constant 96 : index
        %get3A_638 = tpu.vector_load %arg10[%get3A_635, %get3A_636, %get3A_637] {strides = array<i32>} : memref<5x64x128xf32, #tpu.memory_space<vmem>>, vector<1x1x16xf32>,
        %get3A_639 = vector.shape_cast %get3A_638 : vector<1x1x16xf32> to vector<16xf32>
        %mul3A_640 = arith.mulf %get3A_639, %get3A_94 : vector<16xf32>
        %swap3A_641 = arith.constant 4 : i32
        %swap3A_642 = arith.index_cast %swap3A_641 : i32 to index
        %swap3A_643 = arith.index_cast %scan3A_102 : i32 to index
        %swap3A_644 = arith.constant 96 : index
        %swap3A_645 = tpu.vector_load %arg10[%swap3A_642, %swap3A_643, %swap3A_644] {strides = array<i32>} : memref<5x64x128xf32, #tpu.memory_space<vmem>>, vector<1x1x16xf32>,
        %swap3A_646 = vector.shape_cast %swap3A_645 : vector<1x1x16xf32> to vector<16xf32>
        %swap3A_647 = vector.shape_cast %mul3A_640 : vector<16xf32> to vector<1x1x16xf32>
        tpu.vector_store %arg10[%swap3A_642, %swap3A_643, %swap3A_644], %swap3A_647 {strides = array<i32>} : memref<5x64x128xf32, #tpu.memory_space<vmem>>, vector<1x1x16xf32>,
        %get3A_648 = arith.constant 4 : i32
        %get3A_649 = arith.index_cast %get3A_648 : i32 to index
        %get3A_650 = arith.index_cast %scan3A_102 : i32 to index
        %get3A_651 = arith.constant 112 : index
        %get3A_652 = tpu.vector_load %arg10[%get3A_649, %get3A_650, %get3A_651] {strides = array<i32>} : memref<5x64x128xf32, #tpu.memory_space<vmem>>, vector<1x1x16xf32>,
        %get3A_653 = vector.shape_cast %get3A_652 : vector<1x1x16xf32> to vector<16xf32>
        %mul3A_654 = arith.mulf %get3A_653, %get3A_94 : vector<16xf32>
        %swap3A_655 = arith.constant 4 : i32
        %swap3A_656 = arith.index_cast %swap3A_655 : i32 to index
        %swap3A_657 = arith.index_cast %scan3A_102 : i32 to index
        %swap3A_658 = arith.constant 112 : index
        %swap3A_659 = tpu.vector_load %arg10[%swap3A_656, %swap3A_657, %swap3A_658] {strides = array<i32>} : memref<5x64x128xf32, #tpu.memory_space<vmem>>, vector<1x1x16xf32>,
        %swap3A_660 = vector.shape_cast %swap3A_659 : vector<1x1x16xf32> to vector<16xf32>
        %swap3A_661 = vector.shape_cast %mul3A_654 : vector<16xf32> to vector<1x1x16xf32>
        tpu.vector_store %arg10[%swap3A_656, %swap3A_657, %swap3A_658], %swap3A_661 {strides = array<i32>} : memref<5x64x128xf32, #tpu.memory_space<vmem>>, vector<1x1x16xf32>,
      }
      %scan3A_99 = arith.constant 64 : i32
      %mul3A_100 = arith.constant 5 : i32
      %mul3A_101 = arith.muli %add3A_41, %mul3A_100 : i32
      "tpu.region"() ({
        %run_scoped3A = tpu.sem_alloc : memref<!tpu.dma_semaphore, #tpu.memory_space<semaphore_mem>>
        %dma_start3A = arith.constant 0 : i32
        %dma_start3A_102 = arith.constant 0 : i32
        %dma_start3A_103 = tpu.memref_slice %arg5[%mul3A_101, %dma_start3A, %dma_start3A_102] : memref<800x64x128xf32, #tpu.memory_space<hbm>> -> memref<5x64x128xf32, #tpu.memory_space<hbm>>
        %dma_start3A_104 = arith.constant 0 : i32
        %dma_start3A_105 = arith.constant 0 : i32
        %dma_start3A_106 = tpu.memref_slice %arg5[%mul3A_101, %dma_start3A_104, %dma_start3A_105] : memref<800x64x128xf32, #tpu.memory_space<hbm>> -> memref<5x64x128xf32, #tpu.memory_space<hbm>>
        tpu.enqueue_dma source(%arg10 : memref<5x64x128xf32, #tpu.memory_space<vmem>>) target(%dma_start3A_106 : memref<5x64x128xf32, #tpu.memory_space<hbm>>) target_semaphore(%run_scoped3A : memref<!tpu.dma_semaphore, #tpu.memory_space<semaphore_mem>>)
        %dma_wait3A_107 = arith.constant 0 : i32
        %dma_wait3A_108 = arith.constant 0 : i32
        %dma_wait3A_109 = tpu.memref_slice %arg5[%mul3A_101, %dma_wait3A_107, %dma_wait3A_108] : memref<800x64x128xf32, #tpu.memory_space<hbm>> -> memref<5x64x128xf32, #tpu.memory_space<hbm>>
        %dma_wait3A_110 = arith.constant 0 : i32
        %dma_wait3A_111 = arith.constant 0 : i32
        %dma_wait3A_112 = tpu.memref_slice %arg5[%mul3A_101, %dma_wait3A_110, %dma_wait3A_111] : memref<800x64x128xf32, #tpu.memory_space<hbm>> -> memref<5x64x128xf32, #tpu.memory_space<hbm>>
        tpu.wait_dma2 semaphore(%run_scoped3A : memref<!tpu.dma_semaphore, #tpu.memory_space<semaphore_mem>>) src(%arg10 : memref<5x64x128xf32, #tpu.memory_space<vmem>>) dst(%dma_wait3A_112 : memref<5x64x128xf32, #tpu.memory_space<hbm>>)
        tpu.yield
      }) : () -> ()
    } else {
    }
    %add3A_47 = arith.constant 128 : i32
    %add3A_48 = arith.addi %add3A, %add3A_47 : i32
    %lt3A_49 = arith.constant 160 : i32
    %lt3A_50 = arith.cmpi slt, %add3A_48, %lt3A_49 : i32
    %convert_element_type3A_51 = arith.extui %lt3A_50 : i1 to i32
    %cond3A_52 = arith.constant 0 : i32
    %cond3A_53 = arith.cmpi ne, %convert_element_type3A_51, %cond3A_52 : i32
    scf.if %cond3A_53 {
      "tpu.region"() ({
        %run_scoped3A = tpu.sem_alloc : memref<!tpu.dma_semaphore, #tpu.memory_space<semaphore_mem>>
        %dma_start3A_71 = arith.constant 0 : i32
        %dma_start3A_72 = tpu.memref_slice %arg2[%add3A_48, %dma_start3A_71] : memref<160x5xi32, #tpu.memory_space<hbm>> -> memref<1x5xi32, #tpu.memory_space<hbm>>
        %dma_start3A_73 = tpu.memref_squeeze %dma_start3A_72 : memref<1x5xi32, #tpu.memory_space<hbm>> -> memref<5xi32, #tpu.memory_space<hbm>>
        %dma_start3A_74 = arith.constant 0 : i32
        %dma_start3A_75 = tpu.memref_slice %arg2[%add3A_48, %dma_start3A_74] : memref<160x5xi32, #tpu.memory_space<hbm>> -> memref<1x5xi32, #tpu.memory_space<hbm>>
        %dma_start3A_76 = tpu.memref_squeeze %dma_start3A_75 : memref<1x5xi32, #tpu.memory_space<hbm>> -> memref<5xi32, #tpu.memory_space<hbm>>
        tpu.enqueue_dma source(%dma_start3A_76 : memref<5xi32, #tpu.memory_space<hbm>>) target(%arg6 : memref<5xi32, #tpu.memory_space<vmem>>) target_semaphore(%run_scoped3A : memref<!tpu.dma_semaphore, #tpu.memory_space<semaphore_mem>>)
        %dma_wait3A = arith.constant 0 : i32
        %dma_wait3A_77 = tpu.memref_slice %arg2[%add3A_48, %dma_wait3A] : memref<160x5xi32, #tpu.memory_space<hbm>> -> memref<1x5xi32, #tpu.memory_space<hbm>>
        %dma_wait3A_78 = tpu.memref_squeeze %dma_wait3A_77 : memref<1x5xi32, #tpu.memory_space<hbm>> -> memref<5xi32, #tpu.memory_space<hbm>>
        %dma_wait3A_79 = arith.constant 0 : i32
        %dma_wait3A_80 = tpu.memref_slice %arg2[%add3A_48, %dma_wait3A_79] : memref<160x5xi32, #tpu.memory_space<hbm>> -> memref<1x5xi32, #tpu.memory_space<hbm>>
        %dma_wait3A_81 = tpu.memref_squeeze %dma_wait3A_80 : memref<1x5xi32, #tpu.memory_space<hbm>> -> memref<5xi32, #tpu.memory_space<hbm>>
        tpu.wait_dma2 semaphore(%run_scoped3A : memref<!tpu.dma_semaphore, #tpu.memory_space<semaphore_mem>>) src(%dma_wait3A_81 : memref<5xi32, #tpu.memory_space<hbm>>) dst(%arg6 : memref<5xi32, #tpu.memory_space<vmem>>)
        tpu.yield
      }) : () -> ()
      "tpu.region"() ({
        %run_scoped3A = tpu.sem_alloc : memref<!tpu.dma_semaphore, #tpu.memory_space<semaphore_mem>>
        %dma_start3A_71 = arith.constant 0 : i32
        %dma_start3A_72 = arith.constant 0 : i32
        %dma_start3A_73 = tpu.memref_slice %arg3[%add3A_48, %dma_start3A_71, %dma_start3A_72] : memref<160x5x16xf32, #tpu.memory_space<hbm>> -> memref<1x5x16xf32, #tpu.memory_space<hbm>>
        %dma_start3A_74 = tpu.memref_squeeze %dma_start3A_73 : memref<1x5x16xf32, #tpu.memory_space<hbm>> -> memref<5x16xf32, #tpu.memory_space<hbm>>
        %dma_start3A_75 = arith.constant 0 : i32
        %dma_start3A_76 = arith.constant 0 : i32
        %dma_start3A_77 = tpu.memref_slice %arg3[%add3A_48, %dma_start3A_75, %dma_start3A_76] : memref<160x5x16xf32, #tpu.memory_space<hbm>> -> memref<1x5x16xf32, #tpu.memory_space<hbm>>
        %dma_start3A_78 = tpu.memref_squeeze %dma_start3A_77 : memref<1x5x16xf32, #tpu.memory_space<hbm>> -> memref<5x16xf32, #tpu.memory_space<hbm>>
        tpu.enqueue_dma source(%dma_start3A_78 : memref<5x16xf32, #tpu.memory_space<hbm>>) target(%arg8 : memref<5x16xf32, #tpu.memory_space<vmem>>) target_semaphore(%run_scoped3A : memref<!tpu.dma_semaphore, #tpu.memory_space<semaphore_mem>>)
        %dma_wait3A = arith.constant 0 : i32
        %dma_wait3A_79 = arith.constant 0 : i32
        %dma_wait3A_80 = tpu.memref_slice %arg3[%add3A_48, %dma_wait3A, %dma_wait3A_79] : memref<160x5x16xf32, #tpu.memory_space<hbm>> -> memref<1x5x16xf32, #tpu.memory_space<hbm>>
        %dma_wait3A_81 = tpu.memref_squeeze %dma_wait3A_80 : memref<1x5x16xf32, #tpu.memory_space<hbm>> -> memref<5x16xf32, #tpu.memory_space<hbm>>
        %dma_wait3A_82 = arith.constant 0 : i32
        %dma_wait3A_83 = arith.constant 0 : i32
        %dma_wait3A_84 = tpu.memref_slice %arg3[%add3A_48, %dma_wait3A_82, %dma_wait3A_83] : memref<160x5x16xf32, #tpu.memory_space<hbm>> -> memref<1x5x16xf32, #tpu.memory_space<hbm>>
        %dma_wait3A_85 = tpu.memref_squeeze %dma_wait3A_84 : memref<1x5x16xf32, #tpu.memory_space<hbm>> -> memref<5x16xf32, #tpu.memory_space<hbm>>
        tpu.wait_dma2 semaphore(%run_scoped3A : memref<!tpu.dma_semaphore, #tpu.memory_space<semaphore_mem>>) src(%dma_wait3A_85 : memref<5x16xf32, #tpu.memory_space<hbm>>) dst(%arg8 : memref<5x16xf32, #tpu.memory_space<vmem>>)
        tpu.yield
      }) : () -> ()
      %dma_start3A = arith.constant 0 : i32
      %dma_start3A_68 = arith.constant 0 : i32
      %dma_start3A_69 = arith.constant 0 : i32
      %dma_start3A_70 = tpu.memref_slice %arg4[%dma_start3A, %dma_start3A_68, %dma_start3A_69] : memref<1600x64x128xf32, #tpu.memory_space<hbm>> -> memref<1600x64x128xf32, #tpu.memory_space<hbm>>
      tpu.enqueue_indirect_dma source(%dma_start3A_70 : memref<1600x64x128xf32, #tpu.memory_space<hbm>>) target(%arg10 : memref<5x64x128xf32, #tpu.memory_space<vmem>>) offsets(%arg6 : memref<5xi32, #tpu.memory_space<vmem>>) semaphore(%arg12 : memref<!tpu.dma_semaphore, #tpu.memory_space<semaphore_mem>>)
    } else {
    }
    %add3A_54 = arith.constant 96 : i32
    %add3A_55 = arith.addi %add3A, %add3A_54 : i32
    %lt3A_56 = arith.constant 160 : i32
    %lt3A_57 = arith.cmpi slt, %add3A_55, %lt3A_56 : i32
    %convert_element_type3A_58 = arith.extui %lt3A_57 : i1 to i32
    %cond3A_59 = arith.constant 0 : i32
    %cond3A_60 = arith.cmpi ne, %convert_element_type3A_58, %cond3A_59 : i32
    scf.if %cond3A_60 {
      %dma_wait3A = arith.constant 0 : i32
      %dma_wait3A_68 = arith.constant 0 : i32
      %dma_wait3A_69 = arith.constant 0 : i32
      %dma_wait3A_70 = tpu.memref_slice %arg4[%dma_wait3A, %dma_wait3A_68, %dma_wait3A_69] : memref<1600x64x128xf32, #tpu.memory_space<hbm>> -> memref<1600x64x128xf32, #tpu.memory_space<hbm>>
      tpu.wait_indirect_dma semaphore(%arg13 : memref<!tpu.dma_semaphore, #tpu.memory_space<semaphore_mem>>) src(%dma_wait3A_70 : memref<1600x64x128xf32, #tpu.memory_space<hbm>>) dst(%arg11 : memref<5x64x128xf32, #tpu.memory_space<vmem>>)
      %get3A = arith.constant 0 : i32
      %get3A_71 = arith.index_cast %get3A : i32 to index
      %get3A_72 = arith.constant 0 : index
      %get3A_73 = tpu.vector_load %arg9[%get3A_71, %get3A_72] {strides = array<i32>} : memref<5x16xf32, #tpu.memory_space<vmem>>, vector<1x16xf32>,
      %get3A_74 = vector.shape_cast %get3A_73 : vector<1x16xf32> to vector<16xf32>
      %get3A_75 = arith.constant 1 : i32
      %get3A_76 = arith.index_cast %get3A_75 : i32 to index
      %get3A_77 = arith.constant 0 : index
      %get3A_78 = tpu.vector_load %arg9[%get3A_76, %get3A_77] {strides = array<i32>} : memref<5x16xf32, #tpu.memory_space<vmem>>, vector<1x16xf32>,
      %get3A_79 = vector.shape_cast %get3A_78 : vector<1x16xf32> to vector<16xf32>
      %get3A_80 = arith.constant 2 : i32
      %get3A_81 = arith.index_cast %get3A_80 : i32 to index
      %get3A_82 = arith.constant 0 : index
      %get3A_83 = tpu.vector_load %arg9[%get3A_81, %get3A_82] {strides = array<i32>} : memref<5x16xf32, #tpu.memory_space<vmem>>, vector<1x16xf32>,
      %get3A_84 = vector.shape_cast %get3A_83 : vector<1x16xf32> to vector<16xf32>
      %get3A_85 = arith.constant 3 : i32
      %get3A_86 = arith.index_cast %get3A_85 : i32 to index
      %get3A_87 = arith.constant 0 : index
      %get3A_88 = tpu.vector_load %arg9[%get3A_86, %get3A_87] {strides = array<i32>} : memref<5x16xf32, #tpu.memory_space<vmem>>, vector<1x16xf32>,
      %get3A_89 = vector.shape_cast %get3A_88 : vector<1x16xf32> to vector<16xf32>
      %get3A_90 = arith.constant 4 : i32
      %get3A_91 = arith.index_cast %get3A_90 : i32 to index
      %get3A_92 = arith.constant 0 : index
      %get3A_93 = tpu.vector_load %arg9[%get3A_91, %get3A_92] {strides = array<i32>} : memref<5x16xf32, #tpu.memory_space<vmem>>, vector<1x16xf32>,
      %get3A_94 = vector.shape_cast %get3A_93 : vector<1x16xf32> to vector<16xf32>
      %scan3A = arith.constant 0 : i32
      %scan3A_95 = arith.constant 0 : i32
      %scan3A_96 = arith.constant 64 : i32
      %scan3A_97 = arith.addi %scan3A_95, %scan3A_96 : i32
      %scan3A_98 = arith.constant 1 : i32
      scf.for %scan3A_102 = %scan3A_95 to %scan3A_97 step %scan3A_98  : i32 {
        %get3A_103 = arith.constant 0 : i32
        %get3A_104 = arith.index_cast %get3A_103 : i32 to index
        %get3A_105 = arith.index_cast %scan3A_102 : i32 to index
        %get3A_106 = arith.constant 0 : index
        %get3A_107 = tpu.vector_load %arg11[%get3A_104, %get3A_105, %get3A_106] {strides = array<i32>} : memref<5x64x128xf32, #tpu.memory_space<vmem>>, vector<1x1x16xf32>,
        %get3A_108 = vector.shape_cast %get3A_107 : vector<1x1x16xf32> to vector<16xf32>
        %mul3A_109 = arith.mulf %get3A_108, %get3A_74 : vector<16xf32>
        %swap3A = arith.constant 0 : i32
        %swap3A_110 = arith.index_cast %swap3A : i32 to index
        %swap3A_111 = arith.index_cast %scan3A_102 : i32 to index
        %swap3A_112 = arith.constant 0 : index
        %swap3A_113 = tpu.vector_load %arg11[%swap3A_110, %swap3A_111, %swap3A_112] {strides = array<i32>} : memref<5x64x128xf32, #tpu.memory_space<vmem>>, vector<1x1x16xf32>,
        %swap3A_114 = vector.shape_cast %swap3A_113 : vector<1x1x16xf32> to vector<16xf32>
        %swap3A_115 = vector.shape_cast %mul3A_109 : vector<16xf32> to vector<1x1x16xf32>
        tpu.vector_store %arg11[%swap3A_110, %swap3A_111, %swap3A_112], %swap3A_115 {strides = array<i32>} : memref<5x64x128xf32, #tpu.memory_space<vmem>>, vector<1x1x16xf32>,
        %get3A_116 = arith.constant 0 : i32
        %get3A_117 = arith.index_cast %get3A_116 : i32 to index
        %get3A_118 = arith.index_cast %scan3A_102 : i32 to index
        %get3A_119 = arith.constant 16 : index
        %get3A_120 = tpu.vector_load %arg11[%get3A_117, %get3A_118, %get3A_119] {strides = array<i32>} : memref<5x64x128xf32, #tpu.memory_space<vmem>>, vector<1x1x16xf32>,
        %get3A_121 = vector.shape_cast %get3A_120 : vector<1x1x16xf32> to vector<16xf32>
        %mul3A_122 = arith.mulf %get3A_121, %get3A_74 : vector<16xf32>
        %swap3A_123 = arith.constant 0 : i32
        %swap3A_124 = arith.index_cast %swap3A_123 : i32 to index
        %swap3A_125 = arith.index_cast %scan3A_102 : i32 to index
        %swap3A_126 = arith.constant 16 : index
        %swap3A_127 = tpu.vector_load %arg11[%swap3A_124, %swap3A_125, %swap3A_126] {strides = array<i32>} : memref<5x64x128xf32, #tpu.memory_space<vmem>>, vector<1x1x16xf32>,
        %swap3A_128 = vector.shape_cast %swap3A_127 : vector<1x1x16xf32> to vector<16xf32>
        %swap3A_129 = vector.shape_cast %mul3A_122 : vector<16xf32> to vector<1x1x16xf32>
        tpu.vector_store %arg11[%swap3A_124, %swap3A_125, %swap3A_126], %swap3A_129 {strides = array<i32>} : memref<5x64x128xf32, #tpu.memory_space<vmem>>, vector<1x1x16xf32>,
        %get3A_130 = arith.constant 0 : i32
        %get3A_131 = arith.index_cast %get3A_130 : i32 to index
        %get3A_132 = arith.index_cast %scan3A_102 : i32 to index
        %get3A_133 = arith.constant 32 : index
        %get3A_134 = tpu.vector_load %arg11[%get3A_131, %get3A_132, %get3A_133] {strides = array<i32>} : memref<5x64x128xf32, #tpu.memory_space<vmem>>, vector<1x1x16xf32>,
        %get3A_135 = vector.shape_cast %get3A_134 : vector<1x1x16xf32> to vector<16xf32>
        %mul3A_136 = arith.mulf %get3A_135, %get3A_74 : vector<16xf32>
        %swap3A_137 = arith.constant 0 : i32
        %swap3A_138 = arith.index_cast %swap3A_137 : i32 to index
        %swap3A_139 = arith.index_cast %scan3A_102 : i32 to index
        %swap3A_140 = arith.constant 32 : index
        %swap3A_141 = tpu.vector_load %arg11[%swap3A_138, %swap3A_139, %swap3A_140] {strides = array<i32>} : memref<5x64x128xf32, #tpu.memory_space<vmem>>, vector<1x1x16xf32>,
        %swap3A_142 = vector.shape_cast %swap3A_141 : vector<1x1x16xf32> to vector<16xf32>
        %swap3A_143 = vector.shape_cast %mul3A_136 : vector<16xf32> to vector<1x1x16xf32>
        tpu.vector_store %arg11[%swap3A_138, %swap3A_139, %swap3A_140], %swap3A_143 {strides = array<i32>} : memref<5x64x128xf32, #tpu.memory_space<vmem>>, vector<1x1x16xf32>,
        %get3A_144 = arith.constant 0 : i32
        %get3A_145 = arith.index_cast %get3A_144 : i32 to index
        %get3A_146 = arith.index_cast %scan3A_102 : i32 to index
        %get3A_147 = arith.constant 48 : index
        %get3A_148 = tpu.vector_load %arg11[%get3A_145, %get3A_146, %get3A_147] {strides = array<i32>} : memref<5x64x128xf32, #tpu.memory_space<vmem>>, vector<1x1x16xf32>,
        %get3A_149 = vector.shape_cast %get3A_148 : vector<1x1x16xf32> to vector<16xf32>
        %mul3A_150 = arith.mulf %get3A_149, %get3A_74 : vector<16xf32>
        %swap3A_151 = arith.constant 0 : i32
        %swap3A_152 = arith.index_cast %swap3A_151 : i32 to index
        %swap3A_153 = arith.index_cast %scan3A_102 : i32 to index
        %swap3A_154 = arith.constant 48 : index
        %swap3A_155 = tpu.vector_load %arg11[%swap3A_152, %swap3A_153, %swap3A_154] {strides = array<i32>} : memref<5x64x128xf32, #tpu.memory_space<vmem>>, vector<1x1x16xf32>,
        %swap3A_156 = vector.shape_cast %swap3A_155 : vector<1x1x16xf32> to vector<16xf32>
        %swap3A_157 = vector.shape_cast %mul3A_150 : vector<16xf32> to vector<1x1x16xf32>
        tpu.vector_store %arg11[%swap3A_152, %swap3A_153, %swap3A_154], %swap3A_157 {strides = array<i32>} : memref<5x64x128xf32, #tpu.memory_space<vmem>>, vector<1x1x16xf32>,
        %get3A_158 = arith.constant 0 : i32
        %get3A_159 = arith.index_cast %get3A_158 : i32 to index
        %get3A_160 = arith.index_cast %scan3A_102 : i32 to index
        %get3A_161 = arith.constant 64 : index
        %get3A_162 = tpu.vector_load %arg11[%get3A_159, %get3A_160, %get3A_161] {strides = array<i32>} : memref<5x64x128xf32, #tpu.memory_space<vmem>>, vector<1x1x16xf32>,
        %get3A_163 = vector.shape_cast %get3A_162 : vector<1x1x16xf32> to vector<16xf32>
        %mul3A_164 = arith.mulf %get3A_163, %get3A_74 : vector<16xf32>
        %swap3A_165 = arith.constant 0 : i32
        %swap3A_166 = arith.index_cast %swap3A_165 : i32 to index
        %swap3A_167 = arith.index_cast %scan3A_102 : i32 to index
        %swap3A_168 = arith.constant 64 : index
        %swap3A_169 = tpu.vector_load %arg11[%swap3A_166, %swap3A_167, %swap3A_168] {strides = array<i32>} : memref<5x64x128xf32, #tpu.memory_space<vmem>>, vector<1x1x16xf32>,
        %swap3A_170 = vector.shape_cast %swap3A_169 : vector<1x1x16xf32> to vector<16xf32>
        %swap3A_171 = vector.shape_cast %mul3A_164 : vector<16xf32> to vector<1x1x16xf32>
        tpu.vector_store %arg11[%swap3A_166, %swap3A_167, %swap3A_168], %swap3A_171 {strides = array<i32>} : memref<5x64x128xf32, #tpu.memory_space<vmem>>, vector<1x1x16xf32>,
        %get3A_172 = arith.constant 0 : i32
        %get3A_173 = arith.index_cast %get3A_172 : i32 to index
        %get3A_174 = arith.index_cast %scan3A_102 : i32 to index
        %get3A_175 = arith.constant 80 : index
        %get3A_176 = tpu.vector_load %arg11[%get3A_173, %get3A_174, %get3A_175] {strides = array<i32>} : memref<5x64x128xf32, #tpu.memory_space<vmem>>, vector<1x1x16xf32>,
        %get3A_177 = vector.shape_cast %get3A_176 : vector<1x1x16xf32> to vector<16xf32>
        %mul3A_178 = arith.mulf %get3A_177, %get3A_74 : vector<16xf32>
        %swap3A_179 = arith.constant 0 : i32
        %swap3A_180 = arith.index_cast %swap3A_179 : i32 to index
        %swap3A_181 = arith.index_cast %scan3A_102 : i32 to index
        %swap3A_182 = arith.constant 80 : index
        %swap3A_183 = tpu.vector_load %arg11[%swap3A_180, %swap3A_181, %swap3A_182] {strides = array<i32>} : memref<5x64x128xf32, #tpu.memory_space<vmem>>, vector<1x1x16xf32>,
        %swap3A_184 = vector.shape_cast %swap3A_183 : vector<1x1x16xf32> to vector<16xf32>
        %swap3A_185 = vector.shape_cast %mul3A_178 : vector<16xf32> to vector<1x1x16xf32>
        tpu.vector_store %arg11[%swap3A_180, %swap3A_181, %swap3A_182], %swap3A_185 {strides = array<i32>} : memref<5x64x128xf32, #tpu.memory_space<vmem>>, vector<1x1x16xf32>,
        %get3A_186 = arith.constant 0 : i32
        %get3A_187 = arith.index_cast %get3A_186 : i32 to index
        %get3A_188 = arith.index_cast %scan3A_102 : i32 to index
        %get3A_189 = arith.constant 96 : index
        %get3A_190 = tpu.vector_load %arg11[%get3A_187, %get3A_188, %get3A_189] {strides = array<i32>} : memref<5x64x128xf32, #tpu.memory_space<vmem>>, vector<1x1x16xf32>,
        %get3A_191 = vector.shape_cast %get3A_190 : vector<1x1x16xf32> to vector<16xf32>
        %mul3A_192 = arith.mulf %get3A_191, %get3A_74 : vector<16xf32>
        %swap3A_193 = arith.constant 0 : i32
        %swap3A_194 = arith.index_cast %swap3A_193 : i32 to index
        %swap3A_195 = arith.index_cast %scan3A_102 : i32 to index
        %swap3A_196 = arith.constant 96 : index
        %swap3A_197 = tpu.vector_load %arg11[%swap3A_194, %swap3A_195, %swap3A_196] {strides = array<i32>} : memref<5x64x128xf32, #tpu.memory_space<vmem>>, vector<1x1x16xf32>,
        %swap3A_198 = vector.shape_cast %swap3A_197 : vector<1x1x16xf32> to vector<16xf32>
        %swap3A_199 = vector.shape_cast %mul3A_192 : vector<16xf32> to vector<1x1x16xf32>
        tpu.vector_store %arg11[%swap3A_194, %swap3A_195, %swap3A_196], %swap3A_199 {strides = array<i32>} : memref<5x64x128xf32, #tpu.memory_space<vmem>>, vector<1x1x16xf32>,
        %get3A_200 = arith.constant 0 : i32
        %get3A_201 = arith.index_cast %get3A_200 : i32 to index
        %get3A_202 = arith.index_cast %scan3A_102 : i32 to index
        %get3A_203 = arith.constant 112 : index
        %get3A_204 = tpu.vector_load %arg11[%get3A_201, %get3A_202, %get3A_203] {strides = array<i32>} : memref<5x64x128xf32, #tpu.memory_space<vmem>>, vector<1x1x16xf32>,
        %get3A_205 = vector.shape_cast %get3A_204 : vector<1x1x16xf32> to vector<16xf32>
        %mul3A_206 = arith.mulf %get3A_205, %get3A_74 : vector<16xf32>
        %swap3A_207 = arith.constant 0 : i32
        %swap3A_208 = arith.index_cast %swap3A_207 : i32 to index
        %swap3A_209 = arith.index_cast %scan3A_102 : i32 to index
        %swap3A_210 = arith.constant 112 : index
        %swap3A_211 = tpu.vector_load %arg11[%swap3A_208, %swap3A_209, %swap3A_210] {strides = array<i32>} : memref<5x64x128xf32, #tpu.memory_space<vmem>>, vector<1x1x16xf32>,
        %swap3A_212 = vector.shape_cast %swap3A_211 : vector<1x1x16xf32> to vector<16xf32>
        %swap3A_213 = vector.shape_cast %mul3A_206 : vector<16xf32> to vector<1x1x16xf32>
        tpu.vector_store %arg11[%swap3A_208, %swap3A_209, %swap3A_210], %swap3A_213 {strides = array<i32>} : memref<5x64x128xf32, #tpu.memory_space<vmem>>, vector<1x1x16xf32>,
        %get3A_214 = arith.constant 1 : i32
        %get3A_215 = arith.index_cast %get3A_214 : i32 to index
        %get3A_216 = arith.index_cast %scan3A_102 : i32 to index
        %get3A_217 = arith.constant 0 : index
        %get3A_218 = tpu.vector_load %arg11[%get3A_215, %get3A_216, %get3A_217] {strides = array<i32>} : memref<5x64x128xf32, #tpu.memory_space<vmem>>, vector<1x1x16xf32>,
        %get3A_219 = vector.shape_cast %get3A_218 : vector<1x1x16xf32> to vector<16xf32>
        %mul3A_220 = arith.mulf %get3A_219, %get3A_79 : vector<16xf32>
        %swap3A_221 = arith.constant 1 : i32
        %swap3A_222 = arith.index_cast %swap3A_221 : i32 to index
        %swap3A_223 = arith.index_cast %scan3A_102 : i32 to index
        %swap3A_224 = arith.constant 0 : index
        %swap3A_225 = tpu.vector_load %arg11[%swap3A_222, %swap3A_223, %swap3A_224] {strides = array<i32>} : memref<5x64x128xf32, #tpu.memory_space<vmem>>, vector<1x1x16xf32>,
        %swap3A_226 = vector.shape_cast %swap3A_225 : vector<1x1x16xf32> to vector<16xf32>
        %swap3A_227 = vector.shape_cast %mul3A_220 : vector<16xf32> to vector<1x1x16xf32>
        tpu.vector_store %arg11[%swap3A_222, %swap3A_223, %swap3A_224], %swap3A_227 {strides = array<i32>} : memref<5x64x128xf32, #tpu.memory_space<vmem>>, vector<1x1x16xf32>,
        %get3A_228 = arith.constant 1 : i32
        %get3A_229 = arith.index_cast %get3A_228 : i32 to index
        %get3A_230 = arith.index_cast %scan3A_102 : i32 to index
        %get3A_231 = arith.constant 16 : index
        %get3A_232 = tpu.vector_load %arg11[%get3A_229, %get3A_230, %get3A_231] {strides = array<i32>} : memref<5x64x128xf32, #tpu.memory_space<vmem>>, vector<1x1x16xf32>,
        %get3A_233 = vector.shape_cast %get3A_232 : vector<1x1x16xf32> to vector<16xf32>
        %mul3A_234 = arith.mulf %get3A_233, %get3A_79 : vector<16xf32>
        %swap3A_235 = arith.constant 1 : i32
        %swap3A_236 = arith.index_cast %swap3A_235 : i32 to index
        %swap3A_237 = arith.index_cast %scan3A_102 : i32 to index
        %swap3A_238 = arith.constant 16 : index
        %swap3A_239 = tpu.vector_load %arg11[%swap3A_236, %swap3A_237, %swap3A_238] {strides = array<i32>} : memref<5x64x128xf32, #tpu.memory_space<vmem>>, vector<1x1x16xf32>,
        %swap3A_240 = vector.shape_cast %swap3A_239 : vector<1x1x16xf32> to vector<16xf32>
        %swap3A_241 = vector.shape_cast %mul3A_234 : vector<16xf32> to vector<1x1x16xf32>
        tpu.vector_store %arg11[%swap3A_236, %swap3A_237, %swap3A_238], %swap3A_241 {strides = array<i32>} : memref<5x64x128xf32, #tpu.memory_space<vmem>>, vector<1x1x16xf32>,
        %get3A_242 = arith.constant 1 : i32
        %get3A_243 = arith.index_cast %get3A_242 : i32 to index
        %get3A_244 = arith.index_cast %scan3A_102 : i32 to index
        %get3A_245 = arith.constant 32 : index
        %get3A_246 = tpu.vector_load %arg11[%get3A_243, %get3A_244, %get3A_245] {strides = array<i32>} : memref<5x64x128xf32, #tpu.memory_space<vmem>>, vector<1x1x16xf32>,
        %get3A_247 = vector.shape_cast %get3A_246 : vector<1x1x16xf32> to vector<16xf32>
        %mul3A_248 = arith.mulf %get3A_247, %get3A_79 : vector<16xf32>
        %swap3A_249 = arith.constant 1 : i32
        %swap3A_250 = arith.index_cast %swap3A_249 : i32 to index
        %swap3A_251 = arith.index_cast %scan3A_102 : i32 to index
        %swap3A_252 = arith.constant 32 : index
        %swap3A_253 = tpu.vector_load %arg11[%swap3A_250, %swap3A_251, %swap3A_252] {strides = array<i32>} : memref<5x64x128xf32, #tpu.memory_space<vmem>>, vector<1x1x16xf32>,
        %swap3A_254 = vector.shape_cast %swap3A_253 : vector<1x1x16xf32> to vector<16xf32>
        %swap3A_255 = vector.shape_cast %mul3A_248 : vector<16xf32> to vector<1x1x16xf32>
        tpu.vector_store %arg11[%swap3A_250, %swap3A_251, %swap3A_252], %swap3A_255 {strides = array<i32>} : memref<5x64x128xf32, #tpu.memory_space<vmem>>, vector<1x1x16xf32>,
        %get3A_256 = arith.constant 1 : i32
        %get3A_257 = arith.index_cast %get3A_256 : i32 to index
        %get3A_258 = arith.index_cast %scan3A_102 : i32 to index
        %get3A_259 = arith.constant 48 : index
        %get3A_260 = tpu.vector_load %arg11[%get3A_257, %get3A_258, %get3A_259] {strides = array<i32>} : memref<5x64x128xf32, #tpu.memory_space<vmem>>, vector<1x1x16xf32>,
        %get3A_261 = vector.shape_cast %get3A_260 : vector<1x1x16xf32> to vector<16xf32>
        %mul3A_262 = arith.mulf %get3A_261, %get3A_79 : vector<16xf32>
        %swap3A_263 = arith.constant 1 : i32
        %swap3A_264 = arith.index_cast %swap3A_263 : i32 to index
        %swap3A_265 = arith.index_cast %scan3A_102 : i32 to index
        %swap3A_266 = arith.constant 48 : index
        %swap3A_267 = tpu.vector_load %arg11[%swap3A_264, %swap3A_265, %swap3A_266] {strides = array<i32>} : memref<5x64x128xf32, #tpu.memory_space<vmem>>, vector<1x1x16xf32>,
        %swap3A_268 = vector.shape_cast %swap3A_267 : vector<1x1x16xf32> to vector<16xf32>
        %swap3A_269 = vector.shape_cast %mul3A_262 : vector<16xf32> to vector<1x1x16xf32>
        tpu.vector_store %arg11[%swap3A_264, %swap3A_265, %swap3A_266], %swap3A_269 {strides = array<i32>} : memref<5x64x128xf32, #tpu.memory_space<vmem>>, vector<1x1x16xf32>,
        %get3A_270 = arith.constant 1 : i32
        %get3A_271 = arith.index_cast %get3A_270 : i32 to index
        %get3A_272 = arith.index_cast %scan3A_102 : i32 to index
        %get3A_273 = arith.constant 64 : index
        %get3A_274 = tpu.vector_load %arg11[%get3A_271, %get3A_272, %get3A_273] {strides = array<i32>} : memref<5x64x128xf32, #tpu.memory_space<vmem>>, vector<1x1x16xf32>,
        %get3A_275 = vector.shape_cast %get3A_274 : vector<1x1x16xf32> to vector<16xf32>
        %mul3A_276 = arith.mulf %get3A_275, %get3A_79 : vector<16xf32>
        %swap3A_277 = arith.constant 1 : i32
        %swap3A_278 = arith.index_cast %swap3A_277 : i32 to index
        %swap3A_279 = arith.index_cast %scan3A_102 : i32 to index
        %swap3A_280 = arith.constant 64 : index
        %swap3A_281 = tpu.vector_load %arg11[%swap3A_278, %swap3A_279, %swap3A_280] {strides = array<i32>} : memref<5x64x128xf32, #tpu.memory_space<vmem>>, vector<1x1x16xf32>,
        %swap3A_282 = vector.shape_cast %swap3A_281 : vector<1x1x16xf32> to vector<16xf32>
        %swap3A_283 = vector.shape_cast %mul3A_276 : vector<16xf32> to vector<1x1x16xf32>
        tpu.vector_store %arg11[%swap3A_278, %swap3A_279, %swap3A_280], %swap3A_283 {strides = array<i32>} : memref<5x64x128xf32, #tpu.memory_space<vmem>>, vector<1x1x16xf32>,
        %get3A_284 = arith.constant 1 : i32
        %get3A_285 = arith.index_cast %get3A_284 : i32 to index
        %get3A_286 = arith.index_cast %scan3A_102 : i32 to index
        %get3A_287 = arith.constant 80 : index
        %get3A_288 = tpu.vector_load %arg11[%get3A_285, %get3A_286, %get3A_287] {strides = array<i32>} : memref<5x64x128xf32, #tpu.memory_space<vmem>>, vector<1x1x16xf32>,
        %get3A_289 = vector.shape_cast %get3A_288 : vector<1x1x16xf32> to vector<16xf32>
        %mul3A_290 = arith.mulf %get3A_289, %get3A_79 : vector<16xf32>
        %swap3A_291 = arith.constant 1 : i32
        %swap3A_292 = arith.index_cast %swap3A_291 : i32 to index
        %swap3A_293 = arith.index_cast %scan3A_102 : i32 to index
        %swap3A_294 = arith.constant 80 : index
        %swap3A_295 = tpu.vector_load %arg11[%swap3A_292, %swap3A_293, %swap3A_294] {strides = array<i32>} : memref<5x64x128xf32, #tpu.memory_space<vmem>>, vector<1x1x16xf32>,
        %swap3A_296 = vector.shape_cast %swap3A_295 : vector<1x1x16xf32> to vector<16xf32>
        %swap3A_297 = vector.shape_cast %mul3A_290 : vector<16xf32> to vector<1x1x16xf32>
        tpu.vector_store %arg11[%swap3A_292, %swap3A_293, %swap3A_294], %swap3A_297 {strides = array<i32>} : memref<5x64x128xf32, #tpu.memory_space<vmem>>, vector<1x1x16xf32>,
        %get3A_298 = arith.constant 1 : i32
        %get3A_299 = arith.index_cast %get3A_298 : i32 to index
        %get3A_300 = arith.index_cast %scan3A_102 : i32 to index
        %get3A_301 = arith.constant 96 : index
        %get3A_302 = tpu.vector_load %arg11[%get3A_299, %get3A_300, %get3A_301] {strides = array<i32>} : memref<5x64x128xf32, #tpu.memory_space<vmem>>, vector<1x1x16xf32>,
        %get3A_303 = vector.shape_cast %get3A_302 : vector<1x1x16xf32> to vector<16xf32>
        %mul3A_304 = arith.mulf %get3A_303, %get3A_79 : vector<16xf32>
        %swap3A_305 = arith.constant 1 : i32
        %swap3A_306 = arith.index_cast %swap3A_305 : i32 to index
        %swap3A_307 = arith.index_cast %scan3A_102 : i32 to index
        %swap3A_308 = arith.constant 96 : index
        %swap3A_309 = tpu.vector_load %arg11[%swap3A_306, %swap3A_307, %swap3A_308] {strides = array<i32>} : memref<5x64x128xf32, #tpu.memory_space<vmem>>, vector<1x1x16xf32>,
        %swap3A_310 = vector.shape_cast %swap3A_309 : vector<1x1x16xf32> to vector<16xf32>
        %swap3A_311 = vector.shape_cast %mul3A_304 : vector<16xf32> to vector<1x1x16xf32>
        tpu.vector_store %arg11[%swap3A_306, %swap3A_307, %swap3A_308], %swap3A_311 {strides = array<i32>} : memref<5x64x128xf32, #tpu.memory_space<vmem>>, vector<1x1x16xf32>,
        %get3A_312 = arith.constant 1 : i32
        %get3A_313 = arith.index_cast %get3A_312 : i32 to index
        %get3A_314 = arith.index_cast %scan3A_102 : i32 to index
        %get3A_315 = arith.constant 112 : index
        %get3A_316 = tpu.vector_load %arg11[%get3A_313, %get3A_314, %get3A_315] {strides = array<i32>} : memref<5x64x128xf32, #tpu.memory_space<vmem>>, vector<1x1x16xf32>,
        %get3A_317 = vector.shape_cast %get3A_316 : vector<1x1x16xf32> to vector<16xf32>
        %mul3A_318 = arith.mulf %get3A_317, %get3A_79 : vector<16xf32>
        %swap3A_319 = arith.constant 1 : i32
        %swap3A_320 = arith.index_cast %swap3A_319 : i32 to index
        %swap3A_321 = arith.index_cast %scan3A_102 : i32 to index
        %swap3A_322 = arith.constant 112 : index
        %swap3A_323 = tpu.vector_load %arg11[%swap3A_320, %swap3A_321, %swap3A_322] {strides = array<i32>} : memref<5x64x128xf32, #tpu.memory_space<vmem>>, vector<1x1x16xf32>,
        %swap3A_324 = vector.shape_cast %swap3A_323 : vector<1x1x16xf32> to vector<16xf32>
        %swap3A_325 = vector.shape_cast %mul3A_318 : vector<16xf32> to vector<1x1x16xf32>
        tpu.vector_store %arg11[%swap3A_320, %swap3A_321, %swap3A_322], %swap3A_325 {strides = array<i32>} : memref<5x64x128xf32, #tpu.memory_space<vmem>>, vector<1x1x16xf32>,
        %get3A_326 = arith.constant 2 : i32
        %get3A_327 = arith.index_cast %get3A_326 : i32 to index
        %get3A_328 = arith.index_cast %scan3A_102 : i32 to index
        %get3A_329 = arith.constant 0 : index
        %get3A_330 = tpu.vector_load %arg11[%get3A_327, %get3A_328, %get3A_329] {strides = array<i32>} : memref<5x64x128xf32, #tpu.memory_space<vmem>>, vector<1x1x16xf32>,
        %get3A_331 = vector.shape_cast %get3A_330 : vector<1x1x16xf32> to vector<16xf32>
        %mul3A_332 = arith.mulf %get3A_331, %get3A_84 : vector<16xf32>
        %swap3A_333 = arith.constant 2 : i32
        %swap3A_334 = arith.index_cast %swap3A_333 : i32 to index
        %swap3A_335 = arith.index_cast %scan3A_102 : i32 to index
        %swap3A_336 = arith.constant 0 : index
        %swap3A_337 = tpu.vector_load %arg11[%swap3A_334, %swap3A_335, %swap3A_336] {strides = array<i32>} : memref<5x64x128xf32, #tpu.memory_space<vmem>>, vector<1x1x16xf32>,
        %swap3A_338 = vector.shape_cast %swap3A_337 : vector<1x1x16xf32> to vector<16xf32>
        %swap3A_339 = vector.shape_cast %mul3A_332 : vector<16xf32> to vector<1x1x16xf32>
        tpu.vector_store %arg11[%swap3A_334, %swap3A_335, %swap3A_336], %swap3A_339 {strides = array<i32>} : memref<5x64x128xf32, #tpu.memory_space<vmem>>, vector<1x1x16xf32>,
        %get3A_340 = arith.constant 2 : i32
        %get3A_341 = arith.index_cast %get3A_340 : i32 to index
        %get3A_342 = arith.index_cast %scan3A_102 : i32 to index
        %get3A_343 = arith.constant 16 : index
        %get3A_344 = tpu.vector_load %arg11[%get3A_341, %get3A_342, %get3A_343] {strides = array<i32>} : memref<5x64x128xf32, #tpu.memory_space<vmem>>, vector<1x1x16xf32>,
        %get3A_345 = vector.shape_cast %get3A_344 : vector<1x1x16xf32> to vector<16xf32>
        %mul3A_346 = arith.mulf %get3A_345, %get3A_84 : vector<16xf32>
        %swap3A_347 = arith.constant 2 : i32
        %swap3A_348 = arith.index_cast %swap3A_347 : i32 to index
        %swap3A_349 = arith.index_cast %scan3A_102 : i32 to index
        %swap3A_350 = arith.constant 16 : index
        %swap3A_351 = tpu.vector_load %arg11[%swap3A_348, %swap3A_349, %swap3A_350] {strides = array<i32>} : memref<5x64x128xf32, #tpu.memory_space<vmem>>, vector<1x1x16xf32>,
        %swap3A_352 = vector.shape_cast %swap3A_351 : vector<1x1x16xf32> to vector<16xf32>
        %swap3A_353 = vector.shape_cast %mul3A_346 : vector<16xf32> to vector<1x1x16xf32>
        tpu.vector_store %arg11[%swap3A_348, %swap3A_349, %swap3A_350], %swap3A_353 {strides = array<i32>} : memref<5x64x128xf32, #tpu.memory_space<vmem>>, vector<1x1x16xf32>,
        %get3A_354 = arith.constant 2 : i32
        %get3A_355 = arith.index_cast %get3A_354 : i32 to index
        %get3A_356 = arith.index_cast %scan3A_102 : i32 to index
        %get3A_357 = arith.constant 32 : index
        %get3A_358 = tpu.vector_load %arg11[%get3A_355, %get3A_356, %get3A_357] {strides = array<i32>} : memref<5x64x128xf32, #tpu.memory_space<vmem>>, vector<1x1x16xf32>,
        %get3A_359 = vector.shape_cast %get3A_358 : vector<1x1x16xf32> to vector<16xf32>
        %mul3A_360 = arith.mulf %get3A_359, %get3A_84 : vector<16xf32>
        %swap3A_361 = arith.constant 2 : i32
        %swap3A_362 = arith.index_cast %swap3A_361 : i32 to index
        %swap3A_363 = arith.index_cast %scan3A_102 : i32 to index
        %swap3A_364 = arith.constant 32 : index
        %swap3A_365 = tpu.vector_load %arg11[%swap3A_362, %swap3A_363, %swap3A_364] {strides = array<i32>} : memref<5x64x128xf32, #tpu.memory_space<vmem>>, vector<1x1x16xf32>,
        %swap3A_366 = vector.shape_cast %swap3A_365 : vector<1x1x16xf32> to vector<16xf32>
        %swap3A_367 = vector.shape_cast %mul3A_360 : vector<16xf32> to vector<1x1x16xf32>
        tpu.vector_store %arg11[%swap3A_362, %swap3A_363, %swap3A_364], %swap3A_367 {strides = array<i32>} : memref<5x64x128xf32, #tpu.memory_space<vmem>>, vector<1x1x16xf32>,
        %get3A_368 = arith.constant 2 : i32
        %get3A_369 = arith.index_cast %get3A_368 : i32 to index
        %get3A_370 = arith.index_cast %scan3A_102 : i32 to index
        %get3A_371 = arith.constant 48 : index
        %get3A_372 = tpu.vector_load %arg11[%get3A_369, %get3A_370, %get3A_371] {strides = array<i32>} : memref<5x64x128xf32, #tpu.memory_space<vmem>>, vector<1x1x16xf32>,
        %get3A_373 = vector.shape_cast %get3A_372 : vector<1x1x16xf32> to vector<16xf32>
        %mul3A_374 = arith.mulf %get3A_373, %get3A_84 : vector<16xf32>
        %swap3A_375 = arith.constant 2 : i32
        %swap3A_376 = arith.index_cast %swap3A_375 : i32 to index
        %swap3A_377 = arith.index_cast %scan3A_102 : i32 to index
        %swap3A_378 = arith.constant 48 : index
        %swap3A_379 = tpu.vector_load %arg11[%swap3A_376, %swap3A_377, %swap3A_378] {strides = array<i32>} : memref<5x64x128xf32, #tpu.memory_space<vmem>>, vector<1x1x16xf32>,
        %swap3A_380 = vector.shape_cast %swap3A_379 : vector<1x1x16xf32> to vector<16xf32>
        %swap3A_381 = vector.shape_cast %mul3A_374 : vector<16xf32> to vector<1x1x16xf32>
        tpu.vector_store %arg11[%swap3A_376, %swap3A_377, %swap3A_378], %swap3A_381 {strides = array<i32>} : memref<5x64x128xf32, #tpu.memory_space<vmem>>, vector<1x1x16xf32>,
        %get3A_382 = arith.constant 2 : i32
        %get3A_383 = arith.index_cast %get3A_382 : i32 to index
        %get3A_384 = arith.index_cast %scan3A_102 : i32 to index
        %get3A_385 = arith.constant 64 : index
        %get3A_386 = tpu.vector_load %arg11[%get3A_383, %get3A_384, %get3A_385] {strides = array<i32>} : memref<5x64x128xf32, #tpu.memory_space<vmem>>, vector<1x1x16xf32>,
        %get3A_387 = vector.shape_cast %get3A_386 : vector<1x1x16xf32> to vector<16xf32>
        %mul3A_388 = arith.mulf %get3A_387, %get3A_84 : vector<16xf32>
        %swap3A_389 = arith.constant 2 : i32
        %swap3A_390 = arith.index_cast %swap3A_389 : i32 to index
        %swap3A_391 = arith.index_cast %scan3A_102 : i32 to index
        %swap3A_392 = arith.constant 64 : index
        %swap3A_393 = tpu.vector_load %arg11[%swap3A_390, %swap3A_391, %swap3A_392] {strides = array<i32>} : memref<5x64x128xf32, #tpu.memory_space<vmem>>, vector<1x1x16xf32>,
        %swap3A_394 = vector.shape_cast %swap3A_393 : vector<1x1x16xf32> to vector<16xf32>
        %swap3A_395 = vector.shape_cast %mul3A_388 : vector<16xf32> to vector<1x1x16xf32>
        tpu.vector_store %arg11[%swap3A_390, %swap3A_391, %swap3A_392], %swap3A_395 {strides = array<i32>} : memref<5x64x128xf32, #tpu.memory_space<vmem>>, vector<1x1x16xf32>,
        %get3A_396 = arith.constant 2 : i32
        %get3A_397 = arith.index_cast %get3A_396 : i32 to index
        %get3A_398 = arith.index_cast %scan3A_102 : i32 to index
        %get3A_399 = arith.constant 80 : index
        %get3A_400 = tpu.vector_load %arg11[%get3A_397, %get3A_398, %get3A_399] {strides = array<i32>} : memref<5x64x128xf32, #tpu.memory_space<vmem>>, vector<1x1x16xf32>,
        %get3A_401 = vector.shape_cast %get3A_400 : vector<1x1x16xf32> to vector<16xf32>
        %mul3A_402 = arith.mulf %get3A_401, %get3A_84 : vector<16xf32>
        %swap3A_403 = arith.constant 2 : i32
        %swap3A_404 = arith.index_cast %swap3A_403 : i32 to index
        %swap3A_405 = arith.index_cast %scan3A_102 : i32 to index
        %swap3A_406 = arith.constant 80 : index
        %swap3A_407 = tpu.vector_load %arg11[%swap3A_404, %swap3A_405, %swap3A_406] {strides = array<i32>} : memref<5x64x128xf32, #tpu.memory_space<vmem>>, vector<1x1x16xf32>,
        %swap3A_408 = vector.shape_cast %swap3A_407 : vector<1x1x16xf32> to vector<16xf32>
        %swap3A_409 = vector.shape_cast %mul3A_402 : vector<16xf32> to vector<1x1x16xf32>
        tpu.vector_store %arg11[%swap3A_404, %swap3A_405, %swap3A_406], %swap3A_409 {strides = array<i32>} : memref<5x64x128xf32, #tpu.memory_space<vmem>>, vector<1x1x16xf32>,
        %get3A_410 = arith.constant 2 : i32
        %get3A_411 = arith.index_cast %get3A_410 : i32 to index
        %get3A_412 = arith.index_cast %scan3A_102 : i32 to index
        %get3A_413 = arith.constant 96 : index
        %get3A_414 = tpu.vector_load %arg11[%get3A_411, %get3A_412, %get3A_413] {strides = array<i32>} : memref<5x64x128xf32, #tpu.memory_space<vmem>>, vector<1x1x16xf32>,
        %get3A_415 = vector.shape_cast %get3A_414 : vector<1x1x16xf32> to vector<16xf32>
        %mul3A_416 = arith.mulf %get3A_415, %get3A_84 : vector<16xf32>
        %swap3A_417 = arith.constant 2 : i32
        %swap3A_418 = arith.index_cast %swap3A_417 : i32 to index
        %swap3A_419 = arith.index_cast %scan3A_102 : i32 to index
        %swap3A_420 = arith.constant 96 : index
        %swap3A_421 = tpu.vector_load %arg11[%swap3A_418, %swap3A_419, %swap3A_420] {strides = array<i32>} : memref<5x64x128xf32, #tpu.memory_space<vmem>>, vector<1x1x16xf32>,
        %swap3A_422 = vector.shape_cast %swap3A_421 : vector<1x1x16xf32> to vector<16xf32>
        %swap3A_423 = vector.shape_cast %mul3A_416 : vector<16xf32> to vector<1x1x16xf32>
        tpu.vector_store %arg11[%swap3A_418, %swap3A_419, %swap3A_420], %swap3A_423 {strides = array<i32>} : memref<5x64x128xf32, #tpu.memory_space<vmem>>, vector<1x1x16xf32>,
        %get3A_424 = arith.constant 2 : i32
        %get3A_425 = arith.index_cast %get3A_424 : i32 to index
        %get3A_426 = arith.index_cast %scan3A_102 : i32 to index
        %get3A_427 = arith.constant 112 : index
        %get3A_428 = tpu.vector_load %arg11[%get3A_425, %get3A_426, %get3A_427] {strides = array<i32>} : memref<5x64x128xf32, #tpu.memory_space<vmem>>, vector<1x1x16xf32>,
        %get3A_429 = vector.shape_cast %get3A_428 : vector<1x1x16xf32> to vector<16xf32>
        %mul3A_430 = arith.mulf %get3A_429, %get3A_84 : vector<16xf32>
        %swap3A_431 = arith.constant 2 : i32
        %swap3A_432 = arith.index_cast %swap3A_431 : i32 to index
        %swap3A_433 = arith.index_cast %scan3A_102 : i32 to index
        %swap3A_434 = arith.constant 112 : index
        %swap3A_435 = tpu.vector_load %arg11[%swap3A_432, %swap3A_433, %swap3A_434] {strides = array<i32>} : memref<5x64x128xf32, #tpu.memory_space<vmem>>, vector<1x1x16xf32>,
        %swap3A_436 = vector.shape_cast %swap3A_435 : vector<1x1x16xf32> to vector<16xf32>
        %swap3A_437 = vector.shape_cast %mul3A_430 : vector<16xf32> to vector<1x1x16xf32>
        tpu.vector_store %arg11[%swap3A_432, %swap3A_433, %swap3A_434], %swap3A_437 {strides = array<i32>} : memref<5x64x128xf32, #tpu.memory_space<vmem>>, vector<1x1x16xf32>,
        %get3A_438 = arith.constant 3 : i32
        %get3A_439 = arith.index_cast %get3A_438 : i32 to index
        %get3A_440 = arith.index_cast %scan3A_102 : i32 to index
        %get3A_441 = arith.constant 0 : index
        %get3A_442 = tpu.vector_load %arg11[%get3A_439, %get3A_440, %get3A_441] {strides = array<i32>} : memref<5x64x128xf32, #tpu.memory_space<vmem>>, vector<1x1x16xf32>,
        %get3A_443 = vector.shape_cast %get3A_442 : vector<1x1x16xf32> to vector<16xf32>
        %mul3A_444 = arith.mulf %get3A_443, %get3A_89 : vector<16xf32>
        %swap3A_445 = arith.constant 3 : i32
        %swap3A_446 = arith.index_cast %swap3A_445 : i32 to index
        %swap3A_447 = arith.index_cast %scan3A_102 : i32 to index
        %swap3A_448 = arith.constant 0 : index
        %swap3A_449 = tpu.vector_load %arg11[%swap3A_446, %swap3A_447, %swap3A_448] {strides = array<i32>} : memref<5x64x128xf32, #tpu.memory_space<vmem>>, vector<1x1x16xf32>,
        %swap3A_450 = vector.shape_cast %swap3A_449 : vector<1x1x16xf32> to vector<16xf32>
        %swap3A_451 = vector.shape_cast %mul3A_444 : vector<16xf32> to vector<1x1x16xf32>
        tpu.vector_store %arg11[%swap3A_446, %swap3A_447, %swap3A_448], %swap3A_451 {strides = array<i32>} : memref<5x64x128xf32, #tpu.memory_space<vmem>>, vector<1x1x16xf32>,
        %get3A_452 = arith.constant 3 : i32
        %get3A_453 = arith.index_cast %get3A_452 : i32 to index
        %get3A_454 = arith.index_cast %scan3A_102 : i32 to index
        %get3A_455 = arith.constant 16 : index
        %get3A_456 = tpu.vector_load %arg11[%get3A_453, %get3A_454, %get3A_455] {strides = array<i32>} : memref<5x64x128xf32, #tpu.memory_space<vmem>>, vector<1x1x16xf32>,
        %get3A_457 = vector.shape_cast %get3A_456 : vector<1x1x16xf32> to vector<16xf32>
        %mul3A_458 = arith.mulf %get3A_457, %get3A_89 : vector<16xf32>
        %swap3A_459 = arith.constant 3 : i32
        %swap3A_460 = arith.index_cast %swap3A_459 : i32 to index
        %swap3A_461 = arith.index_cast %scan3A_102 : i32 to index
        %swap3A_462 = arith.constant 16 : index
        %swap3A_463 = tpu.vector_load %arg11[%swap3A_460, %swap3A_461, %swap3A_462] {strides = array<i32>} : memref<5x64x128xf32, #tpu.memory_space<vmem>>, vector<1x1x16xf32>,
        %swap3A_464 = vector.shape_cast %swap3A_463 : vector<1x1x16xf32> to vector<16xf32>
        %swap3A_465 = vector.shape_cast %mul3A_458 : vector<16xf32> to vector<1x1x16xf32>
        tpu.vector_store %arg11[%swap3A_460, %swap3A_461, %swap3A_462], %swap3A_465 {strides = array<i32>} : memref<5x64x128xf32, #tpu.memory_space<vmem>>, vector<1x1x16xf32>,
        %get3A_466 = arith.constant 3 : i32
        %get3A_467 = arith.index_cast %get3A_466 : i32 to index
        %get3A_468 = arith.index_cast %scan3A_102 : i32 to index
        %get3A_469 = arith.constant 32 : index
        %get3A_470 = tpu.vector_load %arg11[%get3A_467, %get3A_468, %get3A_469] {strides = array<i32>} : memref<5x64x128xf32, #tpu.memory_space<vmem>>, vector<1x1x16xf32>,
        %get3A_471 = vector.shape_cast %get3A_470 : vector<1x1x16xf32> to vector<16xf32>
        %mul3A_472 = arith.mulf %get3A_471, %get3A_89 : vector<16xf32>
        %swap3A_473 = arith.constant 3 : i32
        %swap3A_474 = arith.index_cast %swap3A_473 : i32 to index
        %swap3A_475 = arith.index_cast %scan3A_102 : i32 to index
        %swap3A_476 = arith.constant 32 : index
        %swap3A_477 = tpu.vector_load %arg11[%swap3A_474, %swap3A_475, %swap3A_476] {strides = array<i32>} : memref<5x64x128xf32, #tpu.memory_space<vmem>>, vector<1x1x16xf32>,
        %swap3A_478 = vector.shape_cast %swap3A_477 : vector<1x1x16xf32> to vector<16xf32>
        %swap3A_479 = vector.shape_cast %mul3A_472 : vector<16xf32> to vector<1x1x16xf32>
        tpu.vector_store %arg11[%swap3A_474, %swap3A_475, %swap3A_476], %swap3A_479 {strides = array<i32>} : memref<5x64x128xf32, #tpu.memory_space<vmem>>, vector<1x1x16xf32>,
        %get3A_480 = arith.constant 3 : i32
        %get3A_481 = arith.index_cast %get3A_480 : i32 to index
        %get3A_482 = arith.index_cast %scan3A_102 : i32 to index
        %get3A_483 = arith.constant 48 : index
        %get3A_484 = tpu.vector_load %arg11[%get3A_481, %get3A_482, %get3A_483] {strides = array<i32>} : memref<5x64x128xf32, #tpu.memory_space<vmem>>, vector<1x1x16xf32>,
        %get3A_485 = vector.shape_cast %get3A_484 : vector<1x1x16xf32> to vector<16xf32>
        %mul3A_486 = arith.mulf %get3A_485, %get3A_89 : vector<16xf32>
        %swap3A_487 = arith.constant 3 : i32
        %swap3A_488 = arith.index_cast %swap3A_487 : i32 to index
        %swap3A_489 = arith.index_cast %scan3A_102 : i32 to index
        %swap3A_490 = arith.constant 48 : index
        %swap3A_491 = tpu.vector_load %arg11[%swap3A_488, %swap3A_489, %swap3A_490] {strides = array<i32>} : memref<5x64x128xf32, #tpu.memory_space<vmem>>, vector<1x1x16xf32>,
        %swap3A_492 = vector.shape_cast %swap3A_491 : vector<1x1x16xf32> to vector<16xf32>
        %swap3A_493 = vector.shape_cast %mul3A_486 : vector<16xf32> to vector<1x1x16xf32>
        tpu.vector_store %arg11[%swap3A_488, %swap3A_489, %swap3A_490], %swap3A_493 {strides = array<i32>} : memref<5x64x128xf32, #tpu.memory_space<vmem>>, vector<1x1x16xf32>,
        %get3A_494 = arith.constant 3 : i32
        %get3A_495 = arith.index_cast %get3A_494 : i32 to index
        %get3A_496 = arith.index_cast %scan3A_102 : i32 to index
        %get3A_497 = arith.constant 64 : index
        %get3A_498 = tpu.vector_load %arg11[%get3A_495, %get3A_496, %get3A_497] {strides = array<i32>} : memref<5x64x128xf32, #tpu.memory_space<vmem>>, vector<1x1x16xf32>,
        %get3A_499 = vector.shape_cast %get3A_498 : vector<1x1x16xf32> to vector<16xf32>
        %mul3A_500 = arith.mulf %get3A_499, %get3A_89 : vector<16xf32>
        %swap3A_501 = arith.constant 3 : i32
        %swap3A_502 = arith.index_cast %swap3A_501 : i32 to index
        %swap3A_503 = arith.index_cast %scan3A_102 : i32 to index
        %swap3A_504 = arith.constant 64 : index
        %swap3A_505 = tpu.vector_load %arg11[%swap3A_502, %swap3A_503, %swap3A_504] {strides = array<i32>} : memref<5x64x128xf32, #tpu.memory_space<vmem>>, vector<1x1x16xf32>,
        %swap3A_506 = vector.shape_cast %swap3A_505 : vector<1x1x16xf32> to vector<16xf32>
        %swap3A_507 = vector.shape_cast %mul3A_500 : vector<16xf32> to vector<1x1x16xf32>
        tpu.vector_store %arg11[%swap3A_502, %swap3A_503, %swap3A_504], %swap3A_507 {strides = array<i32>} : memref<5x64x128xf32, #tpu.memory_space<vmem>>, vector<1x1x16xf32>,
        %get3A_508 = arith.constant 3 : i32
        %get3A_509 = arith.index_cast %get3A_508 : i32 to index
        %get3A_510 = arith.index_cast %scan3A_102 : i32 to index
        %get3A_511 = arith.constant 80 : index
        %get3A_512 = tpu.vector_load %arg11[%get3A_509, %get3A_510, %get3A_511] {strides = array<i32>} : memref<5x64x128xf32, #tpu.memory_space<vmem>>, vector<1x1x16xf32>,
        %get3A_513 = vector.shape_cast %get3A_512 : vector<1x1x16xf32> to vector<16xf32>
        %mul3A_514 = arith.mulf %get3A_513, %get3A_89 : vector<16xf32>
        %swap3A_515 = arith.constant 3 : i32
        %swap3A_516 = arith.index_cast %swap3A_515 : i32 to index
        %swap3A_517 = arith.index_cast %scan3A_102 : i32 to index
        %swap3A_518 = arith.constant 80 : index
        %swap3A_519 = tpu.vector_load %arg11[%swap3A_516, %swap3A_517, %swap3A_518] {strides = array<i32>} : memref<5x64x128xf32, #tpu.memory_space<vmem>>, vector<1x1x16xf32>,
        %swap3A_520 = vector.shape_cast %swap3A_519 : vector<1x1x16xf32> to vector<16xf32>
        %swap3A_521 = vector.shape_cast %mul3A_514 : vector<16xf32> to vector<1x1x16xf32>
        tpu.vector_store %arg11[%swap3A_516, %swap3A_517, %swap3A_518], %swap3A_521 {strides = array<i32>} : memref<5x64x128xf32, #tpu.memory_space<vmem>>, vector<1x1x16xf32>,
        %get3A_522 = arith.constant 3 : i32
        %get3A_523 = arith.index_cast %get3A_522 : i32 to index
        %get3A_524 = arith.index_cast %scan3A_102 : i32 to index
        %get3A_525 = arith.constant 96 : index
        %get3A_526 = tpu.vector_load %arg11[%get3A_523, %get3A_524, %get3A_525] {strides = array<i32>} : memref<5x64x128xf32, #tpu.memory_space<vmem>>, vector<1x1x16xf32>,
        %get3A_527 = vector.shape_cast %get3A_526 : vector<1x1x16xf32> to vector<16xf32>
        %mul3A_528 = arith.mulf %get3A_527, %get3A_89 : vector<16xf32>
        %swap3A_529 = arith.constant 3 : i32
        %swap3A_530 = arith.index_cast %swap3A_529 : i32 to index
        %swap3A_531 = arith.index_cast %scan3A_102 : i32 to index
        %swap3A_532 = arith.constant 96 : index
        %swap3A_533 = tpu.vector_load %arg11[%swap3A_530, %swap3A_531, %swap3A_532] {strides = array<i32>} : memref<5x64x128xf32, #tpu.memory_space<vmem>>, vector<1x1x16xf32>,
        %swap3A_534 = vector.shape_cast %swap3A_533 : vector<1x1x16xf32> to vector<16xf32>
        %swap3A_535 = vector.shape_cast %mul3A_528 : vector<16xf32> to vector<1x1x16xf32>
        tpu.vector_store %arg11[%swap3A_530, %swap3A_531, %swap3A_532], %swap3A_535 {strides = array<i32>} : memref<5x64x128xf32, #tpu.memory_space<vmem>>, vector<1x1x16xf32>,
        %get3A_536 = arith.constant 3 : i32
        %get3A_537 = arith.index_cast %get3A_536 : i32 to index
        %get3A_538 = arith.index_cast %scan3A_102 : i32 to index
        %get3A_539 = arith.constant 112 : index
        %get3A_540 = tpu.vector_load %arg11[%get3A_537, %get3A_538, %get3A_539] {strides = array<i32>} : memref<5x64x128xf32, #tpu.memory_space<vmem>>, vector<1x1x16xf32>,
        %get3A_541 = vector.shape_cast %get3A_540 : vector<1x1x16xf32> to vector<16xf32>
        %mul3A_542 = arith.mulf %get3A_541, %get3A_89 : vector<16xf32>
        %swap3A_543 = arith.constant 3 : i32
        %swap3A_544 = arith.index_cast %swap3A_543 : i32 to index
        %swap3A_545 = arith.index_cast %scan3A_102 : i32 to index
        %swap3A_546 = arith.constant 112 : index
        %swap3A_547 = tpu.vector_load %arg11[%swap3A_544, %swap3A_545, %swap3A_546] {strides = array<i32>} : memref<5x64x128xf32, #tpu.memory_space<vmem>>, vector<1x1x16xf32>,
        %swap3A_548 = vector.shape_cast %swap3A_547 : vector<1x1x16xf32> to vector<16xf32>
        %swap3A_549 = vector.shape_cast %mul3A_542 : vector<16xf32> to vector<1x1x16xf32>
        tpu.vector_store %arg11[%swap3A_544, %swap3A_545, %swap3A_546], %swap3A_549 {strides = array<i32>} : memref<5x64x128xf32, #tpu.memory_space<vmem>>, vector<1x1x16xf32>,
        %get3A_550 = arith.constant 4 : i32
        %get3A_551 = arith.index_cast %get3A_550 : i32 to index
        %get3A_552 = arith.index_cast %scan3A_102 : i32 to index
        %get3A_553 = arith.constant 0 : index
        %get3A_554 = tpu.vector_load %arg11[%get3A_551, %get3A_552, %get3A_553] {strides = array<i32>} : memref<5x64x128xf32, #tpu.memory_space<vmem>>, vector<1x1x16xf32>,
        %get3A_555 = vector.shape_cast %get3A_554 : vector<1x1x16xf32> to vector<16xf32>
        %mul3A_556 = arith.mulf %get3A_555, %get3A_94 : vector<16xf32>
        %swap3A_557 = arith.constant 4 : i32
        %swap3A_558 = arith.index_cast %swap3A_557 : i32 to index
        %swap3A_559 = arith.index_cast %scan3A_102 : i32 to index
        %swap3A_560 = arith.constant 0 : index
        %swap3A_561 = tpu.vector_load %arg11[%swap3A_558, %swap3A_559, %swap3A_560] {strides = array<i32>} : memref<5x64x128xf32, #tpu.memory_space<vmem>>, vector<1x1x16xf32>,
        %swap3A_562 = vector.shape_cast %swap3A_561 : vector<1x1x16xf32> to vector<16xf32>
        %swap3A_563 = vector.shape_cast %mul3A_556 : vector<16xf32> to vector<1x1x16xf32>
        tpu.vector_store %arg11[%swap3A_558, %swap3A_559, %swap3A_560], %swap3A_563 {strides = array<i32>} : memref<5x64x128xf32, #tpu.memory_space<vmem>>, vector<1x1x16xf32>,
        %get3A_564 = arith.constant 4 : i32
        %get3A_565 = arith.index_cast %get3A_564 : i32 to index
        %get3A_566 = arith.index_cast %scan3A_102 : i32 to index
        %get3A_567 = arith.constant 16 : index
        %get3A_568 = tpu.vector_load %arg11[%get3A_565, %get3A_566, %get3A_567] {strides = array<i32>} : memref<5x64x128xf32, #tpu.memory_space<vmem>>, vector<1x1x16xf32>,
        %get3A_569 = vector.shape_cast %get3A_568 : vector<1x1x16xf32> to vector<16xf32>
        %mul3A_570 = arith.mulf %get3A_569, %get3A_94 : vector<16xf32>
        %swap3A_571 = arith.constant 4 : i32
        %swap3A_572 = arith.index_cast %swap3A_571 : i32 to index
        %swap3A_573 = arith.index_cast %scan3A_102 : i32 to index
        %swap3A_574 = arith.constant 16 : index
        %swap3A_575 = tpu.vector_load %arg11[%swap3A_572, %swap3A_573, %swap3A_574] {strides = array<i32>} : memref<5x64x128xf32, #tpu.memory_space<vmem>>, vector<1x1x16xf32>,
        %swap3A_576 = vector.shape_cast %swap3A_575 : vector<1x1x16xf32> to vector<16xf32>
        %swap3A_577 = vector.shape_cast %mul3A_570 : vector<16xf32> to vector<1x1x16xf32>
        tpu.vector_store %arg11[%swap3A_572, %swap3A_573, %swap3A_574], %swap3A_577 {strides = array<i32>} : memref<5x64x128xf32, #tpu.memory_space<vmem>>, vector<1x1x16xf32>,
        %get3A_578 = arith.constant 4 : i32
        %get3A_579 = arith.index_cast %get3A_578 : i32 to index
        %get3A_580 = arith.index_cast %scan3A_102 : i32 to index
        %get3A_581 = arith.constant 32 : index
        %get3A_582 = tpu.vector_load %arg11[%get3A_579, %get3A_580, %get3A_581] {strides = array<i32>} : memref<5x64x128xf32, #tpu.memory_space<vmem>>, vector<1x1x16xf32>,
        %get3A_583 = vector.shape_cast %get3A_582 : vector<1x1x16xf32> to vector<16xf32>
        %mul3A_584 = arith.mulf %get3A_583, %get3A_94 : vector<16xf32>
        %swap3A_585 = arith.constant 4 : i32
        %swap3A_586 = arith.index_cast %swap3A_585 : i32 to index
        %swap3A_587 = arith.index_cast %scan3A_102 : i32 to index
        %swap3A_588 = arith.constant 32 : index
        %swap3A_589 = tpu.vector_load %arg11[%swap3A_586, %swap3A_587, %swap3A_588] {strides = array<i32>} : memref<5x64x128xf32, #tpu.memory_space<vmem>>, vector<1x1x16xf32>,
        %swap3A_590 = vector.shape_cast %swap3A_589 : vector<1x1x16xf32> to vector<16xf32>
        %swap3A_591 = vector.shape_cast %mul3A_584 : vector<16xf32> to vector<1x1x16xf32>
        tpu.vector_store %arg11[%swap3A_586, %swap3A_587, %swap3A_588], %swap3A_591 {strides = array<i32>} : memref<5x64x128xf32, #tpu.memory_space<vmem>>, vector<1x1x16xf32>,
        %get3A_592 = arith.constant 4 : i32
        %get3A_593 = arith.index_cast %get3A_592 : i32 to index
        %get3A_594 = arith.index_cast %scan3A_102 : i32 to index
        %get3A_595 = arith.constant 48 : index
        %get3A_596 = tpu.vector_load %arg11[%get3A_593, %get3A_594, %get3A_595] {strides = array<i32>} : memref<5x64x128xf32, #tpu.memory_space<vmem>>, vector<1x1x16xf32>,
        %get3A_597 = vector.shape_cast %get3A_596 : vector<1x1x16xf32> to vector<16xf32>
        %mul3A_598 = arith.mulf %get3A_597, %get3A_94 : vector<16xf32>
        %swap3A_599 = arith.constant 4 : i32
        %swap3A_600 = arith.index_cast %swap3A_599 : i32 to index
        %swap3A_601 = arith.index_cast %scan3A_102 : i32 to index
        %swap3A_602 = arith.constant 48 : index
        %swap3A_603 = tpu.vector_load %arg11[%swap3A_600, %swap3A_601, %swap3A_602] {strides = array<i32>} : memref<5x64x128xf32, #tpu.memory_space<vmem>>, vector<1x1x16xf32>,
        %swap3A_604 = vector.shape_cast %swap3A_603 : vector<1x1x16xf32> to vector<16xf32>
        %swap3A_605 = vector.shape_cast %mul3A_598 : vector<16xf32> to vector<1x1x16xf32>
        tpu.vector_store %arg11[%swap3A_600, %swap3A_601, %swap3A_602], %swap3A_605 {strides = array<i32>} : memref<5x64x128xf32, #tpu.memory_space<vmem>>, vector<1x1x16xf32>,
        %get3A_606 = arith.constant 4 : i32
        %get3A_607 = arith.index_cast %get3A_606 : i32 to index
        %get3A_608 = arith.index_cast %scan3A_102 : i32 to index
        %get3A_609 = arith.constant 64 : index
        %get3A_610 = tpu.vector_load %arg11[%get3A_607, %get3A_608, %get3A_609] {strides = array<i32>} : memref<5x64x128xf32, #tpu.memory_space<vmem>>, vector<1x1x16xf32>,
        %get3A_611 = vector.shape_cast %get3A_610 : vector<1x1x16xf32> to vector<16xf32>
        %mul3A_612 = arith.mulf %get3A_611, %get3A_94 : vector<16xf32>
        %swap3A_613 = arith.constant 4 : i32
        %swap3A_614 = arith.index_cast %swap3A_613 : i32 to index
        %swap3A_615 = arith.index_cast %scan3A_102 : i32 to index
        %swap3A_616 = arith.constant 64 : index
        %swap3A_617 = tpu.vector_load %arg11[%swap3A_614, %swap3A_615, %swap3A_616] {strides = array<i32>} : memref<5x64x128xf32, #tpu.memory_space<vmem>>, vector<1x1x16xf32>,
        %swap3A_618 = vector.shape_cast %swap3A_617 : vector<1x1x16xf32> to vector<16xf32>
        %swap3A_619 = vector.shape_cast %mul3A_612 : vector<16xf32> to vector<1x1x16xf32>
        tpu.vector_store %arg11[%swap3A_614, %swap3A_615, %swap3A_616], %swap3A_619 {strides = array<i32>} : memref<5x64x128xf32, #tpu.memory_space<vmem>>, vector<1x1x16xf32>,
        %get3A_620 = arith.constant 4 : i32
        %get3A_621 = arith.index_cast %get3A_620 : i32 to index
        %get3A_622 = arith.index_cast %scan3A_102 : i32 to index
        %get3A_623 = arith.constant 80 : index
        %get3A_624 = tpu.vector_load %arg11[%get3A_621, %get3A_622, %get3A_623] {strides = array<i32>} : memref<5x64x128xf32, #tpu.memory_space<vmem>>, vector<1x1x16xf32>,
        %get3A_625 = vector.shape_cast %get3A_624 : vector<1x1x16xf32> to vector<16xf32>
        %mul3A_626 = arith.mulf %get3A_625, %get3A_94 : vector<16xf32>
        %swap3A_627 = arith.constant 4 : i32
        %swap3A_628 = arith.index_cast %swap3A_627 : i32 to index
        %swap3A_629 = arith.index_cast %scan3A_102 : i32 to index
        %swap3A_630 = arith.constant 80 : index
        %swap3A_631 = tpu.vector_load %arg11[%swap3A_628, %swap3A_629, %swap3A_630] {strides = array<i32>} : memref<5x64x128xf32, #tpu.memory_space<vmem>>, vector<1x1x16xf32>,
        %swap3A_632 = vector.shape_cast %swap3A_631 : vector<1x1x16xf32> to vector<16xf32>
        %swap3A_633 = vector.shape_cast %mul3A_626 : vector<16xf32> to vector<1x1x16xf32>
        tpu.vector_store %arg11[%swap3A_628, %swap3A_629, %swap3A_630], %swap3A_633 {strides = array<i32>} : memref<5x64x128xf32, #tpu.memory_space<vmem>>, vector<1x1x16xf32>,
        %get3A_634 = arith.constant 4 : i32
        %get3A_635 = arith.index_cast %get3A_634 : i32 to index
        %get3A_636 = arith.index_cast %scan3A_102 : i32 to index
        %get3A_637 = arith.constant 96 : index
        %get3A_638 = tpu.vector_load %arg11[%get3A_635, %get3A_636, %get3A_637] {strides = array<i32>} : memref<5x64x128xf32, #tpu.memory_space<vmem>>, vector<1x1x16xf32>,
        %get3A_639 = vector.shape_cast %get3A_638 : vector<1x1x16xf32> to vector<16xf32>
        %mul3A_640 = arith.mulf %get3A_639, %get3A_94 : vector<16xf32>
        %swap3A_641 = arith.constant 4 : i32
        %swap3A_642 = arith.index_cast %swap3A_641 : i32 to index
        %swap3A_643 = arith.index_cast %scan3A_102 : i32 to index
        %swap3A_644 = arith.constant 96 : index
        %swap3A_645 = tpu.vector_load %arg11[%swap3A_642, %swap3A_643, %swap3A_644] {strides = array<i32>} : memref<5x64x128xf32, #tpu.memory_space<vmem>>, vector<1x1x16xf32>,
        %swap3A_646 = vector.shape_cast %swap3A_645 : vector<1x1x16xf32> to vector<16xf32>
        %swap3A_647 = vector.shape_cast %mul3A_640 : vector<16xf32> to vector<1x1x16xf32>
        tpu.vector_store %arg11[%swap3A_642, %swap3A_643, %swap3A_644], %swap3A_647 {strides = array<i32>} : memref<5x64x128xf32, #tpu.memory_space<vmem>>, vector<1x1x16xf32>,
        %get3A_648 = arith.constant 4 : i32
        %get3A_649 = arith.index_cast %get3A_648 : i32 to index
        %get3A_650 = arith.index_cast %scan3A_102 : i32 to index
        %get3A_651 = arith.constant 112 : index
        %get3A_652 = tpu.vector_load %arg11[%get3A_649, %get3A_650, %get3A_651] {strides = array<i32>} : memref<5x64x128xf32, #tpu.memory_space<vmem>>, vector<1x1x16xf32>,
        %get3A_653 = vector.shape_cast %get3A_652 : vector<1x1x16xf32> to vector<16xf32>
        %mul3A_654 = arith.mulf %get3A_653, %get3A_94 : vector<16xf32>
        %swap3A_655 = arith.constant 4 : i32
        %swap3A_656 = arith.index_cast %swap3A_655 : i32 to index
        %swap3A_657 = arith.index_cast %scan3A_102 : i32 to index
        %swap3A_658 = arith.constant 112 : index
        %swap3A_659 = tpu.vector_load %arg11[%swap3A_656, %swap3A_657, %swap3A_658] {strides = array<i32>} : memref<5x64x128xf32, #tpu.memory_space<vmem>>, vector<1x1x16xf32>,
        %swap3A_660 = vector.shape_cast %swap3A_659 : vector<1x1x16xf32> to vector<16xf32>
        %swap3A_661 = vector.shape_cast %mul3A_654 : vector<16xf32> to vector<1x1x16xf32>
        tpu.vector_store %arg11[%swap3A_656, %swap3A_657, %swap3A_658], %swap3A_661 {strides = array<i32>} : memref<5x64x128xf32, #tpu.memory_space<vmem>>, vector<1x1x16xf32>,
      }
      %scan3A_99 = arith.constant 64 : i32
      %mul3A_100 = arith.constant 5 : i32
      %mul3A_101 = arith.muli %add3A_55, %mul3A_100 : i32
      "tpu.region"() ({
        %run_scoped3A = tpu.sem_alloc : memref<!tpu.dma_semaphore, #tpu.memory_space<semaphore_mem>>
        %dma_start3A = arith.constant 0 : i32
        %dma_start3A_102 = arith.constant 0 : i32
        %dma_start3A_103 = tpu.memref_slice %arg5[%mul3A_101, %dma_start3A, %dma_start3A_102] : memref<800x64x128xf32, #tpu.memory_space<hbm>> -> memref<5x64x128xf32, #tpu.memory_space<hbm>>
        %dma_start3A_104 = arith.constant 0 : i32
        %dma_start3A_105 = arith.constant 0 : i32
        %dma_start3A_106 = tpu.memref_slice %arg5[%mul3A_101, %dma_start3A_104, %dma_start3A_105] : memref<800x64x128xf32, #tpu.memory_space<hbm>> -> memref<5x64x128xf32, #tpu.memory_space<hbm>>
        tpu.enqueue_dma source(%arg11 : memref<5x64x128xf32, #tpu.memory_space<vmem>>) target(%dma_start3A_106 : memref<5x64x128xf32, #tpu.memory_space<hbm>>) target_semaphore(%run_scoped3A : memref<!tpu.dma_semaphore, #tpu.memory_space<semaphore_mem>>)
        %dma_wait3A_107 = arith.constant 0 : i32
        %dma_wait3A_108 = arith.constant 0 : i32
        %dma_wait3A_109 = tpu.memref_slice %arg5[%mul3A_101, %dma_wait3A_107, %dma_wait3A_108] : memref<800x64x128xf32, #tpu.memory_space<hbm>> -> memref<5x64x128xf32, #tpu.memory_space<hbm>>
        %dma_wait3A_110 = arith.constant 0 : i32
        %dma_wait3A_111 = arith.constant 0 : i32
        %dma_wait3A_112 = tpu.memref_slice %arg5[%mul3A_101, %dma_wait3A_110, %dma_wait3A_111] : memref<800x64x128xf32, #tpu.memory_space<hbm>> -> memref<5x64x128xf32, #tpu.memory_space<hbm>>
        tpu.wait_dma2 semaphore(%run_scoped3A : memref<!tpu.dma_semaphore, #tpu.memory_space<semaphore_mem>>) src(%arg11 : memref<5x64x128xf32, #tpu.memory_space<vmem>>) dst(%dma_wait3A_112 : memref<5x64x128xf32, #tpu.memory_space<hbm>>)
        tpu.yield
      }) : () -> ()
    } else {
    }
    %add3A_61 = arith.constant 128 : i32
    %add3A_62 = arith.addi %add3A, %add3A_61 : i32
    %lt3A_63 = arith.constant 160 : i32
    %lt3A_64 = arith.cmpi slt, %add3A_62, %lt3A_63 : i32
    %convert_element_type3A_65 = arith.extui %lt3A_64 : i1 to i32
    %cond3A_66 = arith.constant 0 : i32
    %cond3A_67 = arith.cmpi ne, %convert_element_type3A_65, %cond3A_66 : i32
    scf.if %cond3A_67 {
      %dma_wait3A = arith.constant 0 : i32
      %dma_wait3A_68 = arith.constant 0 : i32
      %dma_wait3A_69 = arith.constant 0 : i32
      %dma_wait3A_70 = tpu.memref_slice %arg4[%dma_wait3A, %dma_wait3A_68, %dma_wait3A_69] : memref<1600x64x128xf32, #tpu.memory_space<hbm>> -> memref<1600x64x128xf32, #tpu.memory_space<hbm>>
      tpu.wait_indirect_dma semaphore(%arg12 : memref<!tpu.dma_semaphore, #tpu.memory_space<semaphore_mem>>) src(%dma_wait3A_70 : memref<1600x64x128xf32, #tpu.memory_space<hbm>>) dst(%arg10 : memref<5x64x128xf32, #tpu.memory_space<vmem>>)
      %get3A = arith.constant 0 : i32
      %get3A_71 = arith.index_cast %get3A : i32 to index
      %get3A_72 = arith.constant 0 : index
      %get3A_73 = tpu.vector_load %arg8[%get3A_71, %get3A_72] {strides = array<i32>} : memref<5x16xf32, #tpu.memory_space<vmem>>, vector<1x16xf32>,
      %get3A_74 = vector.shape_cast %get3A_73 : vector<1x16xf32> to vector<16xf32>
      %get3A_75 = arith.constant 1 : i32
      %get3A_76 = arith.index_cast %get3A_75 : i32 to index
      %get3A_77 = arith.constant 0 : index
      %get3A_78 = tpu.vector_load %arg8[%get3A_76, %get3A_77] {strides = array<i32>} : memref<5x16xf32, #tpu.memory_space<vmem>>, vector<1x16xf32>,
      %get3A_79 = vector.shape_cast %get3A_78 : vector<1x16xf32> to vector<16xf32>
      %get3A_80 = arith.constant 2 : i32
      %get3A_81 = arith.index_cast %get3A_80 : i32 to index
      %get3A_82 = arith.constant 0 : index
      %get3A_83 = tpu.vector_load %arg8[%get3A_81, %get3A_82] {strides = array<i32>} : memref<5x16xf32, #tpu.memory_space<vmem>>, vector<1x16xf32>,
      %get3A_84 = vector.shape_cast %get3A_83 : vector<1x16xf32> to vector<16xf32>
      %get3A_85 = arith.constant 3 : i32
      %get3A_86 = arith.index_cast %get3A_85 : i32 to index
      %get3A_87 = arith.constant 0 : index
      %get3A_88 = tpu.vector_load %arg8[%get3A_86, %get3A_87] {strides = array<i32>} : memref<5x16xf32, #tpu.memory_space<vmem>>, vector<1x16xf32>,
      %get3A_89 = vector.shape_cast %get3A_88 : vector<1x16xf32> to vector<16xf32>
      %get3A_90 = arith.constant 4 : i32
      %get3A_91 = arith.index_cast %get3A_90 : i32 to index
      %get3A_92 = arith.constant 0 : index
      %get3A_93 = tpu.vector_load %arg8[%get3A_91, %get3A_92] {strides = array<i32>} : memref<5x16xf32, #tpu.memory_space<vmem>>, vector<1x16xf32>,
      %get3A_94 = vector.shape_cast %get3A_93 : vector<1x16xf32> to vector<16xf32>
      %scan3A = arith.constant 0 : i32
      %scan3A_95 = arith.constant 0 : i32
      %scan3A_96 = arith.constant 64 : i32
      %scan3A_97 = arith.addi %scan3A_95, %scan3A_96 : i32
      %scan3A_98 = arith.constant 1 : i32
      scf.for %scan3A_102 = %scan3A_95 to %scan3A_97 step %scan3A_98  : i32 {
        %get3A_103 = arith.constant 0 : i32
        %get3A_104 = arith.index_cast %get3A_103 : i32 to index
        %get3A_105 = arith.index_cast %scan3A_102 : i32 to index
        %get3A_106 = arith.constant 0 : index
        %get3A_107 = tpu.vector_load %arg10[%get3A_104, %get3A_105, %get3A_106] {strides = array<i32>} : memref<5x64x128xf32, #tpu.memory_space<vmem>>, vector<1x1x16xf32>,
        %get3A_108 = vector.shape_cast %get3A_107 : vector<1x1x16xf32> to vector<16xf32>
        %mul3A_109 = arith.mulf %get3A_108, %get3A_74 : vector<16xf32>
        %swap3A = arith.constant 0 : i32
        %swap3A_110 = arith.index_cast %swap3A : i32 to index
        %swap3A_111 = arith.index_cast %scan3A_102 : i32 to index
        %swap3A_112 = arith.constant 0 : index
        %swap3A_113 = tpu.vector_load %arg10[%swap3A_110, %swap3A_111, %swap3A_112] {strides = array<i32>} : memref<5x64x128xf32, #tpu.memory_space<vmem>>, vector<1x1x16xf32>,
        %swap3A_114 = vector.shape_cast %swap3A_113 : vector<1x1x16xf32> to vector<16xf32>
        %swap3A_115 = vector.shape_cast %mul3A_109 : vector<16xf32> to vector<1x1x16xf32>
        tpu.vector_store %arg10[%swap3A_110, %swap3A_111, %swap3A_112], %swap3A_115 {strides = array<i32>} : memref<5x64x128xf32, #tpu.memory_space<vmem>>, vector<1x1x16xf32>,
        %get3A_116 = arith.constant 0 : i32
        %get3A_117 = arith.index_cast %get3A_116 : i32 to index
        %get3A_118 = arith.index_cast %scan3A_102 : i32 to index
        %get3A_119 = arith.constant 16 : index
        %get3A_120 = tpu.vector_load %arg10[%get3A_117, %get3A_118, %get3A_119] {strides = array<i32>} : memref<5x64x128xf32, #tpu.memory_space<vmem>>, vector<1x1x16xf32>,
        %get3A_121 = vector.shape_cast %get3A_120 : vector<1x1x16xf32> to vector<16xf32>
        %mul3A_122 = arith.mulf %get3A_121, %get3A_74 : vector<16xf32>
        %swap3A_123 = arith.constant 0 : i32
        %swap3A_124 = arith.index_cast %swap3A_123 : i32 to index
        %swap3A_125 = arith.index_cast %scan3A_102 : i32 to index
        %swap3A_126 = arith.constant 16 : index
        %swap3A_127 = tpu.vector_load %arg10[%swap3A_124, %swap3A_125, %swap3A_126] {strides = array<i32>} : memref<5x64x128xf32, #tpu.memory_space<vmem>>, vector<1x1x16xf32>,
        %swap3A_128 = vector.shape_cast %swap3A_127 : vector<1x1x16xf32> to vector<16xf32>
        %swap3A_129 = vector.shape_cast %mul3A_122 : vector<16xf32> to vector<1x1x16xf32>
        tpu.vector_store %arg10[%swap3A_124, %swap3A_125, %swap3A_126], %swap3A_129 {strides = array<i32>} : memref<5x64x128xf32, #tpu.memory_space<vmem>>, vector<1x1x16xf32>,
        %get3A_130 = arith.constant 0 : i32
        %get3A_131 = arith.index_cast %get3A_130 : i32 to index
        %get3A_132 = arith.index_cast %scan3A_102 : i32 to index
        %get3A_133 = arith.constant 32 : index
        %get3A_134 = tpu.vector_load %arg10[%get3A_131, %get3A_132, %get3A_133] {strides = array<i32>} : memref<5x64x128xf32, #tpu.memory_space<vmem>>, vector<1x1x16xf32>,
        %get3A_135 = vector.shape_cast %get3A_134 : vector<1x1x16xf32> to vector<16xf32>
        %mul3A_136 = arith.mulf %get3A_135, %get3A_74 : vector<16xf32>
        %swap3A_137 = arith.constant 0 : i32
        %swap3A_138 = arith.index_cast %swap3A_137 : i32 to index
        %swap3A_139 = arith.index_cast %scan3A_102 : i32 to index
        %swap3A_140 = arith.constant 32 : index
        %swap3A_141 = tpu.vector_load %arg10[%swap3A_138, %swap3A_139, %swap3A_140] {strides = array<i32>} : memref<5x64x128xf32, #tpu.memory_space<vmem>>, vector<1x1x16xf32>,
        %swap3A_142 = vector.shape_cast %swap3A_141 : vector<1x1x16xf32> to vector<16xf32>
        %swap3A_143 = vector.shape_cast %mul3A_136 : vector<16xf32> to vector<1x1x16xf32>
        tpu.vector_store %arg10[%swap3A_138, %swap3A_139, %swap3A_140], %swap3A_143 {strides = array<i32>} : memref<5x64x128xf32, #tpu.memory_space<vmem>>, vector<1x1x16xf32>,
        %get3A_144 = arith.constant 0 : i32
        %get3A_145 = arith.index_cast %get3A_144 : i32 to index
        %get3A_146 = arith.index_cast %scan3A_102 : i32 to index
        %get3A_147 = arith.constant 48 : index
        %get3A_148 = tpu.vector_load %arg10[%get3A_145, %get3A_146, %get3A_147] {strides = array<i32>} : memref<5x64x128xf32, #tpu.memory_space<vmem>>, vector<1x1x16xf32>,
        %get3A_149 = vector.shape_cast %get3A_148 : vector<1x1x16xf32> to vector<16xf32>
        %mul3A_150 = arith.mulf %get3A_149, %get3A_74 : vector<16xf32>
        %swap3A_151 = arith.constant 0 : i32
        %swap3A_152 = arith.index_cast %swap3A_151 : i32 to index
        %swap3A_153 = arith.index_cast %scan3A_102 : i32 to index
        %swap3A_154 = arith.constant 48 : index
        %swap3A_155 = tpu.vector_load %arg10[%swap3A_152, %swap3A_153, %swap3A_154] {strides = array<i32>} : memref<5x64x128xf32, #tpu.memory_space<vmem>>, vector<1x1x16xf32>,
        %swap3A_156 = vector.shape_cast %swap3A_155 : vector<1x1x16xf32> to vector<16xf32>
        %swap3A_157 = vector.shape_cast %mul3A_150 : vector<16xf32> to vector<1x1x16xf32>
        tpu.vector_store %arg10[%swap3A_152, %swap3A_153, %swap3A_154], %swap3A_157 {strides = array<i32>} : memref<5x64x128xf32, #tpu.memory_space<vmem>>, vector<1x1x16xf32>,
        %get3A_158 = arith.constant 0 : i32
        %get3A_159 = arith.index_cast %get3A_158 : i32 to index
        %get3A_160 = arith.index_cast %scan3A_102 : i32 to index
        %get3A_161 = arith.constant 64 : index
        %get3A_162 = tpu.vector_load %arg10[%get3A_159, %get3A_160, %get3A_161] {strides = array<i32>} : memref<5x64x128xf32, #tpu.memory_space<vmem>>, vector<1x1x16xf32>,
        %get3A_163 = vector.shape_cast %get3A_162 : vector<1x1x16xf32> to vector<16xf32>
        %mul3A_164 = arith.mulf %get3A_163, %get3A_74 : vector<16xf32>
        %swap3A_165 = arith.constant 0 : i32
        %swap3A_166 = arith.index_cast %swap3A_165 : i32 to index
        %swap3A_167 = arith.index_cast %scan3A_102 : i32 to index
        %swap3A_168 = arith.constant 64 : index
        %swap3A_169 = tpu.vector_load %arg10[%swap3A_166, %swap3A_167, %swap3A_168] {strides = array<i32>} : memref<5x64x128xf32, #tpu.memory_space<vmem>>, vector<1x1x16xf32>,
        %swap3A_170 = vector.shape_cast %swap3A_169 : vector<1x1x16xf32> to vector<16xf32>
        %swap3A_171 = vector.shape_cast %mul3A_164 : vector<16xf32> to vector<1x1x16xf32>
        tpu.vector_store %arg10[%swap3A_166, %swap3A_167, %swap3A_168], %swap3A_171 {strides = array<i32>} : memref<5x64x128xf32, #tpu.memory_space<vmem>>, vector<1x1x16xf32>,
        %get3A_172 = arith.constant 0 : i32
        %get3A_173 = arith.index_cast %get3A_172 : i32 to index
        %get3A_174 = arith.index_cast %scan3A_102 : i32 to index
        %get3A_175 = arith.constant 80 : index
        %get3A_176 = tpu.vector_load %arg10[%get3A_173, %get3A_174, %get3A_175] {strides = array<i32>} : memref<5x64x128xf32, #tpu.memory_space<vmem>>, vector<1x1x16xf32>,
        %get3A_177 = vector.shape_cast %get3A_176 : vector<1x1x16xf32> to vector<16xf32>
        %mul3A_178 = arith.mulf %get3A_177, %get3A_74 : vector<16xf32>
        %swap3A_179 = arith.constant 0 : i32
        %swap3A_180 = arith.index_cast %swap3A_179 : i32 to index
        %swap3A_181 = arith.index_cast %scan3A_102 : i32 to index
        %swap3A_182 = arith.constant 80 : index
        %swap3A_183 = tpu.vector_load %arg10[%swap3A_180, %swap3A_181, %swap3A_182] {strides = array<i32>} : memref<5x64x128xf32, #tpu.memory_space<vmem>>, vector<1x1x16xf32>,
        %swap3A_184 = vector.shape_cast %swap3A_183 : vector<1x1x16xf32> to vector<16xf32>
        %swap3A_185 = vector.shape_cast %mul3A_178 : vector<16xf32> to vector<1x1x16xf32>
        tpu.vector_store %arg10[%swap3A_180, %swap3A_181, %swap3A_182], %swap3A_185 {strides = array<i32>} : memref<5x64x128xf32, #tpu.memory_space<vmem>>, vector<1x1x16xf32>,
        %get3A_186 = arith.constant 0 : i32
        %get3A_187 = arith.index_cast %get3A_186 : i32 to index
        %get3A_188 = arith.index_cast %scan3A_102 : i32 to index
        %get3A_189 = arith.constant 96 : index
        %get3A_190 = tpu.vector_load %arg10[%get3A_187, %get3A_188, %get3A_189] {strides = array<i32>} : memref<5x64x128xf32, #tpu.memory_space<vmem>>, vector<1x1x16xf32>,
        %get3A_191 = vector.shape_cast %get3A_190 : vector<1x1x16xf32> to vector<16xf32>
        %mul3A_192 = arith.mulf %get3A_191, %get3A_74 : vector<16xf32>
        %swap3A_193 = arith.constant 0 : i32
        %swap3A_194 = arith.index_cast %swap3A_193 : i32 to index
        %swap3A_195 = arith.index_cast %scan3A_102 : i32 to index
        %swap3A_196 = arith.constant 96 : index
        %swap3A_197 = tpu.vector_load %arg10[%swap3A_194, %swap3A_195, %swap3A_196] {strides = array<i32>} : memref<5x64x128xf32, #tpu.memory_space<vmem>>, vector<1x1x16xf32>,
        %swap3A_198 = vector.shape_cast %swap3A_197 : vector<1x1x16xf32> to vector<16xf32>
        %swap3A_199 = vector.shape_cast %mul3A_192 : vector<16xf32> to vector<1x1x16xf32>
        tpu.vector_store %arg10[%swap3A_194, %swap3A_195, %swap3A_196], %swap3A_199 {strides = array<i32>} : memref<5x64x128xf32, #tpu.memory_space<vmem>>, vector<1x1x16xf32>,
        %get3A_200 = arith.constant 0 : i32
        %get3A_201 = arith.index_cast %get3A_200 : i32 to index
        %get3A_202 = arith.index_cast %scan3A_102 : i32 to index
        %get3A_203 = arith.constant 112 : index
        %get3A_204 = tpu.vector_load %arg10[%get3A_201, %get3A_202, %get3A_203] {strides = array<i32>} : memref<5x64x128xf32, #tpu.memory_space<vmem>>, vector<1x1x16xf32>,
        %get3A_205 = vector.shape_cast %get3A_204 : vector<1x1x16xf32> to vector<16xf32>
        %mul3A_206 = arith.mulf %get3A_205, %get3A_74 : vector<16xf32>
        %swap3A_207 = arith.constant 0 : i32
        %swap3A_208 = arith.index_cast %swap3A_207 : i32 to index
        %swap3A_209 = arith.index_cast %scan3A_102 : i32 to index
        %swap3A_210 = arith.constant 112 : index
        %swap3A_211 = tpu.vector_load %arg10[%swap3A_208, %swap3A_209, %swap3A_210] {strides = array<i32>} : memref<5x64x128xf32, #tpu.memory_space<vmem>>, vector<1x1x16xf32>,
        %swap3A_212 = vector.shape_cast %swap3A_211 : vector<1x1x16xf32> to vector<16xf32>
        %swap3A_213 = vector.shape_cast %mul3A_206 : vector<16xf32> to vector<1x1x16xf32>
        tpu.vector_store %arg10[%swap3A_208, %swap3A_209, %swap3A_210], %swap3A_213 {strides = array<i32>} : memref<5x64x128xf32, #tpu.memory_space<vmem>>, vector<1x1x16xf32>,
        %get3A_214 = arith.constant 1 : i32
        %get3A_215 = arith.index_cast %get3A_214 : i32 to index
        %get3A_216 = arith.index_cast %scan3A_102 : i32 to index
        %get3A_217 = arith.constant 0 : index
        %get3A_218 = tpu.vector_load %arg10[%get3A_215, %get3A_216, %get3A_217] {strides = array<i32>} : memref<5x64x128xf32, #tpu.memory_space<vmem>>, vector<1x1x16xf32>,
        %get3A_219 = vector.shape_cast %get3A_218 : vector<1x1x16xf32> to vector<16xf32>
        %mul3A_220 = arith.mulf %get3A_219, %get3A_79 : vector<16xf32>
        %swap3A_221 = arith.constant 1 : i32
        %swap3A_222 = arith.index_cast %swap3A_221 : i32 to index
        %swap3A_223 = arith.index_cast %scan3A_102 : i32 to index
        %swap3A_224 = arith.constant 0 : index
        %swap3A_225 = tpu.vector_load %arg10[%swap3A_222, %swap3A_223, %swap3A_224] {strides = array<i32>} : memref<5x64x128xf32, #tpu.memory_space<vmem>>, vector<1x1x16xf32>,
        %swap3A_226 = vector.shape_cast %swap3A_225 : vector<1x1x16xf32> to vector<16xf32>
        %swap3A_227 = vector.shape_cast %mul3A_220 : vector<16xf32> to vector<1x1x16xf32>
        tpu.vector_store %arg10[%swap3A_222, %swap3A_223, %swap3A_224], %swap3A_227 {strides = array<i32>} : memref<5x64x128xf32, #tpu.memory_space<vmem>>, vector<1x1x16xf32>,
        %get3A_228 = arith.constant 1 : i32
        %get3A_229 = arith.index_cast %get3A_228 : i32 to index
        %get3A_230 = arith.index_cast %scan3A_102 : i32 to index
        %get3A_231 = arith.constant 16 : index
        %get3A_232 = tpu.vector_load %arg10[%get3A_229, %get3A_230, %get3A_231] {strides = array<i32>} : memref<5x64x128xf32, #tpu.memory_space<vmem>>, vector<1x1x16xf32>,
        %get3A_233 = vector.shape_cast %get3A_232 : vector<1x1x16xf32> to vector<16xf32>
        %mul3A_234 = arith.mulf %get3A_233, %get3A_79 : vector<16xf32>
        %swap3A_235 = arith.constant 1 : i32
        %swap3A_236 = arith.index_cast %swap3A_235 : i32 to index
        %swap3A_237 = arith.index_cast %scan3A_102 : i32 to index
        %swap3A_238 = arith.constant 16 : index
        %swap3A_239 = tpu.vector_load %arg10[%swap3A_236, %swap3A_237, %swap3A_238] {strides = array<i32>} : memref<5x64x128xf32, #tpu.memory_space<vmem>>, vector<1x1x16xf32>,
        %swap3A_240 = vector.shape_cast %swap3A_239 : vector<1x1x16xf32> to vector<16xf32>
        %swap3A_241 = vector.shape_cast %mul3A_234 : vector<16xf32> to vector<1x1x16xf32>
        tpu.vector_store %arg10[%swap3A_236, %swap3A_237, %swap3A_238], %swap3A_241 {strides = array<i32>} : memref<5x64x128xf32, #tpu.memory_space<vmem>>, vector<1x1x16xf32>,
        %get3A_242 = arith.constant 1 : i32
        %get3A_243 = arith.index_cast %get3A_242 : i32 to index
        %get3A_244 = arith.index_cast %scan3A_102 : i32 to index
        %get3A_245 = arith.constant 32 : index
        %get3A_246 = tpu.vector_load %arg10[%get3A_243, %get3A_244, %get3A_245] {strides = array<i32>} : memref<5x64x128xf32, #tpu.memory_space<vmem>>, vector<1x1x16xf32>,
        %get3A_247 = vector.shape_cast %get3A_246 : vector<1x1x16xf32> to vector<16xf32>
        %mul3A_248 = arith.mulf %get3A_247, %get3A_79 : vector<16xf32>
        %swap3A_249 = arith.constant 1 : i32
        %swap3A_250 = arith.index_cast %swap3A_249 : i32 to index
        %swap3A_251 = arith.index_cast %scan3A_102 : i32 to index
        %swap3A_252 = arith.constant 32 : index
        %swap3A_253 = tpu.vector_load %arg10[%swap3A_250, %swap3A_251, %swap3A_252] {strides = array<i32>} : memref<5x64x128xf32, #tpu.memory_space<vmem>>, vector<1x1x16xf32>,
        %swap3A_254 = vector.shape_cast %swap3A_253 : vector<1x1x16xf32> to vector<16xf32>
        %swap3A_255 = vector.shape_cast %mul3A_248 : vector<16xf32> to vector<1x1x16xf32>
        tpu.vector_store %arg10[%swap3A_250, %swap3A_251, %swap3A_252], %swap3A_255 {strides = array<i32>} : memref<5x64x128xf32, #tpu.memory_space<vmem>>, vector<1x1x16xf32>,
        %get3A_256 = arith.constant 1 : i32
        %get3A_257 = arith.index_cast %get3A_256 : i32 to index
        %get3A_258 = arith.index_cast %scan3A_102 : i32 to index
        %get3A_259 = arith.constant 48 : index
        %get3A_260 = tpu.vector_load %arg10[%get3A_257, %get3A_258, %get3A_259] {strides = array<i32>} : memref<5x64x128xf32, #tpu.memory_space<vmem>>, vector<1x1x16xf32>,
        %get3A_261 = vector.shape_cast %get3A_260 : vector<1x1x16xf32> to vector<16xf32>
        %mul3A_262 = arith.mulf %get3A_261, %get3A_79 : vector<16xf32>
        %swap3A_263 = arith.constant 1 : i32
        %swap3A_264 = arith.index_cast %swap3A_263 : i32 to index
        %swap3A_265 = arith.index_cast %scan3A_102 : i32 to index
        %swap3A_266 = arith.constant 48 : index
        %swap3A_267 = tpu.vector_load %arg10[%swap3A_264, %swap3A_265, %swap3A_266] {strides = array<i32>} : memref<5x64x128xf32, #tpu.memory_space<vmem>>, vector<1x1x16xf32>,
        %swap3A_268 = vector.shape_cast %swap3A_267 : vector<1x1x16xf32> to vector<16xf32>
        %swap3A_269 = vector.shape_cast %mul3A_262 : vector<16xf32> to vector<1x1x16xf32>
        tpu.vector_store %arg10[%swap3A_264, %swap3A_265, %swap3A_266], %swap3A_269 {strides = array<i32>} : memref<5x64x128xf32, #tpu.memory_space<vmem>>, vector<1x1x16xf32>,
        %get3A_270 = arith.constant 1 : i32
        %get3A_271 = arith.index_cast %get3A_270 : i32 to index
        %get3A_272 = arith.index_cast %scan3A_102 : i32 to index
        %get3A_273 = arith.constant 64 : index
        %get3A_274 = tpu.vector_load %arg10[%get3A_271, %get3A_272, %get3A_273] {strides = array<i32>} : memref<5x64x128xf32, #tpu.memory_space<vmem>>, vector<1x1x16xf32>,
        %get3A_275 = vector.shape_cast %get3A_274 : vector<1x1x16xf32> to vector<16xf32>
        %mul3A_276 = arith.mulf %get3A_275, %get3A_79 : vector<16xf32>
        %swap3A_277 = arith.constant 1 : i32
        %swap3A_278 = arith.index_cast %swap3A_277 : i32 to index
        %swap3A_279 = arith.index_cast %scan3A_102 : i32 to index
        %swap3A_280 = arith.constant 64 : index
        %swap3A_281 = tpu.vector_load %arg10[%swap3A_278, %swap3A_279, %swap3A_280] {strides = array<i32>} : memref<5x64x128xf32, #tpu.memory_space<vmem>>, vector<1x1x16xf32>,
        %swap3A_282 = vector.shape_cast %swap3A_281 : vector<1x1x16xf32> to vector<16xf32>
        %swap3A_283 = vector.shape_cast %mul3A_276 : vector<16xf32> to vector<1x1x16xf32>
        tpu.vector_store %arg10[%swap3A_278, %swap3A_279, %swap3A_280], %swap3A_283 {strides = array<i32>} : memref<5x64x128xf32, #tpu.memory_space<vmem>>, vector<1x1x16xf32>,
        %get3A_284 = arith.constant 1 : i32
        %get3A_285 = arith.index_cast %get3A_284 : i32 to index
        %get3A_286 = arith.index_cast %scan3A_102 : i32 to index
        %get3A_287 = arith.constant 80 : index
        %get3A_288 = tpu.vector_load %arg10[%get3A_285, %get3A_286, %get3A_287] {strides = array<i32>} : memref<5x64x128xf32, #tpu.memory_space<vmem>>, vector<1x1x16xf32>,
        %get3A_289 = vector.shape_cast %get3A_288 : vector<1x1x16xf32> to vector<16xf32>
        %mul3A_290 = arith.mulf %get3A_289, %get3A_79 : vector<16xf32>
        %swap3A_291 = arith.constant 1 : i32
        %swap3A_292 = arith.index_cast %swap3A_291 : i32 to index
        %swap3A_293 = arith.index_cast %scan3A_102 : i32 to index
        %swap3A_294 = arith.constant 80 : index
        %swap3A_295 = tpu.vector_load %arg10[%swap3A_292, %swap3A_293, %swap3A_294] {strides = array<i32>} : memref<5x64x128xf32, #tpu.memory_space<vmem>>, vector<1x1x16xf32>,
        %swap3A_296 = vector.shape_cast %swap3A_295 : vector<1x1x16xf32> to vector<16xf32>
        %swap3A_297 = vector.shape_cast %mul3A_290 : vector<16xf32> to vector<1x1x16xf32>
        tpu.vector_store %arg10[%swap3A_292, %swap3A_293, %swap3A_294], %swap3A_297 {strides = array<i32>} : memref<5x64x128xf32, #tpu.memory_space<vmem>>, vector<1x1x16xf32>,
        %get3A_298 = arith.constant 1 : i32
        %get3A_299 = arith.index_cast %get3A_298 : i32 to index
        %get3A_300 = arith.index_cast %scan3A_102 : i32 to index
        %get3A_301 = arith.constant 96 : index
        %get3A_302 = tpu.vector_load %arg10[%get3A_299, %get3A_300, %get3A_301] {strides = array<i32>} : memref<5x64x128xf32, #tpu.memory_space<vmem>>, vector<1x1x16xf32>,
        %get3A_303 = vector.shape_cast %get3A_302 : vector<1x1x16xf32> to vector<16xf32>
        %mul3A_304 = arith.mulf %get3A_303, %get3A_79 : vector<16xf32>
        %swap3A_305 = arith.constant 1 : i32
        %swap3A_306 = arith.index_cast %swap3A_305 : i32 to index
        %swap3A_307 = arith.index_cast %scan3A_102 : i32 to index
        %swap3A_308 = arith.constant 96 : index
        %swap3A_309 = tpu.vector_load %arg10[%swap3A_306, %swap3A_307, %swap3A_308] {strides = array<i32>} : memref<5x64x128xf32, #tpu.memory_space<vmem>>, vector<1x1x16xf32>,
        %swap3A_310 = vector.shape_cast %swap3A_309 : vector<1x1x16xf32> to vector<16xf32>
        %swap3A_311 = vector.shape_cast %mul3A_304 : vector<16xf32> to vector<1x1x16xf32>
        tpu.vector_store %arg10[%swap3A_306, %swap3A_307, %swap3A_308], %swap3A_311 {strides = array<i32>} : memref<5x64x128xf32, #tpu.memory_space<vmem>>, vector<1x1x16xf32>,
        %get3A_312 = arith.constant 1 : i32
        %get3A_313 = arith.index_cast %get3A_312 : i32 to index
        %get3A_314 = arith.index_cast %scan3A_102 : i32 to index
        %get3A_315 = arith.constant 112 : index
        %get3A_316 = tpu.vector_load %arg10[%get3A_313, %get3A_314, %get3A_315] {strides = array<i32>} : memref<5x64x128xf32, #tpu.memory_space<vmem>>, vector<1x1x16xf32>,
        %get3A_317 = vector.shape_cast %get3A_316 : vector<1x1x16xf32> to vector<16xf32>
        %mul3A_318 = arith.mulf %get3A_317, %get3A_79 : vector<16xf32>
        %swap3A_319 = arith.constant 1 : i32
        %swap3A_320 = arith.index_cast %swap3A_319 : i32 to index
        %swap3A_321 = arith.index_cast %scan3A_102 : i32 to index
        %swap3A_322 = arith.constant 112 : index
        %swap3A_323 = tpu.vector_load %arg10[%swap3A_320, %swap3A_321, %swap3A_322] {strides = array<i32>} : memref<5x64x128xf32, #tpu.memory_space<vmem>>, vector<1x1x16xf32>,
        %swap3A_324 = vector.shape_cast %swap3A_323 : vector<1x1x16xf32> to vector<16xf32>
        %swap3A_325 = vector.shape_cast %mul3A_318 : vector<16xf32> to vector<1x1x16xf32>
        tpu.vector_store %arg10[%swap3A_320, %swap3A_321, %swap3A_322], %swap3A_325 {strides = array<i32>} : memref<5x64x128xf32, #tpu.memory_space<vmem>>, vector<1x1x16xf32>,
        %get3A_326 = arith.constant 2 : i32
        %get3A_327 = arith.index_cast %get3A_326 : i32 to index
        %get3A_328 = arith.index_cast %scan3A_102 : i32 to index
        %get3A_329 = arith.constant 0 : index
        %get3A_330 = tpu.vector_load %arg10[%get3A_327, %get3A_328, %get3A_329] {strides = array<i32>} : memref<5x64x128xf32, #tpu.memory_space<vmem>>, vector<1x1x16xf32>,
        %get3A_331 = vector.shape_cast %get3A_330 : vector<1x1x16xf32> to vector<16xf32>
        %mul3A_332 = arith.mulf %get3A_331, %get3A_84 : vector<16xf32>
        %swap3A_333 = arith.constant 2 : i32
        %swap3A_334 = arith.index_cast %swap3A_333 : i32 to index
        %swap3A_335 = arith.index_cast %scan3A_102 : i32 to index
        %swap3A_336 = arith.constant 0 : index
        %swap3A_337 = tpu.vector_load %arg10[%swap3A_334, %swap3A_335, %swap3A_336] {strides = array<i32>} : memref<5x64x128xf32, #tpu.memory_space<vmem>>, vector<1x1x16xf32>,
        %swap3A_338 = vector.shape_cast %swap3A_337 : vector<1x1x16xf32> to vector<16xf32>
        %swap3A_339 = vector.shape_cast %mul3A_332 : vector<16xf32> to vector<1x1x16xf32>
        tpu.vector_store %arg10[%swap3A_334, %swap3A_335, %swap3A_336], %swap3A_339 {strides = array<i32>} : memref<5x64x128xf32, #tpu.memory_space<vmem>>, vector<1x1x16xf32>,
        %get3A_340 = arith.constant 2 : i32
        %get3A_341 = arith.index_cast %get3A_340 : i32 to index
        %get3A_342 = arith.index_cast %scan3A_102 : i32 to index
        %get3A_343 = arith.constant 16 : index
        %get3A_344 = tpu.vector_load %arg10[%get3A_341, %get3A_342, %get3A_343] {strides = array<i32>} : memref<5x64x128xf32, #tpu.memory_space<vmem>>, vector<1x1x16xf32>,
        %get3A_345 = vector.shape_cast %get3A_344 : vector<1x1x16xf32> to vector<16xf32>
        %mul3A_346 = arith.mulf %get3A_345, %get3A_84 : vector<16xf32>
        %swap3A_347 = arith.constant 2 : i32
        %swap3A_348 = arith.index_cast %swap3A_347 : i32 to index
        %swap3A_349 = arith.index_cast %scan3A_102 : i32 to index
        %swap3A_350 = arith.constant 16 : index
        %swap3A_351 = tpu.vector_load %arg10[%swap3A_348, %swap3A_349, %swap3A_350] {strides = array<i32>} : memref<5x64x128xf32, #tpu.memory_space<vmem>>, vector<1x1x16xf32>,
        %swap3A_352 = vector.shape_cast %swap3A_351 : vector<1x1x16xf32> to vector<16xf32>
        %swap3A_353 = vector.shape_cast %mul3A_346 : vector<16xf32> to vector<1x1x16xf32>
        tpu.vector_store %arg10[%swap3A_348, %swap3A_349, %swap3A_350], %swap3A_353 {strides = array<i32>} : memref<5x64x128xf32, #tpu.memory_space<vmem>>, vector<1x1x16xf32>,
        %get3A_354 = arith.constant 2 : i32
        %get3A_355 = arith.index_cast %get3A_354 : i32 to index
        %get3A_356 = arith.index_cast %scan3A_102 : i32 to index
        %get3A_357 = arith.constant 32 : index
        %get3A_358 = tpu.vector_load %arg10[%get3A_355, %get3A_356, %get3A_357] {strides = array<i32>} : memref<5x64x128xf32, #tpu.memory_space<vmem>>, vector<1x1x16xf32>,
        %get3A_359 = vector.shape_cast %get3A_358 : vector<1x1x16xf32> to vector<16xf32>
        %mul3A_360 = arith.mulf %get3A_359, %get3A_84 : vector<16xf32>
        %swap3A_361 = arith.constant 2 : i32
        %swap3A_362 = arith.index_cast %swap3A_361 : i32 to index
        %swap3A_363 = arith.index_cast %scan3A_102 : i32 to index
        %swap3A_364 = arith.constant 32 : index
        %swap3A_365 = tpu.vector_load %arg10[%swap3A_362, %swap3A_363, %swap3A_364] {strides = array<i32>} : memref<5x64x128xf32, #tpu.memory_space<vmem>>, vector<1x1x16xf32>,
        %swap3A_366 = vector.shape_cast %swap3A_365 : vector<1x1x16xf32> to vector<16xf32>
        %swap3A_367 = vector.shape_cast %mul3A_360 : vector<16xf32> to vector<1x1x16xf32>
        tpu.vector_store %arg10[%swap3A_362, %swap3A_363, %swap3A_364], %swap3A_367 {strides = array<i32>} : memref<5x64x128xf32, #tpu.memory_space<vmem>>, vector<1x1x16xf32>,
        %get3A_368 = arith.constant 2 : i32
        %get3A_369 = arith.index_cast %get3A_368 : i32 to index
        %get3A_370 = arith.index_cast %scan3A_102 : i32 to index
        %get3A_371 = arith.constant 48 : index
        %get3A_372 = tpu.vector_load %arg10[%get3A_369, %get3A_370, %get3A_371] {strides = array<i32>} : memref<5x64x128xf32, #tpu.memory_space<vmem>>, vector<1x1x16xf32>,
        %get3A_373 = vector.shape_cast %get3A_372 : vector<1x1x16xf32> to vector<16xf32>
        %mul3A_374 = arith.mulf %get3A_373, %get3A_84 : vector<16xf32>
        %swap3A_375 = arith.constant 2 : i32
        %swap3A_376 = arith.index_cast %swap3A_375 : i32 to index
        %swap3A_377 = arith.index_cast %scan3A_102 : i32 to index
        %swap3A_378 = arith.constant 48 : index
        %swap3A_379 = tpu.vector_load %arg10[%swap3A_376, %swap3A_377, %swap3A_378] {strides = array<i32>} : memref<5x64x128xf32, #tpu.memory_space<vmem>>, vector<1x1x16xf32>,
        %swap3A_380 = vector.shape_cast %swap3A_379 : vector<1x1x16xf32> to vector<16xf32>
        %swap3A_381 = vector.shape_cast %mul3A_374 : vector<16xf32> to vector<1x1x16xf32>
        tpu.vector_store %arg10[%swap3A_376, %swap3A_377, %swap3A_378], %swap3A_381 {strides = array<i32>} : memref<5x64x128xf32, #tpu.memory_space<vmem>>, vector<1x1x16xf32>,
        %get3A_382 = arith.constant 2 : i32
        %get3A_383 = arith.index_cast %get3A_382 : i32 to index
        %get3A_384 = arith.index_cast %scan3A_102 : i32 to index
        %get3A_385 = arith.constant 64 : index
        %get3A_386 = tpu.vector_load %arg10[%get3A_383, %get3A_384, %get3A_385] {strides = array<i32>} : memref<5x64x128xf32, #tpu.memory_space<vmem>>, vector<1x1x16xf32>,
        %get3A_387 = vector.shape_cast %get3A_386 : vector<1x1x16xf32> to vector<16xf32>
        %mul3A_388 = arith.mulf %get3A_387, %get3A_84 : vector<16xf32>
        %swap3A_389 = arith.constant 2 : i32
        %swap3A_390 = arith.index_cast %swap3A_389 : i32 to index
        %swap3A_391 = arith.index_cast %scan3A_102 : i32 to index
        %swap3A_392 = arith.constant 64 : index
        %swap3A_393 = tpu.vector_load %arg10[%swap3A_390, %swap3A_391, %swap3A_392] {strides = array<i32>} : memref<5x64x128xf32, #tpu.memory_space<vmem>>, vector<1x1x16xf32>,
        %swap3A_394 = vector.shape_cast %swap3A_393 : vector<1x1x16xf32> to vector<16xf32>
        %swap3A_395 = vector.shape_cast %mul3A_388 : vector<16xf32> to vector<1x1x16xf32>
        tpu.vector_store %arg10[%swap3A_390, %swap3A_391, %swap3A_392], %swap3A_395 {strides = array<i32>} : memref<5x64x128xf32, #tpu.memory_space<vmem>>, vector<1x1x16xf32>,
        %get3A_396 = arith.constant 2 : i32
        %get3A_397 = arith.index_cast %get3A_396 : i32 to index
        %get3A_398 = arith.index_cast %scan3A_102 : i32 to index
        %get3A_399 = arith.constant 80 : index
        %get3A_400 = tpu.vector_load %arg10[%get3A_397, %get3A_398, %get3A_399] {strides = array<i32>} : memref<5x64x128xf32, #tpu.memory_space<vmem>>, vector<1x1x16xf32>,
        %get3A_401 = vector.shape_cast %get3A_400 : vector<1x1x16xf32> to vector<16xf32>
        %mul3A_402 = arith.mulf %get3A_401, %get3A_84 : vector<16xf32>
        %swap3A_403 = arith.constant 2 : i32
        %swap3A_404 = arith.index_cast %swap3A_403 : i32 to index
        %swap3A_405 = arith.index_cast %scan3A_102 : i32 to index
        %swap3A_406 = arith.constant 80 : index
        %swap3A_407 = tpu.vector_load %arg10[%swap3A_404, %swap3A_405, %swap3A_406] {strides = array<i32>} : memref<5x64x128xf32, #tpu.memory_space<vmem>>, vector<1x1x16xf32>,
        %swap3A_408 = vector.shape_cast %swap3A_407 : vector<1x1x16xf32> to vector<16xf32>
        %swap3A_409 = vector.shape_cast %mul3A_402 : vector<16xf32> to vector<1x1x16xf32>
        tpu.vector_store %arg10[%swap3A_404, %swap3A_405, %swap3A_406], %swap3A_409 {strides = array<i32>} : memref<5x64x128xf32, #tpu.memory_space<vmem>>, vector<1x1x16xf32>,
        %get3A_410 = arith.constant 2 : i32
        %get3A_411 = arith.index_cast %get3A_410 : i32 to index
        %get3A_412 = arith.index_cast %scan3A_102 : i32 to index
        %get3A_413 = arith.constant 96 : index
        %get3A_414 = tpu.vector_load %arg10[%get3A_411, %get3A_412, %get3A_413] {strides = array<i32>} : memref<5x64x128xf32, #tpu.memory_space<vmem>>, vector<1x1x16xf32>,
        %get3A_415 = vector.shape_cast %get3A_414 : vector<1x1x16xf32> to vector<16xf32>
        %mul3A_416 = arith.mulf %get3A_415, %get3A_84 : vector<16xf32>
        %swap3A_417 = arith.constant 2 : i32
        %swap3A_418 = arith.index_cast %swap3A_417 : i32 to index
        %swap3A_419 = arith.index_cast %scan3A_102 : i32 to index
        %swap3A_420 = arith.constant 96 : index
        %swap3A_421 = tpu.vector_load %arg10[%swap3A_418, %swap3A_419, %swap3A_420] {strides = array<i32>} : memref<5x64x128xf32, #tpu.memory_space<vmem>>, vector<1x1x16xf32>,
        %swap3A_422 = vector.shape_cast %swap3A_421 : vector<1x1x16xf32> to vector<16xf32>
        %swap3A_423 = vector.shape_cast %mul3A_416 : vector<16xf32> to vector<1x1x16xf32>
        tpu.vector_store %arg10[%swap3A_418, %swap3A_419, %swap3A_420], %swap3A_423 {strides = array<i32>} : memref<5x64x128xf32, #tpu.memory_space<vmem>>, vector<1x1x16xf32>,
        %get3A_424 = arith.constant 2 : i32
        %get3A_425 = arith.index_cast %get3A_424 : i32 to index
        %get3A_426 = arith.index_cast %scan3A_102 : i32 to index
        %get3A_427 = arith.constant 112 : index
        %get3A_428 = tpu.vector_load %arg10[%get3A_425, %get3A_426, %get3A_427] {strides = array<i32>} : memref<5x64x128xf32, #tpu.memory_space<vmem>>, vector<1x1x16xf32>,
        %get3A_429 = vector.shape_cast %get3A_428 : vector<1x1x16xf32> to vector<16xf32>
        %mul3A_430 = arith.mulf %get3A_429, %get3A_84 : vector<16xf32>
        %swap3A_431 = arith.constant 2 : i32
        %swap3A_432 = arith.index_cast %swap3A_431 : i32 to index
        %swap3A_433 = arith.index_cast %scan3A_102 : i32 to index
        %swap3A_434 = arith.constant 112 : index
        %swap3A_435 = tpu.vector_load %arg10[%swap3A_432, %swap3A_433, %swap3A_434] {strides = array<i32>} : memref<5x64x128xf32, #tpu.memory_space<vmem>>, vector<1x1x16xf32>,
        %swap3A_436 = vector.shape_cast %swap3A_435 : vector<1x1x16xf32> to vector<16xf32>
        %swap3A_437 = vector.shape_cast %mul3A_430 : vector<16xf32> to vector<1x1x16xf32>
        tpu.vector_store %arg10[%swap3A_432, %swap3A_433, %swap3A_434], %swap3A_437 {strides = array<i32>} : memref<5x64x128xf32, #tpu.memory_space<vmem>>, vector<1x1x16xf32>,
        %get3A_438 = arith.constant 3 : i32
        %get3A_439 = arith.index_cast %get3A_438 : i32 to index
        %get3A_440 = arith.index_cast %scan3A_102 : i32 to index
        %get3A_441 = arith.constant 0 : index
        %get3A_442 = tpu.vector_load %arg10[%get3A_439, %get3A_440, %get3A_441] {strides = array<i32>} : memref<5x64x128xf32, #tpu.memory_space<vmem>>, vector<1x1x16xf32>,
        %get3A_443 = vector.shape_cast %get3A_442 : vector<1x1x16xf32> to vector<16xf32>
        %mul3A_444 = arith.mulf %get3A_443, %get3A_89 : vector<16xf32>
        %swap3A_445 = arith.constant 3 : i32
        %swap3A_446 = arith.index_cast %swap3A_445 : i32 to index
        %swap3A_447 = arith.index_cast %scan3A_102 : i32 to index
        %swap3A_448 = arith.constant 0 : index
        %swap3A_449 = tpu.vector_load %arg10[%swap3A_446, %swap3A_447, %swap3A_448] {strides = array<i32>} : memref<5x64x128xf32, #tpu.memory_space<vmem>>, vector<1x1x16xf32>,
        %swap3A_450 = vector.shape_cast %swap3A_449 : vector<1x1x16xf32> to vector<16xf32>
        %swap3A_451 = vector.shape_cast %mul3A_444 : vector<16xf32> to vector<1x1x16xf32>
        tpu.vector_store %arg10[%swap3A_446, %swap3A_447, %swap3A_448], %swap3A_451 {strides = array<i32>} : memref<5x64x128xf32, #tpu.memory_space<vmem>>, vector<1x1x16xf32>,
        %get3A_452 = arith.constant 3 : i32
        %get3A_453 = arith.index_cast %get3A_452 : i32 to index
        %get3A_454 = arith.index_cast %scan3A_102 : i32 to index
        %get3A_455 = arith.constant 16 : index
        %get3A_456 = tpu.vector_load %arg10[%get3A_453, %get3A_454, %get3A_455] {strides = array<i32>} : memref<5x64x128xf32, #tpu.memory_space<vmem>>, vector<1x1x16xf32>,
        %get3A_457 = vector.shape_cast %get3A_456 : vector<1x1x16xf32> to vector<16xf32>
        %mul3A_458 = arith.mulf %get3A_457, %get3A_89 : vector<16xf32>
        %swap3A_459 = arith.constant 3 : i32
        %swap3A_460 = arith.index_cast %swap3A_459 : i32 to index
        %swap3A_461 = arith.index_cast %scan3A_102 : i32 to index
        %swap3A_462 = arith.constant 16 : index
        %swap3A_463 = tpu.vector_load %arg10[%swap3A_460, %swap3A_461, %swap3A_462] {strides = array<i32>} : memref<5x64x128xf32, #tpu.memory_space<vmem>>, vector<1x1x16xf32>,
        %swap3A_464 = vector.shape_cast %swap3A_463 : vector<1x1x16xf32> to vector<16xf32>
        %swap3A_465 = vector.shape_cast %mul3A_458 : vector<16xf32> to vector<1x1x16xf32>
        tpu.vector_store %arg10[%swap3A_460, %swap3A_461, %swap3A_462], %swap3A_465 {strides = array<i32>} : memref<5x64x128xf32, #tpu.memory_space<vmem>>, vector<1x1x16xf32>,
        %get3A_466 = arith.constant 3 : i32
        %get3A_467 = arith.index_cast %get3A_466 : i32 to index
        %get3A_468 = arith.index_cast %scan3A_102 : i32 to index
        %get3A_469 = arith.constant 32 : index
        %get3A_470 = tpu.vector_load %arg10[%get3A_467, %get3A_468, %get3A_469] {strides = array<i32>} : memref<5x64x128xf32, #tpu.memory_space<vmem>>, vector<1x1x16xf32>,
        %get3A_471 = vector.shape_cast %get3A_470 : vector<1x1x16xf32> to vector<16xf32>
        %mul3A_472 = arith.mulf %get3A_471, %get3A_89 : vector<16xf32>
        %swap3A_473 = arith.constant 3 : i32
        %swap3A_474 = arith.index_cast %swap3A_473 : i32 to index
        %swap3A_475 = arith.index_cast %scan3A_102 : i32 to index
        %swap3A_476 = arith.constant 32 : index
        %swap3A_477 = tpu.vector_load %arg10[%swap3A_474, %swap3A_475, %swap3A_476] {strides = array<i32>} : memref<5x64x128xf32, #tpu.memory_space<vmem>>, vector<1x1x16xf32>,
        %swap3A_478 = vector.shape_cast %swap3A_477 : vector<1x1x16xf32> to vector<16xf32>
        %swap3A_479 = vector.shape_cast %mul3A_472 : vector<16xf32> to vector<1x1x16xf32>
        tpu.vector_store %arg10[%swap3A_474, %swap3A_475, %swap3A_476], %swap3A_479 {strides = array<i32>} : memref<5x64x128xf32, #tpu.memory_space<vmem>>, vector<1x1x16xf32>,
        %get3A_480 = arith.constant 3 : i32
        %get3A_481 = arith.index_cast %get3A_480 : i32 to index
        %get3A_482 = arith.index_cast %scan3A_102 : i32 to index
        %get3A_483 = arith.constant 48 : index
        %get3A_484 = tpu.vector_load %arg10[%get3A_481, %get3A_482, %get3A_483] {strides = array<i32>} : memref<5x64x128xf32, #tpu.memory_space<vmem>>, vector<1x1x16xf32>,
        %get3A_485 = vector.shape_cast %get3A_484 : vector<1x1x16xf32> to vector<16xf32>
        %mul3A_486 = arith.mulf %get3A_485, %get3A_89 : vector<16xf32>
        %swap3A_487 = arith.constant 3 : i32
        %swap3A_488 = arith.index_cast %swap3A_487 : i32 to index
        %swap3A_489 = arith.index_cast %scan3A_102 : i32 to index
        %swap3A_490 = arith.constant 48 : index
        %swap3A_491 = tpu.vector_load %arg10[%swap3A_488, %swap3A_489, %swap3A_490] {strides = array<i32>} : memref<5x64x128xf32, #tpu.memory_space<vmem>>, vector<1x1x16xf32>,
        %swap3A_492 = vector.shape_cast %swap3A_491 : vector<1x1x16xf32> to vector<16xf32>
        %swap3A_493 = vector.shape_cast %mul3A_486 : vector<16xf32> to vector<1x1x16xf32>
        tpu.vector_store %arg10[%swap3A_488, %swap3A_489, %swap3A_490], %swap3A_493 {strides = array<i32>} : memref<5x64x128xf32, #tpu.memory_space<vmem>>, vector<1x1x16xf32>,
        %get3A_494 = arith.constant 3 : i32
        %get3A_495 = arith.index_cast %get3A_494 : i32 to index
        %get3A_496 = arith.index_cast %scan3A_102 : i32 to index
        %get3A_497 = arith.constant 64 : index
        %get3A_498 = tpu.vector_load %arg10[%get3A_495, %get3A_496, %get3A_497] {strides = array<i32>} : memref<5x64x128xf32, #tpu.memory_space<vmem>>, vector<1x1x16xf32>,
        %get3A_499 = vector.shape_cast %get3A_498 : vector<1x1x16xf32> to vector<16xf32>
        %mul3A_500 = arith.mulf %get3A_499, %get3A_89 : vector<16xf32>
        %swap3A_501 = arith.constant 3 : i32
        %swap3A_502 = arith.index_cast %swap3A_501 : i32 to index
        %swap3A_503 = arith.index_cast %scan3A_102 : i32 to index
        %swap3A_504 = arith.constant 64 : index
        %swap3A_505 = tpu.vector_load %arg10[%swap3A_502, %swap3A_503, %swap3A_504] {strides = array<i32>} : memref<5x64x128xf32, #tpu.memory_space<vmem>>, vector<1x1x16xf32>,
        %swap3A_506 = vector.shape_cast %swap3A_505 : vector<1x1x16xf32> to vector<16xf32>
        %swap3A_507 = vector.shape_cast %mul3A_500 : vector<16xf32> to vector<1x1x16xf32>
        tpu.vector_store %arg10[%swap3A_502, %swap3A_503, %swap3A_504], %swap3A_507 {strides = array<i32>} : memref<5x64x128xf32, #tpu.memory_space<vmem>>, vector<1x1x16xf32>,
        %get3A_508 = arith.constant 3 : i32
        %get3A_509 = arith.index_cast %get3A_508 : i32 to index
        %get3A_510 = arith.index_cast %scan3A_102 : i32 to index
        %get3A_511 = arith.constant 80 : index
        %get3A_512 = tpu.vector_load %arg10[%get3A_509, %get3A_510, %get3A_511] {strides = array<i32>} : memref<5x64x128xf32, #tpu.memory_space<vmem>>, vector<1x1x16xf32>,
        %get3A_513 = vector.shape_cast %get3A_512 : vector<1x1x16xf32> to vector<16xf32>
        %mul3A_514 = arith.mulf %get3A_513, %get3A_89 : vector<16xf32>
        %swap3A_515 = arith.constant 3 : i32
        %swap3A_516 = arith.index_cast %swap3A_515 : i32 to index
        %swap3A_517 = arith.index_cast %scan3A_102 : i32 to index
        %swap3A_518 = arith.constant 80 : index
        %swap3A_519 = tpu.vector_load %arg10[%swap3A_516, %swap3A_517, %swap3A_518] {strides = array<i32>} : memref<5x64x128xf32, #tpu.memory_space<vmem>>, vector<1x1x16xf32>,
        %swap3A_520 = vector.shape_cast %swap3A_519 : vector<1x1x16xf32> to vector<16xf32>
        %swap3A_521 = vector.shape_cast %mul3A_514 : vector<16xf32> to vector<1x1x16xf32>
        tpu.vector_store %arg10[%swap3A_516, %swap3A_517, %swap3A_518], %swap3A_521 {strides = array<i32>} : memref<5x64x128xf32, #tpu.memory_space<vmem>>, vector<1x1x16xf32>,
        %get3A_522 = arith.constant 3 : i32
        %get3A_523 = arith.index_cast %get3A_522 : i32 to index
        %get3A_524 = arith.index_cast %scan3A_102 : i32 to index
        %get3A_525 = arith.constant 96 : index
        %get3A_526 = tpu.vector_load %arg10[%get3A_523, %get3A_524, %get3A_525] {strides = array<i32>} : memref<5x64x128xf32, #tpu.memory_space<vmem>>, vector<1x1x16xf32>,
        %get3A_527 = vector.shape_cast %get3A_526 : vector<1x1x16xf32> to vector<16xf32>
        %mul3A_528 = arith.mulf %get3A_527, %get3A_89 : vector<16xf32>
        %swap3A_529 = arith.constant 3 : i32
        %swap3A_530 = arith.index_cast %swap3A_529 : i32 to index
        %swap3A_531 = arith.index_cast %scan3A_102 : i32 to index
        %swap3A_532 = arith.constant 96 : index
        %swap3A_533 = tpu.vector_load %arg10[%swap3A_530, %swap3A_531, %swap3A_532] {strides = array<i32>} : memref<5x64x128xf32, #tpu.memory_space<vmem>>, vector<1x1x16xf32>,
        %swap3A_534 = vector.shape_cast %swap3A_533 : vector<1x1x16xf32> to vector<16xf32>
        %swap3A_535 = vector.shape_cast %mul3A_528 : vector<16xf32> to vector<1x1x16xf32>
        tpu.vector_store %arg10[%swap3A_530, %swap3A_531, %swap3A_532], %swap3A_535 {strides = array<i32>} : memref<5x64x128xf32, #tpu.memory_space<vmem>>, vector<1x1x16xf32>,
        %get3A_536 = arith.constant 3 : i32
        %get3A_537 = arith.index_cast %get3A_536 : i32 to index
        %get3A_538 = arith.index_cast %scan3A_102 : i32 to index
        %get3A_539 = arith.constant 112 : index
        %get3A_540 = tpu.vector_load %arg10[%get3A_537, %get3A_538, %get3A_539] {strides = array<i32>} : memref<5x64x128xf32, #tpu.memory_space<vmem>>, vector<1x1x16xf32>,
        %get3A_541 = vector.shape_cast %get3A_540 : vector<1x1x16xf32> to vector<16xf32>
        %mul3A_542 = arith.mulf %get3A_541, %get3A_89 : vector<16xf32>
        %swap3A_543 = arith.constant 3 : i32
        %swap3A_544 = arith.index_cast %swap3A_543 : i32 to index
        %swap3A_545 = arith.index_cast %scan3A_102 : i32 to index
        %swap3A_546 = arith.constant 112 : index
        %swap3A_547 = tpu.vector_load %arg10[%swap3A_544, %swap3A_545, %swap3A_546] {strides = array<i32>} : memref<5x64x128xf32, #tpu.memory_space<vmem>>, vector<1x1x16xf32>,
        %swap3A_548 = vector.shape_cast %swap3A_547 : vector<1x1x16xf32> to vector<16xf32>
        %swap3A_549 = vector.shape_cast %mul3A_542 : vector<16xf32> to vector<1x1x16xf32>
        tpu.vector_store %arg10[%swap3A_544, %swap3A_545, %swap3A_546], %swap3A_549 {strides = array<i32>} : memref<5x64x128xf32, #tpu.memory_space<vmem>>, vector<1x1x16xf32>,
        %get3A_550 = arith.constant 4 : i32
        %get3A_551 = arith.index_cast %get3A_550 : i32 to index
        %get3A_552 = arith.index_cast %scan3A_102 : i32 to index
        %get3A_553 = arith.constant 0 : index
        %get3A_554 = tpu.vector_load %arg10[%get3A_551, %get3A_552, %get3A_553] {strides = array<i32>} : memref<5x64x128xf32, #tpu.memory_space<vmem>>, vector<1x1x16xf32>,
        %get3A_555 = vector.shape_cast %get3A_554 : vector<1x1x16xf32> to vector<16xf32>
        %mul3A_556 = arith.mulf %get3A_555, %get3A_94 : vector<16xf32>
        %swap3A_557 = arith.constant 4 : i32
        %swap3A_558 = arith.index_cast %swap3A_557 : i32 to index
        %swap3A_559 = arith.index_cast %scan3A_102 : i32 to index
        %swap3A_560 = arith.constant 0 : index
        %swap3A_561 = tpu.vector_load %arg10[%swap3A_558, %swap3A_559, %swap3A_560] {strides = array<i32>} : memref<5x64x128xf32, #tpu.memory_space<vmem>>, vector<1x1x16xf32>,
        %swap3A_562 = vector.shape_cast %swap3A_561 : vector<1x1x16xf32> to vector<16xf32>
        %swap3A_563 = vector.shape_cast %mul3A_556 : vector<16xf32> to vector<1x1x16xf32>
        tpu.vector_store %arg10[%swap3A_558, %swap3A_559, %swap3A_560], %swap3A_563 {strides = array<i32>} : memref<5x64x128xf32, #tpu.memory_space<vmem>>, vector<1x1x16xf32>,
        %get3A_564 = arith.constant 4 : i32
        %get3A_565 = arith.index_cast %get3A_564 : i32 to index
        %get3A_566 = arith.index_cast %scan3A_102 : i32 to index
        %get3A_567 = arith.constant 16 : index
        %get3A_568 = tpu.vector_load %arg10[%get3A_565, %get3A_566, %get3A_567] {strides = array<i32>} : memref<5x64x128xf32, #tpu.memory_space<vmem>>, vector<1x1x16xf32>,
        %get3A_569 = vector.shape_cast %get3A_568 : vector<1x1x16xf32> to vector<16xf32>
        %mul3A_570 = arith.mulf %get3A_569, %get3A_94 : vector<16xf32>
        %swap3A_571 = arith.constant 4 : i32
        %swap3A_572 = arith.index_cast %swap3A_571 : i32 to index
        %swap3A_573 = arith.index_cast %scan3A_102 : i32 to index
        %swap3A_574 = arith.constant 16 : index
        %swap3A_575 = tpu.vector_load %arg10[%swap3A_572, %swap3A_573, %swap3A_574] {strides = array<i32>} : memref<5x64x128xf32, #tpu.memory_space<vmem>>, vector<1x1x16xf32>,
        %swap3A_576 = vector.shape_cast %swap3A_575 : vector<1x1x16xf32> to vector<16xf32>
        %swap3A_577 = vector.shape_cast %mul3A_570 : vector<16xf32> to vector<1x1x16xf32>
        tpu.vector_store %arg10[%swap3A_572, %swap3A_573, %swap3A_574], %swap3A_577 {strides = array<i32>} : memref<5x64x128xf32, #tpu.memory_space<vmem>>, vector<1x1x16xf32>,
        %get3A_578 = arith.constant 4 : i32
        %get3A_579 = arith.index_cast %get3A_578 : i32 to index
        %get3A_580 = arith.index_cast %scan3A_102 : i32 to index
        %get3A_581 = arith.constant 32 : index
        %get3A_582 = tpu.vector_load %arg10[%get3A_579, %get3A_580, %get3A_581] {strides = array<i32>} : memref<5x64x128xf32, #tpu.memory_space<vmem>>, vector<1x1x16xf32>,
        %get3A_583 = vector.shape_cast %get3A_582 : vector<1x1x16xf32> to vector<16xf32>
        %mul3A_584 = arith.mulf %get3A_583, %get3A_94 : vector<16xf32>
        %swap3A_585 = arith.constant 4 : i32
        %swap3A_586 = arith.index_cast %swap3A_585 : i32 to index
        %swap3A_587 = arith.index_cast %scan3A_102 : i32 to index
        %swap3A_588 = arith.constant 32 : index
        %swap3A_589 = tpu.vector_load %arg10[%swap3A_586, %swap3A_587, %swap3A_588] {strides = array<i32>} : memref<5x64x128xf32, #tpu.memory_space<vmem>>, vector<1x1x16xf32>,
        %swap3A_590 = vector.shape_cast %swap3A_589 : vector<1x1x16xf32> to vector<16xf32>
        %swap3A_591 = vector.shape_cast %mul3A_584 : vector<16xf32> to vector<1x1x16xf32>
        tpu.vector_store %arg10[%swap3A_586, %swap3A_587, %swap3A_588], %swap3A_591 {strides = array<i32>} : memref<5x64x128xf32, #tpu.memory_space<vmem>>, vector<1x1x16xf32>,
        %get3A_592 = arith.constant 4 : i32
        %get3A_593 = arith.index_cast %get3A_592 : i32 to index
        %get3A_594 = arith.index_cast %scan3A_102 : i32 to index
        %get3A_595 = arith.constant 48 : index
        %get3A_596 = tpu.vector_load %arg10[%get3A_593, %get3A_594, %get3A_595] {strides = array<i32>} : memref<5x64x128xf32, #tpu.memory_space<vmem>>, vector<1x1x16xf32>,
        %get3A_597 = vector.shape_cast %get3A_596 : vector<1x1x16xf32> to vector<16xf32>
        %mul3A_598 = arith.mulf %get3A_597, %get3A_94 : vector<16xf32>
        %swap3A_599 = arith.constant 4 : i32
        %swap3A_600 = arith.index_cast %swap3A_599 : i32 to index
        %swap3A_601 = arith.index_cast %scan3A_102 : i32 to index
        %swap3A_602 = arith.constant 48 : index
        %swap3A_603 = tpu.vector_load %arg10[%swap3A_600, %swap3A_601, %swap3A_602] {strides = array<i32>} : memref<5x64x128xf32, #tpu.memory_space<vmem>>, vector<1x1x16xf32>,
        %swap3A_604 = vector.shape_cast %swap3A_603 : vector<1x1x16xf32> to vector<16xf32>
        %swap3A_605 = vector.shape_cast %mul3A_598 : vector<16xf32> to vector<1x1x16xf32>
        tpu.vector_store %arg10[%swap3A_600, %swap3A_601, %swap3A_602], %swap3A_605 {strides = array<i32>} : memref<5x64x128xf32, #tpu.memory_space<vmem>>, vector<1x1x16xf32>,
        %get3A_606 = arith.constant 4 : i32
        %get3A_607 = arith.index_cast %get3A_606 : i32 to index
        %get3A_608 = arith.index_cast %scan3A_102 : i32 to index
        %get3A_609 = arith.constant 64 : index
        %get3A_610 = tpu.vector_load %arg10[%get3A_607, %get3A_608, %get3A_609] {strides = array<i32>} : memref<5x64x128xf32, #tpu.memory_space<vmem>>, vector<1x1x16xf32>,
        %get3A_611 = vector.shape_cast %get3A_610 : vector<1x1x16xf32> to vector<16xf32>
        %mul3A_612 = arith.mulf %get3A_611, %get3A_94 : vector<16xf32>
        %swap3A_613 = arith.constant 4 : i32
        %swap3A_614 = arith.index_cast %swap3A_613 : i32 to index
        %swap3A_615 = arith.index_cast %scan3A_102 : i32 to index
        %swap3A_616 = arith.constant 64 : index
        %swap3A_617 = tpu.vector_load %arg10[%swap3A_614, %swap3A_615, %swap3A_616] {strides = array<i32>} : memref<5x64x128xf32, #tpu.memory_space<vmem>>, vector<1x1x16xf32>,
        %swap3A_618 = vector.shape_cast %swap3A_617 : vector<1x1x16xf32> to vector<16xf32>
        %swap3A_619 = vector.shape_cast %mul3A_612 : vector<16xf32> to vector<1x1x16xf32>
        tpu.vector_store %arg10[%swap3A_614, %swap3A_615, %swap3A_616], %swap3A_619 {strides = array<i32>} : memref<5x64x128xf32, #tpu.memory_space<vmem>>, vector<1x1x16xf32>,
        %get3A_620 = arith.constant 4 : i32
        %get3A_621 = arith.index_cast %get3A_620 : i32 to index
        %get3A_622 = arith.index_cast %scan3A_102 : i32 to index
        %get3A_623 = arith.constant 80 : index
        %get3A_624 = tpu.vector_load %arg10[%get3A_621, %get3A_622, %get3A_623] {strides = array<i32>} : memref<5x64x128xf32, #tpu.memory_space<vmem>>, vector<1x1x16xf32>,
        %get3A_625 = vector.shape_cast %get3A_624 : vector<1x1x16xf32> to vector<16xf32>
        %mul3A_626 = arith.mulf %get3A_625, %get3A_94 : vector<16xf32>
        %swap3A_627 = arith.constant 4 : i32
        %swap3A_628 = arith.index_cast %swap3A_627 : i32 to index
        %swap3A_629 = arith.index_cast %scan3A_102 : i32 to index
        %swap3A_630 = arith.constant 80 : index
        %swap3A_631 = tpu.vector_load %arg10[%swap3A_628, %swap3A_629, %swap3A_630] {strides = array<i32>} : memref<5x64x128xf32, #tpu.memory_space<vmem>>, vector<1x1x16xf32>,
        %swap3A_632 = vector.shape_cast %swap3A_631 : vector<1x1x16xf32> to vector<16xf32>
        %swap3A_633 = vector.shape_cast %mul3A_626 : vector<16xf32> to vector<1x1x16xf32>
        tpu.vector_store %arg10[%swap3A_628, %swap3A_629, %swap3A_630], %swap3A_633 {strides = array<i32>} : memref<5x64x128xf32, #tpu.memory_space<vmem>>, vector<1x1x16xf32>,
        %get3A_634 = arith.constant 4 : i32
        %get3A_635 = arith.index_cast %get3A_634 : i32 to index
        %get3A_636 = arith.index_cast %scan3A_102 : i32 to index
        %get3A_637 = arith.constant 96 : index
        %get3A_638 = tpu.vector_load %arg10[%get3A_635, %get3A_636, %get3A_637] {strides = array<i32>} : memref<5x64x128xf32, #tpu.memory_space<vmem>>, vector<1x1x16xf32>,
        %get3A_639 = vector.shape_cast %get3A_638 : vector<1x1x16xf32> to vector<16xf32>
        %mul3A_640 = arith.mulf %get3A_639, %get3A_94 : vector<16xf32>
        %swap3A_641 = arith.constant 4 : i32
        %swap3A_642 = arith.index_cast %swap3A_641 : i32 to index
        %swap3A_643 = arith.index_cast %scan3A_102 : i32 to index
        %swap3A_644 = arith.constant 96 : index
        %swap3A_645 = tpu.vector_load %arg10[%swap3A_642, %swap3A_643, %swap3A_644] {strides = array<i32>} : memref<5x64x128xf32, #tpu.memory_space<vmem>>, vector<1x1x16xf32>,
        %swap3A_646 = vector.shape_cast %swap3A_645 : vector<1x1x16xf32> to vector<16xf32>
        %swap3A_647 = vector.shape_cast %mul3A_640 : vector<16xf32> to vector<1x1x16xf32>
        tpu.vector_store %arg10[%swap3A_642, %swap3A_643, %swap3A_644], %swap3A_647 {strides = array<i32>} : memref<5x64x128xf32, #tpu.memory_space<vmem>>, vector<1x1x16xf32>,
        %get3A_648 = arith.constant 4 : i32
        %get3A_649 = arith.index_cast %get3A_648 : i32 to index
        %get3A_650 = arith.index_cast %scan3A_102 : i32 to index
        %get3A_651 = arith.constant 112 : index
        %get3A_652 = tpu.vector_load %arg10[%get3A_649, %get3A_650, %get3A_651] {strides = array<i32>} : memref<5x64x128xf32, #tpu.memory_space<vmem>>, vector<1x1x16xf32>,
        %get3A_653 = vector.shape_cast %get3A_652 : vector<1x1x16xf32> to vector<16xf32>
        %mul3A_654 = arith.mulf %get3A_653, %get3A_94 : vector<16xf32>
        %swap3A_655 = arith.constant 4 : i32
        %swap3A_656 = arith.index_cast %swap3A_655 : i32 to index
        %swap3A_657 = arith.index_cast %scan3A_102 : i32 to index
        %swap3A_658 = arith.constant 112 : index
        %swap3A_659 = tpu.vector_load %arg10[%swap3A_656, %swap3A_657, %swap3A_658] {strides = array<i32>} : memref<5x64x128xf32, #tpu.memory_space<vmem>>, vector<1x1x16xf32>,
        %swap3A_660 = vector.shape_cast %swap3A_659 : vector<1x1x16xf32> to vector<16xf32>
        %swap3A_661 = vector.shape_cast %mul3A_654 : vector<16xf32> to vector<1x1x16xf32>
        tpu.vector_store %arg10[%swap3A_656, %swap3A_657, %swap3A_658], %swap3A_661 {strides = array<i32>} : memref<5x64x128xf32, #tpu.memory_space<vmem>>, vector<1x1x16xf32>,
      }
      %scan3A_99 = arith.constant 64 : i32
      %mul3A_100 = arith.constant 5 : i32
      %mul3A_101 = arith.muli %add3A_62, %mul3A_100 : i32
      "tpu.region"() ({
        %run_scoped3A = tpu.sem_alloc : memref<!tpu.dma_semaphore, #tpu.memory_space<semaphore_mem>>
        %dma_start3A = arith.constant 0 : i32
        %dma_start3A_102 = arith.constant 0 : i32
        %dma_start3A_103 = tpu.memref_slice %arg5[%mul3A_101, %dma_start3A, %dma_start3A_102] : memref<800x64x128xf32, #tpu.memory_space<hbm>> -> memref<5x64x128xf32, #tpu.memory_space<hbm>>
        %dma_start3A_104 = arith.constant 0 : i32
        %dma_start3A_105 = arith.constant 0 : i32
        %dma_start3A_106 = tpu.memref_slice %arg5[%mul3A_101, %dma_start3A_104, %dma_start3A_105] : memref<800x64x128xf32, #tpu.memory_space<hbm>> -> memref<5x64x128xf32, #tpu.memory_space<hbm>>
        tpu.enqueue_dma source(%arg10 : memref<5x64x128xf32, #tpu.memory_space<vmem>>) target(%dma_start3A_106 : memref<5x64x128xf32, #tpu.memory_space<hbm>>) target_semaphore(%run_scoped3A : memref<!tpu.dma_semaphore, #tpu.memory_space<semaphore_mem>>)
        %dma_wait3A_107 = arith.constant 0 : i32
        %dma_wait3A_108 = arith.constant 0 : i32
        %dma_wait3A_109 = tpu.memref_slice %arg5[%mul3A_101, %dma_wait3A_107, %dma_wait3A_108] : memref<800x64x128xf32, #tpu.memory_space<hbm>> -> memref<5x64x128xf32, #tpu.memory_space<hbm>>
        %dma_wait3A_110 = arith.constant 0 : i32
        %dma_wait3A_111 = arith.constant 0 : i32
        %dma_wait3A_112 = tpu.memref_slice %arg5[%mul3A_101, %dma_wait3A_110, %dma_wait3A_111] : memref<800x64x128xf32, #tpu.memory_space<hbm>> -> memref<5x64x128xf32, #tpu.memory_space<hbm>>
        tpu.wait_dma2 semaphore(%run_scoped3A : memref<!tpu.dma_semaphore, #tpu.memory_space<semaphore_mem>>) src(%arg10 : memref<5x64x128xf32, #tpu.memory_space<vmem>>) dst(%dma_wait3A_112 : memref<5x64x128xf32, #tpu.memory_space<hbm>>)
        tpu.yield
      }) : () -> ()
    } else {
    }
    return
  }
}

module attributes {stable_mosaic.version = 14 : i64} {
  func.func @_select_all_body(%arg0: memref<160x256xf32, #tpu.memory_space<vmem>>, %arg1: memref<1600x256xf32, #tpu.memory_space<vmem>>, %arg2: memref<256x256xf32, #tpu.memory_space<vmem>>, %arg3: memref<1x256xf32, #tpu.memory_space<vmem>>, %arg4: memref<160x1600xf32, #tpu.memory_space<vmem>>, %arg5: memref<1600x50xf32, #tpu.memory_space<vmem>>, %arg6: memref<1600x32xf32, #tpu.memory_space<vmem>>, %arg7: memref<160x5xi32, #tpu.memory_space<vmem>>, %arg8: memref<160x5x16xf32, #tpu.memory_space<vmem>>, %arg9: memref<160x32xf32, #tpu.memory_space<vmem>>, %arg10: memref<160x32xf32, #tpu.memory_space<vmem>>, %arg11: memref<160x32xf32, #tpu.memory_space<vmem>>, %arg12: memref<160x32xf32, #tpu.memory_space<vmem>>, %arg13: memref<160x32xf32, #tpu.memory_space<vmem>>) attributes {dimension_semantics = [], scalar_prefetch = 0 : i64, scratch_operands = 0 : i64, tpu.core_type = #tpu.core_type<tc>} {
    %get3A = arith.constant 0 : index
    %get3A_0 = arith.constant 0 : index
    %get3A_1 = vector.load %arg0[%get3A, %get3A_0] : memref<160x256xf32, #tpu.memory_space<vmem>>, vector<160x256xf32>
    %get3A_2 = arith.constant 0 : index
    %get3A_3 = arith.constant 0 : index
    %get3A_4 = vector.load %arg1[%get3A_2, %get3A_3] : memref<1600x256xf32, #tpu.memory_space<vmem>>, vector<1600x256xf32>
    %get3A_5 = arith.constant 0 : index
    %get3A_6 = arith.constant 0 : index
    %get3A_7 = vector.load %arg2[%get3A_5, %get3A_6] : memref<256x256xf32, #tpu.memory_space<vmem>>, vector<256x256xf32>
    %get3A_8 = arith.constant 0 : index
    %get3A_9 = arith.constant 0 : index
    %get3A_10 = vector.load %arg3[%get3A_8, %get3A_9] : memref<1x256xf32, #tpu.memory_space<vmem>>, vector<1x256xf32>
    %dot_general3A = arith.constant dense<0.000000e+00> : vector<160x256xf32>
    %dot_general3A_11 = tpu.matmul %get3A_1, %get3A_7, %dot_general3A {dimension_numbers = #tpu.dot_dimension_numbers<[1], [1], [0], [0], [0, 0, 1, 0], [], []>, transpose_lhs_hint = false} : vector<160x256xf32>, vector<256x256xf32>, vector<160x256xf32> -> vector<160x256xf32>
    %add3A = vector.broadcast %get3A_10 : vector<1x256xf32> to vector<160x256xf32>
    %add3A_12 = arith.addf %dot_general3A_11, %add3A : vector<160x256xf32>
    %dot_general3A_13 = arith.constant dense<0.000000e+00> : vector<1600x256xf32>
    %dot_general3A_14 = tpu.matmul %get3A_4, %get3A_7, %dot_general3A_13 {dimension_numbers = #tpu.dot_dimension_numbers<[1], [1], [0], [0], [0, 0, 1, 0], [], []>, transpose_lhs_hint = false} : vector<1600x256xf32>, vector<256x256xf32>, vector<1600x256xf32> -> vector<1600x256xf32>
    %add3A_15 = vector.broadcast %get3A_10 : vector<1x256xf32> to vector<1600x256xf32>
    %add3A_16 = arith.addf %dot_general3A_14, %add3A_15 : vector<1600x256xf32>
    %mul3A = arith.mulf %add3A_12, %add3A_12 : vector<160x256xf32>
    %reduce_sum3A = arith.constant dense<0.000000e+00> : vector<160xf32>
    %reduce_sum3A_17 = vector.multi_reduction <add>, %mul3A, %reduce_sum3A [1] : vector<160x256xf32> to vector<160xf32>
    %broadcast_in_dim3A = vector.shape_cast %reduce_sum3A_17 : vector<160xf32> to vector<160x1xf32>
    %sqrt3A = math.sqrt %broadcast_in_dim3A : vector<160x1xf32>
    %max3A = arith.constant 9.99999996E-13 : f32
    %max3A_18 = vector.broadcast %max3A : f32 to vector<160x1xf32>
    %max3A_19 = arith.maximumf %sqrt3A, %max3A_18 : vector<160x1xf32>
    %div3A = vector.broadcast %max3A_19 : vector<160x1xf32> to vector<160x256xf32>
    %div3A_20 = arith.divf %add3A_12, %div3A : vector<160x256xf32>
    %mul3A_21 = arith.mulf %add3A_16, %add3A_16 : vector<1600x256xf32>
    %reduce_sum3A_22 = arith.constant dense<0.000000e+00> : vector<1600xf32>
    %reduce_sum3A_23 = vector.multi_reduction <add>, %mul3A_21, %reduce_sum3A_22 [1] : vector<1600x256xf32> to vector<1600xf32>
    %broadcast_in_dim3A_24 = vector.shape_cast %reduce_sum3A_23 : vector<1600xf32> to vector<1600x1xf32>
    %sqrt3A_25 = math.sqrt %broadcast_in_dim3A_24 : vector<1600x1xf32>
    %max3A_26 = arith.constant 9.99999996E-13 : f32
    %max3A_27 = vector.broadcast %max3A_26 : f32 to vector<1600x1xf32>
    %max3A_28 = arith.maximumf %sqrt3A_25, %max3A_27 : vector<1600x1xf32>
    %div3A_29 = vector.broadcast %max3A_28 : vector<1600x1xf32> to vector<1600x256xf32>
    %div3A_30 = arith.divf %add3A_16, %div3A_29 : vector<1600x256xf32>
    %dot_general3A_31 = arith.constant dense<0.000000e+00> : vector<160x1600xf32>
    %dot_general3A_32 = tpu.matmul %div3A_20, %div3A_30, %dot_general3A_31 {dimension_numbers = #tpu.dot_dimension_numbers<[1], [1], [0], [0], [0, 0, 1, 0], [], []>, transpose_lhs_hint = false} : vector<160x256xf32>, vector<1600x256xf32>, vector<160x1600xf32> -> vector<160x1600xf32>
    %get3A_33 = arith.constant 0 : index
    %get3A_34 = arith.constant 0 : index
    %get3A_35 = vector.load %arg4[%get3A_33, %get3A_34] : memref<160x1600xf32, #tpu.memory_space<vmem>>, vector<160x1600xf32>
    %mul3A_36 = arith.mulf %dot_general3A_32, %get3A_35 : vector<160x1600xf32>
    %get3A_37 = arith.constant 0 : index
    %get3A_38 = arith.constant 0 : index
    %get3A_39 = vector.load %arg5[%get3A_37, %get3A_38] : memref<1600x50xf32, #tpu.memory_space<vmem>>, vector<1600x50xf32>
    %dot_general3A_40 = arith.constant dense<0.000000e+00> : vector<160x50xf32>
    %dot_general3A_41 = tpu.matmul %mul3A_36, %get3A_39, %dot_general3A_40 {dimension_numbers = #tpu.dot_dimension_numbers<[1], [0], [0], [1], [0, 0, 1, 1], [], []>, precision = #tpu.contract_precision<fp32>, transpose_lhs_hint = false} : vector<160x1600xf32>, vector<1600x50xf32>, vector<160x50xf32> -> vector<160x50xf32>
    %iota3A = tpu.iota {dimensions = array<i32: 1>} : vector<160x50xi32>
    %iota3A_42 = tpu.iota {dimensions = array<i32: 0>} : vector<160x1xi32>
    %jit3A = arith.constant 5 : i32
    %div3A_43 = vector.broadcast %jit3A : i32 to vector<160x1xi32>
    %div3A_44 = arith.divsi %iota3A_42, %div3A_43 : vector<160x1xi32>
    %sign3A = arith.constant 0 : i32
    %sign3A_45 = vector.broadcast %sign3A : i32 to vector<160x1xi32>
    %sign3A_46 = arith.cmpi sgt, %iota3A_42, %sign3A_45 : vector<160x1xi32>
    %sign3A_47 = arith.extui %sign3A_46 : vector<160x1xi1> to vector<160x1xi32>
    %sign3A_48 = arith.constant 0 : i32
    %sign3A_49 = vector.broadcast %sign3A_48 : i32 to vector<160x1xi32>
    %sign3A_50 = arith.cmpi slt, %iota3A_42, %sign3A_49 : vector<160x1xi32>
    %sign3A_51 = arith.extui %sign3A_50 : vector<160x1xi1> to vector<160x1xi32>
    %sign3A_52 = arith.subi %sign3A_47, %sign3A_51 : vector<160x1xi32>
    %sign3A_53 = arith.constant 0 : i32
    %sign3A_54 = arith.cmpi sgt, %jit3A, %sign3A_53 : i32
    %sign3A_55 = arith.extui %sign3A_54 : i1 to i32
    %sign3A_56 = arith.constant 0 : i32
    %sign3A_57 = arith.cmpi slt, %jit3A, %sign3A_56 : i32
    %sign3A_58 = arith.extui %sign3A_57 : i1 to i32
    %sign3A_59 = arith.subi %sign3A_55, %sign3A_58 : i32
    %ne3A = vector.broadcast %sign3A_59 : i32 to vector<160x1xi32>
    %ne3A_60 = arith.cmpi ne, %sign3A_52, %ne3A : vector<160x1xi32>
    %rem3A = vector.broadcast %jit3A : i32 to vector<160x1xi32>
    %rem3A_61 = arith.remsi %iota3A_42, %rem3A : vector<160x1xi32>
    %ne3A_62 = arith.constant 0 : i32
    %ne3A_63 = vector.broadcast %ne3A_62 : i32 to vector<160x1xi32>
    %ne3A_64 = arith.cmpi ne, %rem3A_61, %ne3A_63 : vector<160x1xi32>
    %and3A = arith.andi %ne3A_60, %ne3A_64 : vector<160x1xi1>
    %sub3A = arith.constant 1 : i32
    %sub3A_65 = vector.broadcast %sub3A : i32 to vector<160x1xi32>
    %sub3A_66 = arith.subi %div3A_44, %sub3A_65 : vector<160x1xi32>
    %select_n3A = arith.select %and3A, %sub3A_66, %div3A_44 : vector<160x1xi1>, vector<160x1xi32>
    %mul3A_67 = arith.constant 50 : i32
    %mul3A_68 = vector.broadcast %mul3A_67 : i32 to vector<160x1xi32>
    %mul3A_69 = arith.muli %select_n3A, %mul3A_68 : vector<160x1xi32>
    %get3A_70 = arith.constant 0 : index
    %get3A_71 = arith.constant 0 : index
    %get3A_72 = vector.load %arg6[%get3A_70, %get3A_71] : memref<1600x32xf32, #tpu.memory_space<vmem>>, vector<1600x32xf32>
    %reduce_max3A = arith.constant dense<0xFF800000> : vector<160xf32>
    %reduce_max3A_73 = vector.multi_reduction <maximumf>, %dot_general3A_41, %reduce_max3A [1] : vector<160x50xf32> to vector<160xf32>
    %broadcast_in_dim3A_74 = vector.shape_cast %reduce_max3A_73 : vector<160xf32> to vector<160x1xf32>
    %eq3A = vector.broadcast %broadcast_in_dim3A_74 : vector<160x1xf32> to vector<160x50xf32>
    %eq3A_75 = arith.cmpf oeq, %dot_general3A_41, %eq3A : vector<160x50xf32>
    %jit3A_76 = arith.constant 50 : i32
    %broadcast_in_dim3A_77 = vector.broadcast %jit3A_76 : i32 to vector<160x50xi32>
    %select_n3A_78 = arith.select %eq3A_75, %iota3A, %broadcast_in_dim3A_77 : vector<160x50xi1>, vector<160x50xi32>
    %reduce_min3A = arith.constant dense<2147483647> : vector<160xi32>
    %reduce_min3A_79 = vector.multi_reduction <minsi>, %select_n3A_78, %reduce_min3A [1] : vector<160x50xi32> to vector<160xi32>
    %broadcast_in_dim3A_80 = vector.shape_cast %reduce_min3A_79 : vector<160xi32> to vector<160x1xi32>
    %add3A_81 = arith.addi %broadcast_in_dim3A_80, %mul3A_69 : vector<160x1xi32>
    %eq3A_82 = vector.broadcast %broadcast_in_dim3A_80 : vector<160x1xi32> to vector<160x50xi32>
    %eq3A_83 = arith.cmpi eq, %iota3A, %eq3A_82 : vector<160x50xi32>
    %jit3A_84 = arith.constant 0xFF800000 : f32
    %broadcast_in_dim3A_85 = vector.broadcast %jit3A_84 : f32 to vector<160x50xf32>
    %select_n3A_86 = arith.select %eq3A_83, %broadcast_in_dim3A_85, %dot_general3A_41 : vector<160x50xi1>, vector<160x50xf32>
    %iota3A_87 = tpu.iota {dimensions = array<i32: 1>} : vector<160x1600xi32>
    %eq3A_88 = vector.broadcast %add3A_81 : vector<160x1xi32> to vector<160x1600xi32>
    %eq3A_89 = arith.cmpi eq, %iota3A_87, %eq3A_88 : vector<160x1600xi32>
    %jit3A_90 = arith.constant 1.000000e+00 : f32
    %jit3A_91 = arith.constant 0.000000e+00 : f32
    %broadcast_in_dim3A_92 = vector.broadcast %jit3A_90 : f32 to vector<160x1600xf32>
    %broadcast_in_dim3A_93 = vector.broadcast %jit3A_91 : f32 to vector<160x1600xf32>
    %select_n3A_94 = arith.select %eq3A_89, %broadcast_in_dim3A_92, %broadcast_in_dim3A_93 : vector<160x1600xi1>, vector<160x1600xf32>
    %dot_general3A_95 = arith.constant dense<0.000000e+00> : vector<160x32xf32>
    %dot_general3A_96 = tpu.matmul %select_n3A_94, %get3A_72, %dot_general3A_95 {dimension_numbers = #tpu.dot_dimension_numbers<[1], [0], [0], [1], [0, 0, 1, 1], [], []>, precision = #tpu.contract_precision<fp32>, transpose_lhs_hint = false} : vector<160x1600xf32>, vector<1600x32xf32>, vector<160x32xf32> -> vector<160x32xf32>
    %swap3A = arith.constant 0 : index
    %swap3A_97 = arith.constant 0 : index
    %swap3A_98 = vector.load %arg9[%swap3A, %swap3A_97] : memref<160x32xf32, #tpu.memory_space<vmem>>, vector<160x32xf32>
    tpu.vector_store %arg9[%swap3A, %swap3A_97], %dot_general3A_96 {strides = array<i32>} : memref<160x32xf32, #tpu.memory_space<vmem>>, vector<160x32xf32>,
    %reduce_max3A_99 = arith.constant dense<0xFF800000> : vector<160xf32>
    %reduce_max3A_100 = vector.multi_reduction <maximumf>, %select_n3A_86, %reduce_max3A_99 [1] : vector<160x50xf32> to vector<160xf32>
    %broadcast_in_dim3A_101 = vector.shape_cast %reduce_max3A_100 : vector<160xf32> to vector<160x1xf32>
    %eq3A_102 = vector.broadcast %broadcast_in_dim3A_101 : vector<160x1xf32> to vector<160x50xf32>
    %eq3A_103 = arith.cmpf oeq, %select_n3A_86, %eq3A_102 : vector<160x50xf32>
    %jit3A_104 = arith.constant 50 : i32
    %broadcast_in_dim3A_105 = vector.broadcast %jit3A_104 : i32 to vector<160x50xi32>
    %select_n3A_106 = arith.select %eq3A_103, %iota3A, %broadcast_in_dim3A_105 : vector<160x50xi1>, vector<160x50xi32>
    %reduce_min3A_107 = arith.constant dense<2147483647> : vector<160xi32>
    %reduce_min3A_108 = vector.multi_reduction <minsi>, %select_n3A_106, %reduce_min3A_107 [1] : vector<160x50xi32> to vector<160xi32>
    %broadcast_in_dim3A_109 = vector.shape_cast %reduce_min3A_108 : vector<160xi32> to vector<160x1xi32>
    %add3A_110 = arith.addi %broadcast_in_dim3A_109, %mul3A_69 : vector<160x1xi32>
    %eq3A_111 = vector.broadcast %broadcast_in_dim3A_109 : vector<160x1xi32> to vector<160x50xi32>
    %eq3A_112 = arith.cmpi eq, %iota3A, %eq3A_111 : vector<160x50xi32>
    %jit3A_113 = arith.constant 0xFF800000 : f32
    %broadcast_in_dim3A_114 = vector.broadcast %jit3A_113 : f32 to vector<160x50xf32>
    %select_n3A_115 = arith.select %eq3A_112, %broadcast_in_dim3A_114, %select_n3A_86 : vector<160x50xi1>, vector<160x50xf32>
    %iota3A_116 = tpu.iota {dimensions = array<i32: 1>} : vector<160x1600xi32>
    %eq3A_117 = vector.broadcast %add3A_110 : vector<160x1xi32> to vector<160x1600xi32>
    %eq3A_118 = arith.cmpi eq, %iota3A_116, %eq3A_117 : vector<160x1600xi32>
    %jit3A_119 = arith.constant 1.000000e+00 : f32
    %jit3A_120 = arith.constant 0.000000e+00 : f32
    %broadcast_in_dim3A_121 = vector.broadcast %jit3A_119 : f32 to vector<160x1600xf32>
    %broadcast_in_dim3A_122 = vector.broadcast %jit3A_120 : f32 to vector<160x1600xf32>
    %select_n3A_123 = arith.select %eq3A_118, %broadcast_in_dim3A_121, %broadcast_in_dim3A_122 : vector<160x1600xi1>, vector<160x1600xf32>
    %dot_general3A_124 = arith.constant dense<0.000000e+00> : vector<160x32xf32>
    %dot_general3A_125 = tpu.matmul %select_n3A_123, %get3A_72, %dot_general3A_124 {dimension_numbers = #tpu.dot_dimension_numbers<[1], [0], [0], [1], [0, 0, 1, 1], [], []>, precision = #tpu.contract_precision<fp32>, transpose_lhs_hint = false} : vector<160x1600xf32>, vector<1600x32xf32>, vector<160x32xf32> -> vector<160x32xf32>
    %swap3A_126 = arith.constant 0 : index
    %swap3A_127 = arith.constant 0 : index
    %swap3A_128 = vector.load %arg10[%swap3A_126, %swap3A_127] : memref<160x32xf32, #tpu.memory_space<vmem>>, vector<160x32xf32>
    tpu.vector_store %arg10[%swap3A_126, %swap3A_127], %dot_general3A_125 {strides = array<i32>} : memref<160x32xf32, #tpu.memory_space<vmem>>, vector<160x32xf32>,
    %reduce_max3A_129 = arith.constant dense<0xFF800000> : vector<160xf32>
    %reduce_max3A_130 = vector.multi_reduction <maximumf>, %select_n3A_115, %reduce_max3A_129 [1] : vector<160x50xf32> to vector<160xf32>
    %broadcast_in_dim3A_131 = vector.shape_cast %reduce_max3A_130 : vector<160xf32> to vector<160x1xf32>
    %eq3A_132 = vector.broadcast %broadcast_in_dim3A_131 : vector<160x1xf32> to vector<160x50xf32>
    %eq3A_133 = arith.cmpf oeq, %select_n3A_115, %eq3A_132 : vector<160x50xf32>
    %jit3A_134 = arith.constant 50 : i32
    %broadcast_in_dim3A_135 = vector.broadcast %jit3A_134 : i32 to vector<160x50xi32>
    %select_n3A_136 = arith.select %eq3A_133, %iota3A, %broadcast_in_dim3A_135 : vector<160x50xi1>, vector<160x50xi32>
    %reduce_min3A_137 = arith.constant dense<2147483647> : vector<160xi32>
    %reduce_min3A_138 = vector.multi_reduction <minsi>, %select_n3A_136, %reduce_min3A_137 [1] : vector<160x50xi32> to vector<160xi32>
    %broadcast_in_dim3A_139 = vector.shape_cast %reduce_min3A_138 : vector<160xi32> to vector<160x1xi32>
    %add3A_140 = arith.addi %broadcast_in_dim3A_139, %mul3A_69 : vector<160x1xi32>
    %eq3A_141 = vector.broadcast %broadcast_in_dim3A_139 : vector<160x1xi32> to vector<160x50xi32>
    %eq3A_142 = arith.cmpi eq, %iota3A, %eq3A_141 : vector<160x50xi32>
    %jit3A_143 = arith.constant 0xFF800000 : f32
    %broadcast_in_dim3A_144 = vector.broadcast %jit3A_143 : f32 to vector<160x50xf32>
    %select_n3A_145 = arith.select %eq3A_142, %broadcast_in_dim3A_144, %select_n3A_115 : vector<160x50xi1>, vector<160x50xf32>
    %iota3A_146 = tpu.iota {dimensions = array<i32: 1>} : vector<160x1600xi32>
    %eq3A_147 = vector.broadcast %add3A_140 : vector<160x1xi32> to vector<160x1600xi32>
    %eq3A_148 = arith.cmpi eq, %iota3A_146, %eq3A_147 : vector<160x1600xi32>
    %jit3A_149 = arith.constant 1.000000e+00 : f32
    %jit3A_150 = arith.constant 0.000000e+00 : f32
    %broadcast_in_dim3A_151 = vector.broadcast %jit3A_149 : f32 to vector<160x1600xf32>
    %broadcast_in_dim3A_152 = vector.broadcast %jit3A_150 : f32 to vector<160x1600xf32>
    %select_n3A_153 = arith.select %eq3A_148, %broadcast_in_dim3A_151, %broadcast_in_dim3A_152 : vector<160x1600xi1>, vector<160x1600xf32>
    %dot_general3A_154 = arith.constant dense<0.000000e+00> : vector<160x32xf32>
    %dot_general3A_155 = tpu.matmul %select_n3A_153, %get3A_72, %dot_general3A_154 {dimension_numbers = #tpu.dot_dimension_numbers<[1], [0], [0], [1], [0, 0, 1, 1], [], []>, precision = #tpu.contract_precision<fp32>, transpose_lhs_hint = false} : vector<160x1600xf32>, vector<1600x32xf32>, vector<160x32xf32> -> vector<160x32xf32>
    %swap3A_156 = arith.constant 0 : index
    %swap3A_157 = arith.constant 0 : index
    %swap3A_158 = vector.load %arg11[%swap3A_156, %swap3A_157] : memref<160x32xf32, #tpu.memory_space<vmem>>, vector<160x32xf32>
    tpu.vector_store %arg11[%swap3A_156, %swap3A_157], %dot_general3A_155 {strides = array<i32>} : memref<160x32xf32, #tpu.memory_space<vmem>>, vector<160x32xf32>,
    %reduce_max3A_159 = arith.constant dense<0xFF800000> : vector<160xf32>
    %reduce_max3A_160 = vector.multi_reduction <maximumf>, %select_n3A_145, %reduce_max3A_159 [1] : vector<160x50xf32> to vector<160xf32>
    %broadcast_in_dim3A_161 = vector.shape_cast %reduce_max3A_160 : vector<160xf32> to vector<160x1xf32>
    %eq3A_162 = vector.broadcast %broadcast_in_dim3A_161 : vector<160x1xf32> to vector<160x50xf32>
    %eq3A_163 = arith.cmpf oeq, %select_n3A_145, %eq3A_162 : vector<160x50xf32>
    %jit3A_164 = arith.constant 50 : i32
    %broadcast_in_dim3A_165 = vector.broadcast %jit3A_164 : i32 to vector<160x50xi32>
    %select_n3A_166 = arith.select %eq3A_163, %iota3A, %broadcast_in_dim3A_165 : vector<160x50xi1>, vector<160x50xi32>
    %reduce_min3A_167 = arith.constant dense<2147483647> : vector<160xi32>
    %reduce_min3A_168 = vector.multi_reduction <minsi>, %select_n3A_166, %reduce_min3A_167 [1] : vector<160x50xi32> to vector<160xi32>
    %broadcast_in_dim3A_169 = vector.shape_cast %reduce_min3A_168 : vector<160xi32> to vector<160x1xi32>
    %add3A_170 = arith.addi %broadcast_in_dim3A_169, %mul3A_69 : vector<160x1xi32>
    %eq3A_171 = vector.broadcast %broadcast_in_dim3A_169 : vector<160x1xi32> to vector<160x50xi32>
    %eq3A_172 = arith.cmpi eq, %iota3A, %eq3A_171 : vector<160x50xi32>
    %jit3A_173 = arith.constant 0xFF800000 : f32
    %broadcast_in_dim3A_174 = vector.broadcast %jit3A_173 : f32 to vector<160x50xf32>
    %select_n3A_175 = arith.select %eq3A_172, %broadcast_in_dim3A_174, %select_n3A_145 : vector<160x50xi1>, vector<160x50xf32>
    %iota3A_176 = tpu.iota {dimensions = array<i32: 1>} : vector<160x1600xi32>
    %eq3A_177 = vector.broadcast %add3A_170 : vector<160x1xi32> to vector<160x1600xi32>
    %eq3A_178 = arith.cmpi eq, %iota3A_176, %eq3A_177 : vector<160x1600xi32>
    %jit3A_179 = arith.constant 1.000000e+00 : f32
    %jit3A_180 = arith.constant 0.000000e+00 : f32
    %broadcast_in_dim3A_181 = vector.broadcast %jit3A_179 : f32 to vector<160x1600xf32>
    %broadcast_in_dim3A_182 = vector.broadcast %jit3A_180 : f32 to vector<160x1600xf32>
    %select_n3A_183 = arith.select %eq3A_178, %broadcast_in_dim3A_181, %broadcast_in_dim3A_182 : vector<160x1600xi1>, vector<160x1600xf32>
    %dot_general3A_184 = arith.constant dense<0.000000e+00> : vector<160x32xf32>
    %dot_general3A_185 = tpu.matmul %select_n3A_183, %get3A_72, %dot_general3A_184 {dimension_numbers = #tpu.dot_dimension_numbers<[1], [0], [0], [1], [0, 0, 1, 1], [], []>, precision = #tpu.contract_precision<fp32>, transpose_lhs_hint = false} : vector<160x1600xf32>, vector<1600x32xf32>, vector<160x32xf32> -> vector<160x32xf32>
    %swap3A_186 = arith.constant 0 : index
    %swap3A_187 = arith.constant 0 : index
    %swap3A_188 = vector.load %arg12[%swap3A_186, %swap3A_187] : memref<160x32xf32, #tpu.memory_space<vmem>>, vector<160x32xf32>
    tpu.vector_store %arg12[%swap3A_186, %swap3A_187], %dot_general3A_185 {strides = array<i32>} : memref<160x32xf32, #tpu.memory_space<vmem>>, vector<160x32xf32>,
    %reduce_max3A_189 = arith.constant dense<0xFF800000> : vector<160xf32>
    %reduce_max3A_190 = vector.multi_reduction <maximumf>, %select_n3A_175, %reduce_max3A_189 [1] : vector<160x50xf32> to vector<160xf32>
    %broadcast_in_dim3A_191 = vector.shape_cast %reduce_max3A_190 : vector<160xf32> to vector<160x1xf32>
    %eq3A_192 = vector.broadcast %broadcast_in_dim3A_191 : vector<160x1xf32> to vector<160x50xf32>
    %eq3A_193 = arith.cmpf oeq, %select_n3A_175, %eq3A_192 : vector<160x50xf32>
    %jit3A_194 = arith.constant 50 : i32
    %broadcast_in_dim3A_195 = vector.broadcast %jit3A_194 : i32 to vector<160x50xi32>
    %select_n3A_196 = arith.select %eq3A_193, %iota3A, %broadcast_in_dim3A_195 : vector<160x50xi1>, vector<160x50xi32>
    %reduce_min3A_197 = arith.constant dense<2147483647> : vector<160xi32>
    %reduce_min3A_198 = vector.multi_reduction <minsi>, %select_n3A_196, %reduce_min3A_197 [1] : vector<160x50xi32> to vector<160xi32>
    %broadcast_in_dim3A_199 = vector.shape_cast %reduce_min3A_198 : vector<160xi32> to vector<160x1xi32>
    %add3A_200 = arith.addi %broadcast_in_dim3A_199, %mul3A_69 : vector<160x1xi32>
    %iota3A_201 = tpu.iota {dimensions = array<i32: 1>} : vector<160x1600xi32>
    %eq3A_202 = vector.broadcast %add3A_200 : vector<160x1xi32> to vector<160x1600xi32>
    %eq3A_203 = arith.cmpi eq, %iota3A_201, %eq3A_202 : vector<160x1600xi32>
    %jit3A_204 = arith.constant 1.000000e+00 : f32
    %jit3A_205 = arith.constant 0.000000e+00 : f32
    %broadcast_in_dim3A_206 = vector.broadcast %jit3A_204 : f32 to vector<160x1600xf32>
    %broadcast_in_dim3A_207 = vector.broadcast %jit3A_205 : f32 to vector<160x1600xf32>
    %select_n3A_208 = arith.select %eq3A_203, %broadcast_in_dim3A_206, %broadcast_in_dim3A_207 : vector<160x1600xi1>, vector<160x1600xf32>
    %dot_general3A_209 = arith.constant dense<0.000000e+00> : vector<160x32xf32>
    %dot_general3A_210 = tpu.matmul %select_n3A_208, %get3A_72, %dot_general3A_209 {dimension_numbers = #tpu.dot_dimension_numbers<[1], [0], [0], [1], [0, 0, 1, 1], [], []>, precision = #tpu.contract_precision<fp32>, transpose_lhs_hint = false} : vector<160x1600xf32>, vector<1600x32xf32>, vector<160x32xf32> -> vector<160x32xf32>
    %swap3A_211 = arith.constant 0 : index
    %swap3A_212 = arith.constant 0 : index
    %swap3A_213 = vector.load %arg13[%swap3A_211, %swap3A_212] : memref<160x32xf32, #tpu.memory_space<vmem>>, vector<160x32xf32>
    tpu.vector_store %arg13[%swap3A_211, %swap3A_212], %dot_general3A_210 {strides = array<i32>} : memref<160x32xf32, #tpu.memory_space<vmem>>, vector<160x32xf32>,
    %concatenate3A = tpu.concatenate %broadcast_in_dim3A_74, %broadcast_in_dim3A_101, %broadcast_in_dim3A_131, %broadcast_in_dim3A_161, %broadcast_in_dim3A_191 in 1 : vector<160x1xf32>, vector<160x1xf32>, vector<160x1xf32>, vector<160x1xf32>, vector<160x1xf32> -> vector<160x5xf32>
    %concatenate3A_214 = tpu.concatenate %add3A_81, %add3A_110, %add3A_140, %add3A_170, %add3A_200 in 1 : vector<160x1xi32>, vector<160x1xi32>, vector<160x1xi32>, vector<160x1xi32>, vector<160x1xi32> -> vector<160x5xi32>
    %swap3A_215 = arith.constant 0 : index
    %swap3A_216 = arith.constant 0 : index
    %swap3A_217 = vector.load %arg7[%swap3A_215, %swap3A_216] : memref<160x5xi32, #tpu.memory_space<vmem>>, vector<160x5xi32>
    tpu.vector_store %arg7[%swap3A_215, %swap3A_216], %concatenate3A_214 {strides = array<i32>} : memref<160x5xi32, #tpu.memory_space<vmem>>, vector<160x5xi32>,
    %lt3A = arith.constant 1.000000e-01 : f32
    %lt3A_218 = vector.broadcast %lt3A : f32 to vector<160x5xf32>
    %lt3A_219 = arith.cmpf olt, %concatenate3A, %lt3A_218 : vector<160x5xf32>
    %jit3A_220 = arith.constant 0.000000e+00 : f32
    %broadcast_in_dim3A_221 = vector.broadcast %jit3A_220 : f32 to vector<160x5xf32>
    %select_n3A_222 = arith.select %lt3A_219, %broadcast_in_dim3A_221, %concatenate3A : vector<160x5xi1>, vector<160x5xf32>
    %broadcast_in_dim3A_223 = vector.shape_cast %select_n3A_222 : vector<160x5xf32> to vector<160x5x1xf32>
    %broadcast_in_dim3A_224 = vector.shape_cast %broadcast_in_dim3A_223 : vector<160x5x1xf32> to vector<160x5x1xf32>
    %broadcast_in_dim3A_225 = vector.broadcast %broadcast_in_dim3A_224 : vector<160x5x1xf32> to vector<160x5x16xf32>
    %swap3A_226 = arith.constant 0 : index
    %swap3A_227 = arith.constant 0 : index
    %swap3A_228 = arith.constant 0 : index
    %swap3A_229 = vector.load %arg8[%swap3A_226, %swap3A_227, %swap3A_228] : memref<160x5x16xf32, #tpu.memory_space<vmem>>, vector<160x5x16xf32>
    tpu.vector_store %arg8[%swap3A_226, %swap3A_227, %swap3A_228], %broadcast_in_dim3A_225 {strides = array<i32>} : memref<160x5x16xf32, #tpu.memory_space<vmem>>, vector<160x5x16xf32>,
    return
  }
}

</mosaic_0001>

<sc_bundles>
// kernel: kernel.4.cloned.1.call-start
scs
__scs_entry_jumppad:
0x0: {  	(pc) =	sbr.rel $0x88, $3  }
0x1: {  	(tag) =	ssettag $0x0;
	lr =	simm.s32 $0x1  }
0x2: {  	[smem:$0x3F9B] =	sst lr;
	_ =	strace $0xD0000000  }
0x3: {  	_ = 	snop  }
0x4: {  	_ = 	snop  }
0x5: {  	_ = 	snop  }
0x6: {  	_ = 	snop  }
0x7: {  	_ = 	snop  }
__scs_overlays_trampoline_lowered:
0x8: {  	[smem:$0x3FAA] =	sst s0  }
0x9: {  	[smem:$0x3FAB] =	sst s1  }
0xa: {  	[smem:$0x3FAC] =	sst s2  }
0xb: {  	[smem:$0x3FAD] =	sst s3  }
0xc: {  	[smem:$0x3FAE] =	sst s4  }
0xd: {  	[smem:$0x3FAF] =	sst s5  }
0xe: {  	[smem:$0x3FB0] =	sst s6  }
0xf: {  	[smem:$0x3FB1] =	sst s7  }
0x10: {  	[smem:$0x3FB2] =	sst s8  }
0x11: {  	[smem:$0x3FB3] =	sst s9;
	s0 =	simm.s32 @!p0 $0x0  }
0x12: {  	s1 =	sld [smem:$0x3F99];
	s0 =	simm.s32 @p0 $0x1  }
0x13: {  	[smem:$0x3FB4] =	sst s0;
	s0 =	simm.s32 @!p1 $0x0  }
0x14: {  	s2 =	sld [smem:$0x3F98];
	s0 =	simm.s32 @p1 $0x1  }
0x15: {  	[smem:$0x3FB5] =	sst s0;
	s0 =	simm.s32 @!p2 $0x0  }
0x16: {  	s3 =	sld [smem:$0x3FDB];
	s0 =	simm.s32 @p2 $0x1  }
0x17: {  	s4 =	simm.s32 $0x1BF5;
	[smem:$0x3FB7] =	sst s0  }
0x18: {  	s0 =	sld [smem:$0x3F9A];
	_ =	swait.ge [sflag:s4], $0x0  }
0x19: {  	s7 =	sld [smem:$0x3F9B]  }
0x1a: {  	s8 =	sadd.s32 $0xFFFFE003, lr  }
0x1b: {  	s9 =	sadd.s32 $0xFFFFFEF7, lr;
	s5 =	simm.s32 $0xFFFFFFFF;
	p2 =	slt.u32 s8, $0xFFFFF086  }
0x1c: {  	p1 =	slt.u32 s9, $0xF7A;
	s5 =	simm.s32 @!p2 $0x0  }
0x1d: {  	s5 =	simm.s32 @p1 $0x1;
	p0 =	seq.s32 s7, s2  }
0x1e: {  	s7 =	smul.u32 @!p0 $0xF7A, s2;
	p2 =	seq.s32 @!p0 s5, $0x0  }
0x1f: {  	s9 =	smul.u32 $0xF7A, s1;
	s8 =	simm.s32 @!p0 $0x1BF5;
	p2 =	por !p2, p0  }
0x20: {  	[sflag:s8] =	ssyncset.s32 @!p0 $0xFFFFF086;
	s6 =	sadd.s32 @!p0 s3, s7;
	s7 =	simm.s32 @!p0 $0x108  }
0x21: {  	s3 =	sadd.s32 s3, s9;
	s6 =	sadd.s32 @!p0 $0x88, s6;
	s7 =	simm.s32 @p2 $0x1082  }
0x22: {  	[simem:s7], [sflag:s8] =	dma.local @!p0 [hbm:s6], $0xF7A  }
0x23: {  	s9 =	sor.u32 $0xD0000000, s2;
	s6 =	simm.s32 $0x108;
	_ =	swait.ge @!p0 [sflag:s8], $0x0  }
0x24: {  	s3 =	sadd.s32 $0x88, s3;
	s6 =	simm.s32 @!p1 $0x1082;
	[sflag:s4] =	ssyncset.s32 $0xFFFFF086  }
0x25: {  	[simem:s6], [sflag:s4] =	dma.local [hbm:s3], $0xF7A  }
0x26: {  	[smem:$0x3F9B] =	sst s1;
	(tag) =	ssettag s2;
	_ =	strace s9  }
0x27: {  	s1 =	sld [smem:$0x3FAB]  }
0x28: {  	s2 =	sld [smem:$0x3FAC]  }
0x29: {  	s4 =	sld [smem:$0x3FAE]  }
0x2a: {  	p0 =	seq.s32 s5, $0x0;
	s5 =	sld [smem:$0x3FAF]  }
0x2b: {  	s6 =	sld [smem:$0x3FB0]  }
0x2c: {  	s7 =	sld [smem:$0x3FB1]  }
0x2d: {  	s3 =	simm.s32 $0x108;
	s8 =	sld [smem:$0x3FB2]  }
0x2e: {  	s3 =	simm.s32 @!p0 $0x1082;
	s9 =	sld [smem:$0x3FB3]  }
0x2f: {  	lr =	sadd.s32 s0, s3;
	s0 =	sld [smem:$0x3FAA]  }
0x30: {  	s3 =	sld [smem:$0x3FAD]  }
0x31: {  	[smem:$0x3FB6] =	sst s10  }
0x32: {  	s10 =	sld [smem:$0x3FB4];
	_ =	sdelay $0x3  }
0x33: {  	p0 =	seq.s32 s10, $0x1;
	s10 =	sld [smem:$0x3FB6];
	_ =	sdelay $0x3  }
0x34: {  	[smem:$0x3FB6] =	sst s10  }
0x35: {  	s10 =	sld [smem:$0x3FB5];
	_ =	sdelay $0x3  }
0x36: {  	p1 =	seq.s32 s10, $0x1;
	s10 =	sld [smem:$0x3FB6];
	_ =	sdelay $0x3  }
0x37: {  	[smem:$0x3FB6] =	sst s10  }
0x38: {  	s10 =	sld [smem:$0x3FB7]  }
0x39: {  	_ = 	snop;
	(pc) =	sbr.ind lr, $3  }
0x3a: {  	_ = 	snop  }
0x3b: {  	_ = 	snop  }
0x3c: {  	p2 =	seq.s32 s10, $0x1;
	s10 =	sld [smem:$0x3FB6]  }
0x3d: {  	_ =	shalt  }
0x3e: {  	_ =	shalt  }
0x3f: {  	_ =	shalt  }
0x40: {  	_ =	shalt  }
0x41: {  	_ =	shalt  }
0x42: {  	_ =	shalt  }
0x43: {  	_ =	shalt  }
0x44: {  	_ =	shalt  }
0x45: {  	_ =	shalt  }
0x46: {  	_ =	shalt  }
0x47: {  	_ =	shalt  }
0x48: {  	_ =	shalt  }
0x49: {  	_ =	shalt  }
0x4a: {  	_ =	shalt  }
0x4b: {  	_ =	shalt  }
0x4c: {  	_ =	shalt  }
0x4d: {  	_ =	shalt  }
0x4e: {  	_ =	shalt  }
0x4f: {  	_ =	shalt  }
0x50: {  	_ =	shalt  }
0x51: {  	_ =	shalt  }
0x52: {  	_ =	shalt  }
0x53: {  	_ =	shalt  }
0x54: {  	_ =	shalt  }
0x55: {  	_ =	shalt  }
0x56: {  	_ =	shalt  }
0x57: {  	_ =	shalt  }
0x58: {  	_ =	shalt  }
0x59: {  	_ =	shalt  }
0x5a: {  	_ =	shalt  }
0x5b: {  	_ =	shalt  }
0x5c: {  	_ =	shalt  }
0x5d: {  	_ =	shalt  }
0x5e: {  	_ =	shalt  }
0x5f: {  	_ =	shalt  }
0x60: {  	_ =	shalt  }
0x61: {  	_ =	shalt  }
0x62: {  	_ =	shalt  }
0x63: {  	_ =	shalt  }
0x64: {  	_ =	shalt  }
0x65: {  	_ =	shalt  }
0x66: {  	_ =	shalt  }
0x67: {  	_ =	shalt  }
0x68: {  	_ =	shalt  }
0x69: {  	_ =	shalt  }
0x6a: {  	_ =	shalt  }
0x6b: {  	_ =	shalt  }
0x6c: {  	_ =	shalt  }
0x6d: {  	_ =	shalt  }
0x6e: {  	_ =	shalt  }
0x6f: {  	_ =	shalt  }
0x70: {  	_ =	shalt  }
0x71: {  	_ =	shalt  }
0x72: {  	_ =	shalt  }
0x73: {  	_ =	shalt  }
0x74: {  	_ =	shalt  }
0x75: {  	_ =	shalt  }
0x76: {  	_ =	shalt  }
0x77: {  	_ =	shalt  }
0x78: {  	_ =	shalt  }
0x79: {  	_ =	shalt  }
0x7a: {  	_ =	shalt  }
0x7b: {  	_ =	shalt  }
0x7c: {  	_ =	shalt  }
0x7d: {  	_ =	shalt  }
0x7e: {  	_ =	shalt  }
0x7f: {  	_ =	shalt  }
0x80: {  	_ =	shalt  }
0x81: {  	_ =	shalt  }
0x82: {  	_ =	shalt  }
0x83: {  	_ =	shalt  }
0x84: {  	_ =	shalt  }
0x85: {  	_ =	shalt  }
0x86: {  	_ =	shalt  }
0x87: {  	_ =	shalt  }
.Lfunc_end0:
.L_simem_size_0:
called_computation_lowered:
.L_overlay_start_0:
0x88: {  	s2 =	sld [smem:$0x3FD9]  }
0x89: {  	s3 =	sld [smem:$0x3FFE];
	_ =	sdelay $0x1  }
0x8a: {  	s1 =	srdreg.scid  }
0x8b: {  	s0 =	sand.u32 $0x1, s1  }
0x8c: {  	s14 =	sshll.u32 s0, $0xA;
	s2 =	sadd.s32 s3, s2  }
0x8d: {  	s2 =	sadd.s32 s2, s14  }
0x8e: {  	[smem:$0x3FC2] =	sst s2  }
0x8f: {  	_ = 	snop  }
0x90: {  	s2 =	sld [smem:$0x3FD0];
	_ =	sdelay $0x2  }
0x91: {  	s4 =	simm.s32 $0xA;
	s5 =	simm.s32 $0x10;
	s15 =	sld [smem:$0x3FC7]  }
0x92: {  	[smem:s5], [sflag:s4] =	dma.local [hbm:s2], $0x1  }
0x93: {  	_ =	swait.eq [sflag:s4], $0x1  }
0x94: {  	[sflag:s4] =	ssyncset.done $0x0  }
0x95: {  	[sflag:s4] =	ssyncadd.s32 $0xFFFFFFFF  }
0x96: {  	s16 =	sld [smem:$0x10];
	(tm) =	ssettm $0x1  }
0x97: {  	s17 =	sld [smem:$0x3FFB];
	_ =	sdelay $0x3  }
0x98: {  	_ =	strace s17  }
0x99: {  	s4 =	sld [smem:$0x3FFC];
	_ =	sdelay $0x3  }
0x9a: {  	_ =	strace s4  }
0x9b: {  	s4 =	sld [smem:$0x3FFD];
	_ =	sdelay $0x3  }
0x9c: {  	_ =	strace s4  }
0x9d: {  	_ =	strace $0x8FFFFFFF  }
0x9e: {  	s18 =	sld [smem:$0x3FDB];
	_ =	sdelay $0x1  }
0x9f: {  	s19 =	simm.s32 $_scs_section_size  }
0xa0: {  	s6 =	simm.s32 $_size__tile_overlayer_lowered;
	s7 =	simm.s32 $_tile_overlayer_lowered  }
0xa1: {  	s22 =	simm.s32 $0x1BFF;
	s21 =	sshll.u32 s7, $0x1;
	s4 =	sadd.s32 s19, s18  }
0xa2: {  	s8 =	simm.s32 $0x0;
	s20 =	sshll.u32 s6, $0x1;
	s6 =	sadd.s32 s21, s4  }
0xa3: {  	[timem:s8], [sflag:s22] =	dma.local [hbm:s6], s20  }
0xa4: {  	_ =	swait.ge [sflag:s22], s20  }
0xa5: {  	s5 =	ssub.s32 $0x0, s20;
	[sflag:s22] =	ssyncset.done $0x0  }
0xa6: {  	[sflag:s22] =	ssyncadd.s32 s5;
	_ =	sdelay $0x1  }
0xa7: {  	s23 =	simm.s32 $0x1B8B  }
0xa8: {  	_ =	swait.ge [sflag:s23], $0x1  }
0xa9: {  	[sflag:s23] =	ssyncset.done $0x0  }
0xaa: {  	s25 =	simm.s32 $0x1B8E;
	s24 =	sld [smem:$0x3FFE];
	[sflag:s23] =	ssyncadd.s32 $0xFFFFFFFF  }
0xab: {  	s26 =	simm.s32 $execute0_lowered;
	[smem:$0x3FD2] =	sst s25  }
0xac: {  	s6 =	sshll.u32 s26, $0x1;
	_ =	strace $0x80000046;
	[dreg:$0x1] =	wrdreg $0xFFFFFFFF  }
0xad: {  	s28 =	simm.s32 $_size_execute0_lowered;
	s4 =	sadd.s32 s4, s6;
	[dreg:$0x0] =	wrdreg $0x0  }
0xae: {  	s6 =	sshll.u32 s28, $0x1;
	[dreg:$0x2] =	wrdreg s4  }
0xaf: {  	[dreg:$0x3] =	wrdreg s6  }
0xb0: {  	[dreg:$0x4] =	wrdreg $0xC0  }
0xb1: {  	_ =	task [dreg:s8], $0x5FFFF  }
0xb2: {  	[dreg:$0x1] =	wrdreg $0xFFFFFFFF  }
0xb3: {  	[dreg:$0x0] =	wrdreg $0x60  }
0xb4: {  	[dreg:$0x2] =	wrdreg s24  }
0xb5: {  	[dreg:$0x3] =	wrdreg s15  }
0xb6: {  	[dreg:$0x4] =	wrdreg s16  }
0xb7: {  	[dreg:$0x5] =	wrdreg $0x9  }
0xb8: {  	_ =	task.clear_ibuf [dreg:s8], $0x6FFFF;
	_ =	strace $0x90000046  }
0xb9: {  	s29 =	simm.s32 $0x9;
	_ =	strace $0x80000048  }
0xba: {  	_ =	swait.ge [sflag:s29], $0x1  }
0xbb: {  	[sflag:s29] =	ssyncadd.s32 $0xFFFFFFFF  }
0xbc: {  	_ =	strace $0x90000048  }
0xbd: {  	_ =	sfence  }
0xbe: {  	s30 =	sld [smem:$0x0];
	_ =	sdelay $0x2  }
0xbf: {  	s31 =	sshll.u32 s1, $0xD;
	s1 =	sshrl.u32 s1, $0x2  }
0xc0: {  	s3 =	sand.u32 $0x4000, s31;
	s1 =	sadd.s32 s1, s30  }
0xc1: {  	s0 =	sor.u32 s3, s0;
	s1 =	sshll.u32 s1, $0x11  }
0xc2: {  	s0 =	sor.u32 s1, s0  }
0xc3: {  	s0 =	sadd.s32 $0x8F2B, s0  }
0xc4: {  	[sflag:s0] =	ssyncadd.remote.s32 $0x1  }
0xc5: {  	_ =	sfence.sel $0xFFFF  }
0xc6: {  	[dreg:$0x0] =	wrdreg $0xFFFFFFFF;
	(pc) =	sbr.abs _section_cstart, $3  }
0xc7: {  	[dreg:$0x1] =	wrdreg $0xFFFFFFFF  }
0xc8: {  	_ =	task.clear_ibuf [dreg:s8], $0x2FFFF;
	_ =	strace $0x9FFFFFFF  }
0xc9: {  	(tm) =	ssettm $0x7FFFFFFF  }
tec
execute0_lowered:
.L_overlay_start_1:
0x0: {  	(tag) =	ssettag $0x1  }
0x1: {  	s0 =	rddreg [dreg:$0x0]  }
0x2: {  	s1 =	rddreg [dreg:$0x1]  }
0x3: {  	s18 =	rddreg [dreg:$0x2];
	s3 =	simm.s32 $0x0  }
0x4: {  	s4 =	srdreg.scid;
	s2 =	stileid.u32;
	s28 =	simm.s32 $0x1  }
0x5: {  	s29 =	simm.s32 $0x2;
	s30 =	simm.s32 $0x0;
	[smem:$0x7FF] =	sst s3  }
0x6: {  	s4 =	sand.u32 $0x1, s4;
	s5 =	sshll.u32 s2, $0x1;
	s15 =	sadd.s32 $0x6000, s0  }
0x7: {  	s0 =	sadd.s32 $0x1000, s0;
	s6 =	ssub.s32 $0x2, s4;
	s11 =	sor.u32 s4, s5  }
0x8: {  	_ =	strace $0x80000047;
	s24 =	sshrl.u32 s6, $0x1;
	s10 =	sor.u32 $0x20, s11  }
0x9: {  	s5 =	sshll.u32 s11, $0x7;
	s25 =	sshll.u32 s11, $0x4;
	s13 =	sor.u32 $0x40, s11  }
0xa: {  	s8 =	smul.u32 $0x1400, s11;
	s16 =	sor.u32 $0x60, s11;
	s2 =	sor.u32 $0x80, s11  }
0xb: {  	s19 =	ssub.s32 s6, s24;
	s7 =	sshll.u32 s10, $0x7;
	s14 =	sand.u32 $0x380, s5  }
0xc: {  	s4 =	sadd.s32 s15, s25;
	s5 =	sadd.s32 s0, s5;
	s12 =	sshll.u32 s13, $0x7  }
0xd: {  	s17 =	sshll.u32 s16, $0x7;
	s20 =	smul.u32 $0x1400, s10;
	s24 =	sshll.u32 s2, $0x7  }
0xe: {  	s22 =	smul.u32 $0x1400, s13;
	s26 =	sand.u32 $0x1C00, s7;
	s9 =	sand.u32 $0x2C00, s12  }
0xf: {  	s7 =	sadd.s32 s0, s7;
	s8 =	sadd.s32 s18, s8;
	s21 =	sand.u32 $0x3C00, s17  }
0x10: {  	s10 =	sadd.s32 s0, s12;
	s23 =	sand.u32 $0x4C00, s24;
	s13 =	sadd.s32 s0, s17  }
0x11: {  	s19 =	smax.u32 s19, $0x1;
	s6 =	sor.u32 s14, s26;
	s9 =	sor.u32 s14, s9  }
0x12: {  	s31 =	sor.u32 s14, s21;
	s11 =	sadd.s32 s18, s20;
	s26 =	smul.u32 $0x1400, s16  }
0x13: {  	s25 =	sor.u32 s14, s23;
	s14 =	sadd.s32 s18, s22;
	s21 =	smul.u32 $0x1400, s2  }
0x14: {  	s16 =	sadd.s32 s0, s24;
	s20 =	simm.s32 $0x3;
	s22 =	simm.s32 $0x5  }
0x15: {  	s23 =	simm.s32 $0x900;
	s24 =	simm.s32 $0x80;
	s6 =	sshrl.u32 s6, $0x3  }
0x16: {  	s9 =	sshrl.u32 s9, $0x3;
	s12 =	sshrl.u32 s31, $0x3;
	s31 =	sshrl.u32 s25, $0x3  }
0x17: {  	s25 =	simm.s32 $0x500;
	s6 =	sadd.s32 s15, s6;
	s9 =	sadd.s32 s15, s9  }
0x18: {  	s12 =	sadd.s32 s15, s12;
	s15 =	sadd.s32 s15, s31;
	s17 =	sadd.s32 s18, s26  }
0x19: {  	s18 =	sadd.s32 s18, s21;
	s21 =	simm.s32 $0x100;
	s26 =	simm.s32 $0xA900  }
.LBB2_1:
0x1a: {  	[tilespmem:s3], [sflag:$0x3] =	stream.linear.gather [hbm4b:s4+s3], $0x80, $0x38;
	[tilespmem:$0x14900] =	vst v63  }
0x1b: {  	_ =	swait.ge [sflag:s20], $0x80  }
0x1c: {  	[sflag:s20] =	ssyncset.done $0x0  }
0x1d: {  	[sflag:s20] =	ssyncadd.s32 $0xFFFFFF80  }
0x1e: {  	[tilespmem:s21], [sflag:$0x3] =	stream.linear.gather [hbm4b:s5+s3], $0x280, $0x38;
	[tilespmem:$0x14900] =	vst v63  }
0x1f: {  	_ =	swait.ge [sflag:s20], $0x280  }
0x20: {  	[sflag:s20] =	ssyncset.done $0x0  }
0x21: {  	[sflag:s20] =	ssyncadd.s32 $0xFFFFFD80  }
0x22: {  	[tilespmem:s23], [sflag:$0x1] =	stream.indirect.gather [hbm4b:s1+s22], $0x2000, s3, s22, $0xb8;
	[tilespmem:$0x14900] =	vst v63  }
0x23: {  	_ = 	snop  }
0x24: {  	[tilespmem:s24], [sflag:$0x3] =	stream.linear.gather [hbm4b:s6+s3], $0x80, $0x38;
	[tilespmem:$0x14900] =	vst v63  }
0x25: {  	_ =	swait.ge [sflag:s20], $0x80  }
0x26: {  	[sflag:s20] =	ssyncset.done $0x0  }
0x27: {  	[sflag:s20] =	ssyncadd.s32 $0xFFFFFF80  }
0x28: {  	[tilespmem:s25], [sflag:$0x3] =	stream.linear.gather [hbm4b:s7+s3], $0x280, $0x38;
	[tilespmem:$0x14900] =	vst v63  }
0x29: {  	_ =	swait.ge [sflag:s20], $0x280  }
0x2a: {  	[sflag:s20] =	ssyncset.done $0x0  }
0x2b: {  	[sflag:s20] =	ssyncadd.s32 $0xFFFFFD80  }
0x2c: {  	[tilespmem:s26], [sflag:$0x2] =	stream.indirect.gather [hbm4b:s1+s22], $0x2000, s24, s22, $0xb8;
	[tilespmem:$0x14900] =	vst v63  }
0x2d: {  	_ =	swait.ge [sflag:s28], $0xA000  }
0x2e: {  	[sflag:s28] =	ssyncset.done $0x0  }
0x2f: {  	[sflag:s28] =	ssyncadd.s32 $0xFFFF6000  }
0x30: {  	v1 =	vld [tilespmem:$0x100]  }
0x31: {  	v2 =	vld [tilespmem:$0x180]  }
0x32: {  	v3 =	vld [tilespmem:$0x200]  }
0x33: {  	v4 =	vld [tilespmem:$0x280]  }
0x34: {  	s31 =	simm.s32 $0x0;
	v0 =	vld [tilespmem:$0x300]  }
0x35: {  	v5 =	vld [tilespmem:s31+$0x900]  }
0x36: {  	v6 =	vld [tilespmem:s31+$0x910]  }
0x37: {  	v7 =	vld [tilespmem:s31+$0x920]  }
0x38: {  	v8 =	vld [tilespmem:s31+$0x930]  }
0x39: {  	v9 =	vld [tilespmem:s31+$0x940]  }
0x3a: {  	v10 =	vld [tilespmem:s31+$0x950];
	v5 =	vmul.f32 v5, v1  }
0x3b: {  	v11 =	vld [tilespmem:s31+$0x960];
	v6 =	vmul.f32 v6, v1  }
0x3c: {  	v7 =	vmul.f32 v7, v1;
	[tilespmem:s31+$0x900] =	vst v5;
	v5 =	vld [tilespmem:s31+$0x970]  }
0x3d: {  	v8 =	vmul.f32 v8, v1;
	[tilespmem:s31+$0x910] =	vst v6;
	v6 =	vld [tilespmem:s31+$0x2900]  }
0x3e: {  	v9 =	vmul.f32 v9, v1;
	[tilespmem:s31+$0x920] =	vst v7;
	v7 =	vld [tilespmem:s31+$0x2910]  }
0x3f: {  	v10 =	vmul.f32 v10, v1;
	[tilespmem:s31+$0x930] =	vst v8;
	v8 =	vld [tilespmem:s31+$0x2920]  }
0x40: {  	v11 =	vmul.f32 v11, v1;
	[tilespmem:s31+$0x940] =	vst v9;
	v9 =	vld [tilespmem:s31+$0x2930]  }
0x41: {  	[tilespmem:s31+$0x950] =	vst v10;
	v10 =	vld [tilespmem:s31+$0x2940];
	v5 =	vmul.f32 v5, v1  }
0x42: {  	[tilespmem:s31+$0x960] =	vst v11;
	v11 =	vld [tilespmem:s31+$0x2950];
	v6 =	vmul.f32 v6, v2  }
0x43: {  	v7 =	vmul.f32 v7, v2;
	[tilespmem:s31+$0x970] =	vst v5;
	v5 =	vld [tilespmem:s31+$0x2960]  }
0x44: {  	v8 =	vmul.f32 v8, v2;
	[tilespmem:s31+$0x2900] =	vst v6;
	v6 =	vld [tilespmem:s31+$0x2970]  }
0x45: {  	v9 =	vmul.f32 v9, v2;
	[tilespmem:s31+$0x2910] =	vst v7;
	v7 =	vld [tilespmem:s31+$0x4900]  }
0x46: {  	v10 =	vmul.f32 v10, v2;
	[tilespmem:s31+$0x2920] =	vst v8;
	v8 =	vld [tilespmem:s31+$0x4910]  }
0x47: {  	v11 =	vmul.f32 v11, v2;
	[tilespmem:s31+$0x2930] =	vst v9;
	v9 =	vld [tilespmem:s31+$0x4920]  }
0x48: {  	[tilespmem:s31+$0x2940] =	vst v10;
	v10 =	vld [tilespmem:s31+$0x4930];
	v5 =	vmul.f32 v5, v2  }
0x49: {  	[tilespmem:s31+$0x2950] =	vst v11;
	v11 =	vld [tilespmem:s31+$0x4940];
	v6 =	vmul.f32 v6, v2  }
0x4a: {  	v7 =	vmul.f32 v7, v3;
	[tilespmem:s31+$0x2960] =	vst v5;
	v5 =	vld [tilespmem:s31+$0x4950]  }
0x4b: {  	v8 =	vmul.f32 v8, v3;
	[tilespmem:s31+$0x2970] =	vst v6;
	v6 =	vld [tilespmem:s31+$0x4960]  }
0x4c: {  	v9 =	vmul.f32 v9, v3;
	[tilespmem:s31+$0x4900] =	vst v7;
	v7 =	vld [tilespmem:s31+$0x4970]  }
0x4d: {  	v10 =	vmul.f32 v10, v3;
	[tilespmem:s31+$0x4910] =	vst v8;
	v8 =	vld [tilespmem:s31+$0x6900]  }
0x4e: {  	v11 =	vmul.f32 v11, v3;
	[tilespmem:s31+$0x4920] =	vst v9;
	v9 =	vld [tilespmem:s31+$0x6910]  }
0x4f: {  	[tilespmem:s31+$0x4930] =	vst v10;
	v10 =	vld [tilespmem:s31+$0x6920];
	v5 =	vmul.f32 v5, v3  }
0x50: {  	[tilespmem:s31+$0x4940] =	vst v11;
	v11 =	vld [tilespmem:s31+$0x6930];
	v6 =	vmul.f32 v6, v3  }
0x51: {  	v7 =	vmul.f32 v7, v3;
	[tilespmem:s31+$0x4950] =	vst v5;
	v5 =	vld [tilespmem:s31+$0x6940]  }
0x52: {  	v12 =	vld [tilespmem:s31+$0x6950];
	[tilespmem:s31+$0x4960] =	vst v6;
	v6 =	vmul.f32 v8, v4  }
0x53: {  	[tilespmem:s31+$0x4970] =	vst v7;
	v7 =	vld [tilespmem:s31+$0x6960];
	v8 =	vmul.f32 v9, v4  }
0x54: {  	v9 =	vld [tilespmem:s31+$0x6970];
	[tilespmem:s31+$0x6900] =	vst v6;
	v6 =	vmul.f32 v10, v4  }
0x55: {  	[tilespmem:s31+$0x6910] =	vst v8;
	v10 =	vld [tilespmem:s31+$0x8900];
	v8 =	vmul.f32 v11, v4  }
0x56: {  	v13 =	vld [tilespmem:s31+$0x8910];
	[tilespmem:s31+$0x6920] =	vst v6;
	v5 =	vmul.f32 v5, v4  }
0x57: {  	[tilespmem:s31+$0x6930] =	vst v8;
	v6 =	vld [tilespmem:s31+$0x8920];
	v8 =	vmul.f32 v12, v4  }
0x58: {  	v11 =	vmul.f32 v7, v4;
	[tilespmem:s31+$0x6940] =	vst v5;
	v5 =	vld [tilespmem:s31+$0x8930]  }
0x59: {  	v7 =	vld [tilespmem:s31+$0x8940];
	v9 =	vmul.f32 v9, v4;
	[tilespmem:s31+$0x6950] =	vst v8  }
0x5a: {  	v8 =	vld [tilespmem:s31+$0x8950];
	[tilespmem:s31+$0x6960] =	vst v11;
	v11 =	vmul.f32 v10, v0  }
0x5b: {  	s0 =	simm.s32 $0x200;
	[tilespmem:s31+$0x6970] =	vst v9;
	v10 =	vmul.f32 v13, v0;
	v9 =	vld [tilespmem:s31+$0x8960]  }
.LBB2_2:
0x5c: {  	s2 =	sshra.s32 s0, $0x2;
	p0 =	sne.s32 s0, $0x7E00;
	[tilespmem:s31+$0x8900] =	vst v11;
	v6 =	vmul.f32 v6, v0;
	v11 =	vld [tilespmem:s31+$0x8970]  }
0x5d: {  	v12 =	vld [tilespmem:s2+$0x900];
	[tilespmem:s31+$0x8910] =	vst v10;
	v5 =	vmul.f32 v5, v0  }
0x5e: {  	v10 =	vld [tilespmem:s2+$0x910];
	[tilespmem:s31+$0x8920] =	vst v6;
	v6 =	vmul.f32 v7, v0  }
0x5f: {  	v7 =	vld [tilespmem:s2+$0x920];
	[tilespmem:s31+$0x8930] =	vst v5;
	v5 =	vmul.f32 v8, v0  }
0x60: {  	v8 =	vld [tilespmem:s2+$0x930];
	[tilespmem:s31+$0x8940] =	vst v6;
	v6 =	vmul.f32 v9, v0  }
0x61: {  	v9 =	vld [tilespmem:s2+$0x940];
	[tilespmem:s31+$0x8950] =	vst v5;
	v5 =	vmul.f32 v11, v0  }
0x62: {  	v11 =	vmul.f32 v12, v1;
	v12 =	vld [tilespmem:s2+$0x950];
	[tilespmem:s31+$0x8960] =	vst v6  }
0x63: {  	v6 =	vmul.f32 v10, v1;
	v10 =	vld [tilespmem:s2+$0x960];
	[tilespmem:s31+$0x8970] =	vst v5;
	s31 =	smov.u32 s2  }
0x64: {  	[tilespmem:s31+$0x900] =	vst v11;
	v5 =	vmul.f32 v7, v1;
	v7 =	vld [tilespmem:s31+$0x970]  }
0x65: {  	[tilespmem:s31+$0x910] =	vst v6;
	v6 =	vmul.f32 v8, v1;
	v8 =	vld [tilespmem:s31+$0x2900]  }
0x66: {  	[tilespmem:s31+$0x920] =	vst v5;
	v5 =	vmul.f32 v9, v1;
	v9 =	vld [tilespmem:s31+$0x2910]  }
0x67: {  	[tilespmem:s31+$0x930] =	vst v6;
	v6 =	vmul.f32 v12, v1;
	v11 =	vld [tilespmem:s31+$0x2920]  }
0x68: {  	[tilespmem:s31+$0x940] =	vst v5;
	v5 =	vmul.f32 v10, v1;
	v10 =	vld [tilespmem:s31+$0x2930]  }
0x69: {  	[tilespmem:s31+$0x950] =	vst v6;
	v6 =	vmul.f32 v7, v1;
	v7 =	vld [tilespmem:s31+$0x2940]  }
0x6a: {  	[tilespmem:s31+$0x960] =	vst v5;
	v5 =	vmul.f32 v8, v2;
	v8 =	vld [tilespmem:s31+$0x2950]  }
0x6b: {  	[tilespmem:s31+$0x970] =	vst v6;
	v6 =	vmul.f32 v9, v2;
	v9 =	vld [tilespmem:s31+$0x2960]  }
0x6c: {  	[tilespmem:s31+$0x2900] =	vst v5;
	v5 =	vmul.f32 v11, v2;
	v11 =	vld [tilespmem:s31+$0x2970]  }
0x6d: {  	[tilespmem:s31+$0x2910] =	vst v6;
	v6 =	vmul.f32 v10, v2;
	v10 =	vld [tilespmem:s31+$0x4900]  }
0x6e: {  	[tilespmem:s31+$0x2920] =	vst v5;
	v5 =	vmul.f32 v7, v2;
	v7 =	vld [tilespmem:s31+$0x4910]  }
0x6f: {  	[tilespmem:s31+$0x2930] =	vst v6;
	v6 =	vmul.f32 v8, v2;
	v8 =	vld [tilespmem:s31+$0x4920]  }
0x70: {  	[tilespmem:s31+$0x2940] =	vst v5;
	v5 =	vmul.f32 v9, v2;
	v9 =	vld [tilespmem:s31+$0x4930]  }
0x71: {  	[tilespmem:s31+$0x2950] =	vst v6;
	v6 =	vmul.f32 v11, v2;
	v11 =	vld [tilespmem:s31+$0x4940]  }
0x72: {  	[tilespmem:s31+$0x2960] =	vst v5;
	v5 =	vmul.f32 v10, v3;
	v10 =	vld [tilespmem:s31+$0x4950]  }
0x73: {  	[tilespmem:s31+$0x2970] =	vst v6;
	v6 =	vmul.f32 v7, v3;
	v7 =	vld [tilespmem:s31+$0x4960]  }
0x74: {  	[tilespmem:s31+$0x4900] =	vst v5;
	v5 =	vmul.f32 v8, v3;
	v8 =	vld [tilespmem:s31+$0x4970]  }
0x75: {  	[tilespmem:s31+$0x4910] =	vst v6;
	v6 =	vmul.f32 v9, v3;
	v9 =	vld [tilespmem:s31+$0x6900]  }
0x76: {  	[tilespmem:s31+$0x4920] =	vst v5;
	v5 =	vmul.f32 v11, v3;
	v11 =	vld [tilespmem:s31+$0x6910]  }
0x77: {  	[tilespmem:s31+$0x4930] =	vst v6;
	v6 =	vmul.f32 v10, v3;
	v10 =	vld [tilespmem:s31+$0x6920]  }
0x78: {  	[tilespmem:s31+$0x4940] =	vst v5;
	v5 =	vmul.f32 v7, v3;
	v7 =	vld [tilespmem:s31+$0x6930]  }
0x79: {  	[tilespmem:s31+$0x4950] =	vst v6;
	v6 =	vmul.f32 v8, v3;
	v8 =	vld [tilespmem:s31+$0x6940]  }
0x7a: {  	[tilespmem:s31+$0x4960] =	vst v5;
	v5 =	vmul.f32 v9, v4;
	v9 =	vld [tilespmem:s31+$0x6950]  }
0x7b: {  	[tilespmem:s31+$0x4970] =	vst v6;
	v6 =	vmul.f32 v11, v4;
	v11 =	vld [tilespmem:s31+$0x6960]  }
0x7c: {  	[tilespmem:s31+$0x6900] =	vst v5;
	v5 =	vmul.f32 v10, v4;
	v10 =	vld [tilespmem:s31+$0x6970]  }
0x7d: {  	[tilespmem:s31+$0x6910] =	vst v6;
	v6 =	vmul.f32 v7, v4;
	v12 =	vld [tilespmem:s31+$0x8900]  }
0x7e: {  	[tilespmem:s31+$0x6920] =	vst v5;
	v5 =	vmul.f32 v8, v4;
	v13 =	vld [tilespmem:s31+$0x8910]  }
.Ltmp0:
0x7f: {  	[tilespmem:s31+$0x6930] =	vst v6;
	v7 =	vmul.f32 v9, v4;
	v6 =	vld [tilespmem:s31+$0x8920];
	(pc) =	sbr.rel @p0 .LBB2_2-.Ltmp0, $4  }
0x80: {  	[tilespmem:s31+$0x6940] =	vst v5;
	v8 =	vmul.f32 v11, v4;
	v5 =	vld [tilespmem:s31+$0x8930]  }
0x81: {  	[tilespmem:s31+$0x6950] =	vst v7;
	v9 =	vmul.f32 v10, v4;
	v7 =	vld [tilespmem:s31+$0x8940]  }
0x82: {  	[tilespmem:s31+$0x6960] =	vst v8;
	v11 =	vmul.f32 v12, v0;
	v8 =	vld [tilespmem:s31+$0x8950]  }
0x83: {  	s0 =	sadd.s32 $0x200, s0;
	[tilespmem:s31+$0x6970] =	vst v9;
	v10 =	vmul.f32 v13, v0;
	v9 =	vld [tilespmem:s31+$0x8960]  }
0x84: {  	[tilespmem:s31+$0x8900] =	vst v11;
	v1 =	vmul.f32 v6, v0;
	v2 =	vld [tilespmem:s31+$0x8970]  }
0x85: {  	[tilespmem:s31+$0x8910] =	vst v10;
	v3 =	vmul.f32 v5, v0  }
0x86: {  	[tilespmem:s31+$0x8920] =	vst v1;
	v1 =	vmul.f32 v7, v0  }
0x87: {  	[tilespmem:s31+$0x8930] =	vst v3;
	v3 =	vmul.f32 v8, v0  }
0x88: {  	[tilespmem:s31+$0x8940] =	vst v1;
	v1 =	vmul.f32 v9, v0  }
0x89: {  	[tilespmem:s31+$0x8950] =	vst v3;
	v0 =	vmul.f32 v2, v0  }
0x8a: {  	[tilespmem:s31+$0x8960] =	vst v1  }
0x8b: {  	s0 =	simm.s32 $0x0;
	[tilespmem:s31+$0x8970] =	vst v0  }
0x8c: {  	[hbm4b:s8+s0] =	stream.linear.scatter [tilespmem:s23], [sflag:$0x3], $0xA000, $0x38;
	[tilespmem:$0x14900] =	vst v63  }
0x8d: {  	_ =	swait.ge [sflag:s20], $0xA000  }
0x8e: {  	[sflag:s20] =	ssyncset.done $0x0  }
0x8f: {  	[sflag:s20] =	ssyncadd.s32 $0xFFFF6000  }
0x90: {  	[tilespmem:s0], [sflag:$0x3] =	stream.linear.gather [hbm4b:s9+s0], $0x80, $0x38;
	[tilespmem:$0x14900] =	vst v63  }
0x91: {  	_ =	swait.ge [sflag:s20], $0x80  }
0x92: {  	[sflag:s20] =	ssyncset.done $0x0  }
0x93: {  	[sflag:s20] =	ssyncadd.s32 $0xFFFFFF80  }
0x94: {  	[tilespmem:s21], [sflag:$0x3] =	stream.linear.gather [hbm4b:s10+s0], $0x280, $0x38;
	[tilespmem:$0x14900] =	vst v63  }
0x95: {  	_ =	swait.ge [sflag:s20], $0x280  }
0x96: {  	[sflag:s20] =	ssyncset.done $0x0  }
0x97: {  	[sflag:s20] =	ssyncadd.s32 $0xFFFFFD80  }
0x98: {  	[tilespmem:s23], [sflag:$0x1] =	stream.indirect.gather [hbm4b:s1+s22], $0x2000, s0, s22, $0xb8;
	[tilespmem:$0x14900] =	vst v63  }
0x99: {  	_ =	swait.ge [sflag:s29], $0xA000  }
0x9a: {  	[sflag:s29] =	ssyncset.done $0x0  }
0x9b: {  	[sflag:s29] =	ssyncadd.s32 $0xFFFF6000  }
0x9c: {  	v1 =	vld [tilespmem:$0x500]  }
0x9d: {  	v2 =	vld [tilespmem:$0x580]  }
0x9e: {  	v3 =	vld [tilespmem:$0x600]  }
0x9f: {  	v4 =	vld [tilespmem:$0x680]  }
0xa0: {  	s31 =	simm.s32 $0x0;
	v0 =	vld [tilespmem:$0x700]  }
0xa1: {  	v5 =	vld [tilespmem:s31+$0xA900]  }
0xa2: {  	v6 =	vld [tilespmem:s31+$0xA910]  }
0xa3: {  	v7 =	vld [tilespmem:s31+$0xA920]  }
0xa4: {  	v8 =	vld [tilespmem:s31+$0xA930]  }
0xa5: {  	v9 =	vld [tilespmem:s31+$0xA940]  }
0xa6: {  	v10 =	vld [tilespmem:s31+$0xA950];
	v5 =	vmul.f32 v5, v1  }
0xa7: {  	v11 =	vld [tilespmem:s31+$0xA960];
	v6 =	vmul.f32 v6, v1  }
0xa8: {  	v7 =	vmul.f32 v7, v1;
	[tilespmem:s31+$0xA900] =	vst v5;
	v5 =	vld [tilespmem:s31+$0xA970]  }
0xa9: {  	v8 =	vmul.f32 v8, v1;
	[tilespmem:s31+$0xA910] =	vst v6;
	v6 =	vld [tilespmem:s31+$0xC900]  }
0xaa: {  	v9 =	vmul.f32 v9, v1;
	[tilespmem:s31+$0xA920] =	vst v7;
	v7 =	vld [tilespmem:s31+$0xC910]  }
0xab: {  	v10 =	vmul.f32 v10, v1;
	[tilespmem:s31+$0xA930] =	vst v8;
	v8 =	vld [tilespmem:s31+$0xC920]  }
0xac: {  	v11 =	vmul.f32 v11, v1;
	[tilespmem:s31+$0xA940] =	vst v9;
	v9 =	vld [tilespmem:s31+$0xC930]  }
0xad: {  	[tilespmem:s31+$0xA950] =	vst v10;
	v10 =	vld [tilespmem:s31+$0xC940];
	v5 =	vmul.f32 v5, v1  }
0xae: {  	[tilespmem:s31+$0xA960] =	vst v11;
	v11 =	vld [tilespmem:s31+$0xC950];
	v6 =	vmul.f32 v6, v2  }
0xaf: {  	v7 =	vmul.f32 v7, v2;
	[tilespmem:s31+$0xA970] =	vst v5;
	v5 =	vld [tilespmem:s31+$0xC960]  }
0xb0: {  	v8 =	vmul.f32 v8, v2;
	[tilespmem:s31+$0xC900] =	vst v6;
	v6 =	vld [tilespmem:s31+$0xC970]  }
0xb1: {  	v9 =	vmul.f32 v9, v2;
	[tilespmem:s31+$0xC910] =	vst v7;
	v7 =	vld [tilespmem:s31+$0xE900]  }
0xb2: {  	v10 =	vmul.f32 v10, v2;
	[tilespmem:s31+$0xC920] =	vst v8;
	v8 =	vld [tilespmem:s31+$0xE910]  }
0xb3: {  	v11 =	vmul.f32 v11, v2;
	[tilespmem:s31+$0xC930] =	vst v9;
	v9 =	vld [tilespmem:s31+$0xE920]  }
0xb4: {  	[tilespmem:s31+$0xC940] =	vst v10;
	v10 =	vld [tilespmem:s31+$0xE930];
	v5 =	vmul.f32 v5, v2  }
0xb5: {  	[tilespmem:s31+$0xC950] =	vst v11;
	v11 =	vld [tilespmem:s31+$0xE940];
	v6 =	vmul.f32 v6, v2  }
0xb6: {  	v7 =	vmul.f32 v7, v3;
	[tilespmem:s31+$0xC960] =	vst v5;
	v5 =	vld [tilespmem:s31+$0xE950]  }
0xb7: {  	v8 =	vmul.f32 v8, v3;
	[tilespmem:s31+$0xC970] =	vst v6;
	v6 =	vld [tilespmem:s31+$0xE960]  }
0xb8: {  	v9 =	vmul.f32 v9, v3;
	[tilespmem:s31+$0xE900] =	vst v7;
	v7 =	vld [tilespmem:s31+$0xE970]  }
0xb9: {  	v10 =	vmul.f32 v10, v3;
	[tilespmem:s31+$0xE910] =	vst v8;
	v8 =	vld [tilespmem:s31+$0x10900]  }
0xba: {  	v11 =	vmul.f32 v11, v3;
	[tilespmem:s31+$0xE920] =	vst v9;
	v9 =	vld [tilespmem:s31+$0x10910]  }
0xbb: {  	[tilespmem:s31+$0xE930] =	vst v10;
	v10 =	vld [tilespmem:s31+$0x10920];
	v5 =	vmul.f32 v5, v3  }
0xbc: {  	[tilespmem:s31+$0xE940] =	vst v11;
	v11 =	vld [tilespmem:s31+$0x10930];
	v6 =	vmul.f32 v6, v3  }
0xbd: {  	v7 =	vmul.f32 v7, v3;
	[tilespmem:s31+$0xE950] =	vst v5;
	v5 =	vld [tilespmem:s31+$0x10940]  }
0xbe: {  	v12 =	vld [tilespmem:s31+$0x10950];
	[tilespmem:s31+$0xE960] =	vst v6;
	v6 =	vmul.f32 v8, v4  }
0xbf: {  	[tilespmem:s31+$0xE970] =	vst v7;
	v7 =	vld [tilespmem:s31+$0x10960];
	v8 =	vmul.f32 v9, v4  }
0xc0: {  	v9 =	vld [tilespmem:s31+$0x10970];
	[tilespmem:s31+$0x10900] =	vst v6;
	v6 =	vmul.f32 v10, v4  }
0xc1: {  	[tilespmem:s31+$0x10910] =	vst v8;
	v10 =	vld [tilespmem:s31+$0x12900];
	v8 =	vmul.f32 v11, v4  }
0xc2: {  	v13 =	vld [tilespmem:s31+$0x12910];
	[tilespmem:s31+$0x10920] =	vst v6;
	v5 =	vmul.f32 v5, v4  }
0xc3: {  	[tilespmem:s31+$0x10930] =	vst v8;
	v6 =	vld [tilespmem:s31+$0x12920];
	v8 =	vmul.f32 v12, v4  }
0xc4: {  	v11 =	vmul.f32 v7, v4;
	[tilespmem:s31+$0x10940] =	vst v5;
	v5 =	vld [tilespmem:s31+$0x12930]  }
0xc5: {  	v7 =	vld [tilespmem:s31+$0x12940];
	v9 =	vmul.f32 v9, v4;
	[tilespmem:s31+$0x10950] =	vst v8  }
0xc6: {  	v8 =	vld [tilespmem:s31+$0x12950];
	[tilespmem:s31+$0x10960] =	vst v11;
	v11 =	vmul.f32 v10, v0  }
0xc7: {  	s0 =	simm.s32 $0x200;
	[tilespmem:s31+$0x10970] =	vst v9;
	v10 =	vmul.f32 v13, v0;
	v9 =	vld [tilespmem:s31+$0x12960]  }
.LBB2_4:
0xc8: {  	s2 =	sshra.s32 s0, $0x2;
	p0 =	sne.s32 s0, $0x7E00;
	[tilespmem:s31+$0x12900] =	vst v11;
	v6 =	vmul.f32 v6, v0;
	v11 =	vld [tilespmem:s31+$0x12970]  }
0xc9: {  	v12 =	vld [tilespmem:s2+$0xA900];
	[tilespmem:s31+$0x12910] =	vst v10;
	v5 =	vmul.f32 v5, v0  }
0xca: {  	v10 =	vld [tilespmem:s2+$0xA910];
	[tilespmem:s31+$0x12920] =	vst v6;
	v6 =	vmul.f32 v7, v0  }
0xcb: {  	v7 =	vld [tilespmem:s2+$0xA920];
	[tilespmem:s31+$0x12930] =	vst v5;
	v5 =	vmul.f32 v8, v0  }
0xcc: {  	v8 =	vld [tilespmem:s2+$0xA930];
	[tilespmem:s31+$0x12940] =	vst v6;
	v6 =	vmul.f32 v9, v0  }
0xcd: {  	v9 =	vld [tilespmem:s2+$0xA940];
	[tilespmem:s31+$0x12950] =	vst v5;
	v5 =	vmul.f32 v11, v0  }
0xce: {  	v11 =	vmul.f32 v12, v1;
	v12 =	vld [tilespmem:s2+$0xA950];
	[tilespmem:s31+$0x12960] =	vst v6  }
0xcf: {  	v6 =	vmul.f32 v10, v1;
	v10 =	vld [tilespmem:s2+$0xA960];
	[tilespmem:s31+$0x12970] =	vst v5;
	s31 =	smov.u32 s2  }
0xd0: {  	[tilespmem:s31+$0xA900] =	vst v11;
	v5 =	vmul.f32 v7, v1;
	v7 =	vld [tilespmem:s31+$0xA970]  }
0xd1: {  	[tilespmem:s31+$0xA910] =	vst v6;
	v6 =	vmul.f32 v8, v1;
	v8 =	vld [tilespmem:s31+$0xC900]  }
0xd2: {  	[tilespmem:s31+$0xA920] =	vst v5;
	v5 =	vmul.f32 v9, v1;
	v9 =	vld [tilespmem:s31+$0xC910]  }
0xd3: {  	[tilespmem:s31+$0xA930] =	vst v6;
	v6 =	vmul.f32 v12, v1;
	v11 =	vld [tilespmem:s31+$0xC920]  }
0xd4: {  	[tilespmem:s31+$0xA940] =	vst v5;
	v5 =	vmul.f32 v10, v1;
	v10 =	vld [tilespmem:s31+$0xC930]  }
0xd5: {  	[tilespmem:s31+$0xA950] =	vst v6;
	v6 =	vmul.f32 v7, v1;
	v7 =	vld [tilespmem:s31+$0xC940]  }
0xd6: {  	[tilespmem:s31+$0xA960] =	vst v5;
	v5 =	vmul.f32 v8, v2;
	v8 =	vld [tilespmem:s31+$0xC950]  }
0xd7: {  	[tilespmem:s31+$0xA970] =	vst v6;
	v6 =	vmul.f32 v9, v2;
	v9 =	vld [tilespmem:s31+$0xC960]  }
0xd8: {  	[tilespmem:s31+$0xC900] =	vst v5;
	v5 =	vmul.f32 v11, v2;
	v11 =	vld [tilespmem:s31+$0xC970]  }
0xd9: {  	[tilespmem:s31+$0xC910] =	vst v6;
	v6 =	vmul.f32 v10, v2;
	v10 =	vld [tilespmem:s31+$0xE900]  }
0xda: {  	[tilespmem:s31+$0xC920] =	vst v5;
	v5 =	vmul.f32 v7, v2;
	v7 =	vld [tilespmem:s31+$0xE910]  }
0xdb: {  	[tilespmem:s31+$0xC930] =	vst v6;
	v6 =	vmul.f32 v8, v2;
	v8 =	vld [tilespmem:s31+$0xE920]  }
0xdc: {  	[tilespmem:s31+$0xC940] =	vst v5;
	v5 =	vmul.f32 v9, v2;
	v9 =	vld [tilespmem:s31+$0xE930]  }
0xdd: {  	[tilespmem:s31+$0xC950] =	vst v6;
	v6 =	vmul.f32 v11, v2;
	v11 =	vld [tilespmem:s31+$0xE940]  }
0xde: {  	[tilespmem:s31+$0xC960] =	vst v5;
	v5 =	vmul.f32 v10, v3;
	v10 =	vld [tilespmem:s31+$0xE950]  }
0xdf: {  	[tilespmem:s31+$0xC970] =	vst v6;
	v6 =	vmul.f32 v7, v3;
	v7 =	vld [tilespmem:s31+$0xE960]  }
0xe0: {  	[tilespmem:s31+$0xE900] =	vst v5;
	v5 =	vmul.f32 v8, v3;
	v8 =	vld [tilespmem:s31+$0xE970]  }
0xe1: {  	[tilespmem:s31+$0xE910] =	vst v6;
	v6 =	vmul.f32 v9, v3;
	v9 =	vld [tilespmem:s31+$0x10900]  }
0xe2: {  	[tilespmem:s31+$0xE920] =	vst v5;
	v5 =	vmul.f32 v11, v3;
	v11 =	vld [tilespmem:s31+$0x10910]  }
0xe3: {  	[tilespmem:s31+$0xE930] =	vst v6;
	v6 =	vmul.f32 v10, v3;
	v10 =	vld [tilespmem:s31+$0x10920]  }
0xe4: {  	[tilespmem:s31+$0xE940] =	vst v5;
	v5 =	vmul.f32 v7, v3;
	v7 =	vld [tilespmem:s31+$0x10930]  }
0xe5: {  	[tilespmem:s31+$0xE950] =	vst v6;
	v6 =	vmul.f32 v8, v3;
	v8 =	vld [tilespmem:s31+$0x10940]  }
0xe6: {  	[tilespmem:s31+$0xE960] =	vst v5;
	v5 =	vmul.f32 v9, v4;
	v9 =	vld [tilespmem:s31+$0x10950]  }
0xe7: {  	[tilespmem:s31+$0xE970] =	vst v6;
	v6 =	vmul.f32 v11, v4;
	v11 =	vld [tilespmem:s31+$0x10960]  }
0xe8: {  	[tilespmem:s31+$0x10900] =	vst v5;
	v5 =	vmul.f32 v10, v4;
	v10 =	vld [tilespmem:s31+$0x10970]  }
0xe9: {  	[tilespmem:s31+$0x10910] =	vst v6;
	v6 =	vmul.f32 v7, v4;
	v12 =	vld [tilespmem:s31+$0x12900]  }
0xea: {  	[tilespmem:s31+$0x10920] =	vst v5;
	v5 =	vmul.f32 v8, v4;
	v13 =	vld [tilespmem:s31+$0x12910]  }
.Ltmp1:
0xeb: {  	[tilespmem:s31+$0x10930] =	vst v6;
	v7 =	vmul.f32 v9, v4;
	v6 =	vld [tilespmem:s31+$0x12920];
	(pc) =	sbr.rel @p0 .LBB2_4-.Ltmp1, $4  }
0xec: {  	[tilespmem:s31+$0x10940] =	vst v5;
	v8 =	vmul.f32 v11, v4;
	v5 =	vld [tilespmem:s31+$0x12930]  }
0xed: {  	[tilespmem:s31+$0x10950] =	vst v7;
	v9 =	vmul.f32 v10, v4;
	v7 =	vld [tilespmem:s31+$0x12940]  }
0xee: {  	[tilespmem:s31+$0x10960] =	vst v8;
	v11 =	vmul.f32 v12, v0;
	v8 =	vld [tilespmem:s31+$0x12950]  }
0xef: {  	s0 =	sadd.s32 $0x200, s0;
	[tilespmem:s31+$0x10970] =	vst v9;
	v10 =	vmul.f32 v13, v0;
	v9 =	vld [tilespmem:s31+$0x12960]  }
0xf0: {  	[tilespmem:s31+$0x12900] =	vst v11;
	v1 =	vmul.f32 v6, v0;
	v2 =	vld [tilespmem:s31+$0x12970]  }
0xf1: {  	[tilespmem:s31+$0x12910] =	vst v10;
	v3 =	vmul.f32 v5, v0  }
0xf2: {  	[tilespmem:s31+$0x12920] =	vst v1;
	v1 =	vmul.f32 v7, v0  }
0xf3: {  	[tilespmem:s31+$0x12930] =	vst v3;
	v3 =	vmul.f32 v8, v0  }
0xf4: {  	[tilespmem:s31+$0x12940] =	vst v1;
	v1 =	vmul.f32 v9, v0  }
0xf5: {  	[tilespmem:s31+$0x12950] =	vst v3;
	v0 =	vmul.f32 v2, v0  }
0xf6: {  	[tilespmem:s31+$0x12960] =	vst v1  }
0xf7: {  	s0 =	simm.s32 $0x0;
	[tilespmem:s31+$0x12970] =	vst v0  }
0xf8: {  	[hbm4b:s11+s0] =	stream.linear.scatter [tilespmem:s26], [sflag:$0x3], $0xA000, $0x38;
	[tilespmem:$0x14900] =	vst v63  }
0xf9: {  	_ =	swait.ge [sflag:s20], $0xA000  }
0xfa: {  	[sflag:s20] =	ssyncset.done $0x0  }
0xfb: {  	[sflag:s20] =	ssyncadd.s32 $0xFFFF6000  }
0xfc: {  	[tilespmem:s24], [sflag:$0x3] =	stream.linear.gather [hbm4b:s12+s0], $0x80, $0x38;
	[tilespmem:$0x14900] =	vst v63  }
0xfd: {  	_ =	swait.ge [sflag:s20], $0x80  }
0xfe: {  	[sflag:s20] =	ssyncset.done $0x0  }
0xff: {  	[sflag:s20] =	ssyncadd.s32 $0xFFFFFF80  }
0x100: {  	[tilespmem:s25], [sflag:$0x3] =	stream.linear.gather [hbm4b:s13+s0], $0x280, $0x38;
	[tilespmem:$0x14900] =	vst v63  }
0x101: {  	_ =	swait.ge [sflag:s20], $0x280  }
0x102: {  	[sflag:s20] =	ssyncset.done $0x0  }
0x103: {  	[sflag:s20] =	ssyncadd.s32 $0xFFFFFD80  }
0x104: {  	[tilespmem:s26], [sflag:$0x2] =	stream.indirect.gather [hbm4b:s1+s22], $0x2000, s24, s22, $0xb8;
	[tilespmem:$0x14900] =	vst v63  }
0x105: {  	_ =	swait.ge [sflag:s28], $0xA000  }
0x106: {  	[sflag:s28] =	ssyncset.done $0x0  }
0x107: {  	[sflag:s28] =	ssyncadd.s32 $0xFFFF6000  }
0x108: {  	v1 =	vld [tilespmem:$0x100]  }
0x109: {  	v2 =	vld [tilespmem:$0x180]  }
0x10a: {  	v3 =	vld [tilespmem:$0x200]  }
0x10b: {  	v4 =	vld [tilespmem:$0x280]  }
0x10c: {  	s31 =	simm.s32 $0x0;
	v0 =	vld [tilespmem:$0x300]  }
0x10d: {  	v5 =	vld [tilespmem:s31+$0x900]  }
0x10e: {  	v6 =	vld [tilespmem:s31+$0x910]  }
0x10f: {  	v7 =	vld [tilespmem:s31+$0x920]  }
0x110: {  	v8 =	vld [tilespmem:s31+$0x930]  }
0x111: {  	v9 =	vld [tilespmem:s31+$0x940]  }
0x112: {  	v10 =	vld [tilespmem:s31+$0x950];
	v5 =	vmul.f32 v5, v1  }
0x113: {  	v11 =	vld [tilespmem:s31+$0x960];
	v6 =	vmul.f32 v6, v1  }
0x114: {  	v7 =	vmul.f32 v7, v1;
	[tilespmem:s31+$0x900] =	vst v5;
	v5 =	vld [tilespmem:s31+$0x970]  }
0x115: {  	v8 =	vmul.f32 v8, v1;
	[tilespmem:s31+$0x910] =	vst v6;
	v6 =	vld [tilespmem:s31+$0x2900]  }
0x116: {  	v9 =	vmul.f32 v9, v1;
	[tilespmem:s31+$0x920] =	vst v7;
	v7 =	vld [tilespmem:s31+$0x2910]  }
0x117: {  	v10 =	vmul.f32 v10, v1;
	[tilespmem:s31+$0x930] =	vst v8;
	v8 =	vld [tilespmem:s31+$0x2920]  }
0x118: {  	v11 =	vmul.f32 v11, v1;
	[tilespmem:s31+$0x940] =	vst v9;
	v9 =	vld [tilespmem:s31+$0x2930]  }
0x119: {  	[tilespmem:s31+$0x950] =	vst v10;
	v10 =	vld [tilespmem:s31+$0x2940];
	v5 =	vmul.f32 v5, v1  }
0x11a: {  	[tilespmem:s31+$0x960] =	vst v11;
	v11 =	vld [tilespmem:s31+$0x2950];
	v6 =	vmul.f32 v6, v2  }
0x11b: {  	v7 =	vmul.f32 v7, v2;
	[tilespmem:s31+$0x970] =	vst v5;
	v5 =	vld [tilespmem:s31+$0x2960]  }
0x11c: {  	v8 =	vmul.f32 v8, v2;
	[tilespmem:s31+$0x2900] =	vst v6;
	v6 =	vld [tilespmem:s31+$0x2970]  }
0x11d: {  	v9 =	vmul.f32 v9, v2;
	[tilespmem:s31+$0x2910] =	vst v7;
	v7 =	vld [tilespmem:s31+$0x4900]  }
0x11e: {  	v10 =	vmul.f32 v10, v2;
	[tilespmem:s31+$0x2920] =	vst v8;
	v8 =	vld [tilespmem:s31+$0x4910]  }
0x11f: {  	v11 =	vmul.f32 v11, v2;
	[tilespmem:s31+$0x2930] =	vst v9;
	v9 =	vld [tilespmem:s31+$0x4920]  }
0x120: {  	[tilespmem:s31+$0x2940] =	vst v10;
	v10 =	vld [tilespmem:s31+$0x4930];
	v5 =	vmul.f32 v5, v2  }
0x121: {  	[tilespmem:s31+$0x2950] =	vst v11;
	v11 =	vld [tilespmem:s31+$0x4940];
	v6 =	vmul.f32 v6, v2  }
0x122: {  	v7 =	vmul.f32 v7, v3;
	[tilespmem:s31+$0x2960] =	vst v5;
	v5 =	vld [tilespmem:s31+$0x4950]  }
0x123: {  	v8 =	vmul.f32 v8, v3;
	[tilespmem:s31+$0x2970] =	vst v6;
	v6 =	vld [tilespmem:s31+$0x4960]  }
0x124: {  	v9 =	vmul.f32 v9, v3;
	[tilespmem:s31+$0x4900] =	vst v7;
	v7 =	vld [tilespmem:s31+$0x4970]  }
0x125: {  	v10 =	vmul.f32 v10, v3;
	[tilespmem:s31+$0x4910] =	vst v8;
	v8 =	vld [tilespmem:s31+$0x6900]  }
0x126: {  	v11 =	vmul.f32 v11, v3;
	[tilespmem:s31+$0x4920] =	vst v9;
	v9 =	vld [tilespmem:s31+$0x6910]  }
0x127: {  	[tilespmem:s31+$0x4930] =	vst v10;
	v10 =	vld [tilespmem:s31+$0x6920];
	v5 =	vmul.f32 v5, v3  }
0x128: {  	[tilespmem:s31+$0x4940] =	vst v11;
	v11 =	vld [tilespmem:s31+$0x6930];
	v6 =	vmul.f32 v6, v3  }
0x129: {  	v7 =	vmul.f32 v7, v3;
	[tilespmem:s31+$0x4950] =	vst v5;
	v5 =	vld [tilespmem:s31+$0x6940]  }
0x12a: {  	v12 =	vld [tilespmem:s31+$0x6950];
	[tilespmem:s31+$0x4960] =	vst v6;
	v6 =	vmul.f32 v8, v4  }
0x12b: {  	[tilespmem:s31+$0x4970] =	vst v7;
	v7 =	vld [tilespmem:s31+$0x6960];
	v8 =	vmul.f32 v9, v4  }
0x12c: {  	v9 =	vld [tilespmem:s31+$0x6970];
	[tilespmem:s31+$0x6900] =	vst v6;
	v6 =	vmul.f32 v10, v4  }
0x12d: {  	[tilespmem:s31+$0x6910] =	vst v8;
	v10 =	vld [tilespmem:s31+$0x8900];
	v8 =	vmul.f32 v11, v4  }
0x12e: {  	v13 =	vld [tilespmem:s31+$0x8910];
	[tilespmem:s31+$0x6920] =	vst v6;
	v5 =	vmul.f32 v5, v4  }
0x12f: {  	[tilespmem:s31+$0x6930] =	vst v8;
	v6 =	vld [tilespmem:s31+$0x8920];
	v8 =	vmul.f32 v12, v4  }
0x130: {  	v11 =	vmul.f32 v7, v4;
	[tilespmem:s31+$0x6940] =	vst v5;
	v5 =	vld [tilespmem:s31+$0x8930]  }
0x131: {  	v7 =	vld [tilespmem:s31+$0x8940];
	v9 =	vmul.f32 v9, v4;
	[tilespmem:s31+$0x6950] =	vst v8  }
0x132: {  	v8 =	vld [tilespmem:s31+$0x8950];
	[tilespmem:s31+$0x6960] =	vst v11;
	v11 =	vmul.f32 v10, v0  }
0x133: {  	s0 =	simm.s32 $0x200;
	[tilespmem:s31+$0x6970] =	vst v9;
	v10 =	vmul.f32 v13, v0;
	v9 =	vld [tilespmem:s31+$0x8960]  }
.LBB2_6:
0x134: {  	s2 =	sshra.s32 s0, $0x2;
	p0 =	sne.s32 s0, $0x7E00;
	[tilespmem:s31+$0x8900] =	vst v11;
	v6 =	vmul.f32 v6, v0;
	v11 =	vld [tilespmem:s31+$0x8970]  }
0x135: {  	v12 =	vld [tilespmem:s2+$0x900];
	[tilespmem:s31+$0x8910] =	vst v10;
	v5 =	vmul.f32 v5, v0  }
0x136: {  	v10 =	vld [tilespmem:s2+$0x910];
	[tilespmem:s31+$0x8920] =	vst v6;
	v6 =	vmul.f32 v7, v0  }
0x137: {  	v7 =	vld [tilespmem:s2+$0x920];
	[tilespmem:s31+$0x8930] =	vst v5;
	v5 =	vmul.f32 v8, v0  }
0x138: {  	v8 =	vld [tilespmem:s2+$0x930];
	[tilespmem:s31+$0x8940] =	vst v6;
	v6 =	vmul.f32 v9, v0  }
0x139: {  	v9 =	vld [tilespmem:s2+$0x940];
	[tilespmem:s31+$0x8950] =	vst v5;
	v5 =	vmul.f32 v11, v0  }
0x13a: {  	v11 =	vmul.f32 v12, v1;
	v12 =	vld [tilespmem:s2+$0x950];
	[tilespmem:s31+$0x8960] =	vst v6  }
0x13b: {  	v6 =	vmul.f32 v10, v1;
	v10 =	vld [tilespmem:s2+$0x960];
	[tilespmem:s31+$0x8970] =	vst v5;
	s31 =	smov.u32 s2  }
0x13c: {  	[tilespmem:s31+$0x900] =	vst v11;
	v5 =	vmul.f32 v7, v1;
	v7 =	vld [tilespmem:s31+$0x970]  }
0x13d: {  	[tilespmem:s31+$0x910] =	vst v6;
	v6 =	vmul.f32 v8, v1;
	v8 =	vld [tilespmem:s31+$0x2900]  }
0x13e: {  	[tilespmem:s31+$0x920] =	vst v5;
	v5 =	vmul.f32 v9, v1;
	v9 =	vld [tilespmem:s31+$0x2910]  }
0x13f: {  	[tilespmem:s31+$0x930] =	vst v6;
	v6 =	vmul.f32 v12, v1;
	v11 =	vld [tilespmem:s31+$0x2920]  }
0x140: {  	[tilespmem:s31+$0x940] =	vst v5;
	v5 =	vmul.f32 v10, v1;
	v10 =	vld [tilespmem:s31+$0x2930]  }
0x141: {  	[tilespmem:s31+$0x950] =	vst v6;
	v6 =	vmul.f32 v7, v1;
	v7 =	vld [tilespmem:s31+$0x2940]  }
0x142: {  	[tilespmem:s31+$0x960] =	vst v5;
	v5 =	vmul.f32 v8, v2;
	v8 =	vld [tilespmem:s31+$0x2950]  }
0x143: {  	[tilespmem:s31+$0x970] =	vst v6;
	v6 =	vmul.f32 v9, v2;
	v9 =	vld [tilespmem:s31+$0x2960]  }
0x144: {  	[tilespmem:s31+$0x2900] =	vst v5;
	v5 =	vmul.f32 v11, v2;
	v11 =	vld [tilespmem:s31+$0x2970]  }
0x145: {  	[tilespmem:s31+$0x2910] =	vst v6;
	v6 =	vmul.f32 v10, v2;
	v10 =	vld [tilespmem:s31+$0x4900]  }
0x146: {  	[tilespmem:s31+$0x2920] =	vst v5;
	v5 =	vmul.f32 v7, v2;
	v7 =	vld [tilespmem:s31+$0x4910]  }
0x147: {  	[tilespmem:s31+$0x2930] =	vst v6;
	v6 =	vmul.f32 v8, v2;
	v8 =	vld [tilespmem:s31+$0x4920]  }
0x148: {  	[tilespmem:s31+$0x2940] =	vst v5;
	v5 =	vmul.f32 v9, v2;
	v9 =	vld [tilespmem:s31+$0x4930]  }
0x149: {  	[tilespmem:s31+$0x2950] =	vst v6;
	v6 =	vmul.f32 v11, v2;
	v11 =	vld [tilespmem:s31+$0x4940]  }
0x14a: {  	[tilespmem:s31+$0x2960] =	vst v5;
	v5 =	vmul.f32 v10, v3;
	v10 =	vld [tilespmem:s31+$0x4950]  }
0x14b: {  	[tilespmem:s31+$0x2970] =	vst v6;
	v6 =	vmul.f32 v7, v3;
	v7 =	vld [tilespmem:s31+$0x4960]  }
0x14c: {  	[tilespmem:s31+$0x4900] =	vst v5;
	v5 =	vmul.f32 v8, v3;
	v8 =	vld [tilespmem:s31+$0x4970]  }
0x14d: {  	[tilespmem:s31+$0x4910] =	vst v6;
	v6 =	vmul.f32 v9, v3;
	v9 =	vld [tilespmem:s31+$0x6900]  }
0x14e: {  	[tilespmem:s31+$0x4920] =	vst v5;
	v5 =	vmul.f32 v11, v3;
	v11 =	vld [tilespmem:s31+$0x6910]  }
0x14f: {  	[tilespmem:s31+$0x4930] =	vst v6;
	v6 =	vmul.f32 v10, v3;
	v10 =	vld [tilespmem:s31+$0x6920]  }
0x150: {  	[tilespmem:s31+$0x4940] =	vst v5;
	v5 =	vmul.f32 v7, v3;
	v7 =	vld [tilespmem:s31+$0x6930]  }
0x151: {  	[tilespmem:s31+$0x4950] =	vst v6;
	v6 =	vmul.f32 v8, v3;
	v8 =	vld [tilespmem:s31+$0x6940]  }
0x152: {  	[tilespmem:s31+$0x4960] =	vst v5;
	v5 =	vmul.f32 v9, v4;
	v9 =	vld [tilespmem:s31+$0x6950]  }
0x153: {  	[tilespmem:s31+$0x4970] =	vst v6;
	v6 =	vmul.f32 v11, v4;
	v11 =	vld [tilespmem:s31+$0x6960]  }
0x154: {  	[tilespmem:s31+$0x6900] =	vst v5;
	v5 =	vmul.f32 v10, v4;
	v10 =	vld [tilespmem:s31+$0x6970]  }
0x155: {  	[tilespmem:s31+$0x6910] =	vst v6;
	v6 =	vmul.f32 v7, v4;
	v12 =	vld [tilespmem:s31+$0x8900]  }
0x156: {  	[tilespmem:s31+$0x6920] =	vst v5;
	v5 =	vmul.f32 v8, v4;
	v13 =	vld [tilespmem:s31+$0x8910]  }
.Ltmp2:
0x157: {  	[tilespmem:s31+$0x6930] =	vst v6;
	v7 =	vmul.f32 v9, v4;
	v6 =	vld [tilespmem:s31+$0x8920];
	(pc) =	sbr.rel @p0 .LBB2_6-.Ltmp2, $4  }
0x158: {  	[tilespmem:s31+$0x6940] =	vst v5;
	v8 =	vmul.f32 v11, v4;
	v5 =	vld [tilespmem:s31+$0x8930]  }
0x159: {  	[tilespmem:s31+$0x6950] =	vst v7;
	v9 =	vmul.f32 v10, v4;
	v7 =	vld [tilespmem:s31+$0x8940]  }
0x15a: {  	[tilespmem:s31+$0x6960] =	vst v8;
	v11 =	vmul.f32 v12, v0;
	v8 =	vld [tilespmem:s31+$0x8950]  }
0x15b: {  	s0 =	sadd.s32 $0x200, s0;
	[tilespmem:s31+$0x6970] =	vst v9;
	v10 =	vmul.f32 v13, v0;
	v9 =	vld [tilespmem:s31+$0x8960]  }
0x15c: {  	[tilespmem:s31+$0x8900] =	vst v11;
	v1 =	vmul.f32 v6, v0;
	v2 =	vld [tilespmem:s31+$0x8970]  }
0x15d: {  	[tilespmem:s31+$0x8910] =	vst v10;
	v3 =	vmul.f32 v5, v0  }
0x15e: {  	[tilespmem:s31+$0x8920] =	vst v1;
	v1 =	vmul.f32 v7, v0  }
0x15f: {  	[tilespmem:s31+$0x8930] =	vst v3;
	v3 =	vmul.f32 v8, v0  }
0x160: {  	[tilespmem:s31+$0x8940] =	vst v1;
	v1 =	vmul.f32 v9, v0  }
0x161: {  	[tilespmem:s31+$0x8950] =	vst v3;
	v0 =	vmul.f32 v2, v0  }
0x162: {  	[tilespmem:s31+$0x8960] =	vst v1  }
0x163: {  	s0 =	simm.s32 $0x0;
	[tilespmem:s31+$0x8970] =	vst v0  }
0x164: {  	[hbm4b:s14+s0] =	stream.linear.scatter [tilespmem:s23], [sflag:$0x3], $0xA000, $0x38;
	[tilespmem:$0x14900] =	vst v63  }
0x165: {  	_ =	swait.ge [sflag:s20], $0xA000  }
0x166: {  	[sflag:s20] =	ssyncset.done $0x0  }
0x167: {  	[sflag:s20] =	ssyncadd.s32 $0xFFFF6000  }
0x168: {  	[tilespmem:s0], [sflag:$0x3] =	stream.linear.gather [hbm4b:s15+s0], $0x80, $0x38;
	[tilespmem:$0x14900] =	vst v63  }
0x169: {  	_ =	swait.ge [sflag:s20], $0x80  }
0x16a: {  	[sflag:s20] =	ssyncset.done $0x0  }
0x16b: {  	[sflag:s20] =	ssyncadd.s32 $0xFFFFFF80  }
0x16c: {  	[tilespmem:s21], [sflag:$0x3] =	stream.linear.gather [hbm4b:s16+s0], $0x280, $0x38;
	[tilespmem:$0x14900] =	vst v63  }
0x16d: {  	_ =	swait.ge [sflag:s20], $0x280  }
0x16e: {  	[sflag:s20] =	ssyncset.done $0x0  }
0x16f: {  	[sflag:s20] =	ssyncadd.s32 $0xFFFFFD80  }
0x170: {  	[tilespmem:s23], [sflag:$0x1] =	stream.indirect.gather [hbm4b:s1+s22], $0x2000, s0, s22, $0xb8;
	[tilespmem:$0x14900] =	vst v63  }
0x171: {  	_ =	swait.ge [sflag:s29], $0xA000  }
0x172: {  	[sflag:s29] =	ssyncset.done $0x0  }
0x173: {  	[sflag:s29] =	ssyncadd.s32 $0xFFFF6000  }
0x174: {  	v1 =	vld [tilespmem:$0x500]  }
0x175: {  	v2 =	vld [tilespmem:$0x580]  }
0x176: {  	v3 =	vld [tilespmem:$0x600]  }
0x177: {  	v4 =	vld [tilespmem:$0x680]  }
0x178: {  	s31 =	simm.s32 $0x0;
	v0 =	vld [tilespmem:$0x700]  }
0x179: {  	v5 =	vld [tilespmem:s31+$0xA900]  }
0x17a: {  	v6 =	vld [tilespmem:s31+$0xA910]  }
0x17b: {  	v7 =	vld [tilespmem:s31+$0xA920]  }
0x17c: {  	v8 =	vld [tilespmem:s31+$0xA930]  }
0x17d: {  	v9 =	vld [tilespmem:s31+$0xA940]  }
0x17e: {  	v10 =	vld [tilespmem:s31+$0xA950];
	v5 =	vmul.f32 v5, v1  }
0x17f: {  	v11 =	vld [tilespmem:s31+$0xA960];
	v6 =	vmul.f32 v6, v1  }
0x180: {  	v7 =	vmul.f32 v7, v1;
	[tilespmem:s31+$0xA900] =	vst v5;
	v5 =	vld [tilespmem:s31+$0xA970]  }
0x181: {  	v8 =	vmul.f32 v8, v1;
	[tilespmem:s31+$0xA910] =	vst v6;
	v6 =	vld [tilespmem:s31+$0xC900]  }
0x182: {  	v9 =	vmul.f32 v9, v1;
	[tilespmem:s31+$0xA920] =	vst v7;
	v7 =	vld [tilespmem:s31+$0xC910]  }
0x183: {  	v10 =	vmul.f32 v10, v1;
	[tilespmem:s31+$0xA930] =	vst v8;
	v8 =	vld [tilespmem:s31+$0xC920]  }
0x184: {  	v11 =	vmul.f32 v11, v1;
	[tilespmem:s31+$0xA940] =	vst v9;
	v9 =	vld [tilespmem:s31+$0xC930]  }
0x185: {  	[tilespmem:s31+$0xA950] =	vst v10;
	v10 =	vld [tilespmem:s31+$0xC940];
	v5 =	vmul.f32 v5, v1  }
0x186: {  	[tilespmem:s31+$0xA960] =	vst v11;
	v11 =	vld [tilespmem:s31+$0xC950];
	v6 =	vmul.f32 v6, v2  }
0x187: {  	v7 =	vmul.f32 v7, v2;
	[tilespmem:s31+$0xA970] =	vst v5;
	v5 =	vld [tilespmem:s31+$0xC960]  }
0x188: {  	v8 =	vmul.f32 v8, v2;
	[tilespmem:s31+$0xC900] =	vst v6;
	v6 =	vld [tilespmem:s31+$0xC970]  }
0x189: {  	v9 =	vmul.f32 v9, v2;
	[tilespmem:s31+$0xC910] =	vst v7;
	v7 =	vld [tilespmem:s31+$0xE900]  }
0x18a: {  	v10 =	vmul.f32 v10, v2;
	[tilespmem:s31+$0xC920] =	vst v8;
	v8 =	vld [tilespmem:s31+$0xE910]  }
0x18b: {  	v11 =	vmul.f32 v11, v2;
	[tilespmem:s31+$0xC930] =	vst v9;
	v9 =	vld [tilespmem:s31+$0xE920]  }
0x18c: {  	[tilespmem:s31+$0xC940] =	vst v10;
	v10 =	vld [tilespmem:s31+$0xE930];
	v5 =	vmul.f32 v5, v2  }
0x18d: {  	[tilespmem:s31+$0xC950] =	vst v11;
	v11 =	vld [tilespmem:s31+$0xE940];
	v6 =	vmul.f32 v6, v2  }
0x18e: {  	v7 =	vmul.f32 v7, v3;
	[tilespmem:s31+$0xC960] =	vst v5;
	v5 =	vld [tilespmem:s31+$0xE950]  }
0x18f: {  	v8 =	vmul.f32 v8, v3;
	[tilespmem:s31+$0xC970] =	vst v6;
	v6 =	vld [tilespmem:s31+$0xE960]  }
0x190: {  	v9 =	vmul.f32 v9, v3;
	[tilespmem:s31+$0xE900] =	vst v7;
	v7 =	vld [tilespmem:s31+$0xE970]  }
0x191: {  	v10 =	vmul.f32 v10, v3;
	[tilespmem:s31+$0xE910] =	vst v8;
	v8 =	vld [tilespmem:s31+$0x10900]  }
0x192: {  	v11 =	vmul.f32 v11, v3;
	[tilespmem:s31+$0xE920] =	vst v9;
	v9 =	vld [tilespmem:s31+$0x10910]  }
0x193: {  	[tilespmem:s31+$0xE930] =	vst v10;
	v10 =	vld [tilespmem:s31+$0x10920];
	v5 =	vmul.f32 v5, v3  }
0x194: {  	[tilespmem:s31+$0xE940] =	vst v11;
	v11 =	vld [tilespmem:s31+$0x10930];
	v6 =	vmul.f32 v6, v3  }
0x195: {  	v7 =	vmul.f32 v7, v3;
	[tilespmem:s31+$0xE950] =	vst v5;
	v5 =	vld [tilespmem:s31+$0x10940]  }
0x196: {  	v12 =	vld [tilespmem:s31+$0x10950];
	[tilespmem:s31+$0xE960] =	vst v6;
	v6 =	vmul.f32 v8, v4  }
0x197: {  	[tilespmem:s31+$0xE970] =	vst v7;
	v7 =	vld [tilespmem:s31+$0x10960];
	v8 =	vmul.f32 v9, v4  }
0x198: {  	v9 =	vld [tilespmem:s31+$0x10970];
	[tilespmem:s31+$0x10900] =	vst v6;
	v6 =	vmul.f32 v10, v4  }
0x199: {  	[tilespmem:s31+$0x10910] =	vst v8;
	v10 =	vld [tilespmem:s31+$0x12900];
	v8 =	vmul.f32 v11, v4  }
0x19a: {  	v13 =	vld [tilespmem:s31+$0x12910];
	[tilespmem:s31+$0x10920] =	vst v6;
	v5 =	vmul.f32 v5, v4  }
0x19b: {  	[tilespmem:s31+$0x10930] =	vst v8;
	v6 =	vld [tilespmem:s31+$0x12920];
	v8 =	vmul.f32 v12, v4  }
0x19c: {  	v11 =	vmul.f32 v7, v4;
	[tilespmem:s31+$0x10940] =	vst v5;
	v5 =	vld [tilespmem:s31+$0x12930]  }
0x19d: {  	v7 =	vld [tilespmem:s31+$0x12940];
	v9 =	vmul.f32 v9, v4;
	[tilespmem:s31+$0x10950] =	vst v8  }
0x19e: {  	v8 =	vld [tilespmem:s31+$0x12950];
	[tilespmem:s31+$0x10960] =	vst v11;
	v11 =	vmul.f32 v10, v0  }
0x19f: {  	s0 =	simm.s32 $0x200;
	[tilespmem:s31+$0x10970] =	vst v9;
	v10 =	vmul.f32 v13, v0;
	v9 =	vld [tilespmem:s31+$0x12960]  }
.LBB2_8:
0x1a0: {  	s2 =	sshra.s32 s0, $0x2;
	p0 =	sne.s32 s0, $0x7E00;
	[tilespmem:s31+$0x12900] =	vst v11;
	v6 =	vmul.f32 v6, v0;
	v11 =	vld [tilespmem:s31+$0x12970]  }
0x1a1: {  	v12 =	vld [tilespmem:s2+$0xA900];
	[tilespmem:s31+$0x12910] =	vst v10;
	v5 =	vmul.f32 v5, v0  }
0x1a2: {  	v10 =	vld [tilespmem:s2+$0xA910];
	[tilespmem:s31+$0x12920] =	vst v6;
	v6 =	vmul.f32 v7, v0  }
0x1a3: {  	v7 =	vld [tilespmem:s2+$0xA920];
	[tilespmem:s31+$0x12930] =	vst v5;
	v5 =	vmul.f32 v8, v0  }
0x1a4: {  	v8 =	vld [tilespmem:s2+$0xA930];
	[tilespmem:s31+$0x12940] =	vst v6;
	v6 =	vmul.f32 v9, v0  }
0x1a5: {  	v9 =	vld [tilespmem:s2+$0xA940];
	[tilespmem:s31+$0x12950] =	vst v5;
	v5 =	vmul.f32 v11, v0  }
0x1a6: {  	v11 =	vmul.f32 v12, v1;
	v12 =	vld [tilespmem:s2+$0xA950];
	[tilespmem:s31+$0x12960] =	vst v6  }
0x1a7: {  	v6 =	vmul.f32 v10, v1;
	v10 =	vld [tilespmem:s2+$0xA960];
	[tilespmem:s31+$0x12970] =	vst v5;
	s31 =	smov.u32 s2  }
0x1a8: {  	[tilespmem:s31+$0xA900] =	vst v11;
	v5 =	vmul.f32 v7, v1;
	v7 =	vld [tilespmem:s31+$0xA970]  }
0x1a9: {  	[tilespmem:s31+$0xA910] =	vst v6;
	v6 =	vmul.f32 v8, v1;
	v8 =	vld [tilespmem:s31+$0xC900]  }
0x1aa: {  	[tilespmem:s31+$0xA920] =	vst v5;
	v5 =	vmul.f32 v9, v1;
	v9 =	vld [tilespmem:s31+$0xC910]  }
0x1ab: {  	[tilespmem:s31+$0xA930] =	vst v6;
	v6 =	vmul.f32 v12, v1;
	v11 =	vld [tilespmem:s31+$0xC920]  }
0x1ac: {  	[tilespmem:s31+$0xA940] =	vst v5;
	v5 =	vmul.f32 v10, v1;
	v10 =	vld [tilespmem:s31+$0xC930]  }
0x1ad: {  	[tilespmem:s31+$0xA950] =	vst v6;
	v6 =	vmul.f32 v7, v1;
	v7 =	vld [tilespmem:s31+$0xC940]  }
0x1ae: {  	[tilespmem:s31+$0xA960] =	vst v5;
	v5 =	vmul.f32 v8, v2;
	v8 =	vld [tilespmem:s31+$0xC950]  }
0x1af: {  	[tilespmem:s31+$0xA970] =	vst v6;
	v6 =	vmul.f32 v9, v2;
	v9 =	vld [tilespmem:s31+$0xC960]  }
0x1b0: {  	[tilespmem:s31+$0xC900] =	vst v5;
	v5 =	vmul.f32 v11, v2;
	v11 =	vld [tilespmem:s31+$0xC970]  }
0x1b1: {  	[tilespmem:s31+$0xC910] =	vst v6;
	v6 =	vmul.f32 v10, v2;
	v10 =	vld [tilespmem:s31+$0xE900]  }
0x1b2: {  	[tilespmem:s31+$0xC920] =	vst v5;
	v5 =	vmul.f32 v7, v2;
	v7 =	vld [tilespmem:s31+$0xE910]  }
0x1b3: {  	[tilespmem:s31+$0xC930] =	vst v6;
	v6 =	vmul.f32 v8, v2;
	v8 =	vld [tilespmem:s31+$0xE920]  }
0x1b4: {  	[tilespmem:s31+$0xC940] =	vst v5;
	v5 =	vmul.f32 v9, v2;
	v9 =	vld [tilespmem:s31+$0xE930]  }
0x1b5: {  	[tilespmem:s31+$0xC950] =	vst v6;
	v6 =	vmul.f32 v11, v2;
	v11 =	vld [tilespmem:s31+$0xE940]  }
0x1b6: {  	[tilespmem:s31+$0xC960] =	vst v5;
	v5 =	vmul.f32 v10, v3;
	v10 =	vld [tilespmem:s31+$0xE950]  }
0x1b7: {  	[tilespmem:s31+$0xC970] =	vst v6;
	v6 =	vmul.f32 v7, v3;
	v7 =	vld [tilespmem:s31+$0xE960]  }
0x1b8: {  	[tilespmem:s31+$0xE900] =	vst v5;
	v5 =	vmul.f32 v8, v3;
	v8 =	vld [tilespmem:s31+$0xE970]  }
0x1b9: {  	[tilespmem:s31+$0xE910] =	vst v6;
	v6 =	vmul.f32 v9, v3;
	v9 =	vld [tilespmem:s31+$0x10900]  }
0x1ba: {  	[tilespmem:s31+$0xE920] =	vst v5;
	v5 =	vmul.f32 v11, v3;
	v11 =	vld [tilespmem:s31+$0x10910]  }
0x1bb: {  	[tilespmem:s31+$0xE930] =	vst v6;
	v6 =	vmul.f32 v10, v3;
	v10 =	vld [tilespmem:s31+$0x10920]  }
0x1bc: {  	[tilespmem:s31+$0xE940] =	vst v5;
	v5 =	vmul.f32 v7, v3;
	v7 =	vld [tilespmem:s31+$0x10930]  }
0x1bd: {  	[tilespmem:s31+$0xE950] =	vst v6;
	v6 =	vmul.f32 v8, v3;
	v8 =	vld [tilespmem:s31+$0x10940]  }
0x1be: {  	[tilespmem:s31+$0xE960] =	vst v5;
	v5 =	vmul.f32 v9, v4;
	v9 =	vld [tilespmem:s31+$0x10950]  }
0x1bf: {  	[tilespmem:s31+$0xE970] =	vst v6;
	v6 =	vmul.f32 v11, v4;
	v11 =	vld [tilespmem:s31+$0x10960]  }
0x1c0: {  	[tilespmem:s31+$0x10900] =	vst v5;
	v5 =	vmul.f32 v10, v4;
	v10 =	vld [tilespmem:s31+$0x10970]  }
0x1c1: {  	[tilespmem:s31+$0x10910] =	vst v6;
	v6 =	vmul.f32 v7, v4;
	v12 =	vld [tilespmem:s31+$0x12900]  }
0x1c2: {  	[tilespmem:s31+$0x10920] =	vst v5;
	v5 =	vmul.f32 v8, v4;
	v13 =	vld [tilespmem:s31+$0x12910]  }
.Ltmp3:
0x1c3: {  	[tilespmem:s31+$0x10930] =	vst v6;
	v7 =	vmul.f32 v9, v4;
	v6 =	vld [tilespmem:s31+$0x12920];
	(pc) =	sbr.rel @p0 .LBB2_8-.Ltmp3, $4  }
0x1c4: {  	[tilespmem:s31+$0x10940] =	vst v5;
	v8 =	vmul.f32 v11, v4;
	v5 =	vld [tilespmem:s31+$0x12930]  }
0x1c5: {  	[tilespmem:s31+$0x10950] =	vst v7;
	v9 =	vmul.f32 v10, v4;
	v7 =	vld [tilespmem:s31+$0x12940]  }
0x1c6: {  	[tilespmem:s31+$0x10960] =	vst v8;
	v11 =	vmul.f32 v12, v0;
	v8 =	vld [tilespmem:s31+$0x12950]  }
0x1c7: {  	s0 =	sadd.s32 $0x200, s0;
	[tilespmem:s31+$0x10970] =	vst v9;
	v10 =	vmul.f32 v13, v0;
	v9 =	vld [tilespmem:s31+$0x12960]  }
0x1c8: {  	[tilespmem:s31+$0x12900] =	vst v11;
	v1 =	vmul.f32 v6, v0;
	v2 =	vld [tilespmem:s31+$0x12970]  }
0x1c9: {  	[tilespmem:s31+$0x12910] =	vst v10;
	v3 =	vmul.f32 v5, v0  }
0x1ca: {  	[tilespmem:s31+$0x12920] =	vst v1;
	v1 =	vmul.f32 v7, v0  }
0x1cb: {  	[tilespmem:s31+$0x12930] =	vst v3;
	v3 =	vmul.f32 v8, v0  }
0x1cc: {  	[tilespmem:s31+$0x12940] =	vst v1;
	v1 =	vmul.f32 v9, v0  }
0x1cd: {  	[tilespmem:s31+$0x12950] =	vst v3;
	v0 =	vmul.f32 v2, v0  }
0x1ce: {  	[tilespmem:s31+$0x12960] =	vst v1  }
0x1cf: {  	s0 =	simm.s32 $0x0;
	[tilespmem:s31+$0x12970] =	vst v0  }
0x1d0: {  	[hbm4b:s17+s0] =	stream.linear.scatter [tilespmem:s26], [sflag:$0x3], $0xA000, $0x38;
	[tilespmem:$0x14900] =	vst v63  }
0x1d1: {  	_ =	swait.ge [sflag:s20], $0xA000  }
0x1d2: {  	[sflag:s20] =	ssyncset.done $0x0  }
0x1d3: {  	[sflag:s20] =	ssyncadd.s32 $0xFFFF6000  }
0x1d4: {  	_ =	swait.ge [sflag:s28], $0xA000  }
0x1d5: {  	[sflag:s28] =	ssyncset.done $0x0  }
0x1d6: {  	[sflag:s28] =	ssyncadd.s32 $0xFFFF6000  }
0x1d7: {  	v1 =	vld [tilespmem:$0x100]  }
0x1d8: {  	v2 =	vld [tilespmem:$0x180]  }
0x1d9: {  	v3 =	vld [tilespmem:$0x200]  }
0x1da: {  	v4 =	vld [tilespmem:$0x280]  }
0x1db: {  	s31 =	simm.s32 $0x0;
	v0 =	vld [tilespmem:$0x300]  }
0x1dc: {  	v5 =	vld [tilespmem:s31+$0x900]  }
0x1dd: {  	v6 =	vld [tilespmem:s31+$0x910]  }
0x1de: {  	v7 =	vld [tilespmem:s31+$0x920]  }
0x1df: {  	v8 =	vld [tilespmem:s31+$0x930]  }
0x1e0: {  	v9 =	vld [tilespmem:s31+$0x940]  }
0x1e1: {  	v10 =	vld [tilespmem:s31+$0x950];
	v5 =	vmul.f32 v5, v1  }
0x1e2: {  	v11 =	vld [tilespmem:s31+$0x960];
	v6 =	vmul.f32 v6, v1  }
0x1e3: {  	v7 =	vmul.f32 v7, v1;
	[tilespmem:s31+$0x900] =	vst v5;
	v5 =	vld [tilespmem:s31+$0x970]  }
0x1e4: {  	v8 =	vmul.f32 v8, v1;
	[tilespmem:s31+$0x910] =	vst v6;
	v6 =	vld [tilespmem:s31+$0x2900]  }
0x1e5: {  	v9 =	vmul.f32 v9, v1;
	[tilespmem:s31+$0x920] =	vst v7;
	v7 =	vld [tilespmem:s31+$0x2910]  }
0x1e6: {  	v10 =	vmul.f32 v10, v1;
	[tilespmem:s31+$0x930] =	vst v8;
	v8 =	vld [tilespmem:s31+$0x2920]  }
0x1e7: {  	v11 =	vmul.f32 v11, v1;
	[tilespmem:s31+$0x940] =	vst v9;
	v9 =	vld [tilespmem:s31+$0x2930]  }
0x1e8: {  	[tilespmem:s31+$0x950] =	vst v10;
	v10 =	vld [tilespmem:s31+$0x2940];
	v5 =	vmul.f32 v5, v1  }
0x1e9: {  	[tilespmem:s31+$0x960] =	vst v11;
	v11 =	vld [tilespmem:s31+$0x2950];
	v6 =	vmul.f32 v6, v2  }
0x1ea: {  	v7 =	vmul.f32 v7, v2;
	[tilespmem:s31+$0x970] =	vst v5;
	v5 =	vld [tilespmem:s31+$0x2960]  }
0x1eb: {  	v8 =	vmul.f32 v8, v2;
	[tilespmem:s31+$0x2900] =	vst v6;
	v6 =	vld [tilespmem:s31+$0x2970]  }
0x1ec: {  	v9 =	vmul.f32 v9, v2;
	[tilespmem:s31+$0x2910] =	vst v7;
	v7 =	vld [tilespmem:s31+$0x4900]  }
0x1ed: {  	v10 =	vmul.f32 v10, v2;
	[tilespmem:s31+$0x2920] =	vst v8;
	v8 =	vld [tilespmem:s31+$0x4910]  }
0x1ee: {  	v11 =	vmul.f32 v11, v2;
	[tilespmem:s31+$0x2930] =	vst v9;
	v9 =	vld [tilespmem:s31+$0x4920]  }
0x1ef: {  	[tilespmem:s31+$0x2940] =	vst v10;
	v10 =	vld [tilespmem:s31+$0x4930];
	v5 =	vmul.f32 v5, v2  }
0x1f0: {  	[tilespmem:s31+$0x2950] =	vst v11;
	v11 =	vld [tilespmem:s31+$0x4940];
	v6 =	vmul.f32 v6, v2  }
0x1f1: {  	v7 =	vmul.f32 v7, v3;
	[tilespmem:s31+$0x2960] =	vst v5;
	v5 =	vld [tilespmem:s31+$0x4950]  }
0x1f2: {  	v8 =	vmul.f32 v8, v3;
	[tilespmem:s31+$0x2970] =	vst v6;
	v6 =	vld [tilespmem:s31+$0x4960]  }
0x1f3: {  	v9 =	vmul.f32 v9, v3;
	[tilespmem:s31+$0x4900] =	vst v7;
	v7 =	vld [tilespmem:s31+$0x4970]  }
0x1f4: {  	v10 =	vmul.f32 v10, v3;
	[tilespmem:s31+$0x4910] =	vst v8;
	v8 =	vld [tilespmem:s31+$0x6900]  }
0x1f5: {  	v11 =	vmul.f32 v11, v3;
	[tilespmem:s31+$0x4920] =	vst v9;
	v9 =	vld [tilespmem:s31+$0x6910]  }
0x1f6: {  	[tilespmem:s31+$0x4930] =	vst v10;
	v10 =	vld [tilespmem:s31+$0x6920];
	v5 =	vmul.f32 v5, v3  }
0x1f7: {  	[tilespmem:s31+$0x4940] =	vst v11;
	v11 =	vld [tilespmem:s31+$0x6930];
	v6 =	vmul.f32 v6, v3  }
0x1f8: {  	v7 =	vmul.f32 v7, v3;
	[tilespmem:s31+$0x4950] =	vst v5;
	v5 =	vld [tilespmem:s31+$0x6940]  }
0x1f9: {  	v12 =	vld [tilespmem:s31+$0x6950];
	[tilespmem:s31+$0x4960] =	vst v6;
	v6 =	vmul.f32 v8, v4  }
0x1fa: {  	[tilespmem:s31+$0x4970] =	vst v7;
	v7 =	vld [tilespmem:s31+$0x6960];
	v8 =	vmul.f32 v9, v4  }
0x1fb: {  	v9 =	vld [tilespmem:s31+$0x6970];
	[tilespmem:s31+$0x6900] =	vst v6;
	v6 =	vmul.f32 v10, v4  }
0x1fc: {  	[tilespmem:s31+$0x6910] =	vst v8;
	v10 =	vld [tilespmem:s31+$0x8900];
	v8 =	vmul.f32 v11, v4  }
0x1fd: {  	v13 =	vld [tilespmem:s31+$0x8910];
	[tilespmem:s31+$0x6920] =	vst v6;
	v5 =	vmul.f32 v5, v4  }
0x1fe: {  	[tilespmem:s31+$0x6930] =	vst v8;
	v6 =	vld [tilespmem:s31+$0x8920];
	v8 =	vmul.f32 v12, v4  }
0x1ff: {  	v11 =	vmul.f32 v7, v4;
	[tilespmem:s31+$0x6940] =	vst v5;
	v5 =	vld [tilespmem:s31+$0x8930]  }
0x200: {  	v7 =	vld [tilespmem:s31+$0x8940];
	v9 =	vmul.f32 v9, v4;
	[tilespmem:s31+$0x6950] =	vst v8  }
0x201: {  	v8 =	vld [tilespmem:s31+$0x8950];
	[tilespmem:s31+$0x6960] =	vst v11;
	v11 =	vmul.f32 v10, v0  }
0x202: {  	s0 =	simm.s32 $0x200;
	[tilespmem:s31+$0x6970] =	vst v9;
	v10 =	vmul.f32 v13, v0;
	v9 =	vld [tilespmem:s31+$0x8960]  }
.LBB2_10:
0x203: {  	s2 =	sshra.s32 s0, $0x2;
	p0 =	sne.s32 s0, $0x7E00;
	[tilespmem:s31+$0x8900] =	vst v11;
	v6 =	vmul.f32 v6, v0;
	v11 =	vld [tilespmem:s31+$0x8970]  }
0x204: {  	v12 =	vld [tilespmem:s2+$0x900];
	[tilespmem:s31+$0x8910] =	vst v10;
	v5 =	vmul.f32 v5, v0  }
0x205: {  	v10 =	vld [tilespmem:s2+$0x910];
	[tilespmem:s31+$0x8920] =	vst v6;
	v6 =	vmul.f32 v7, v0  }
0x206: {  	v7 =	vld [tilespmem:s2+$0x920];
	[tilespmem:s31+$0x8930] =	vst v5;
	v5 =	vmul.f32 v8, v0  }
0x207: {  	v8 =	vld [tilespmem:s2+$0x930];
	[tilespmem:s31+$0x8940] =	vst v6;
	v6 =	vmul.f32 v9, v0  }
0x208: {  	v9 =	vld [tilespmem:s2+$0x940];
	[tilespmem:s31+$0x8950] =	vst v5;
	v5 =	vmul.f32 v11, v0  }
0x209: {  	v11 =	vmul.f32 v12, v1;
	v12 =	vld [tilespmem:s2+$0x950];
	[tilespmem:s31+$0x8960] =	vst v6  }
0x20a: {  	v6 =	vmul.f32 v10, v1;
	v10 =	vld [tilespmem:s2+$0x960];
	[tilespmem:s31+$0x8970] =	vst v5;
	s31 =	smov.u32 s2  }
0x20b: {  	[tilespmem:s31+$0x900] =	vst v11;
	v5 =	vmul.f32 v7, v1;
	v7 =	vld [tilespmem:s31+$0x970]  }
0x20c: {  	[tilespmem:s31+$0x910] =	vst v6;
	v6 =	vmul.f32 v8, v1;
	v8 =	vld [tilespmem:s31+$0x2900]  }
0x20d: {  	[tilespmem:s31+$0x920] =	vst v5;
	v5 =	vmul.f32 v9, v1;
	v9 =	vld [tilespmem:s31+$0x2910]  }
0x20e: {  	[tilespmem:s31+$0x930] =	vst v6;
	v6 =	vmul.f32 v12, v1;
	v11 =	vld [tilespmem:s31+$0x2920]  }
0x20f: {  	[tilespmem:s31+$0x940] =	vst v5;
	v5 =	vmul.f32 v10, v1;
	v10 =	vld [tilespmem:s31+$0x2930]  }
0x210: {  	[tilespmem:s31+$0x950] =	vst v6;
	v6 =	vmul.f32 v7, v1;
	v7 =	vld [tilespmem:s31+$0x2940]  }
0x211: {  	[tilespmem:s31+$0x960] =	vst v5;
	v5 =	vmul.f32 v8, v2;
	v8 =	vld [tilespmem:s31+$0x2950]  }
0x212: {  	[tilespmem:s31+$0x970] =	vst v6;
	v6 =	vmul.f32 v9, v2;
	v9 =	vld [tilespmem:s31+$0x2960]  }
0x213: {  	[tilespmem:s31+$0x2900] =	vst v5;
	v5 =	vmul.f32 v11, v2;
	v11 =	vld [tilespmem:s31+$0x2970]  }
0x214: {  	[tilespmem:s31+$0x2910] =	vst v6;
	v6 =	vmul.f32 v10, v2;
	v10 =	vld [tilespmem:s31+$0x4900]  }
0x215: {  	[tilespmem:s31+$0x2920] =	vst v5;
	v5 =	vmul.f32 v7, v2;
	v7 =	vld [tilespmem:s31+$0x4910]  }
0x216: {  	[tilespmem:s31+$0x2930] =	vst v6;
	v6 =	vmul.f32 v8, v2;
	v8 =	vld [tilespmem:s31+$0x4920]  }
0x217: {  	[tilespmem:s31+$0x2940] =	vst v5;
	v5 =	vmul.f32 v9, v2;
	v9 =	vld [tilespmem:s31+$0x4930]  }
0x218: {  	[tilespmem:s31+$0x2950] =	vst v6;
	v6 =	vmul.f32 v11, v2;
	v11 =	vld [tilespmem:s31+$0x4940]  }
0x219: {  	[tilespmem:s31+$0x2960] =	vst v5;
	v5 =	vmul.f32 v10, v3;
	v10 =	vld [tilespmem:s31+$0x4950]  }
0x21a: {  	[tilespmem:s31+$0x2970] =	vst v6;
	v6 =	vmul.f32 v7, v3;
	v7 =	vld [tilespmem:s31+$0x4960]  }
0x21b: {  	[tilespmem:s31+$0x4900] =	vst v5;
	v5 =	vmul.f32 v8, v3;
	v8 =	vld [tilespmem:s31+$0x4970]  }
0x21c: {  	[tilespmem:s31+$0x4910] =	vst v6;
	v6 =	vmul.f32 v9, v3;
	v9 =	vld [tilespmem:s31+$0x6900]  }
0x21d: {  	[tilespmem:s31+$0x4920] =	vst v5;
	v5 =	vmul.f32 v11, v3;
	v11 =	vld [tilespmem:s31+$0x6910]  }
0x21e: {  	[tilespmem:s31+$0x4930] =	vst v6;
	v6 =	vmul.f32 v10, v3;
	v10 =	vld [tilespmem:s31+$0x6920]  }
0x21f: {  	[tilespmem:s31+$0x4940] =	vst v5;
	v5 =	vmul.f32 v7, v3;
	v7 =	vld [tilespmem:s31+$0x6930]  }
0x220: {  	[tilespmem:s31+$0x4950] =	vst v6;
	v6 =	vmul.f32 v8, v3;
	v8 =	vld [tilespmem:s31+$0x6940]  }
0x221: {  	[tilespmem:s31+$0x4960] =	vst v5;
	v5 =	vmul.f32 v9, v4;
	v9 =	vld [tilespmem:s31+$0x6950]  }
0x222: {  	[tilespmem:s31+$0x4970] =	vst v6;
	v6 =	vmul.f32 v11, v4;
	v11 =	vld [tilespmem:s31+$0x6960]  }
0x223: {  	[tilespmem:s31+$0x6900] =	vst v5;
	v5 =	vmul.f32 v10, v4;
	v10 =	vld [tilespmem:s31+$0x6970]  }
0x224: {  	[tilespmem:s31+$0x6910] =	vst v6;
	v6 =	vmul.f32 v7, v4;
	v12 =	vld [tilespmem:s31+$0x8900]  }
0x225: {  	[tilespmem:s31+$0x6920] =	vst v5;
	v5 =	vmul.f32 v8, v4;
	v13 =	vld [tilespmem:s31+$0x8910]  }
.Ltmp4:
0x226: {  	[tilespmem:s31+$0x6930] =	vst v6;
	v7 =	vmul.f32 v9, v4;
	v6 =	vld [tilespmem:s31+$0x8920];
	(pc) =	sbr.rel @p0 .LBB2_10-.Ltmp4, $4  }
0x227: {  	[tilespmem:s31+$0x6940] =	vst v5;
	v8 =	vmul.f32 v11, v4;
	v5 =	vld [tilespmem:s31+$0x8930]  }
0x228: {  	[tilespmem:s31+$0x6950] =	vst v7;
	v9 =	vmul.f32 v10, v4;
	v7 =	vld [tilespmem:s31+$0x8940]  }
0x229: {  	[tilespmem:s31+$0x6960] =	vst v8;
	v11 =	vmul.f32 v12, v0;
	v8 =	vld [tilespmem:s31+$0x8950]  }
0x22a: {  	s0 =	sadd.s32 $0x200, s0;
	[tilespmem:s31+$0x6970] =	vst v9;
	v10 =	vmul.f32 v13, v0;
	v9 =	vld [tilespmem:s31+$0x8960]  }
0x22b: {  	[tilespmem:s31+$0x8900] =	vst v11;
	v1 =	vmul.f32 v6, v0;
	v2 =	vld [tilespmem:s31+$0x8970]  }
0x22c: {  	[tilespmem:s31+$0x8910] =	vst v10;
	v3 =	vmul.f32 v5, v0  }
0x22d: {  	[tilespmem:s31+$0x8920] =	vst v1;
	v60 =	vmul.f32 v7, v0  }
0x22e: {  	[tilespmem:s31+$0x8930] =	vst v3;
	v61 =	vmul.f32 v8, v0  }
0x22f: {  	[tilespmem:s31+$0x8940] =	vst v60;
	v62 =	vmul.f32 v9, v0  }
0x230: {  	s30 =	sadd.s32 $0x1, s30;
	[tilespmem:s31+$0x8950] =	vst v61;
	v63 =	vmul.f32 v2, v0  }
0x231: {  	p0 =	sne.s32 s30, s19;
	[tilespmem:s31+$0x8960] =	vst v62  }
.Ltmp5:
0x232: {  	[tilespmem:s31+$0x8970] =	vst v63;
	(pc) =	sbr.rel @p0 .LBB2_1-.Ltmp5, $4  }
0x233: {  	[hbm4b:s18+s3] =	stream.linear.scatter [tilespmem:s23], [sflag:$0x3], $0xA000, $0x38;
	[tilespmem:$0x14900] =	vst v63  }
0x234: {  	_ =	swait.ge [sflag:s20], $0xA000  }
0x235: {  	[sflag:s20] =	ssyncset.done $0x0  }
0x236: {  	[sflag:s20] =	ssyncadd.s32 $0xFFFF6000  }
0x237: {  	_ =	sfence.sel $0x180000  }
0x238: {  	[bflag:$0x0] =	sbarrier.arrive $0xFFFF  }
0x239: {  	_ =	strace $0x90000047  }
0x23a: {  	s0 =	stileid.u32;
	[bflag:$0x2] =	sbarrier.arrive $0xFFFF  }
0x23b: {  	p0 =	sne.s32 s0, $0x0;
	s0 =	rddreg [dreg:$0x3]  }
0x23c: {  	s0 =	sadd.s32 @!p0 $0x100000, s0  }
0x23d: {  	[sflag:s0] =	ssyncadd.tile.s32 @!p0 $0x1;
	_ =	shalt  }
.Lfunc_end2:
_tile_overlayer_lowered:
.L_overlay_start_2:
0x23e: {  	(tag) =	ssettag $0x2  }
0x23f: {  	s0 =	rddreg [dreg:$0x0];
	s2 =	stileid.u32  }
0x240: {  	s1 =	rddreg [dreg:$0x1];
	p0 =	sne.s32 s2, $0x0  }
0x241: {  	s3 =	rddreg [dreg:$0x2];
	[bflag:$0x3] =	sbarrier.arrive $0xFFFF;
	s2 =	simm.s32 @!p0 $0x1C03  }
0x242: {  	[timem:s3], [sflag:s2] =	dma.local @!p0 [hbm:s0], s1  }
0x243: {  	s0 =	simm.s32 @!p0 $0x3  }
0x244: {  	_ =	swait.ge @!p0 [sflag:s0], s1  }
0x245: {  	s1 =	ssub.s32 @!p0 $0x0, s1;
	[sflag:s0] =	ssyncset.done @!p0 $0x0  }
0x246: {  	[sflag:s0] =	ssyncadd.s32 @!p0 s1  }
0x247: {  	[bflag:$0x3] =	sbarrier.arrive $0xFFFF  }
0x248: {  	_ =	shalt  }

</sc_bundles>
